<compile_context>
chip_gen: v7x
topology: tpu7x:2x2x1
jax: 0.10.2.dev20260603
libtpu: 0.0.44.dev20260713+nightly
codegen_flags: <defaults>
</compile_context>

<pallas_src>
import functools

import jax
import jax.numpy as jnp
from jax import lax
from jax.experimental import pallas as pl
from jax.experimental.pallas import tpu as pltpu
from jax.experimental.pallas import tpu_sc as plsc
from jax.experimental.layout import Format, Layout

NB = 4


@functools.cache
def _build(B0, S, V, D):
    info = plsc.get_sparse_core_info()
    NC, NS = info.num_cores, info.num_subcores
    NW = NC * NS
    L = 16
    assert B0 == 128 * NW and D % 8 == 0 and S % NB == 0
    DT = D // 8
    mesh = plsc.VectorSubcoreMesh(core_axis_name="c", subcore_axis_name="s")

    @functools.partial(
        pl.kernel,
        mesh=mesh,
        compiler_params=pltpu.CompilerParams(use_tc_tiling_on_sc=False,
                                             needs_layout_passes=False),
        out_type=jax.ShapeDtypeStruct((S, DT, NW, 8, 128), jnp.float32),
        scratch_types=[
            pltpu.VMEM((S, 128), jnp.int32),
            pltpu.VMEM((NB, 128, D), jnp.float32),
            pltpu.VMEM((NB, DT, 8, 128), jnp.float32),
            pltpu.SemaphoreType.DMA((NB,)),
            pltpu.SemaphoreType.DMA((NB,)),
        ],
    )
    def emb_kernel(xT_hbm, table_hbm, out_hbm, idxT, rows_v, obuf, gsem,
                   ssem):
        wid = lax.axis_index("s") * NC + lax.axis_index("c")
        pltpu.sync_copy(xT_hbm.at[:, pl.ds(wid * 128, 128)], idxT)

        lane = lax.iota(jnp.int32, L)

        def fire_gather(s, i):
            pltpu.async_copy(table_hbm.at[idxT.at[s]], rows_v.at[i],
                             gsem.at[i])

        def wait_gather(s, i):
            pltpu.make_async_copy(table_hbm.at[idxT.at[s]], rows_v.at[i],
                                  gsem.at[i]).wait()

        def fire_store(s, i):
            pltpu.async_copy(obuf.at[i], out_hbm.at[s, pl.ds(0, DT), wid],
                             ssem.at[i])

        def wait_store(s, i):
            pltpu.make_async_copy(obuf.at[i],
                                  out_hbm.at[s, pl.ds(0, DT), wid],
                                  ssem.at[i]).wait()

        for i in range(NB):
            fire_gather(i, i)

        def body(t, carry):
            for i in range(NB):
                s = t * NB + i
                wait_gather(s, i)

                @pl.when(s >= NB)
                def _():
                    wait_store(s - NB, i)

                rows = rows_v.at[i]
                ob = obuf.at[i]

                def obody(o, c):
                    rotv = jnp.bitwise_and(lane + o, L - 1)
                    dtv = jnp.right_shift(rotv, 3)
                    dsv = jnp.bitwise_and(rotv, 7)
                    for j in range(D // L):
                        colj = rotv + L * j
                        dtj = dtv + 2 * j
                        for k in range(128 // L):
                            blk = lane + L * k
                            v = plsc.load_gather(rows, [blk, colj])
                            plsc.store_scatter(ob, [dtj, dsv, blk], v)
                    return c

                lax.fori_loop(0, L, obody, 0)
                fire_store(s, i)

                @pl.when(s + NB < S)
                def _():
                    fire_gather(s + NB, i)

            return carry

        lax.fori_loop(0, S // NB, body, 0)

        for i in range(NB):
            wait_store(S - NB + i, i)

    return emb_kernel


def kernel(x, table):
    B0, S = x.shape
    V, D = table.shape
    tab_l = jax.device_put(
        table,
        Format(Layout(major_to_minor=(0, 1), tiling=((8,),)),
               jax.sharding.SingleDeviceSharding(jax.devices()[0])))
    xT = x.astype(jnp.int32).T
    out6 = _build(B0, S, V, D)(xT, tab_l)
    return out6.transpose(2, 4, 0, 1, 3).reshape(B0, S, D)

# --- scband reference (transcript-rebuilt; emitter-appended) ---
"""Pipeline reference for scband-segment-embeddings-19112604467830 (READ-ONLY COPY).

The authoritative reference and input builder live on the scoring server;
editing this copy changes nothing except your own understanding.
"""

import jax, jax.numpy as jnp
import numpy as np

D_MODEL = 64
VOCAB_SIZE = 1000000
BATCH = 4096
SEQ = 200

def setup_inputs(seed: int = 0) -> dict:
    key = jax.random.key(seed)
    k_idx, k_tab = jax.random.split(key)
    x = jax.random.randint(k_idx, (BATCH, SEQ), 0, VOCAB_SIZE, dtype=jnp.int64 if jax.config.jax_enable_x64 else jnp.int32)
    table = jax.random.normal(k_tab, (VOCAB_SIZE, D_MODEL), dtype=jnp.float32)
    return {"x": x, "table": table}

def reference(x, table):
    # Faithful translation of SegmentEmbeddings.forward:
    # segment_tensor is computed in the original torch code but never used
    # (dead code); the returned value is just the embedding lookup.
    sentence_size = x.shape[-1]
    segment_tensor = jnp.zeros_like(x)
    segment_tensor = segment_tensor.at[:, sentence_size // 2 + 1:].set(1)
    out = jnp.take(table, x, axis=0)
    return out

if __name__ == "__main__":
    import jax
    _d = setup_inputs()
    print(jax.jit(kernel)(*tuple(_d.values())))

</pallas_src>

<mosaic_0001>
#map = affine_map<(d0, d1) -> (0, 0)>
#map1 = affine_map<(d0, d1) -> (0, 0, 0, 0, 0)>
module attributes {stable_mosaic.version = 14 : i64} {
  func.func @emb_kernel(%arg0: i32, %arg1: i32, %arg2: memref<200x4096xi32, #tpu.memory_space<hbm>>, %arg3: memref<1000000x64xf32, #tpu.memory_space<hbm>>, %arg4: memref<200x8x32x8x128xf32, #tpu.memory_space<hbm>>, %arg5: memref<200x128xi32, #tpu.memory_space<vmem>>, %arg6: memref<4x128x64xf32, #tpu.memory_space<vmem>>, %arg7: memref<4x8x8x128xf32, #tpu.memory_space<vmem>>, %arg8: memref<4x!tpu.dma_semaphore, #tpu.memory_space<semaphore_mem>>, %arg9: memref<4x!tpu.dma_semaphore, #tpu.memory_space<semaphore_mem>>) attributes {dimension_semantics = [#tpu.dimension_semantics<core_parallel>, #tpu.dimension_semantics<subcore_parallel>], iteration_bounds = array<i64: 2, 16>, scalar_prefetch = 0 : i64, scratch_operands = 5 : i64, tpu.core_type = #tpu.core_type<sc_vector_subcore>, window_params = [{transform_indices = #map}, {transform_indices = #map}, {transform_indices = #map1}]} {
    %mul3A = arith.constant 2 : i32
    %mul3A_0 = arith.muli %arg1, %mul3A : i32
    %add3A = arith.addi %mul3A_0, %arg0 : i32
    %mul3A_1 = arith.constant 128 : i32
    %mul3A_2 = arith.muli %add3A, %mul3A_1 : i32
    "tpu.region"() ({
      %run_scoped3A = tpu.sem_alloc : memref<!tpu.dma_semaphore, #tpu.memory_space<semaphore_mem>>
      %dma_start3A_166 = arith.constant 0 : i32
      %dma_start3A_167 = tpu.memref_slice %arg2[%dma_start3A_166, %mul3A_2] : memref<200x4096xi32, #tpu.memory_space<hbm>> -> memref<200x128xi32, #tpu.memory_space<hbm>>
      %dma_start3A_168 = arith.constant 0 : i32
      %dma_start3A_169 = tpu.memref_slice %arg2[%dma_start3A_168, %mul3A_2] : memref<200x4096xi32, #tpu.memory_space<hbm>> -> memref<200x128xi32, #tpu.memory_space<hbm>>
      tpu.enqueue_dma source(%dma_start3A_169 : memref<200x128xi32, #tpu.memory_space<hbm>>) target(%arg5 : memref<200x128xi32, #tpu.memory_space<vmem>>) target_semaphore(%run_scoped3A : memref<!tpu.dma_semaphore, #tpu.memory_space<semaphore_mem>>)
      %dma_wait3A_170 = arith.constant 0 : i32
      %dma_wait3A_171 = tpu.memref_slice %arg2[%dma_wait3A_170, %mul3A_2] : memref<200x4096xi32, #tpu.memory_space<hbm>> -> memref<200x128xi32, #tpu.memory_space<hbm>>
      %dma_wait3A_172 = arith.constant 0 : i32
      %dma_wait3A_173 = tpu.memref_slice %arg2[%dma_wait3A_172, %mul3A_2] : memref<200x4096xi32, #tpu.memory_space<hbm>> -> memref<200x128xi32, #tpu.memory_space<hbm>>
      tpu.wait_dma2 semaphore(%run_scoped3A : memref<!tpu.dma_semaphore, #tpu.memory_space<semaphore_mem>>) src(%dma_wait3A_173 : memref<200x128xi32, #tpu.memory_space<hbm>>) dst(%arg5 : memref<200x128xi32, #tpu.memory_space<vmem>>)
      tpu.yield
    }) : () -> ()
    %iota3A = tpu.iota {dimensions = array<i32: 0>} : vector<16xi32>
    %dma_start3A = arith.constant 0 : i32
    %dma_start3A_3 = arith.constant 0 : i32
    %dma_start3A_4 = arith.constant 0 : i32
    %dma_start3A_5 = arith.constant 0 : i32
    %dma_start3A_6 = arith.constant 0 : i32
    %dma_start3A_7 = tpu.memref_slice %arg6[%dma_start3A_3, %dma_start3A_5, %dma_start3A_6] : memref<4x128x64xf32, #tpu.memory_space<vmem>> -> memref<1x128x64xf32, #tpu.memory_space<vmem>>
    %dma_start3A_8 = tpu.memref_squeeze %dma_start3A_7 : memref<1x128x64xf32, #tpu.memory_space<vmem>> -> memref<128x64xf32, #tpu.memory_space<vmem>>
    %dma_start3A_9 = arith.constant 0 : i32
    %dma_start3A_10 = tpu.memref_slice %arg5[%dma_start3A, %dma_start3A_9] : memref<200x128xi32, #tpu.memory_space<vmem>> -> memref<1x128xi32, #tpu.memory_space<vmem>>
    %dma_start3A_11 = tpu.memref_squeeze %dma_start3A_10 : memref<1x128xi32, #tpu.memory_space<vmem>> -> memref<128xi32, #tpu.memory_space<vmem>>
    %dma_start3A_12 = arith.constant 0 : i32
    %dma_start3A_13 = arith.constant 0 : i32
    %dma_start3A_14 = tpu.memref_slice %arg3[%dma_start3A_12, %dma_start3A_13] : memref<1000000x64xf32, #tpu.memory_space<hbm>> -> memref<1000000x64xf32, #tpu.memory_space<hbm>>
    %dma_start3A_15 = tpu.memref_slice %arg8[%dma_start3A_4] : memref<4x!tpu.dma_semaphore, #tpu.memory_space<semaphore_mem>> -> memref<1x!tpu.dma_semaphore, #tpu.memory_space<semaphore_mem>>
    %dma_start3A_16 = tpu.memref_squeeze %dma_start3A_15 : memref<1x!tpu.dma_semaphore, #tpu.memory_space<semaphore_mem>> -> memref<!tpu.dma_semaphore, #tpu.memory_space<semaphore_mem>>
    tpu.enqueue_indirect_dma source(%dma_start3A_14 : memref<1000000x64xf32, #tpu.memory_space<hbm>>) target(%dma_start3A_8 : memref<128x64xf32, #tpu.memory_space<vmem>>) offsets(%dma_start3A_11 : memref<128xi32, #tpu.memory_space<vmem>>) semaphore(%dma_start3A_16 : memref<!tpu.dma_semaphore, #tpu.memory_space<semaphore_mem>>)
    %dma_start3A_17 = arith.constant 1 : i32
    %dma_start3A_18 = arith.constant 1 : i32
    %dma_start3A_19 = arith.constant 1 : i32
    %dma_start3A_20 = arith.constant 0 : i32
    %dma_start3A_21 = arith.constant 0 : i32
    %dma_start3A_22 = tpu.memref_slice %arg6[%dma_start3A_18, %dma_start3A_20, %dma_start3A_21] : memref<4x128x64xf32, #tpu.memory_space<vmem>> -> memref<1x128x64xf32, #tpu.memory_space<vmem>>
    %dma_start3A_23 = tpu.memref_squeeze %dma_start3A_22 : memref<1x128x64xf32, #tpu.memory_space<vmem>> -> memref<128x64xf32, #tpu.memory_space<vmem>>
    %dma_start3A_24 = arith.constant 0 : i32
    %dma_start3A_25 = tpu.memref_slice %arg5[%dma_start3A_17, %dma_start3A_24] : memref<200x128xi32, #tpu.memory_space<vmem>> -> memref<1x128xi32, #tpu.memory_space<vmem>>
    %dma_start3A_26 = tpu.memref_squeeze %dma_start3A_25 : memref<1x128xi32, #tpu.memory_space<vmem>> -> memref<128xi32, #tpu.memory_space<vmem>>
    %dma_start3A_27 = arith.constant 0 : i32
    %dma_start3A_28 = arith.constant 0 : i32
    %dma_start3A_29 = tpu.memref_slice %arg3[%dma_start3A_27, %dma_start3A_28] : memref<1000000x64xf32, #tpu.memory_space<hbm>> -> memref<1000000x64xf32, #tpu.memory_space<hbm>>
    %dma_start3A_30 = tpu.memref_slice %arg8[%dma_start3A_19] : memref<4x!tpu.dma_semaphore, #tpu.memory_space<semaphore_mem>> -> memref<1x!tpu.dma_semaphore, #tpu.memory_space<semaphore_mem>>
    %dma_start3A_31 = tpu.memref_squeeze %dma_start3A_30 : memref<1x!tpu.dma_semaphore, #tpu.memory_space<semaphore_mem>> -> memref<!tpu.dma_semaphore, #tpu.memory_space<semaphore_mem>>
    tpu.enqueue_indirect_dma source(%dma_start3A_29 : memref<1000000x64xf32, #tpu.memory_space<hbm>>) target(%dma_start3A_23 : memref<128x64xf32, #tpu.memory_space<vmem>>) offsets(%dma_start3A_26 : memref<128xi32, #tpu.memory_space<vmem>>) semaphore(%dma_start3A_31 : memref<!tpu.dma_semaphore, #tpu.memory_space<semaphore_mem>>)
    %dma_start3A_32 = arith.constant 2 : i32
    %dma_start3A_33 = arith.constant 2 : i32
    %dma_start3A_34 = arith.constant 2 : i32
    %dma_start3A_35 = arith.constant 0 : i32
    %dma_start3A_36 = arith.constant 0 : i32
    %dma_start3A_37 = tpu.memref_slice %arg6[%dma_start3A_33, %dma_start3A_35, %dma_start3A_36] : memref<4x128x64xf32, #tpu.memory_space<vmem>> -> memref<1x128x64xf32, #tpu.memory_space<vmem>>
    %dma_start3A_38 = tpu.memref_squeeze %dma_start3A_37 : memref<1x128x64xf32, #tpu.memory_space<vmem>> -> memref<128x64xf32, #tpu.memory_space<vmem>>
    %dma_start3A_39 = arith.constant 0 : i32
    %dma_start3A_40 = tpu.memref_slice %arg5[%dma_start3A_32, %dma_start3A_39] : memref<200x128xi32, #tpu.memory_space<vmem>> -> memref<1x128xi32, #tpu.memory_space<vmem>>
    %dma_start3A_41 = tpu.memref_squeeze %dma_start3A_40 : memref<1x128xi32, #tpu.memory_space<vmem>> -> memref<128xi32, #tpu.memory_space<vmem>>
    %dma_start3A_42 = arith.constant 0 : i32
    %dma_start3A_43 = arith.constant 0 : i32
    %dma_start3A_44 = tpu.memref_slice %arg3[%dma_start3A_42, %dma_start3A_43] : memref<1000000x64xf32, #tpu.memory_space<hbm>> -> memref<1000000x64xf32, #tpu.memory_space<hbm>>
    %dma_start3A_45 = tpu.memref_slice %arg8[%dma_start3A_34] : memref<4x!tpu.dma_semaphore, #tpu.memory_space<semaphore_mem>> -> memref<1x!tpu.dma_semaphore, #tpu.memory_space<semaphore_mem>>
    %dma_start3A_46 = tpu.memref_squeeze %dma_start3A_45 : memref<1x!tpu.dma_semaphore, #tpu.memory_space<semaphore_mem>> -> memref<!tpu.dma_semaphore, #tpu.memory_space<semaphore_mem>>
    tpu.enqueue_indirect_dma source(%dma_start3A_44 : memref<1000000x64xf32, #tpu.memory_space<hbm>>) target(%dma_start3A_38 : memref<128x64xf32, #tpu.memory_space<vmem>>) offsets(%dma_start3A_41 : memref<128xi32, #tpu.memory_space<vmem>>) semaphore(%dma_start3A_46 : memref<!tpu.dma_semaphore, #tpu.memory_space<semaphore_mem>>)
    %dma_start3A_47 = arith.constant 3 : i32
    %dma_start3A_48 = arith.constant 3 : i32
    %dma_start3A_49 = arith.constant 3 : i32
    %dma_start3A_50 = arith.constant 0 : i32
    %dma_start3A_51 = arith.constant 0 : i32
    %dma_start3A_52 = tpu.memref_slice %arg6[%dma_start3A_48, %dma_start3A_50, %dma_start3A_51] : memref<4x128x64xf32, #tpu.memory_space<vmem>> -> memref<1x128x64xf32, #tpu.memory_space<vmem>>
    %dma_start3A_53 = tpu.memref_squeeze %dma_start3A_52 : memref<1x128x64xf32, #tpu.memory_space<vmem>> -> memref<128x64xf32, #tpu.memory_space<vmem>>
    %dma_start3A_54 = arith.constant 0 : i32
    %dma_start3A_55 = tpu.memref_slice %arg5[%dma_start3A_47, %dma_start3A_54] : memref<200x128xi32, #tpu.memory_space<vmem>> -> memref<1x128xi32, #tpu.memory_space<vmem>>
    %dma_start3A_56 = tpu.memref_squeeze %dma_start3A_55 : memref<1x128xi32, #tpu.memory_space<vmem>> -> memref<128xi32, #tpu.memory_space<vmem>>
    %dma_start3A_57 = arith.constant 0 : i32
    %dma_start3A_58 = arith.constant 0 : i32
    %dma_start3A_59 = tpu.memref_slice %arg3[%dma_start3A_57, %dma_start3A_58] : memref<1000000x64xf32, #tpu.memory_space<hbm>> -> memref<1000000x64xf32, #tpu.memory_space<hbm>>
    %dma_start3A_60 = tpu.memref_slice %arg8[%dma_start3A_49] : memref<4x!tpu.dma_semaphore, #tpu.memory_space<semaphore_mem>> -> memref<1x!tpu.dma_semaphore, #tpu.memory_space<semaphore_mem>>
    %dma_start3A_61 = tpu.memref_squeeze %dma_start3A_60 : memref<1x!tpu.dma_semaphore, #tpu.memory_space<semaphore_mem>> -> memref<!tpu.dma_semaphore, #tpu.memory_space<semaphore_mem>>
    tpu.enqueue_indirect_dma source(%dma_start3A_59 : memref<1000000x64xf32, #tpu.memory_space<hbm>>) target(%dma_start3A_53 : memref<128x64xf32, #tpu.memory_space<vmem>>) offsets(%dma_start3A_56 : memref<128xi32, #tpu.memory_space<vmem>>) semaphore(%dma_start3A_61 : memref<!tpu.dma_semaphore, #tpu.memory_space<semaphore_mem>>)
    %scan3A = arith.constant 0 : i32
    %scan3A_62 = arith.constant 0 : i32
    %scan3A_63 = arith.constant 50 : i32
    %scan3A_64 = arith.addi %scan3A_62, %scan3A_63 : i32
    %scan3A_65 = arith.constant 1 : i32
    scf.for %scan3A_166 = %scan3A_62 to %scan3A_64 step %scan3A_65  : i32 {
      %mul3A_167 = arith.constant 4 : i32
      %mul3A_168 = arith.muli %scan3A_166, %mul3A_167 : i32
      %add3A_169 = arith.constant 0 : i32
      %add3A_170 = arith.addi %mul3A_168, %add3A_169 : i32
      %dma_wait3A_171 = arith.constant 0 : i32
      %dma_wait3A_172 = arith.constant 0 : i32
      %dma_wait3A_173 = arith.constant 0 : i32
      %dma_wait3A_174 = arith.constant 0 : i32
      %dma_wait3A_175 = tpu.memref_slice %arg6[%dma_wait3A_171, %dma_wait3A_173, %dma_wait3A_174] : memref<4x128x64xf32, #tpu.memory_space<vmem>> -> memref<1x128x64xf32, #tpu.memory_space<vmem>>
      %dma_wait3A_176 = tpu.memref_squeeze %dma_wait3A_175 : memref<1x128x64xf32, #tpu.memory_space<vmem>> -> memref<128x64xf32, #tpu.memory_space<vmem>>
      %dma_wait3A_177 = arith.constant 0 : i32
      %dma_wait3A_178 = tpu.memref_slice %arg5[%add3A_170, %dma_wait3A_177] : memref<200x128xi32, #tpu.memory_space<vmem>> -> memref<1x128xi32, #tpu.memory_space<vmem>>
      %dma_wait3A_179 = tpu.memref_squeeze %dma_wait3A_178 : memref<1x128xi32, #tpu.memory_space<vmem>> -> memref<128xi32, #tpu.memory_space<vmem>>
      %dma_wait3A_180 = arith.constant 0 : i32
      %dma_wait3A_181 = arith.constant 0 : i32
      %dma_wait3A_182 = tpu.memref_slice %arg3[%dma_wait3A_180, %dma_wait3A_181] : memref<1000000x64xf32, #tpu.memory_space<hbm>> -> memref<1000000x64xf32, #tpu.memory_space<hbm>>
      %dma_wait3A_183 = tpu.memref_slice %arg8[%dma_wait3A_172] : memref<4x!tpu.dma_semaphore, #tpu.memory_space<semaphore_mem>> -> memref<1x!tpu.dma_semaphore, #tpu.memory_space<semaphore_mem>>
      %dma_wait3A_184 = tpu.memref_squeeze %dma_wait3A_183 : memref<1x!tpu.dma_semaphore, #tpu.memory_space<semaphore_mem>> -> memref<!tpu.dma_semaphore, #tpu.memory_space<semaphore_mem>>
      tpu.wait_indirect_dma semaphore(%dma_wait3A_184 : memref<!tpu.dma_semaphore, #tpu.memory_space<semaphore_mem>>) src(%dma_wait3A_182 : memref<1000000x64xf32, #tpu.memory_space<hbm>>) dst(%dma_wait3A_176 : memref<128x64xf32, #tpu.memory_space<vmem>>)
      %ge3A = arith.constant 4 : i32
      %ge3A_185 = arith.cmpi sge, %add3A_170, %ge3A : i32
      %convert_element_type3A = arith.extui %ge3A_185 : i1 to i32
      %cond3A = arith.constant 0 : i32
      %cond3A_186 = arith.cmpi ne, %convert_element_type3A, %cond3A : i32
      scf.if %cond3A_186 {
        %sub3A = arith.constant 4 : i32
        %sub3A_411 = arith.subi %add3A_170, %sub3A : i32
        %dma_wait3A_412 = arith.constant 0 : i32
        %dma_wait3A_413 = arith.constant 0 : i32
        %dma_wait3A_414 = arith.constant 0 : i32
        %dma_wait3A_415 = arith.constant 0 : i32
        %dma_wait3A_416 = arith.constant 0 : i32
        %dma_wait3A_417 = tpu.memref_slice %arg7[%dma_wait3A_412, %dma_wait3A_414, %dma_wait3A_415, %dma_wait3A_416] : memref<4x8x8x128xf32, #tpu.memory_space<vmem>> -> memref<1x8x8x128xf32, #tpu.memory_space<vmem>>
        %dma_wait3A_418 = tpu.memref_squeeze %dma_wait3A_417 : memref<1x8x8x128xf32, #tpu.memory_space<vmem>> -> memref<8x8x128xf32, #tpu.memory_space<vmem>>
        %dma_wait3A_419 = arith.constant 0 : i32
        %dma_wait3A_420 = arith.constant 0 : i32
        %dma_wait3A_421 = arith.constant 0 : i32
        %dma_wait3A_422 = tpu.memref_slice %arg4[%sub3A_411, %dma_wait3A_419, %add3A, %dma_wait3A_420, %dma_wait3A_421] : memref<200x8x32x8x128xf32, #tpu.memory_space<hbm>> -> memref<1x8x1x8x128xf32, #tpu.memory_space<hbm>>
        %dma_wait3A_423 = tpu.memref_squeeze %dma_wait3A_422 : memref<1x8x1x8x128xf32, #tpu.memory_space<hbm>> -> memref<8x8x128xf32, #tpu.memory_space<hbm>>
        %dma_wait3A_424 = tpu.memref_slice %arg9[%dma_wait3A_413] : memref<4x!tpu.dma_semaphore, #tpu.memory_space<semaphore_mem>> -> memref<1x!tpu.dma_semaphore, #tpu.memory_space<semaphore_mem>>
        %dma_wait3A_425 = tpu.memref_squeeze %dma_wait3A_424 : memref<1x!tpu.dma_semaphore, #tpu.memory_space<semaphore_mem>> -> memref<!tpu.dma_semaphore, #tpu.memory_space<semaphore_mem>>
        %dma_wait3A_426 = arith.constant 0 : i32
        %dma_wait3A_427 = arith.constant 0 : i32
        %dma_wait3A_428 = arith.constant 0 : i32
        %dma_wait3A_429 = tpu.memref_slice %arg4[%sub3A_411, %dma_wait3A_426, %add3A, %dma_wait3A_427, %dma_wait3A_428] : memref<200x8x32x8x128xf32, #tpu.memory_space<hbm>> -> memref<1x8x1x8x128xf32, #tpu.memory_space<hbm>>
        %dma_wait3A_430 = tpu.memref_squeeze %dma_wait3A_429 : memref<1x8x1x8x128xf32, #tpu.memory_space<hbm>> -> memref<8x8x128xf32, #tpu.memory_space<hbm>>
        %dma_wait3A_431 = arith.constant 0 : i32
        %dma_wait3A_432 = arith.constant 0 : i32
        %dma_wait3A_433 = arith.constant 0 : i32
        %dma_wait3A_434 = tpu.memref_slice %arg7[%dma_wait3A_412, %dma_wait3A_431, %dma_wait3A_432, %dma_wait3A_433] : memref<4x8x8x128xf32, #tpu.memory_space<vmem>> -> memref<1x8x8x128xf32, #tpu.memory_space<vmem>>
        %dma_wait3A_435 = tpu.memref_squeeze %dma_wait3A_434 : memref<1x8x8x128xf32, #tpu.memory_space<vmem>> -> memref<8x8x128xf32, #tpu.memory_space<vmem>>
        tpu.wait_dma2 semaphore(%dma_wait3A_425 : memref<!tpu.dma_semaphore, #tpu.memory_space<semaphore_mem>>) src(%dma_wait3A_435 : memref<8x8x128xf32, #tpu.memory_space<vmem>>) dst(%dma_wait3A_430 : memref<8x8x128xf32, #tpu.memory_space<hbm>>)
      } else {
      }
      %scan3A_187 = arith.constant 0 : i32
      %scan3A_188 = arith.constant 0 : i32
      %scan3A_189 = arith.constant 0 : i32
      %scan3A_190 = arith.constant 0 : i32
      %scan3A_191 = arith.constant 16 : i32
      %scan3A_192 = arith.addi %scan3A_190, %scan3A_191 : i32
      %scan3A_193 = arith.constant 1 : i32
      scf.for %scan3A_411 = %scan3A_190 to %scan3A_192 step %scan3A_193  : i32 {
        %add3A_412 = vector.broadcast %scan3A_411 : i32 to vector<16xi32>
        %add3A_413 = arith.addi %iota3A, %add3A_412 : vector<16xi32>
        %and3A = arith.constant 15 : i32
        %and3A_414 = vector.broadcast %and3A : i32 to vector<16xi32>
        %and3A_415 = arith.andi %add3A_413, %and3A_414 : vector<16xi32>
        %shift_right_arithmetic3A = arith.constant 3 : i32
        %shift_right_arithmetic3A_416 = vector.broadcast %shift_right_arithmetic3A : i32 to vector<16xi32>
        %shift_right_arithmetic3A_417 = arith.shrsi %and3A_415, %shift_right_arithmetic3A_416 : vector<16xi32>
        %and3A_418 = arith.constant 7 : i32
        %and3A_419 = vector.broadcast %and3A_418 : i32 to vector<16xi32>
        %and3A_420 = arith.andi %and3A_415, %and3A_419 : vector<16xi32>
        %add3A_421 = arith.constant 0 : i32
        %add3A_422 = vector.broadcast %add3A_421 : i32 to vector<16xi32>
        %add3A_423 = arith.addi %and3A_415, %add3A_422 : vector<16xi32>
        %add3A_424 = arith.constant 0 : i32
        %add3A_425 = vector.broadcast %add3A_424 : i32 to vector<16xi32>
        %add3A_426 = arith.addi %shift_right_arithmetic3A_417, %add3A_425 : vector<16xi32>
        %add3A_427 = arith.constant 0 : i32
        %add3A_428 = vector.broadcast %add3A_427 : i32 to vector<16xi32>
        %add3A_429 = arith.addi %iota3A, %add3A_428 : vector<16xi32>
        %gather3A = arith.constant 0 : i32
        %gather3A_430 = arith.constant 0 : i32
        %gather3A_431 = tpu.memref_slice %arg6[%scan3A_188, %gather3A, %gather3A_430] : memref<4x128x64xf32, #tpu.memory_space<vmem>> -> memref<1x128x64xf32, #tpu.memory_space<vmem>>
        %gather3A_432 = tpu.memref_squeeze %gather3A_431 : memref<1x128x64xf32, #tpu.memory_space<vmem>> -> memref<128x64xf32, #tpu.memory_space<vmem>>
        %gather3A_433 = tpu.vector_load_idx %gather3A_432[%add3A_429, %add3A_423] : memref<128x64xf32, #tpu.memory_space<vmem>>[vector<16xi32>, vector<16xi32>], vector<16xf32>,
        %scatter3A = arith.constant 0 : i32
        %scatter3A_434 = arith.constant 0 : i32
        %scatter3A_435 = arith.constant 0 : i32
        %scatter3A_436 = tpu.memref_slice %arg7[%scan3A_189, %scatter3A, %scatter3A_434, %scatter3A_435] : memref<4x8x8x128xf32, #tpu.memory_space<vmem>> -> memref<1x8x8x128xf32, #tpu.memory_space<vmem>>
        %scatter3A_437 = tpu.memref_squeeze %scatter3A_436 : memref<1x8x8x128xf32, #tpu.memory_space<vmem>> -> memref<8x8x128xf32, #tpu.memory_space<vmem>>
        tpu.vector_store_idx %scatter3A_437[%add3A_426, %and3A_420, %add3A_429], %gather3A_433 : memref<8x8x128xf32, #tpu.memory_space<vmem>>[vector<16xi32>, vector<16xi32>, vector<16xi32>], vector<16xf32>,
        %add3A_438 = arith.constant 16 : i32
        %add3A_439 = vector.broadcast %add3A_438 : i32 to vector<16xi32>
        %add3A_440 = arith.addi %iota3A, %add3A_439 : vector<16xi32>
        %gather3A_441 = arith.constant 0 : i32
        %gather3A_442 = arith.constant 0 : i32
        %gather3A_443 = tpu.memref_slice %arg6[%scan3A_188, %gather3A_441, %gather3A_442] : memref<4x128x64xf32, #tpu.memory_space<vmem>> -> memref<1x128x64xf32, #tpu.memory_space<vmem>>
        %gather3A_444 = tpu.memref_squeeze %gather3A_443 : memref<1x128x64xf32, #tpu.memory_space<vmem>> -> memref<128x64xf32, #tpu.memory_space<vmem>>
        %gather3A_445 = tpu.vector_load_idx %gather3A_444[%add3A_440, %add3A_423] : memref<128x64xf32, #tpu.memory_space<vmem>>[vector<16xi32>, vector<16xi32>], vector<16xf32>,
        %scatter3A_446 = arith.constant 0 : i32
        %scatter3A_447 = arith.constant 0 : i32
        %scatter3A_448 = arith.constant 0 : i32
        %scatter3A_449 = tpu.memref_slice %arg7[%scan3A_189, %scatter3A_446, %scatter3A_447, %scatter3A_448] : memref<4x8x8x128xf32, #tpu.memory_space<vmem>> -> memref<1x8x8x128xf32, #tpu.memory_space<vmem>>
        %scatter3A_450 = tpu.memref_squeeze %scatter3A_449 : memref<1x8x8x128xf32, #tpu.memory_space<vmem>> -> memref<8x8x128xf32, #tpu.memory_space<vmem>>
        tpu.vector_store_idx %scatter3A_450[%add3A_426, %and3A_420, %add3A_440], %gather3A_445 : memref<8x8x128xf32, #tpu.memory_space<vmem>>[vector<16xi32>, vector<16xi32>, vector<16xi32>], vector<16xf32>,
        %add3A_451 = arith.constant 32 : i32
        %add3A_452 = vector.broadcast %add3A_451 : i32 to vector<16xi32>
        %add3A_453 = arith.addi %iota3A, %add3A_452 : vector<16xi32>
        %gather3A_454 = arith.constant 0 : i32
        %gather3A_455 = arith.constant 0 : i32
        %gather3A_456 = tpu.memref_slice %arg6[%scan3A_188, %gather3A_454, %gather3A_455] : memref<4x128x64xf32, #tpu.memory_space<vmem>> -> memref<1x128x64xf32, #tpu.memory_space<vmem>>
        %gather3A_457 = tpu.memref_squeeze %gather3A_456 : memref<1x128x64xf32, #tpu.memory_space<vmem>> -> memref<128x64xf32, #tpu.memory_space<vmem>>
        %gather3A_458 = tpu.vector_load_idx %gather3A_457[%add3A_453, %add3A_423] : memref<128x64xf32, #tpu.memory_space<vmem>>[vector<16xi32>, vector<16xi32>], vector<16xf32>,
        %scatter3A_459 = arith.constant 0 : i32
        %scatter3A_460 = arith.constant 0 : i32
        %scatter3A_461 = arith.constant 0 : i32
        %scatter3A_462 = tpu.memref_slice %arg7[%scan3A_189, %scatter3A_459, %scatter3A_460, %scatter3A_461] : memref<4x8x8x128xf32, #tpu.memory_space<vmem>> -> memref<1x8x8x128xf32, #tpu.memory_space<vmem>>
        %scatter3A_463 = tpu.memref_squeeze %scatter3A_462 : memref<1x8x8x128xf32, #tpu.memory_space<vmem>> -> memref<8x8x128xf32, #tpu.memory_space<vmem>>
        tpu.vector_store_idx %scatter3A_463[%add3A_426, %and3A_420, %add3A_453], %gather3A_458 : memref<8x8x128xf32, #tpu.memory_space<vmem>>[vector<16xi32>, vector<16xi32>, vector<16xi32>], vector<16xf32>,
        %add3A_464 = arith.constant 48 : i32
        %add3A_465 = vector.broadcast %add3A_464 : i32 to vector<16xi32>
        %add3A_466 = arith.addi %iota3A, %add3A_465 : vector<16xi32>
        %gather3A_467 = arith.constant 0 : i32
        %gather3A_468 = arith.constant 0 : i32
        %gather3A_469 = tpu.memref_slice %arg6[%scan3A_188, %gather3A_467, %gather3A_468] : memref<4x128x64xf32, #tpu.memory_space<vmem>> -> memref<1x128x64xf32, #tpu.memory_space<vmem>>
        %gather3A_470 = tpu.memref_squeeze %gather3A_469 : memref<1x128x64xf32, #tpu.memory_space<vmem>> -> memref<128x64xf32, #tpu.memory_space<vmem>>
        %gather3A_471 = tpu.vector_load_idx %gather3A_470[%add3A_466, %add3A_423] : memref<128x64xf32, #tpu.memory_space<vmem>>[vector<16xi32>, vector<16xi32>], vector<16xf32>,
        %scatter3A_472 = arith.constant 0 : i32
        %scatter3A_473 = arith.constant 0 : i32
        %scatter3A_474 = arith.constant 0 : i32
        %scatter3A_475 = tpu.memref_slice %arg7[%scan3A_189, %scatter3A_472, %scatter3A_473, %scatter3A_474] : memref<4x8x8x128xf32, #tpu.memory_space<vmem>> -> memref<1x8x8x128xf32, #tpu.memory_space<vmem>>
        %scatter3A_476 = tpu.memref_squeeze %scatter3A_475 : memref<1x8x8x128xf32, #tpu.memory_space<vmem>> -> memref<8x8x128xf32, #tpu.memory_space<vmem>>
        tpu.vector_store_idx %scatter3A_476[%add3A_426, %and3A_420, %add3A_466], %gather3A_471 : memref<8x8x128xf32, #tpu.memory_space<vmem>>[vector<16xi32>, vector<16xi32>, vector<16xi32>], vector<16xf32>,
        %add3A_477 = arith.constant 64 : i32
        %add3A_478 = vector.broadcast %add3A_477 : i32 to vector<16xi32>
        %add3A_479 = arith.addi %iota3A, %add3A_478 : vector<16xi32>
        %gather3A_480 = arith.constant 0 : i32
        %gather3A_481 = arith.constant 0 : i32
        %gather3A_482 = tpu.memref_slice %arg6[%scan3A_188, %gather3A_480, %gather3A_481] : memref<4x128x64xf32, #tpu.memory_space<vmem>> -> memref<1x128x64xf32, #tpu.memory_space<vmem>>
        %gather3A_483 = tpu.memref_squeeze %gather3A_482 : memref<1x128x64xf32, #tpu.memory_space<vmem>> -> memref<128x64xf32, #tpu.memory_space<vmem>>
        %gather3A_484 = tpu.vector_load_idx %gather3A_483[%add3A_479, %add3A_423] : memref<128x64xf32, #tpu.memory_space<vmem>>[vector<16xi32>, vector<16xi32>], vector<16xf32>,
        %scatter3A_485 = arith.constant 0 : i32
        %scatter3A_486 = arith.constant 0 : i32
        %scatter3A_487 = arith.constant 0 : i32
        %scatter3A_488 = tpu.memref_slice %arg7[%scan3A_189, %scatter3A_485, %scatter3A_486, %scatter3A_487] : memref<4x8x8x128xf32, #tpu.memory_space<vmem>> -> memref<1x8x8x128xf32, #tpu.memory_space<vmem>>
        %scatter3A_489 = tpu.memref_squeeze %scatter3A_488 : memref<1x8x8x128xf32, #tpu.memory_space<vmem>> -> memref<8x8x128xf32, #tpu.memory_space<vmem>>
        tpu.vector_store_idx %scatter3A_489[%add3A_426, %and3A_420, %add3A_479], %gather3A_484 : memref<8x8x128xf32, #tpu.memory_space<vmem>>[vector<16xi32>, vector<16xi32>, vector<16xi32>], vector<16xf32>,
        %add3A_490 = arith.constant 80 : i32
        %add3A_491 = vector.broadcast %add3A_490 : i32 to vector<16xi32>
        %add3A_492 = arith.addi %iota3A, %add3A_491 : vector<16xi32>
        %gather3A_493 = arith.constant 0 : i32
        %gather3A_494 = arith.constant 0 : i32
        %gather3A_495 = tpu.memref_slice %arg6[%scan3A_188, %gather3A_493, %gather3A_494] : memref<4x128x64xf32, #tpu.memory_space<vmem>> -> memref<1x128x64xf32, #tpu.memory_space<vmem>>
        %gather3A_496 = tpu.memref_squeeze %gather3A_495 : memref<1x128x64xf32, #tpu.memory_space<vmem>> -> memref<128x64xf32, #tpu.memory_space<vmem>>
        %gather3A_497 = tpu.vector_load_idx %gather3A_496[%add3A_492, %add3A_423] : memref<128x64xf32, #tpu.memory_space<vmem>>[vector<16xi32>, vector<16xi32>], vector<16xf32>,
        %scatter3A_498 = arith.constant 0 : i32
        %scatter3A_499 = arith.constant 0 : i32
        %scatter3A_500 = arith.constant 0 : i32
        %scatter3A_501 = tpu.memref_slice %arg7[%scan3A_189, %scatter3A_498, %scatter3A_499, %scatter3A_500] : memref<4x8x8x128xf32, #tpu.memory_space<vmem>> -> memref<1x8x8x128xf32, #tpu.memory_space<vmem>>
        %scatter3A_502 = tpu.memref_squeeze %scatter3A_501 : memref<1x8x8x128xf32, #tpu.memory_space<vmem>> -> memref<8x8x128xf32, #tpu.memory_space<vmem>>
        tpu.vector_store_idx %scatter3A_502[%add3A_426, %and3A_420, %add3A_492], %gather3A_497 : memref<8x8x128xf32, #tpu.memory_space<vmem>>[vector<16xi32>, vector<16xi32>, vector<16xi32>], vector<16xf32>,
        %add3A_503 = arith.constant 96 : i32
        %add3A_504 = vector.broadcast %add3A_503 : i32 to vector<16xi32>
        %add3A_505 = arith.addi %iota3A, %add3A_504 : vector<16xi32>
        %gather3A_506 = arith.constant 0 : i32
        %gather3A_507 = arith.constant 0 : i32
        %gather3A_508 = tpu.memref_slice %arg6[%scan3A_188, %gather3A_506, %gather3A_507] : memref<4x128x64xf32, #tpu.memory_space<vmem>> -> memref<1x128x64xf32, #tpu.memory_space<vmem>>
        %gather3A_509 = tpu.memref_squeeze %gather3A_508 : memref<1x128x64xf32, #tpu.memory_space<vmem>> -> memref<128x64xf32, #tpu.memory_space<vmem>>
        %gather3A_510 = tpu.vector_load_idx %gather3A_509[%add3A_505, %add3A_423] : memref<128x64xf32, #tpu.memory_space<vmem>>[vector<16xi32>, vector<16xi32>], vector<16xf32>,
        %scatter3A_511 = arith.constant 0 : i32
        %scatter3A_512 = arith.constant 0 : i32
        %scatter3A_513 = arith.constant 0 : i32
        %scatter3A_514 = tpu.memref_slice %arg7[%scan3A_189, %scatter3A_511, %scatter3A_512, %scatter3A_513] : memref<4x8x8x128xf32, #tpu.memory_space<vmem>> -> memref<1x8x8x128xf32, #tpu.memory_space<vmem>>
        %scatter3A_515 = tpu.memref_squeeze %scatter3A_514 : memref<1x8x8x128xf32, #tpu.memory_space<vmem>> -> memref<8x8x128xf32, #tpu.memory_space<vmem>>
        tpu.vector_store_idx %scatter3A_515[%add3A_426, %and3A_420, %add3A_505], %gather3A_510 : memref<8x8x128xf32, #tpu.memory_space<vmem>>[vector<16xi32>, vector<16xi32>, vector<16xi32>], vector<16xf32>,
        %add3A_516 = arith.constant 112 : i32
        %add3A_517 = vector.broadcast %add3A_516 : i32 to vector<16xi32>
        %add3A_518 = arith.addi %iota3A, %add3A_517 : vector<16xi32>
        %gather3A_519 = arith.constant 0 : i32
        %gather3A_520 = arith.constant 0 : i32
        %gather3A_521 = tpu.memref_slice %arg6[%scan3A_188, %gather3A_519, %gather3A_520] : memref<4x128x64xf32, #tpu.memory_space<vmem>> -> memref<1x128x64xf32, #tpu.memory_space<vmem>>
        %gather3A_522 = tpu.memref_squeeze %gather3A_521 : memref<1x128x64xf32, #tpu.memory_space<vmem>> -> memref<128x64xf32, #tpu.memory_space<vmem>>
        %gather3A_523 = tpu.vector_load_idx %gather3A_522[%add3A_518, %add3A_423] : memref<128x64xf32, #tpu.memory_space<vmem>>[vector<16xi32>, vector<16xi32>], vector<16xf32>,
        %scatter3A_524 = arith.constant 0 : i32
        %scatter3A_525 = arith.constant 0 : i32
        %scatter3A_526 = arith.constant 0 : i32
        %scatter3A_527 = tpu.memref_slice %arg7[%scan3A_189, %scatter3A_524, %scatter3A_525, %scatter3A_526] : memref<4x8x8x128xf32, #tpu.memory_space<vmem>> -> memref<1x8x8x128xf32, #tpu.memory_space<vmem>>
        %scatter3A_528 = tpu.memref_squeeze %scatter3A_527 : memref<1x8x8x128xf32, #tpu.memory_space<vmem>> -> memref<8x8x128xf32, #tpu.memory_space<vmem>>
        tpu.vector_store_idx %scatter3A_528[%add3A_426, %and3A_420, %add3A_518], %gather3A_523 : memref<8x8x128xf32, #tpu.memory_space<vmem>>[vector<16xi32>, vector<16xi32>, vector<16xi32>], vector<16xf32>,
        %add3A_529 = arith.constant 16 : i32
        %add3A_530 = vector.broadcast %add3A_529 : i32 to vector<16xi32>
        %add3A_531 = arith.addi %and3A_415, %add3A_530 : vector<16xi32>
        %add3A_532 = arith.constant 2 : i32
        %add3A_533 = vector.broadcast %add3A_532 : i32 to vector<16xi32>
        %add3A_534 = arith.addi %shift_right_arithmetic3A_417, %add3A_533 : vector<16xi32>
        %add3A_535 = arith.constant 0 : i32
        %add3A_536 = vector.broadcast %add3A_535 : i32 to vector<16xi32>
        %add3A_537 = arith.addi %iota3A, %add3A_536 : vector<16xi32>
        %gather3A_538 = arith.constant 0 : i32
        %gather3A_539 = arith.constant 0 : i32
        %gather3A_540 = tpu.memref_slice %arg6[%scan3A_188, %gather3A_538, %gather3A_539] : memref<4x128x64xf32, #tpu.memory_space<vmem>> -> memref<1x128x64xf32, #tpu.memory_space<vmem>>
        %gather3A_541 = tpu.memref_squeeze %gather3A_540 : memref<1x128x64xf32, #tpu.memory_space<vmem>> -> memref<128x64xf32, #tpu.memory_space<vmem>>
        %gather3A_542 = tpu.vector_load_idx %gather3A_541[%add3A_537, %add3A_531] : memref<128x64xf32, #tpu.memory_space<vmem>>[vector<16xi32>, vector<16xi32>], vector<16xf32>,
        %scatter3A_543 = arith.constant 0 : i32
        %scatter3A_544 = arith.constant 0 : i32
        %scatter3A_545 = arith.constant 0 : i32
        %scatter3A_546 = tpu.memref_slice %arg7[%scan3A_189, %scatter3A_543, %scatter3A_544, %scatter3A_545] : memref<4x8x8x128xf32, #tpu.memory_space<vmem>> -> memref<1x8x8x128xf32, #tpu.memory_space<vmem>>
        %scatter3A_547 = tpu.memref_squeeze %scatter3A_546 : memref<1x8x8x128xf32, #tpu.memory_space<vmem>> -> memref<8x8x128xf32, #tpu.memory_space<vmem>>
        tpu.vector_store_idx %scatter3A_547[%add3A_534, %and3A_420, %add3A_537], %gather3A_542 : memref<8x8x128xf32, #tpu.memory_space<vmem>>[vector<16xi32>, vector<16xi32>, vector<16xi32>], vector<16xf32>,
        %add3A_548 = arith.constant 16 : i32
        %add3A_549 = vector.broadcast %add3A_548 : i32 to vector<16xi32>
        %add3A_550 = arith.addi %iota3A, %add3A_549 : vector<16xi32>
        %gather3A_551 = arith.constant 0 : i32
        %gather3A_552 = arith.constant 0 : i32
        %gather3A_553 = tpu.memref_slice %arg6[%scan3A_188, %gather3A_551, %gather3A_552] : memref<4x128x64xf32, #tpu.memory_space<vmem>> -> memref<1x128x64xf32, #tpu.memory_space<vmem>>
        %gather3A_554 = tpu.memref_squeeze %gather3A_553 : memref<1x128x64xf32, #tpu.memory_space<vmem>> -> memref<128x64xf32, #tpu.memory_space<vmem>>
        %gather3A_555 = tpu.vector_load_idx %gather3A_554[%add3A_550, %add3A_531] : memref<128x64xf32, #tpu.memory_space<vmem>>[vector<16xi32>, vector<16xi32>], vector<16xf32>,
        %scatter3A_556 = arith.constant 0 : i32
        %scatter3A_557 = arith.constant 0 : i32
        %scatter3A_558 = arith.constant 0 : i32
        %scatter3A_559 = tpu.memref_slice %arg7[%scan3A_189, %scatter3A_556, %scatter3A_557, %scatter3A_558] : memref<4x8x8x128xf32, #tpu.memory_space<vmem>> -> memref<1x8x8x128xf32, #tpu.memory_space<vmem>>
        %scatter3A_560 = tpu.memref_squeeze %scatter3A_559 : memref<1x8x8x128xf32, #tpu.memory_space<vmem>> -> memref<8x8x128xf32, #tpu.memory_space<vmem>>
        tpu.vector_store_idx %scatter3A_560[%add3A_534, %and3A_420, %add3A_550], %gather3A_555 : memref<8x8x128xf32, #tpu.memory_space<vmem>>[vector<16xi32>, vector<16xi32>, vector<16xi32>], vector<16xf32>,
        %add3A_561 = arith.constant 32 : i32
        %add3A_562 = vector.broadcast %add3A_561 : i32 to vector<16xi32>
        %add3A_563 = arith.addi %iota3A, %add3A_562 : vector<16xi32>
        %gather3A_564 = arith.constant 0 : i32
        %gather3A_565 = arith.constant 0 : i32
        %gather3A_566 = tpu.memref_slice %arg6[%scan3A_188, %gather3A_564, %gather3A_565] : memref<4x128x64xf32, #tpu.memory_space<vmem>> -> memref<1x128x64xf32, #tpu.memory_space<vmem>>
        %gather3A_567 = tpu.memref_squeeze %gather3A_566 : memref<1x128x64xf32, #tpu.memory_space<vmem>> -> memref<128x64xf32, #tpu.memory_space<vmem>>
        %gather3A_568 = tpu.vector_load_idx %gather3A_567[%add3A_563, %add3A_531] : memref<128x64xf32, #tpu.memory_space<vmem>>[vector<16xi32>, vector<16xi32>], vector<16xf32>,
        %scatter3A_569 = arith.constant 0 : i32
        %scatter3A_570 = arith.constant 0 : i32
        %scatter3A_571 = arith.constant 0 : i32
        %scatter3A_572 = tpu.memref_slice %arg7[%scan3A_189, %scatter3A_569, %scatter3A_570, %scatter3A_571] : memref<4x8x8x128xf32, #tpu.memory_space<vmem>> -> memref<1x8x8x128xf32, #tpu.memory_space<vmem>>
        %scatter3A_573 = tpu.memref_squeeze %scatter3A_572 : memref<1x8x8x128xf32, #tpu.memory_space<vmem>> -> memref<8x8x128xf32, #tpu.memory_space<vmem>>
        tpu.vector_store_idx %scatter3A_573[%add3A_534, %and3A_420, %add3A_563], %gather3A_568 : memref<8x8x128xf32, #tpu.memory_space<vmem>>[vector<16xi32>, vector<16xi32>, vector<16xi32>], vector<16xf32>,
        %add3A_574 = arith.constant 48 : i32
        %add3A_575 = vector.broadcast %add3A_574 : i32 to vector<16xi32>
        %add3A_576 = arith.addi %iota3A, %add3A_575 : vector<16xi32>
        %gather3A_577 = arith.constant 0 : i32
        %gather3A_578 = arith.constant 0 : i32
        %gather3A_579 = tpu.memref_slice %arg6[%scan3A_188, %gather3A_577, %gather3A_578] : memref<4x128x64xf32, #tpu.memory_space<vmem>> -> memref<1x128x64xf32, #tpu.memory_space<vmem>>
        %gather3A_580 = tpu.memref_squeeze %gather3A_579 : memref<1x128x64xf32, #tpu.memory_space<vmem>> -> memref<128x64xf32, #tpu.memory_space<vmem>>
        %gather3A_581 = tpu.vector_load_idx %gather3A_580[%add3A_576, %add3A_531] : memref<128x64xf32, #tpu.memory_space<vmem>>[vector<16xi32>, vector<16xi32>], vector<16xf32>,
        %scatter3A_582 = arith.constant 0 : i32
        %scatter3A_583 = arith.constant 0 : i32
        %scatter3A_584 = arith.constant 0 : i32
        %scatter3A_585 = tpu.memref_slice %arg7[%scan3A_189, %scatter3A_582, %scatter3A_583, %scatter3A_584] : memref<4x8x8x128xf32, #tpu.memory_space<vmem>> -> memref<1x8x8x128xf32, #tpu.memory_space<vmem>>
        %scatter3A_586 = tpu.memref_squeeze %scatter3A_585 : memref<1x8x8x128xf32, #tpu.memory_space<vmem>> -> memref<8x8x128xf32, #tpu.memory_space<vmem>>
        tpu.vector_store_idx %scatter3A_586[%add3A_534, %and3A_420, %add3A_576], %gather3A_581 : memref<8x8x128xf32, #tpu.memory_space<vmem>>[vector<16xi32>, vector<16xi32>, vector<16xi32>], vector<16xf32>,
        %add3A_587 = arith.constant 64 : i32
        %add3A_588 = vector.broadcast %add3A_587 : i32 to vector<16xi32>
        %add3A_589 = arith.addi %iota3A, %add3A_588 : vector<16xi32>
        %gather3A_590 = arith.constant 0 : i32
        %gather3A_591 = arith.constant 0 : i32
        %gather3A_592 = tpu.memref_slice %arg6[%scan3A_188, %gather3A_590, %gather3A_591] : memref<4x128x64xf32, #tpu.memory_space<vmem>> -> memref<1x128x64xf32, #tpu.memory_space<vmem>>
        %gather3A_593 = tpu.memref_squeeze %gather3A_592 : memref<1x128x64xf32, #tpu.memory_space<vmem>> -> memref<128x64xf32, #tpu.memory_space<vmem>>
        %gather3A_594 = tpu.vector_load_idx %gather3A_593[%add3A_589, %add3A_531] : memref<128x64xf32, #tpu.memory_space<vmem>>[vector<16xi32>, vector<16xi32>], vector<16xf32>,
        %scatter3A_595 = arith.constant 0 : i32
        %scatter3A_596 = arith.constant 0 : i32
        %scatter3A_597 = arith.constant 0 : i32
        %scatter3A_598 = tpu.memref_slice %arg7[%scan3A_189, %scatter3A_595, %scatter3A_596, %scatter3A_597] : memref<4x8x8x128xf32, #tpu.memory_space<vmem>> -> memref<1x8x8x128xf32, #tpu.memory_space<vmem>>
        %scatter3A_599 = tpu.memref_squeeze %scatter3A_598 : memref<1x8x8x128xf32, #tpu.memory_space<vmem>> -> memref<8x8x128xf32, #tpu.memory_space<vmem>>
        tpu.vector_store_idx %scatter3A_599[%add3A_534, %and3A_420, %add3A_589], %gather3A_594 : memref<8x8x128xf32, #tpu.memory_space<vmem>>[vector<16xi32>, vector<16xi32>, vector<16xi32>], vector<16xf32>,
        %add3A_600 = arith.constant 80 : i32
        %add3A_601 = vector.broadcast %add3A_600 : i32 to vector<16xi32>
        %add3A_602 = arith.addi %iota3A, %add3A_601 : vector<16xi32>
        %gather3A_603 = arith.constant 0 : i32
        %gather3A_604 = arith.constant 0 : i32
        %gather3A_605 = tpu.memref_slice %arg6[%scan3A_188, %gather3A_603, %gather3A_604] : memref<4x128x64xf32, #tpu.memory_space<vmem>> -> memref<1x128x64xf32, #tpu.memory_space<vmem>>
        %gather3A_606 = tpu.memref_squeeze %gather3A_605 : memref<1x128x64xf32, #tpu.memory_space<vmem>> -> memref<128x64xf32, #tpu.memory_space<vmem>>
        %gather3A_607 = tpu.vector_load_idx %gather3A_606[%add3A_602, %add3A_531] : memref<128x64xf32, #tpu.memory_space<vmem>>[vector<16xi32>, vector<16xi32>], vector<16xf32>,
        %scatter3A_608 = arith.constant 0 : i32
        %scatter3A_609 = arith.constant 0 : i32
        %scatter3A_610 = arith.constant 0 : i32
        %scatter3A_611 = tpu.memref_slice %arg7[%scan3A_189, %scatter3A_608, %scatter3A_609, %scatter3A_610] : memref<4x8x8x128xf32, #tpu.memory_space<vmem>> -> memref<1x8x8x128xf32, #tpu.memory_space<vmem>>
        %scatter3A_612 = tpu.memref_squeeze %scatter3A_611 : memref<1x8x8x128xf32, #tpu.memory_space<vmem>> -> memref<8x8x128xf32, #tpu.memory_space<vmem>>
        tpu.vector_store_idx %scatter3A_612[%add3A_534, %and3A_420, %add3A_602], %gather3A_607 : memref<8x8x128xf32, #tpu.memory_space<vmem>>[vector<16xi32>, vector<16xi32>, vector<16xi32>], vector<16xf32>,
        %add3A_613 = arith.constant 96 : i32
        %add3A_614 = vector.broadcast %add3A_613 : i32 to vector<16xi32>
        %add3A_615 = arith.addi %iota3A, %add3A_614 : vector<16xi32>
        %gather3A_616 = arith.constant 0 : i32
        %gather3A_617 = arith.constant 0 : i32
        %gather3A_618 = tpu.memref_slice %arg6[%scan3A_188, %gather3A_616, %gather3A_617] : memref<4x128x64xf32, #tpu.memory_space<vmem>> -> memref<1x128x64xf32, #tpu.memory_space<vmem>>
        %gather3A_619 = tpu.memref_squeeze %gather3A_618 : memref<1x128x64xf32, #tpu.memory_space<vmem>> -> memref<128x64xf32, #tpu.memory_space<vmem>>
        %gather3A_620 = tpu.vector_load_idx %gather3A_619[%add3A_615, %add3A_531] : memref<128x64xf32, #tpu.memory_space<vmem>>[vector<16xi32>, vector<16xi32>], vector<16xf32>,
        %scatter3A_621 = arith.constant 0 : i32
        %scatter3A_622 = arith.constant 0 : i32
        %scatter3A_623 = arith.constant 0 : i32
        %scatter3A_624 = tpu.memref_slice %arg7[%scan3A_189, %scatter3A_621, %scatter3A_622, %scatter3A_623] : memref<4x8x8x128xf32, #tpu.memory_space<vmem>> -> memref<1x8x8x128xf32, #tpu.memory_space<vmem>>
        %scatter3A_625 = tpu.memref_squeeze %scatter3A_624 : memref<1x8x8x128xf32, #tpu.memory_space<vmem>> -> memref<8x8x128xf32, #tpu.memory_space<vmem>>
        tpu.vector_store_idx %scatter3A_625[%add3A_534, %and3A_420, %add3A_615], %gather3A_620 : memref<8x8x128xf32, #tpu.memory_space<vmem>>[vector<16xi32>, vector<16xi32>, vector<16xi32>], vector<16xf32>,
        %add3A_626 = arith.constant 112 : i32
        %add3A_627 = vector.broadcast %add3A_626 : i32 to vector<16xi32>
        %add3A_628 = arith.addi %iota3A, %add3A_627 : vector<16xi32>
        %gather3A_629 = arith.constant 0 : i32
        %gather3A_630 = arith.constant 0 : i32
        %gather3A_631 = tpu.memref_slice %arg6[%scan3A_188, %gather3A_629, %gather3A_630] : memref<4x128x64xf32, #tpu.memory_space<vmem>> -> memref<1x128x64xf32, #tpu.memory_space<vmem>>
        %gather3A_632 = tpu.memref_squeeze %gather3A_631 : memref<1x128x64xf32, #tpu.memory_space<vmem>> -> memref<128x64xf32, #tpu.memory_space<vmem>>
        %gather3A_633 = tpu.vector_load_idx %gather3A_632[%add3A_628, %add3A_531] : memref<128x64xf32, #tpu.memory_space<vmem>>[vector<16xi32>, vector<16xi32>], vector<16xf32>,
        %scatter3A_634 = arith.constant 0 : i32
        %scatter3A_635 = arith.constant 0 : i32
        %scatter3A_636 = arith.constant 0 : i32
        %scatter3A_637 = tpu.memref_slice %arg7[%scan3A_189, %scatter3A_634, %scatter3A_635, %scatter3A_636] : memref<4x8x8x128xf32, #tpu.memory_space<vmem>> -> memref<1x8x8x128xf32, #tpu.memory_space<vmem>>
        %scatter3A_638 = tpu.memref_squeeze %scatter3A_637 : memref<1x8x8x128xf32, #tpu.memory_space<vmem>> -> memref<8x8x128xf32, #tpu.memory_space<vmem>>
        tpu.vector_store_idx %scatter3A_638[%add3A_534, %and3A_420, %add3A_628], %gather3A_633 : memref<8x8x128xf32, #tpu.memory_space<vmem>>[vector<16xi32>, vector<16xi32>, vector<16xi32>], vector<16xf32>,
        %add3A_639 = arith.constant 32 : i32
        %add3A_640 = vector.broadcast %add3A_639 : i32 to vector<16xi32>
        %add3A_641 = arith.addi %and3A_415, %add3A_640 : vector<16xi32>
        %add3A_642 = arith.constant 4 : i32
        %add3A_643 = vector.broadcast %add3A_642 : i32 to vector<16xi32>
        %add3A_644 = arith.addi %shift_right_arithmetic3A_417, %add3A_643 : vector<16xi32>
        %add3A_645 = arith.constant 0 : i32
        %add3A_646 = vector.broadcast %add3A_645 : i32 to vector<16xi32>
        %add3A_647 = arith.addi %iota3A, %add3A_646 : vector<16xi32>
        %gather3A_648 = arith.constant 0 : i32
        %gather3A_649 = arith.constant 0 : i32
        %gather3A_650 = tpu.memref_slice %arg6[%scan3A_188, %gather3A_648, %gather3A_649] : memref<4x128x64xf32, #tpu.memory_space<vmem>> -> memref<1x128x64xf32, #tpu.memory_space<vmem>>
        %gather3A_651 = tpu.memref_squeeze %gather3A_650 : memref<1x128x64xf32, #tpu.memory_space<vmem>> -> memref<128x64xf32, #tpu.memory_space<vmem>>
        %gather3A_652 = tpu.vector_load_idx %gather3A_651[%add3A_647, %add3A_641] : memref<128x64xf32, #tpu.memory_space<vmem>>[vector<16xi32>, vector<16xi32>], vector<16xf32>,
        %scatter3A_653 = arith.constant 0 : i32
        %scatter3A_654 = arith.constant 0 : i32
        %scatter3A_655 = arith.constant 0 : i32
        %scatter3A_656 = tpu.memref_slice %arg7[%scan3A_189, %scatter3A_653, %scatter3A_654, %scatter3A_655] : memref<4x8x8x128xf32, #tpu.memory_space<vmem>> -> memref<1x8x8x128xf32, #tpu.memory_space<vmem>>
        %scatter3A_657 = tpu.memref_squeeze %scatter3A_656 : memref<1x8x8x128xf32, #tpu.memory_space<vmem>> -> memref<8x8x128xf32, #tpu.memory_space<vmem>>
        tpu.vector_store_idx %scatter3A_657[%add3A_644, %and3A_420, %add3A_647], %gather3A_652 : memref<8x8x128xf32, #tpu.memory_space<vmem>>[vector<16xi32>, vector<16xi32>, vector<16xi32>], vector<16xf32>,
        %add3A_658 = arith.constant 16 : i32
        %add3A_659 = vector.broadcast %add3A_658 : i32 to vector<16xi32>
        %add3A_660 = arith.addi %iota3A, %add3A_659 : vector<16xi32>
        %gather3A_661 = arith.constant 0 : i32
        %gather3A_662 = arith.constant 0 : i32
        %gather3A_663 = tpu.memref_slice %arg6[%scan3A_188, %gather3A_661, %gather3A_662] : memref<4x128x64xf32, #tpu.memory_space<vmem>> -> memref<1x128x64xf32, #tpu.memory_space<vmem>>
        %gather3A_664 = tpu.memref_squeeze %gather3A_663 : memref<1x128x64xf32, #tpu.memory_space<vmem>> -> memref<128x64xf32, #tpu.memory_space<vmem>>
        %gather3A_665 = tpu.vector_load_idx %gather3A_664[%add3A_660, %add3A_641] : memref<128x64xf32, #tpu.memory_space<vmem>>[vector<16xi32>, vector<16xi32>], vector<16xf32>,
        %scatter3A_666 = arith.constant 0 : i32
        %scatter3A_667 = arith.constant 0 : i32
        %scatter3A_668 = arith.constant 0 : i32
        %scatter3A_669 = tpu.memref_slice %arg7[%scan3A_189, %scatter3A_666, %scatter3A_667, %scatter3A_668] : memref<4x8x8x128xf32, #tpu.memory_space<vmem>> -> memref<1x8x8x128xf32, #tpu.memory_space<vmem>>
        %scatter3A_670 = tpu.memref_squeeze %scatter3A_669 : memref<1x8x8x128xf32, #tpu.memory_space<vmem>> -> memref<8x8x128xf32, #tpu.memory_space<vmem>>
        tpu.vector_store_idx %scatter3A_670[%add3A_644, %and3A_420, %add3A_660], %gather3A_665 : memref<8x8x128xf32, #tpu.memory_space<vmem>>[vector<16xi32>, vector<16xi32>, vector<16xi32>], vector<16xf32>,
        %add3A_671 = arith.constant 32 : i32
        %add3A_672 = vector.broadcast %add3A_671 : i32 to vector<16xi32>
        %add3A_673 = arith.addi %iota3A, %add3A_672 : vector<16xi32>
        %gather3A_674 = arith.constant 0 : i32
        %gather3A_675 = arith.constant 0 : i32
        %gather3A_676 = tpu.memref_slice %arg6[%scan3A_188, %gather3A_674, %gather3A_675] : memref<4x128x64xf32, #tpu.memory_space<vmem>> -> memref<1x128x64xf32, #tpu.memory_space<vmem>>
        %gather3A_677 = tpu.memref_squeeze %gather3A_676 : memref<1x128x64xf32, #tpu.memory_space<vmem>> -> memref<128x64xf32, #tpu.memory_space<vmem>>
        %gather3A_678 = tpu.vector_load_idx %gather3A_677[%add3A_673, %add3A_641] : memref<128x64xf32, #tpu.memory_space<vmem>>[vector<16xi32>, vector<16xi32>], vector<16xf32>,
        %scatter3A_679 = arith.constant 0 : i32
        %scatter3A_680 = arith.constant 0 : i32
        %scatter3A_681 = arith.constant 0 : i32
        %scatter3A_682 = tpu.memref_slice %arg7[%scan3A_189, %scatter3A_679, %scatter3A_680, %scatter3A_681] : memref<4x8x8x128xf32, #tpu.memory_space<vmem>> -> memref<1x8x8x128xf32, #tpu.memory_space<vmem>>
        %scatter3A_683 = tpu.memref_squeeze %scatter3A_682 : memref<1x8x8x128xf32, #tpu.memory_space<vmem>> -> memref<8x8x128xf32, #tpu.memory_space<vmem>>
        tpu.vector_store_idx %scatter3A_683[%add3A_644, %and3A_420, %add3A_673], %gather3A_678 : memref<8x8x128xf32, #tpu.memory_space<vmem>>[vector<16xi32>, vector<16xi32>, vector<16xi32>], vector<16xf32>,
        %add3A_684 = arith.constant 48 : i32
        %add3A_685 = vector.broadcast %add3A_684 : i32 to vector<16xi32>
        %add3A_686 = arith.addi %iota3A, %add3A_685 : vector<16xi32>
        %gather3A_687 = arith.constant 0 : i32
        %gather3A_688 = arith.constant 0 : i32
        %gather3A_689 = tpu.memref_slice %arg6[%scan3A_188, %gather3A_687, %gather3A_688] : memref<4x128x64xf32, #tpu.memory_space<vmem>> -> memref<1x128x64xf32, #tpu.memory_space<vmem>>
        %gather3A_690 = tpu.memref_squeeze %gather3A_689 : memref<1x128x64xf32, #tpu.memory_space<vmem>> -> memref<128x64xf32, #tpu.memory_space<vmem>>
        %gather3A_691 = tpu.vector_load_idx %gather3A_690[%add3A_686, %add3A_641] : memref<128x64xf32, #tpu.memory_space<vmem>>[vector<16xi32>, vector<16xi32>], vector<16xf32>,
        %scatter3A_692 = arith.constant 0 : i32
        %scatter3A_693 = arith.constant 0 : i32
        %scatter3A_694 = arith.constant 0 : i32
        %scatter3A_695 = tpu.memref_slice %arg7[%scan3A_189, %scatter3A_692, %scatter3A_693, %scatter3A_694] : memref<4x8x8x128xf32, #tpu.memory_space<vmem>> -> memref<1x8x8x128xf32, #tpu.memory_space<vmem>>
        %scatter3A_696 = tpu.memref_squeeze %scatter3A_695 : memref<1x8x8x128xf32, #tpu.memory_space<vmem>> -> memref<8x8x128xf32, #tpu.memory_space<vmem>>
        tpu.vector_store_idx %scatter3A_696[%add3A_644, %and3A_420, %add3A_686], %gather3A_691 : memref<8x8x128xf32, #tpu.memory_space<vmem>>[vector<16xi32>, vector<16xi32>, vector<16xi32>], vector<16xf32>,
        %add3A_697 = arith.constant 64 : i32
        %add3A_698 = vector.broadcast %add3A_697 : i32 to vector<16xi32>
        %add3A_699 = arith.addi %iota3A, %add3A_698 : vector<16xi32>
        %gather3A_700 = arith.constant 0 : i32
        %gather3A_701 = arith.constant 0 : i32
        %gather3A_702 = tpu.memref_slice %arg6[%scan3A_188, %gather3A_700, %gather3A_701] : memref<4x128x64xf32, #tpu.memory_space<vmem>> -> memref<1x128x64xf32, #tpu.memory_space<vmem>>
        %gather3A_703 = tpu.memref_squeeze %gather3A_702 : memref<1x128x64xf32, #tpu.memory_space<vmem>> -> memref<128x64xf32, #tpu.memory_space<vmem>>
        %gather3A_704 = tpu.vector_load_idx %gather3A_703[%add3A_699, %add3A_641] : memref<128x64xf32, #tpu.memory_space<vmem>>[vector<16xi32>, vector<16xi32>], vector<16xf32>,
        %scatter3A_705 = arith.constant 0 : i32
        %scatter3A_706 = arith.constant 0 : i32
        %scatter3A_707 = arith.constant 0 : i32
        %scatter3A_708 = tpu.memref_slice %arg7[%scan3A_189, %scatter3A_705, %scatter3A_706, %scatter3A_707] : memref<4x8x8x128xf32, #tpu.memory_space<vmem>> -> memref<1x8x8x128xf32, #tpu.memory_space<vmem>>
        %scatter3A_709 = tpu.memref_squeeze %scatter3A_708 : memref<1x8x8x128xf32, #tpu.memory_space<vmem>> -> memref<8x8x128xf32, #tpu.memory_space<vmem>>
        tpu.vector_store_idx %scatter3A_709[%add3A_644, %and3A_420, %add3A_699], %gather3A_704 : memref<8x8x128xf32, #tpu.memory_space<vmem>>[vector<16xi32>, vector<16xi32>, vector<16xi32>], vector<16xf32>,
        %add3A_710 = arith.constant 80 : i32
        %add3A_711 = vector.broadcast %add3A_710 : i32 to vector<16xi32>
        %add3A_712 = arith.addi %iota3A, %add3A_711 : vector<16xi32>
        %gather3A_713 = arith.constant 0 : i32
        %gather3A_714 = arith.constant 0 : i32
        %gather3A_715 = tpu.memref_slice %arg6[%scan3A_188, %gather3A_713, %gather3A_714] : memref<4x128x64xf32, #tpu.memory_space<vmem>> -> memref<1x128x64xf32, #tpu.memory_space<vmem>>
        %gather3A_716 = tpu.memref_squeeze %gather3A_715 : memref<1x128x64xf32, #tpu.memory_space<vmem>> -> memref<128x64xf32, #tpu.memory_space<vmem>>
        %gather3A_717 = tpu.vector_load_idx %gather3A_716[%add3A_712, %add3A_641] : memref<128x64xf32, #tpu.memory_space<vmem>>[vector<16xi32>, vector<16xi32>], vector<16xf32>,
        %scatter3A_718 = arith.constant 0 : i32
        %scatter3A_719 = arith.constant 0 : i32
        %scatter3A_720 = arith.constant 0 : i32
        %scatter3A_721 = tpu.memref_slice %arg7[%scan3A_189, %scatter3A_718, %scatter3A_719, %scatter3A_720] : memref<4x8x8x128xf32, #tpu.memory_space<vmem>> -> memref<1x8x8x128xf32, #tpu.memory_space<vmem>>
        %scatter3A_722 = tpu.memref_squeeze %scatter3A_721 : memref<1x8x8x128xf32, #tpu.memory_space<vmem>> -> memref<8x8x128xf32, #tpu.memory_space<vmem>>
        tpu.vector_store_idx %scatter3A_722[%add3A_644, %and3A_420, %add3A_712], %gather3A_717 : memref<8x8x128xf32, #tpu.memory_space<vmem>>[vector<16xi32>, vector<16xi32>, vector<16xi32>], vector<16xf32>,
        %add3A_723 = arith.constant 96 : i32
        %add3A_724 = vector.broadcast %add3A_723 : i32 to vector<16xi32>
        %add3A_725 = arith.addi %iota3A, %add3A_724 : vector<16xi32>
        %gather3A_726 = arith.constant 0 : i32
        %gather3A_727 = arith.constant 0 : i32
        %gather3A_728 = tpu.memref_slice %arg6[%scan3A_188, %gather3A_726, %gather3A_727] : memref<4x128x64xf32, #tpu.memory_space<vmem>> -> memref<1x128x64xf32, #tpu.memory_space<vmem>>
        %gather3A_729 = tpu.memref_squeeze %gather3A_728 : memref<1x128x64xf32, #tpu.memory_space<vmem>> -> memref<128x64xf32, #tpu.memory_space<vmem>>
        %gather3A_730 = tpu.vector_load_idx %gather3A_729[%add3A_725, %add3A_641] : memref<128x64xf32, #tpu.memory_space<vmem>>[vector<16xi32>, vector<16xi32>], vector<16xf32>,
        %scatter3A_731 = arith.constant 0 : i32
        %scatter3A_732 = arith.constant 0 : i32
        %scatter3A_733 = arith.constant 0 : i32
        %scatter3A_734 = tpu.memref_slice %arg7[%scan3A_189, %scatter3A_731, %scatter3A_732, %scatter3A_733] : memref<4x8x8x128xf32, #tpu.memory_space<vmem>> -> memref<1x8x8x128xf32, #tpu.memory_space<vmem>>
        %scatter3A_735 = tpu.memref_squeeze %scatter3A_734 : memref<1x8x8x128xf32, #tpu.memory_space<vmem>> -> memref<8x8x128xf32, #tpu.memory_space<vmem>>
        tpu.vector_store_idx %scatter3A_735[%add3A_644, %and3A_420, %add3A_725], %gather3A_730 : memref<8x8x128xf32, #tpu.memory_space<vmem>>[vector<16xi32>, vector<16xi32>, vector<16xi32>], vector<16xf32>,
        %add3A_736 = arith.constant 112 : i32
        %add3A_737 = vector.broadcast %add3A_736 : i32 to vector<16xi32>
        %add3A_738 = arith.addi %iota3A, %add3A_737 : vector<16xi32>
        %gather3A_739 = arith.constant 0 : i32
        %gather3A_740 = arith.constant 0 : i32
        %gather3A_741 = tpu.memref_slice %arg6[%scan3A_188, %gather3A_739, %gather3A_740] : memref<4x128x64xf32, #tpu.memory_space<vmem>> -> memref<1x128x64xf32, #tpu.memory_space<vmem>>
        %gather3A_742 = tpu.memref_squeeze %gather3A_741 : memref<1x128x64xf32, #tpu.memory_space<vmem>> -> memref<128x64xf32, #tpu.memory_space<vmem>>
        %gather3A_743 = tpu.vector_load_idx %gather3A_742[%add3A_738, %add3A_641] : memref<128x64xf32, #tpu.memory_space<vmem>>[vector<16xi32>, vector<16xi32>], vector<16xf32>,
        %scatter3A_744 = arith.constant 0 : i32
        %scatter3A_745 = arith.constant 0 : i32
        %scatter3A_746 = arith.constant 0 : i32
        %scatter3A_747 = tpu.memref_slice %arg7[%scan3A_189, %scatter3A_744, %scatter3A_745, %scatter3A_746] : memref<4x8x8x128xf32, #tpu.memory_space<vmem>> -> memref<1x8x8x128xf32, #tpu.memory_space<vmem>>
        %scatter3A_748 = tpu.memref_squeeze %scatter3A_747 : memref<1x8x8x128xf32, #tpu.memory_space<vmem>> -> memref<8x8x128xf32, #tpu.memory_space<vmem>>
        tpu.vector_store_idx %scatter3A_748[%add3A_644, %and3A_420, %add3A_738], %gather3A_743 : memref<8x8x128xf32, #tpu.memory_space<vmem>>[vector<16xi32>, vector<16xi32>, vector<16xi32>], vector<16xf32>,
        %add3A_749 = arith.constant 48 : i32
        %add3A_750 = vector.broadcast %add3A_749 : i32 to vector<16xi32>
        %add3A_751 = arith.addi %and3A_415, %add3A_750 : vector<16xi32>
        %add3A_752 = arith.constant 6 : i32
        %add3A_753 = vector.broadcast %add3A_752 : i32 to vector<16xi32>
        %add3A_754 = arith.addi %shift_right_arithmetic3A_417, %add3A_753 : vector<16xi32>
        %add3A_755 = arith.constant 0 : i32
        %add3A_756 = vector.broadcast %add3A_755 : i32 to vector<16xi32>
        %add3A_757 = arith.addi %iota3A, %add3A_756 : vector<16xi32>
        %gather3A_758 = arith.constant 0 : i32
        %gather3A_759 = arith.constant 0 : i32
        %gather3A_760 = tpu.memref_slice %arg6[%scan3A_188, %gather3A_758, %gather3A_759] : memref<4x128x64xf32, #tpu.memory_space<vmem>> -> memref<1x128x64xf32, #tpu.memory_space<vmem>>
        %gather3A_761 = tpu.memref_squeeze %gather3A_760 : memref<1x128x64xf32, #tpu.memory_space<vmem>> -> memref<128x64xf32, #tpu.memory_space<vmem>>
        %gather3A_762 = tpu.vector_load_idx %gather3A_761[%add3A_757, %add3A_751] : memref<128x64xf32, #tpu.memory_space<vmem>>[vector<16xi32>, vector<16xi32>], vector<16xf32>,
        %scatter3A_763 = arith.constant 0 : i32
        %scatter3A_764 = arith.constant 0 : i32
        %scatter3A_765 = arith.constant 0 : i32
        %scatter3A_766 = tpu.memref_slice %arg7[%scan3A_189, %scatter3A_763, %scatter3A_764, %scatter3A_765] : memref<4x8x8x128xf32, #tpu.memory_space<vmem>> -> memref<1x8x8x128xf32, #tpu.memory_space<vmem>>
        %scatter3A_767 = tpu.memref_squeeze %scatter3A_766 : memref<1x8x8x128xf32, #tpu.memory_space<vmem>> -> memref<8x8x128xf32, #tpu.memory_space<vmem>>
        tpu.vector_store_idx %scatter3A_767[%add3A_754, %and3A_420, %add3A_757], %gather3A_762 : memref<8x8x128xf32, #tpu.memory_space<vmem>>[vector<16xi32>, vector<16xi32>, vector<16xi32>], vector<16xf32>,
        %add3A_768 = arith.constant 16 : i32
        %add3A_769 = vector.broadcast %add3A_768 : i32 to vector<16xi32>
        %add3A_770 = arith.addi %iota3A, %add3A_769 : vector<16xi32>
        %gather3A_771 = arith.constant 0 : i32
        %gather3A_772 = arith.constant 0 : i32
        %gather3A_773 = tpu.memref_slice %arg6[%scan3A_188, %gather3A_771, %gather3A_772] : memref<4x128x64xf32, #tpu.memory_space<vmem>> -> memref<1x128x64xf32, #tpu.memory_space<vmem>>
        %gather3A_774 = tpu.memref_squeeze %gather3A_773 : memref<1x128x64xf32, #tpu.memory_space<vmem>> -> memref<128x64xf32, #tpu.memory_space<vmem>>
        %gather3A_775 = tpu.vector_load_idx %gather3A_774[%add3A_770, %add3A_751] : memref<128x64xf32, #tpu.memory_space<vmem>>[vector<16xi32>, vector<16xi32>], vector<16xf32>,
        %scatter3A_776 = arith.constant 0 : i32
        %scatter3A_777 = arith.constant 0 : i32
        %scatter3A_778 = arith.constant 0 : i32
        %scatter3A_779 = tpu.memref_slice %arg7[%scan3A_189, %scatter3A_776, %scatter3A_777, %scatter3A_778] : memref<4x8x8x128xf32, #tpu.memory_space<vmem>> -> memref<1x8x8x128xf32, #tpu.memory_space<vmem>>
        %scatter3A_780 = tpu.memref_squeeze %scatter3A_779 : memref<1x8x8x128xf32, #tpu.memory_space<vmem>> -> memref<8x8x128xf32, #tpu.memory_space<vmem>>
        tpu.vector_store_idx %scatter3A_780[%add3A_754, %and3A_420, %add3A_770], %gather3A_775 : memref<8x8x128xf32, #tpu.memory_space<vmem>>[vector<16xi32>, vector<16xi32>, vector<16xi32>], vector<16xf32>,
        %add3A_781 = arith.constant 32 : i32
        %add3A_782 = vector.broadcast %add3A_781 : i32 to vector<16xi32>
        %add3A_783 = arith.addi %iota3A, %add3A_782 : vector<16xi32>
        %gather3A_784 = arith.constant 0 : i32
        %gather3A_785 = arith.constant 0 : i32
        %gather3A_786 = tpu.memref_slice %arg6[%scan3A_188, %gather3A_784, %gather3A_785] : memref<4x128x64xf32, #tpu.memory_space<vmem>> -> memref<1x128x64xf32, #tpu.memory_space<vmem>>
        %gather3A_787 = tpu.memref_squeeze %gather3A_786 : memref<1x128x64xf32, #tpu.memory_space<vmem>> -> memref<128x64xf32, #tpu.memory_space<vmem>>
        %gather3A_788 = tpu.vector_load_idx %gather3A_787[%add3A_783, %add3A_751] : memref<128x64xf32, #tpu.memory_space<vmem>>[vector<16xi32>, vector<16xi32>], vector<16xf32>,
        %scatter3A_789 = arith.constant 0 : i32
        %scatter3A_790 = arith.constant 0 : i32
        %scatter3A_791 = arith.constant 0 : i32
        %scatter3A_792 = tpu.memref_slice %arg7[%scan3A_189, %scatter3A_789, %scatter3A_790, %scatter3A_791] : memref<4x8x8x128xf32, #tpu.memory_space<vmem>> -> memref<1x8x8x128xf32, #tpu.memory_space<vmem>>
        %scatter3A_793 = tpu.memref_squeeze %scatter3A_792 : memref<1x8x8x128xf32, #tpu.memory_space<vmem>> -> memref<8x8x128xf32, #tpu.memory_space<vmem>>
        tpu.vector_store_idx %scatter3A_793[%add3A_754, %and3A_420, %add3A_783], %gather3A_788 : memref<8x8x128xf32, #tpu.memory_space<vmem>>[vector<16xi32>, vector<16xi32>, vector<16xi32>], vector<16xf32>,
        %add3A_794 = arith.constant 48 : i32
        %add3A_795 = vector.broadcast %add3A_794 : i32 to vector<16xi32>
        %add3A_796 = arith.addi %iota3A, %add3A_795 : vector<16xi32>
        %gather3A_797 = arith.constant 0 : i32
        %gather3A_798 = arith.constant 0 : i32
        %gather3A_799 = tpu.memref_slice %arg6[%scan3A_188, %gather3A_797, %gather3A_798] : memref<4x128x64xf32, #tpu.memory_space<vmem>> -> memref<1x128x64xf32, #tpu.memory_space<vmem>>
        %gather3A_800 = tpu.memref_squeeze %gather3A_799 : memref<1x128x64xf32, #tpu.memory_space<vmem>> -> memref<128x64xf32, #tpu.memory_space<vmem>>
        %gather3A_801 = tpu.vector_load_idx %gather3A_800[%add3A_796, %add3A_751] : memref<128x64xf32, #tpu.memory_space<vmem>>[vector<16xi32>, vector<16xi32>], vector<16xf32>,
        %scatter3A_802 = arith.constant 0 : i32
        %scatter3A_803 = arith.constant 0 : i32
        %scatter3A_804 = arith.constant 0 : i32
        %scatter3A_805 = tpu.memref_slice %arg7[%scan3A_189, %scatter3A_802, %scatter3A_803, %scatter3A_804] : memref<4x8x8x128xf32, #tpu.memory_space<vmem>> -> memref<1x8x8x128xf32, #tpu.memory_space<vmem>>
        %scatter3A_806 = tpu.memref_squeeze %scatter3A_805 : memref<1x8x8x128xf32, #tpu.memory_space<vmem>> -> memref<8x8x128xf32, #tpu.memory_space<vmem>>
        tpu.vector_store_idx %scatter3A_806[%add3A_754, %and3A_420, %add3A_796], %gather3A_801 : memref<8x8x128xf32, #tpu.memory_space<vmem>>[vector<16xi32>, vector<16xi32>, vector<16xi32>], vector<16xf32>,
        %add3A_807 = arith.constant 64 : i32
        %add3A_808 = vector.broadcast %add3A_807 : i32 to vector<16xi32>
        %add3A_809 = arith.addi %iota3A, %add3A_808 : vector<16xi32>
        %gather3A_810 = arith.constant 0 : i32
        %gather3A_811 = arith.constant 0 : i32
        %gather3A_812 = tpu.memref_slice %arg6[%scan3A_188, %gather3A_810, %gather3A_811] : memref<4x128x64xf32, #tpu.memory_space<vmem>> -> memref<1x128x64xf32, #tpu.memory_space<vmem>>
        %gather3A_813 = tpu.memref_squeeze %gather3A_812 : memref<1x128x64xf32, #tpu.memory_space<vmem>> -> memref<128x64xf32, #tpu.memory_space<vmem>>
        %gather3A_814 = tpu.vector_load_idx %gather3A_813[%add3A_809, %add3A_751] : memref<128x64xf32, #tpu.memory_space<vmem>>[vector<16xi32>, vector<16xi32>], vector<16xf32>,
        %scatter3A_815 = arith.constant 0 : i32
        %scatter3A_816 = arith.constant 0 : i32
        %scatter3A_817 = arith.constant 0 : i32
        %scatter3A_818 = tpu.memref_slice %arg7[%scan3A_189, %scatter3A_815, %scatter3A_816, %scatter3A_817] : memref<4x8x8x128xf32, #tpu.memory_space<vmem>> -> memref<1x8x8x128xf32, #tpu.memory_space<vmem>>
        %scatter3A_819 = tpu.memref_squeeze %scatter3A_818 : memref<1x8x8x128xf32, #tpu.memory_space<vmem>> -> memref<8x8x128xf32, #tpu.memory_space<vmem>>
        tpu.vector_store_idx %scatter3A_819[%add3A_754, %and3A_420, %add3A_809], %gather3A_814 : memref<8x8x128xf32, #tpu.memory_space<vmem>>[vector<16xi32>, vector<16xi32>, vector<16xi32>], vector<16xf32>,
        %add3A_820 = arith.constant 80 : i32
        %add3A_821 = vector.broadcast %add3A_820 : i32 to vector<16xi32>
        %add3A_822 = arith.addi %iota3A, %add3A_821 : vector<16xi32>
        %gather3A_823 = arith.constant 0 : i32
        %gather3A_824 = arith.constant 0 : i32
        %gather3A_825 = tpu.memref_slice %arg6[%scan3A_188, %gather3A_823, %gather3A_824] : memref<4x128x64xf32, #tpu.memory_space<vmem>> -> memref<1x128x64xf32, #tpu.memory_space<vmem>>
        %gather3A_826 = tpu.memref_squeeze %gather3A_825 : memref<1x128x64xf32, #tpu.memory_space<vmem>> -> memref<128x64xf32, #tpu.memory_space<vmem>>
        %gather3A_827 = tpu.vector_load_idx %gather3A_826[%add3A_822, %add3A_751] : memref<128x64xf32, #tpu.memory_space<vmem>>[vector<16xi32>, vector<16xi32>], vector<16xf32>,
        %scatter3A_828 = arith.constant 0 : i32
        %scatter3A_829 = arith.constant 0 : i32
        %scatter3A_830 = arith.constant 0 : i32
        %scatter3A_831 = tpu.memref_slice %arg7[%scan3A_189, %scatter3A_828, %scatter3A_829, %scatter3A_830] : memref<4x8x8x128xf32, #tpu.memory_space<vmem>> -> memref<1x8x8x128xf32, #tpu.memory_space<vmem>>
        %scatter3A_832 = tpu.memref_squeeze %scatter3A_831 : memref<1x8x8x128xf32, #tpu.memory_space<vmem>> -> memref<8x8x128xf32, #tpu.memory_space<vmem>>
        tpu.vector_store_idx %scatter3A_832[%add3A_754, %and3A_420, %add3A_822], %gather3A_827 : memref<8x8x128xf32, #tpu.memory_space<vmem>>[vector<16xi32>, vector<16xi32>, vector<16xi32>], vector<16xf32>,
        %add3A_833 = arith.constant 96 : i32
        %add3A_834 = vector.broadcast %add3A_833 : i32 to vector<16xi32>
        %add3A_835 = arith.addi %iota3A, %add3A_834 : vector<16xi32>
        %gather3A_836 = arith.constant 0 : i32
        %gather3A_837 = arith.constant 0 : i32
        %gather3A_838 = tpu.memref_slice %arg6[%scan3A_188, %gather3A_836, %gather3A_837] : memref<4x128x64xf32, #tpu.memory_space<vmem>> -> memref<1x128x64xf32, #tpu.memory_space<vmem>>
        %gather3A_839 = tpu.memref_squeeze %gather3A_838 : memref<1x128x64xf32, #tpu.memory_space<vmem>> -> memref<128x64xf32, #tpu.memory_space<vmem>>
        %gather3A_840 = tpu.vector_load_idx %gather3A_839[%add3A_835, %add3A_751] : memref<128x64xf32, #tpu.memory_space<vmem>>[vector<16xi32>, vector<16xi32>], vector<16xf32>,
        %scatter3A_841 = arith.constant 0 : i32
        %scatter3A_842 = arith.constant 0 : i32
        %scatter3A_843 = arith.constant 0 : i32
        %scatter3A_844 = tpu.memref_slice %arg7[%scan3A_189, %scatter3A_841, %scatter3A_842, %scatter3A_843] : memref<4x8x8x128xf32, #tpu.memory_space<vmem>> -> memref<1x8x8x128xf32, #tpu.memory_space<vmem>>
        %scatter3A_845 = tpu.memref_squeeze %scatter3A_844 : memref<1x8x8x128xf32, #tpu.memory_space<vmem>> -> memref<8x8x128xf32, #tpu.memory_space<vmem>>
        tpu.vector_store_idx %scatter3A_845[%add3A_754, %and3A_420, %add3A_835], %gather3A_840 : memref<8x8x128xf32, #tpu.memory_space<vmem>>[vector<16xi32>, vector<16xi32>, vector<16xi32>], vector<16xf32>,
        %add3A_846 = arith.constant 112 : i32
        %add3A_847 = vector.broadcast %add3A_846 : i32 to vector<16xi32>
        %add3A_848 = arith.addi %iota3A, %add3A_847 : vector<16xi32>
        %gather3A_849 = arith.constant 0 : i32
        %gather3A_850 = arith.constant 0 : i32
        %gather3A_851 = tpu.memref_slice %arg6[%scan3A_188, %gather3A_849, %gather3A_850] : memref<4x128x64xf32, #tpu.memory_space<vmem>> -> memref<1x128x64xf32, #tpu.memory_space<vmem>>
        %gather3A_852 = tpu.memref_squeeze %gather3A_851 : memref<1x128x64xf32, #tpu.memory_space<vmem>> -> memref<128x64xf32, #tpu.memory_space<vmem>>
        %gather3A_853 = tpu.vector_load_idx %gather3A_852[%add3A_848, %add3A_751] : memref<128x64xf32, #tpu.memory_space<vmem>>[vector<16xi32>, vector<16xi32>], vector<16xf32>,
        %scatter3A_854 = arith.constant 0 : i32
        %scatter3A_855 = arith.constant 0 : i32
        %scatter3A_856 = arith.constant 0 : i32
        %scatter3A_857 = tpu.memref_slice %arg7[%scan3A_189, %scatter3A_854, %scatter3A_855, %scatter3A_856] : memref<4x8x8x128xf32, #tpu.memory_space<vmem>> -> memref<1x8x8x128xf32, #tpu.memory_space<vmem>>
        %scatter3A_858 = tpu.memref_squeeze %scatter3A_857 : memref<1x8x8x128xf32, #tpu.memory_space<vmem>> -> memref<8x8x128xf32, #tpu.memory_space<vmem>>
        tpu.vector_store_idx %scatter3A_858[%add3A_754, %and3A_420, %add3A_848], %gather3A_853 : memref<8x8x128xf32, #tpu.memory_space<vmem>>[vector<16xi32>, vector<16xi32>, vector<16xi32>], vector<16xf32>,
      }
      %scan3A_194 = arith.constant 16 : i32
      %dma_start3A_195 = arith.constant 0 : i32
      %dma_start3A_196 = arith.constant 0 : i32
      %dma_start3A_197 = arith.constant 0 : i32
      %dma_start3A_198 = arith.constant 0 : i32
      %dma_start3A_199 = arith.constant 0 : i32
      %dma_start3A_200 = tpu.memref_slice %arg7[%dma_start3A_195, %dma_start3A_197, %dma_start3A_198, %dma_start3A_199] : memref<4x8x8x128xf32, #tpu.memory_space<vmem>> -> memref<1x8x8x128xf32, #tpu.memory_space<vmem>>
      %dma_start3A_201 = tpu.memref_squeeze %dma_start3A_200 : memref<1x8x8x128xf32, #tpu.memory_space<vmem>> -> memref<8x8x128xf32, #tpu.memory_space<vmem>>
      %dma_start3A_202 = arith.constant 0 : i32
      %dma_start3A_203 = arith.constant 0 : i32
      %dma_start3A_204 = arith.constant 0 : i32
      %dma_start3A_205 = tpu.memref_slice %arg4[%add3A_170, %dma_start3A_202, %add3A, %dma_start3A_203, %dma_start3A_204] : memref<200x8x32x8x128xf32, #tpu.memory_space<hbm>> -> memref<1x8x1x8x128xf32, #tpu.memory_space<hbm>>
      %dma_start3A_206 = tpu.memref_squeeze %dma_start3A_205 : memref<1x8x1x8x128xf32, #tpu.memory_space<hbm>> -> memref<8x8x128xf32, #tpu.memory_space<hbm>>
      %dma_start3A_207 = tpu.memref_slice %arg9[%dma_start3A_196] : memref<4x!tpu.dma_semaphore, #tpu.memory_space<semaphore_mem>> -> memref<1x!tpu.dma_semaphore, #tpu.memory_space<semaphore_mem>>
      %dma_start3A_208 = tpu.memref_squeeze %dma_start3A_207 : memref<1x!tpu.dma_semaphore, #tpu.memory_space<semaphore_mem>> -> memref<!tpu.dma_semaphore, #tpu.memory_space<semaphore_mem>>
      %dma_start3A_209 = arith.constant 0 : i32
      %dma_start3A_210 = arith.constant 0 : i32
      %dma_start3A_211 = arith.constant 0 : i32
      %dma_start3A_212 = tpu.memref_slice %arg4[%add3A_170, %dma_start3A_209, %add3A, %dma_start3A_210, %dma_start3A_211] : memref<200x8x32x8x128xf32, #tpu.memory_space<hbm>> -> memref<1x8x1x8x128xf32, #tpu.memory_space<hbm>>
      %dma_start3A_213 = tpu.memref_squeeze %dma_start3A_212 : memref<1x8x1x8x128xf32, #tpu.memory_space<hbm>> -> memref<8x8x128xf32, #tpu.memory_space<hbm>>
      %dma_start3A_214 = arith.constant 0 : i32
      %dma_start3A_215 = arith.constant 0 : i32
      %dma_start3A_216 = arith.constant 0 : i32
      %dma_start3A_217 = tpu.memref_slice %arg7[%dma_start3A_195, %dma_start3A_214, %dma_start3A_215, %dma_start3A_216] : memref<4x8x8x128xf32, #tpu.memory_space<vmem>> -> memref<1x8x8x128xf32, #tpu.memory_space<vmem>>
      %dma_start3A_218 = tpu.memref_squeeze %dma_start3A_217 : memref<1x8x8x128xf32, #tpu.memory_space<vmem>> -> memref<8x8x128xf32, #tpu.memory_space<vmem>>
      tpu.enqueue_dma source(%dma_start3A_218 : memref<8x8x128xf32, #tpu.memory_space<vmem>>) target(%dma_start3A_213 : memref<8x8x128xf32, #tpu.memory_space<hbm>>) target_semaphore(%dma_start3A_208 : memref<!tpu.dma_semaphore, #tpu.memory_space<semaphore_mem>>)
      %add3A_219 = arith.constant 4 : i32
      %add3A_220 = arith.addi %add3A_170, %add3A_219 : i32
      %lt3A = arith.constant 200 : i32
      %lt3A_221 = arith.cmpi slt, %add3A_220, %lt3A : i32
      %convert_element_type3A_222 = arith.extui %lt3A_221 : i1 to i32
      %cond3A_223 = arith.constant 0 : i32
      %cond3A_224 = arith.cmpi ne, %convert_element_type3A_222, %cond3A_223 : i32
      scf.if %cond3A_224 {
        %add3A_411 = arith.constant 4 : i32
        %add3A_412 = arith.addi %add3A_170, %add3A_411 : i32
        %dma_start3A_413 = arith.constant 0 : i32
        %dma_start3A_414 = arith.constant 0 : i32
        %dma_start3A_415 = arith.constant 0 : i32
        %dma_start3A_416 = arith.constant 0 : i32
        %dma_start3A_417 = tpu.memref_slice %arg6[%dma_start3A_413, %dma_start3A_415, %dma_start3A_416] : memref<4x128x64xf32, #tpu.memory_space<vmem>> -> memref<1x128x64xf32, #tpu.memory_space<vmem>>
        %dma_start3A_418 = tpu.memref_squeeze %dma_start3A_417 : memref<1x128x64xf32, #tpu.memory_space<vmem>> -> memref<128x64xf32, #tpu.memory_space<vmem>>
        %dma_start3A_419 = arith.constant 0 : i32
        %dma_start3A_420 = tpu.memref_slice %arg5[%add3A_412, %dma_start3A_419] : memref<200x128xi32, #tpu.memory_space<vmem>> -> memref<1x128xi32, #tpu.memory_space<vmem>>
        %dma_start3A_421 = tpu.memref_squeeze %dma_start3A_420 : memref<1x128xi32, #tpu.memory_space<vmem>> -> memref<128xi32, #tpu.memory_space<vmem>>
        %dma_start3A_422 = arith.constant 0 : i32
        %dma_start3A_423 = arith.constant 0 : i32
        %dma_start3A_424 = tpu.memref_slice %arg3[%dma_start3A_422, %dma_start3A_423] : memref<1000000x64xf32, #tpu.memory_space<hbm>> -> memref<1000000x64xf32, #tpu.memory_space<hbm>>
        %dma_start3A_425 = tpu.memref_slice %arg8[%dma_start3A_414] : memref<4x!tpu.dma_semaphore, #tpu.memory_space<semaphore_mem>> -> memref<1x!tpu.dma_semaphore, #tpu.memory_space<semaphore_mem>>
        %dma_start3A_426 = tpu.memref_squeeze %dma_start3A_425 : memref<1x!tpu.dma_semaphore, #tpu.memory_space<semaphore_mem>> -> memref<!tpu.dma_semaphore, #tpu.memory_space<semaphore_mem>>
        tpu.enqueue_indirect_dma source(%dma_start3A_424 : memref<1000000x64xf32, #tpu.memory_space<hbm>>) target(%dma_start3A_418 : memref<128x64xf32, #tpu.memory_space<vmem>>) offsets(%dma_start3A_421 : memref<128xi32, #tpu.memory_space<vmem>>) semaphore(%dma_start3A_426 : memref<!tpu.dma_semaphore, #tpu.memory_space<semaphore_mem>>)
      } else {
      }
      %mul3A_225 = arith.constant 4 : i32
      %mul3A_226 = arith.muli %scan3A_166, %mul3A_225 : i32
      %add3A_227 = arith.constant 1 : i32
      %add3A_228 = arith.addi %mul3A_226, %add3A_227 : i32
      %dma_wait3A_229 = arith.constant 1 : i32
      %dma_wait3A_230 = arith.constant 1 : i32
      %dma_wait3A_231 = arith.constant 0 : i32
      %dma_wait3A_232 = arith.constant 0 : i32
      %dma_wait3A_233 = tpu.memref_slice %arg6[%dma_wait3A_229, %dma_wait3A_231, %dma_wait3A_232] : memref<4x128x64xf32, #tpu.memory_space<vmem>> -> memref<1x128x64xf32, #tpu.memory_space<vmem>>
      %dma_wait3A_234 = tpu.memref_squeeze %dma_wait3A_233 : memref<1x128x64xf32, #tpu.memory_space<vmem>> -> memref<128x64xf32, #tpu.memory_space<vmem>>
      %dma_wait3A_235 = arith.constant 0 : i32
      %dma_wait3A_236 = tpu.memref_slice %arg5[%add3A_228, %dma_wait3A_235] : memref<200x128xi32, #tpu.memory_space<vmem>> -> memref<1x128xi32, #tpu.memory_space<vmem>>
      %dma_wait3A_237 = tpu.memref_squeeze %dma_wait3A_236 : memref<1x128xi32, #tpu.memory_space<vmem>> -> memref<128xi32, #tpu.memory_space<vmem>>
      %dma_wait3A_238 = arith.constant 0 : i32
      %dma_wait3A_239 = arith.constant 0 : i32
      %dma_wait3A_240 = tpu.memref_slice %arg3[%dma_wait3A_238, %dma_wait3A_239] : memref<1000000x64xf32, #tpu.memory_space<hbm>> -> memref<1000000x64xf32, #tpu.memory_space<hbm>>
      %dma_wait3A_241 = tpu.memref_slice %arg8[%dma_wait3A_230] : memref<4x!tpu.dma_semaphore, #tpu.memory_space<semaphore_mem>> -> memref<1x!tpu.dma_semaphore, #tpu.memory_space<semaphore_mem>>
      %dma_wait3A_242 = tpu.memref_squeeze %dma_wait3A_241 : memref<1x!tpu.dma_semaphore, #tpu.memory_space<semaphore_mem>> -> memref<!tpu.dma_semaphore, #tpu.memory_space<semaphore_mem>>
      tpu.wait_indirect_dma semaphore(%dma_wait3A_242 : memref<!tpu.dma_semaphore, #tpu.memory_space<semaphore_mem>>) src(%dma_wait3A_240 : memref<1000000x64xf32, #tpu.memory_space<hbm>>) dst(%dma_wait3A_234 : memref<128x64xf32, #tpu.memory_space<vmem>>)
      %ge3A_243 = arith.constant 4 : i32
      %ge3A_244 = arith.cmpi sge, %add3A_228, %ge3A_243 : i32
      %convert_element_type3A_245 = arith.extui %ge3A_244 : i1 to i32
      %cond3A_246 = arith.constant 0 : i32
      %cond3A_247 = arith.cmpi ne, %convert_element_type3A_245, %cond3A_246 : i32
      scf.if %cond3A_247 {
        %sub3A = arith.constant 4 : i32
        %sub3A_411 = arith.subi %add3A_228, %sub3A : i32
        %dma_wait3A_412 = arith.constant 1 : i32
        %dma_wait3A_413 = arith.constant 1 : i32
        %dma_wait3A_414 = arith.constant 0 : i32
        %dma_wait3A_415 = arith.constant 0 : i32
        %dma_wait3A_416 = arith.constant 0 : i32
        %dma_wait3A_417 = tpu.memref_slice %arg7[%dma_wait3A_412, %dma_wait3A_414, %dma_wait3A_415, %dma_wait3A_416] : memref<4x8x8x128xf32, #tpu.memory_space<vmem>> -> memref<1x8x8x128xf32, #tpu.memory_space<vmem>>
        %dma_wait3A_418 = tpu.memref_squeeze %dma_wait3A_417 : memref<1x8x8x128xf32, #tpu.memory_space<vmem>> -> memref<8x8x128xf32, #tpu.memory_space<vmem>>
        %dma_wait3A_419 = arith.constant 0 : i32
        %dma_wait3A_420 = arith.constant 0 : i32
        %dma_wait3A_421 = arith.constant 0 : i32
        %dma_wait3A_422 = tpu.memref_slice %arg4[%sub3A_411, %dma_wait3A_419, %add3A, %dma_wait3A_420, %dma_wait3A_421] : memref<200x8x32x8x128xf32, #tpu.memory_space<hbm>> -> memref<1x8x1x8x128xf32, #tpu.memory_space<hbm>>
        %dma_wait3A_423 = tpu.memref_squeeze %dma_wait3A_422 : memref<1x8x1x8x128xf32, #tpu.memory_space<hbm>> -> memref<8x8x128xf32, #tpu.memory_space<hbm>>
        %dma_wait3A_424 = tpu.memref_slice %arg9[%dma_wait3A_413] : memref<4x!tpu.dma_semaphore, #tpu.memory_space<semaphore_mem>> -> memref<1x!tpu.dma_semaphore, #tpu.memory_space<semaphore_mem>>
        %dma_wait3A_425 = tpu.memref_squeeze %dma_wait3A_424 : memref<1x!tpu.dma_semaphore, #tpu.memory_space<semaphore_mem>> -> memref<!tpu.dma_semaphore, #tpu.memory_space<semaphore_mem>>
        %dma_wait3A_426 = arith.constant 0 : i32
        %dma_wait3A_427 = arith.constant 0 : i32
        %dma_wait3A_428 = arith.constant 0 : i32
        %dma_wait3A_429 = tpu.memref_slice %arg4[%sub3A_411, %dma_wait3A_426, %add3A, %dma_wait3A_427, %dma_wait3A_428] : memref<200x8x32x8x128xf32, #tpu.memory_space<hbm>> -> memref<1x8x1x8x128xf32, #tpu.memory_space<hbm>>
        %dma_wait3A_430 = tpu.memref_squeeze %dma_wait3A_429 : memref<1x8x1x8x128xf32, #tpu.memory_space<hbm>> -> memref<8x8x128xf32, #tpu.memory_space<hbm>>
        %dma_wait3A_431 = arith.constant 0 : i32
        %dma_wait3A_432 = arith.constant 0 : i32
        %dma_wait3A_433 = arith.constant 0 : i32
        %dma_wait3A_434 = tpu.memref_slice %arg7[%dma_wait3A_412, %dma_wait3A_431, %dma_wait3A_432, %dma_wait3A_433] : memref<4x8x8x128xf32, #tpu.memory_space<vmem>> -> memref<1x8x8x128xf32, #tpu.memory_space<vmem>>
        %dma_wait3A_435 = tpu.memref_squeeze %dma_wait3A_434 : memref<1x8x8x128xf32, #tpu.memory_space<vmem>> -> memref<8x8x128xf32, #tpu.memory_space<vmem>>
        tpu.wait_dma2 semaphore(%dma_wait3A_425 : memref<!tpu.dma_semaphore, #tpu.memory_space<semaphore_mem>>) src(%dma_wait3A_435 : memref<8x8x128xf32, #tpu.memory_space<vmem>>) dst(%dma_wait3A_430 : memref<8x8x128xf32, #tpu.memory_space<hbm>>)
      } else {
      }
      %scan3A_248 = arith.constant 0 : i32
      %scan3A_249 = arith.constant 1 : i32
      %scan3A_250 = arith.constant 1 : i32
      %scan3A_251 = arith.constant 0 : i32
      %scan3A_252 = arith.constant 16 : i32
      %scan3A_253 = arith.addi %scan3A_251, %scan3A_252 : i32
      %scan3A_254 = arith.constant 1 : i32
      scf.for %scan3A_411 = %scan3A_251 to %scan3A_253 step %scan3A_254  : i32 {
        %add3A_412 = vector.broadcast %scan3A_411 : i32 to vector<16xi32>
        %add3A_413 = arith.addi %iota3A, %add3A_412 : vector<16xi32>
        %and3A = arith.constant 15 : i32
        %and3A_414 = vector.broadcast %and3A : i32 to vector<16xi32>
        %and3A_415 = arith.andi %add3A_413, %and3A_414 : vector<16xi32>
        %shift_right_arithmetic3A = arith.constant 3 : i32
        %shift_right_arithmetic3A_416 = vector.broadcast %shift_right_arithmetic3A : i32 to vector<16xi32>
        %shift_right_arithmetic3A_417 = arith.shrsi %and3A_415, %shift_right_arithmetic3A_416 : vector<16xi32>
        %and3A_418 = arith.constant 7 : i32
        %and3A_419 = vector.broadcast %and3A_418 : i32 to vector<16xi32>
        %and3A_420 = arith.andi %and3A_415, %and3A_419 : vector<16xi32>
        %add3A_421 = arith.constant 0 : i32
        %add3A_422 = vector.broadcast %add3A_421 : i32 to vector<16xi32>
        %add3A_423 = arith.addi %and3A_415, %add3A_422 : vector<16xi32>
        %add3A_424 = arith.constant 0 : i32
        %add3A_425 = vector.broadcast %add3A_424 : i32 to vector<16xi32>
        %add3A_426 = arith.addi %shift_right_arithmetic3A_417, %add3A_425 : vector<16xi32>
        %add3A_427 = arith.constant 0 : i32
        %add3A_428 = vector.broadcast %add3A_427 : i32 to vector<16xi32>
        %add3A_429 = arith.addi %iota3A, %add3A_428 : vector<16xi32>
        %gather3A = arith.constant 0 : i32
        %gather3A_430 = arith.constant 0 : i32
        %gather3A_431 = tpu.memref_slice %arg6[%scan3A_249, %gather3A, %gather3A_430] : memref<4x128x64xf32, #tpu.memory_space<vmem>> -> memref<1x128x64xf32, #tpu.memory_space<vmem>>
        %gather3A_432 = tpu.memref_squeeze %gather3A_431 : memref<1x128x64xf32, #tpu.memory_space<vmem>> -> memref<128x64xf32, #tpu.memory_space<vmem>>
        %gather3A_433 = tpu.vector_load_idx %gather3A_432[%add3A_429, %add3A_423] : memref<128x64xf32, #tpu.memory_space<vmem>>[vector<16xi32>, vector<16xi32>], vector<16xf32>,
        %scatter3A = arith.constant 0 : i32
        %scatter3A_434 = arith.constant 0 : i32
        %scatter3A_435 = arith.constant 0 : i32
        %scatter3A_436 = tpu.memref_slice %arg7[%scan3A_250, %scatter3A, %scatter3A_434, %scatter3A_435] : memref<4x8x8x128xf32, #tpu.memory_space<vmem>> -> memref<1x8x8x128xf32, #tpu.memory_space<vmem>>
        %scatter3A_437 = tpu.memref_squeeze %scatter3A_436 : memref<1x8x8x128xf32, #tpu.memory_space<vmem>> -> memref<8x8x128xf32, #tpu.memory_space<vmem>>
        tpu.vector_store_idx %scatter3A_437[%add3A_426, %and3A_420, %add3A_429], %gather3A_433 : memref<8x8x128xf32, #tpu.memory_space<vmem>>[vector<16xi32>, vector<16xi32>, vector<16xi32>], vector<16xf32>,
        %add3A_438 = arith.constant 16 : i32
        %add3A_439 = vector.broadcast %add3A_438 : i32 to vector<16xi32>
        %add3A_440 = arith.addi %iota3A, %add3A_439 : vector<16xi32>
        %gather3A_441 = arith.constant 0 : i32
        %gather3A_442 = arith.constant 0 : i32
        %gather3A_443 = tpu.memref_slice %arg6[%scan3A_249, %gather3A_441, %gather3A_442] : memref<4x128x64xf32, #tpu.memory_space<vmem>> -> memref<1x128x64xf32, #tpu.memory_space<vmem>>
        %gather3A_444 = tpu.memref_squeeze %gather3A_443 : memref<1x128x64xf32, #tpu.memory_space<vmem>> -> memref<128x64xf32, #tpu.memory_space<vmem>>
        %gather3A_445 = tpu.vector_load_idx %gather3A_444[%add3A_440, %add3A_423] : memref<128x64xf32, #tpu.memory_space<vmem>>[vector<16xi32>, vector<16xi32>], vector<16xf32>,
        %scatter3A_446 = arith.constant 0 : i32
        %scatter3A_447 = arith.constant 0 : i32
        %scatter3A_448 = arith.constant 0 : i32
        %scatter3A_449 = tpu.memref_slice %arg7[%scan3A_250, %scatter3A_446, %scatter3A_447, %scatter3A_448] : memref<4x8x8x128xf32, #tpu.memory_space<vmem>> -> memref<1x8x8x128xf32, #tpu.memory_space<vmem>>
        %scatter3A_450 = tpu.memref_squeeze %scatter3A_449 : memref<1x8x8x128xf32, #tpu.memory_space<vmem>> -> memref<8x8x128xf32, #tpu.memory_space<vmem>>
        tpu.vector_store_idx %scatter3A_450[%add3A_426, %and3A_420, %add3A_440], %gather3A_445 : memref<8x8x128xf32, #tpu.memory_space<vmem>>[vector<16xi32>, vector<16xi32>, vector<16xi32>], vector<16xf32>,
        %add3A_451 = arith.constant 32 : i32
        %add3A_452 = vector.broadcast %add3A_451 : i32 to vector<16xi32>
        %add3A_453 = arith.addi %iota3A, %add3A_452 : vector<16xi32>
        %gather3A_454 = arith.constant 0 : i32
        %gather3A_455 = arith.constant 0 : i32
        %gather3A_456 = tpu.memref_slice %arg6[%scan3A_249, %gather3A_454, %gather3A_455] : memref<4x128x64xf32, #tpu.memory_space<vmem>> -> memref<1x128x64xf32, #tpu.memory_space<vmem>>
        %gather3A_457 = tpu.memref_squeeze %gather3A_456 : memref<1x128x64xf32, #tpu.memory_space<vmem>> -> memref<128x64xf32, #tpu.memory_space<vmem>>
        %gather3A_458 = tpu.vector_load_idx %gather3A_457[%add3A_453, %add3A_423] : memref<128x64xf32, #tpu.memory_space<vmem>>[vector<16xi32>, vector<16xi32>], vector<16xf32>,
        %scatter3A_459 = arith.constant 0 : i32
        %scatter3A_460 = arith.constant 0 : i32
        %scatter3A_461 = arith.constant 0 : i32
        %scatter3A_462 = tpu.memref_slice %arg7[%scan3A_250, %scatter3A_459, %scatter3A_460, %scatter3A_461] : memref<4x8x8x128xf32, #tpu.memory_space<vmem>> -> memref<1x8x8x128xf32, #tpu.memory_space<vmem>>
        %scatter3A_463 = tpu.memref_squeeze %scatter3A_462 : memref<1x8x8x128xf32, #tpu.memory_space<vmem>> -> memref<8x8x128xf32, #tpu.memory_space<vmem>>
        tpu.vector_store_idx %scatter3A_463[%add3A_426, %and3A_420, %add3A_453], %gather3A_458 : memref<8x8x128xf32, #tpu.memory_space<vmem>>[vector<16xi32>, vector<16xi32>, vector<16xi32>], vector<16xf32>,
        %add3A_464 = arith.constant 48 : i32
        %add3A_465 = vector.broadcast %add3A_464 : i32 to vector<16xi32>
        %add3A_466 = arith.addi %iota3A, %add3A_465 : vector<16xi32>
        %gather3A_467 = arith.constant 0 : i32
        %gather3A_468 = arith.constant 0 : i32
        %gather3A_469 = tpu.memref_slice %arg6[%scan3A_249, %gather3A_467, %gather3A_468] : memref<4x128x64xf32, #tpu.memory_space<vmem>> -> memref<1x128x64xf32, #tpu.memory_space<vmem>>
        %gather3A_470 = tpu.memref_squeeze %gather3A_469 : memref<1x128x64xf32, #tpu.memory_space<vmem>> -> memref<128x64xf32, #tpu.memory_space<vmem>>
        %gather3A_471 = tpu.vector_load_idx %gather3A_470[%add3A_466, %add3A_423] : memref<128x64xf32, #tpu.memory_space<vmem>>[vector<16xi32>, vector<16xi32>], vector<16xf32>,
        %scatter3A_472 = arith.constant 0 : i32
        %scatter3A_473 = arith.constant 0 : i32
        %scatter3A_474 = arith.constant 0 : i32
        %scatter3A_475 = tpu.memref_slice %arg7[%scan3A_250, %scatter3A_472, %scatter3A_473, %scatter3A_474] : memref<4x8x8x128xf32, #tpu.memory_space<vmem>> -> memref<1x8x8x128xf32, #tpu.memory_space<vmem>>
        %scatter3A_476 = tpu.memref_squeeze %scatter3A_475 : memref<1x8x8x128xf32, #tpu.memory_space<vmem>> -> memref<8x8x128xf32, #tpu.memory_space<vmem>>
        tpu.vector_store_idx %scatter3A_476[%add3A_426, %and3A_420, %add3A_466], %gather3A_471 : memref<8x8x128xf32, #tpu.memory_space<vmem>>[vector<16xi32>, vector<16xi32>, vector<16xi32>], vector<16xf32>,
        %add3A_477 = arith.constant 64 : i32
        %add3A_478 = vector.broadcast %add3A_477 : i32 to vector<16xi32>
        %add3A_479 = arith.addi %iota3A, %add3A_478 : vector<16xi32>
        %gather3A_480 = arith.constant 0 : i32
        %gather3A_481 = arith.constant 0 : i32
        %gather3A_482 = tpu.memref_slice %arg6[%scan3A_249, %gather3A_480, %gather3A_481] : memref<4x128x64xf32, #tpu.memory_space<vmem>> -> memref<1x128x64xf32, #tpu.memory_space<vmem>>
        %gather3A_483 = tpu.memref_squeeze %gather3A_482 : memref<1x128x64xf32, #tpu.memory_space<vmem>> -> memref<128x64xf32, #tpu.memory_space<vmem>>
        %gather3A_484 = tpu.vector_load_idx %gather3A_483[%add3A_479, %add3A_423] : memref<128x64xf32, #tpu.memory_space<vmem>>[vector<16xi32>, vector<16xi32>], vector<16xf32>,
        %scatter3A_485 = arith.constant 0 : i32
        %scatter3A_486 = arith.constant 0 : i32
        %scatter3A_487 = arith.constant 0 : i32
        %scatter3A_488 = tpu.memref_slice %arg7[%scan3A_250, %scatter3A_485, %scatter3A_486, %scatter3A_487] : memref<4x8x8x128xf32, #tpu.memory_space<vmem>> -> memref<1x8x8x128xf32, #tpu.memory_space<vmem>>
        %scatter3A_489 = tpu.memref_squeeze %scatter3A_488 : memref<1x8x8x128xf32, #tpu.memory_space<vmem>> -> memref<8x8x128xf32, #tpu.memory_space<vmem>>
        tpu.vector_store_idx %scatter3A_489[%add3A_426, %and3A_420, %add3A_479], %gather3A_484 : memref<8x8x128xf32, #tpu.memory_space<vmem>>[vector<16xi32>, vector<16xi32>, vector<16xi32>], vector<16xf32>,
        %add3A_490 = arith.constant 80 : i32
        %add3A_491 = vector.broadcast %add3A_490 : i32 to vector<16xi32>
        %add3A_492 = arith.addi %iota3A, %add3A_491 : vector<16xi32>
        %gather3A_493 = arith.constant 0 : i32
        %gather3A_494 = arith.constant 0 : i32
        %gather3A_495 = tpu.memref_slice %arg6[%scan3A_249, %gather3A_493, %gather3A_494] : memref<4x128x64xf32, #tpu.memory_space<vmem>> -> memref<1x128x64xf32, #tpu.memory_space<vmem>>
        %gather3A_496 = tpu.memref_squeeze %gather3A_495 : memref<1x128x64xf32, #tpu.memory_space<vmem>> -> memref<128x64xf32, #tpu.memory_space<vmem>>
        %gather3A_497 = tpu.vector_load_idx %gather3A_496[%add3A_492, %add3A_423] : memref<128x64xf32, #tpu.memory_space<vmem>>[vector<16xi32>, vector<16xi32>], vector<16xf32>,
        %scatter3A_498 = arith.constant 0 : i32
        %scatter3A_499 = arith.constant 0 : i32
        %scatter3A_500 = arith.constant 0 : i32
        %scatter3A_501 = tpu.memref_slice %arg7[%scan3A_250, %scatter3A_498, %scatter3A_499, %scatter3A_500] : memref<4x8x8x128xf32, #tpu.memory_space<vmem>> -> memref<1x8x8x128xf32, #tpu.memory_space<vmem>>
        %scatter3A_502 = tpu.memref_squeeze %scatter3A_501 : memref<1x8x8x128xf32, #tpu.memory_space<vmem>> -> memref<8x8x128xf32, #tpu.memory_space<vmem>>
        tpu.vector_store_idx %scatter3A_502[%add3A_426, %and3A_420, %add3A_492], %gather3A_497 : memref<8x8x128xf32, #tpu.memory_space<vmem>>[vector<16xi32>, vector<16xi32>, vector<16xi32>], vector<16xf32>,
        %add3A_503 = arith.constant 96 : i32
        %add3A_504 = vector.broadcast %add3A_503 : i32 to vector<16xi32>
        %add3A_505 = arith.addi %iota3A, %add3A_504 : vector<16xi32>
        %gather3A_506 = arith.constant 0 : i32
        %gather3A_507 = arith.constant 0 : i32
        %gather3A_508 = tpu.memref_slice %arg6[%scan3A_249, %gather3A_506, %gather3A_507] : memref<4x128x64xf32, #tpu.memory_space<vmem>> -> memref<1x128x64xf32, #tpu.memory_space<vmem>>
        %gather3A_509 = tpu.memref_squeeze %gather3A_508 : memref<1x128x64xf32, #tpu.memory_space<vmem>> -> memref<128x64xf32, #tpu.memory_space<vmem>>
        %gather3A_510 = tpu.vector_load_idx %gather3A_509[%add3A_505, %add3A_423] : memref<128x64xf32, #tpu.memory_space<vmem>>[vector<16xi32>, vector<16xi32>], vector<16xf32>,
        %scatter3A_511 = arith.constant 0 : i32
        %scatter3A_512 = arith.constant 0 : i32
        %scatter3A_513 = arith.constant 0 : i32
        %scatter3A_514 = tpu.memref_slice %arg7[%scan3A_250, %scatter3A_511, %scatter3A_512, %scatter3A_513] : memref<4x8x8x128xf32, #tpu.memory_space<vmem>> -> memref<1x8x8x128xf32, #tpu.memory_space<vmem>>
        %scatter3A_515 = tpu.memref_squeeze %scatter3A_514 : memref<1x8x8x128xf32, #tpu.memory_space<vmem>> -> memref<8x8x128xf32, #tpu.memory_space<vmem>>
        tpu.vector_store_idx %scatter3A_515[%add3A_426, %and3A_420, %add3A_505], %gather3A_510 : memref<8x8x128xf32, #tpu.memory_space<vmem>>[vector<16xi32>, vector<16xi32>, vector<16xi32>], vector<16xf32>,
        %add3A_516 = arith.constant 112 : i32
        %add3A_517 = vector.broadcast %add3A_516 : i32 to vector<16xi32>
        %add3A_518 = arith.addi %iota3A, %add3A_517 : vector<16xi32>
        %gather3A_519 = arith.constant 0 : i32
        %gather3A_520 = arith.constant 0 : i32
        %gather3A_521 = tpu.memref_slice %arg6[%scan3A_249, %gather3A_519, %gather3A_520] : memref<4x128x64xf32, #tpu.memory_space<vmem>> -> memref<1x128x64xf32, #tpu.memory_space<vmem>>
        %gather3A_522 = tpu.memref_squeeze %gather3A_521 : memref<1x128x64xf32, #tpu.memory_space<vmem>> -> memref<128x64xf32, #tpu.memory_space<vmem>>
        %gather3A_523 = tpu.vector_load_idx %gather3A_522[%add3A_518, %add3A_423] : memref<128x64xf32, #tpu.memory_space<vmem>>[vector<16xi32>, vector<16xi32>], vector<16xf32>,
        %scatter3A_524 = arith.constant 0 : i32
        %scatter3A_525 = arith.constant 0 : i32
        %scatter3A_526 = arith.constant 0 : i32
        %scatter3A_527 = tpu.memref_slice %arg7[%scan3A_250, %scatter3A_524, %scatter3A_525, %scatter3A_526] : memref<4x8x8x128xf32, #tpu.memory_space<vmem>> -> memref<1x8x8x128xf32, #tpu.memory_space<vmem>>
        %scatter3A_528 = tpu.memref_squeeze %scatter3A_527 : memref<1x8x8x128xf32, #tpu.memory_space<vmem>> -> memref<8x8x128xf32, #tpu.memory_space<vmem>>
        tpu.vector_store_idx %scatter3A_528[%add3A_426, %and3A_420, %add3A_518], %gather3A_523 : memref<8x8x128xf32, #tpu.memory_space<vmem>>[vector<16xi32>, vector<16xi32>, vector<16xi32>], vector<16xf32>,
        %add3A_529 = arith.constant 16 : i32
        %add3A_530 = vector.broadcast %add3A_529 : i32 to vector<16xi32>
        %add3A_531 = arith.addi %and3A_415, %add3A_530 : vector<16xi32>
        %add3A_532 = arith.constant 2 : i32
        %add3A_533 = vector.broadcast %add3A_532 : i32 to vector<16xi32>
        %add3A_534 = arith.addi %shift_right_arithmetic3A_417, %add3A_533 : vector<16xi32>
        %add3A_535 = arith.constant 0 : i32
        %add3A_536 = vector.broadcast %add3A_535 : i32 to vector<16xi32>
        %add3A_537 = arith.addi %iota3A, %add3A_536 : vector<16xi32>
        %gather3A_538 = arith.constant 0 : i32
        %gather3A_539 = arith.constant 0 : i32
        %gather3A_540 = tpu.memref_slice %arg6[%scan3A_249, %gather3A_538, %gather3A_539] : memref<4x128x64xf32, #tpu.memory_space<vmem>> -> memref<1x128x64xf32, #tpu.memory_space<vmem>>
        %gather3A_541 = tpu.memref_squeeze %gather3A_540 : memref<1x128x64xf32, #tpu.memory_space<vmem>> -> memref<128x64xf32, #tpu.memory_space<vmem>>
        %gather3A_542 = tpu.vector_load_idx %gather3A_541[%add3A_537, %add3A_531] : memref<128x64xf32, #tpu.memory_space<vmem>>[vector<16xi32>, vector<16xi32>], vector<16xf32>,
        %scatter3A_543 = arith.constant 0 : i32
        %scatter3A_544 = arith.constant 0 : i32
        %scatter3A_545 = arith.constant 0 : i32
        %scatter3A_546 = tpu.memref_slice %arg7[%scan3A_250, %scatter3A_543, %scatter3A_544, %scatter3A_545] : memref<4x8x8x128xf32, #tpu.memory_space<vmem>> -> memref<1x8x8x128xf32, #tpu.memory_space<vmem>>
        %scatter3A_547 = tpu.memref_squeeze %scatter3A_546 : memref<1x8x8x128xf32, #tpu.memory_space<vmem>> -> memref<8x8x128xf32, #tpu.memory_space<vmem>>
        tpu.vector_store_idx %scatter3A_547[%add3A_534, %and3A_420, %add3A_537], %gather3A_542 : memref<8x8x128xf32, #tpu.memory_space<vmem>>[vector<16xi32>, vector<16xi32>, vector<16xi32>], vector<16xf32>,
        %add3A_548 = arith.constant 16 : i32
        %add3A_549 = vector.broadcast %add3A_548 : i32 to vector<16xi32>
        %add3A_550 = arith.addi %iota3A, %add3A_549 : vector<16xi32>
        %gather3A_551 = arith.constant 0 : i32
        %gather3A_552 = arith.constant 0 : i32
        %gather3A_553 = tpu.memref_slice %arg6[%scan3A_249, %gather3A_551, %gather3A_552] : memref<4x128x64xf32, #tpu.memory_space<vmem>> -> memref<1x128x64xf32, #tpu.memory_space<vmem>>
        %gather3A_554 = tpu.memref_squeeze %gather3A_553 : memref<1x128x64xf32, #tpu.memory_space<vmem>> -> memref<128x64xf32, #tpu.memory_space<vmem>>
        %gather3A_555 = tpu.vector_load_idx %gather3A_554[%add3A_550, %add3A_531] : memref<128x64xf32, #tpu.memory_space<vmem>>[vector<16xi32>, vector<16xi32>], vector<16xf32>,
        %scatter3A_556 = arith.constant 0 : i32
        %scatter3A_557 = arith.constant 0 : i32
        %scatter3A_558 = arith.constant 0 : i32
        %scatter3A_559 = tpu.memref_slice %arg7[%scan3A_250, %scatter3A_556, %scatter3A_557, %scatter3A_558] : memref<4x8x8x128xf32, #tpu.memory_space<vmem>> -> memref<1x8x8x128xf32, #tpu.memory_space<vmem>>
        %scatter3A_560 = tpu.memref_squeeze %scatter3A_559 : memref<1x8x8x128xf32, #tpu.memory_space<vmem>> -> memref<8x8x128xf32, #tpu.memory_space<vmem>>
        tpu.vector_store_idx %scatter3A_560[%add3A_534, %and3A_420, %add3A_550], %gather3A_555 : memref<8x8x128xf32, #tpu.memory_space<vmem>>[vector<16xi32>, vector<16xi32>, vector<16xi32>], vector<16xf32>,
        %add3A_561 = arith.constant 32 : i32
        %add3A_562 = vector.broadcast %add3A_561 : i32 to vector<16xi32>
        %add3A_563 = arith.addi %iota3A, %add3A_562 : vector<16xi32>
        %gather3A_564 = arith.constant 0 : i32
        %gather3A_565 = arith.constant 0 : i32
        %gather3A_566 = tpu.memref_slice %arg6[%scan3A_249, %gather3A_564, %gather3A_565] : memref<4x128x64xf32, #tpu.memory_space<vmem>> -> memref<1x128x64xf32, #tpu.memory_space<vmem>>
        %gather3A_567 = tpu.memref_squeeze %gather3A_566 : memref<1x128x64xf32, #tpu.memory_space<vmem>> -> memref<128x64xf32, #tpu.memory_space<vmem>>
        %gather3A_568 = tpu.vector_load_idx %gather3A_567[%add3A_563, %add3A_531] : memref<128x64xf32, #tpu.memory_space<vmem>>[vector<16xi32>, vector<16xi32>], vector<16xf32>,
        %scatter3A_569 = arith.constant 0 : i32
        %scatter3A_570 = arith.constant 0 : i32
        %scatter3A_571 = arith.constant 0 : i32
        %scatter3A_572 = tpu.memref_slice %arg7[%scan3A_250, %scatter3A_569, %scatter3A_570, %scatter3A_571] : memref<4x8x8x128xf32, #tpu.memory_space<vmem>> -> memref<1x8x8x128xf32, #tpu.memory_space<vmem>>
        %scatter3A_573 = tpu.memref_squeeze %scatter3A_572 : memref<1x8x8x128xf32, #tpu.memory_space<vmem>> -> memref<8x8x128xf32, #tpu.memory_space<vmem>>
        tpu.vector_store_idx %scatter3A_573[%add3A_534, %and3A_420, %add3A_563], %gather3A_568 : memref<8x8x128xf32, #tpu.memory_space<vmem>>[vector<16xi32>, vector<16xi32>, vector<16xi32>], vector<16xf32>,
        %add3A_574 = arith.constant 48 : i32
        %add3A_575 = vector.broadcast %add3A_574 : i32 to vector<16xi32>
        %add3A_576 = arith.addi %iota3A, %add3A_575 : vector<16xi32>
        %gather3A_577 = arith.constant 0 : i32
        %gather3A_578 = arith.constant 0 : i32
        %gather3A_579 = tpu.memref_slice %arg6[%scan3A_249, %gather3A_577, %gather3A_578] : memref<4x128x64xf32, #tpu.memory_space<vmem>> -> memref<1x128x64xf32, #tpu.memory_space<vmem>>
        %gather3A_580 = tpu.memref_squeeze %gather3A_579 : memref<1x128x64xf32, #tpu.memory_space<vmem>> -> memref<128x64xf32, #tpu.memory_space<vmem>>
        %gather3A_581 = tpu.vector_load_idx %gather3A_580[%add3A_576, %add3A_531] : memref<128x64xf32, #tpu.memory_space<vmem>>[vector<16xi32>, vector<16xi32>], vector<16xf32>,
        %scatter3A_582 = arith.constant 0 : i32
        %scatter3A_583 = arith.constant 0 : i32
        %scatter3A_584 = arith.constant 0 : i32
        %scatter3A_585 = tpu.memref_slice %arg7[%scan3A_250, %scatter3A_582, %scatter3A_583, %scatter3A_584] : memref<4x8x8x128xf32, #tpu.memory_space<vmem>> -> memref<1x8x8x128xf32, #tpu.memory_space<vmem>>
        %scatter3A_586 = tpu.memref_squeeze %scatter3A_585 : memref<1x8x8x128xf32, #tpu.memory_space<vmem>> -> memref<8x8x128xf32, #tpu.memory_space<vmem>>
        tpu.vector_store_idx %scatter3A_586[%add3A_534, %and3A_420, %add3A_576], %gather3A_581 : memref<8x8x128xf32, #tpu.memory_space<vmem>>[vector<16xi32>, vector<16xi32>, vector<16xi32>], vector<16xf32>,
        %add3A_587 = arith.constant 64 : i32
        %add3A_588 = vector.broadcast %add3A_587 : i32 to vector<16xi32>
        %add3A_589 = arith.addi %iota3A, %add3A_588 : vector<16xi32>
        %gather3A_590 = arith.constant 0 : i32
        %gather3A_591 = arith.constant 0 : i32
        %gather3A_592 = tpu.memref_slice %arg6[%scan3A_249, %gather3A_590, %gather3A_591] : memref<4x128x64xf32, #tpu.memory_space<vmem>> -> memref<1x128x64xf32, #tpu.memory_space<vmem>>
        %gather3A_593 = tpu.memref_squeeze %gather3A_592 : memref<1x128x64xf32, #tpu.memory_space<vmem>> -> memref<128x64xf32, #tpu.memory_space<vmem>>
        %gather3A_594 = tpu.vector_load_idx %gather3A_593[%add3A_589, %add3A_531] : memref<128x64xf32, #tpu.memory_space<vmem>>[vector<16xi32>, vector<16xi32>], vector<16xf32>,
        %scatter3A_595 = arith.constant 0 : i32
        %scatter3A_596 = arith.constant 0 : i32
        %scatter3A_597 = arith.constant 0 : i32
        %scatter3A_598 = tpu.memref_slice %arg7[%scan3A_250, %scatter3A_595, %scatter3A_596, %scatter3A_597] : memref<4x8x8x128xf32, #tpu.memory_space<vmem>> -> memref<1x8x8x128xf32, #tpu.memory_space<vmem>>
        %scatter3A_599 = tpu.memref_squeeze %scatter3A_598 : memref<1x8x8x128xf32, #tpu.memory_space<vmem>> -> memref<8x8x128xf32, #tpu.memory_space<vmem>>
        tpu.vector_store_idx %scatter3A_599[%add3A_534, %and3A_420, %add3A_589], %gather3A_594 : memref<8x8x128xf32, #tpu.memory_space<vmem>>[vector<16xi32>, vector<16xi32>, vector<16xi32>], vector<16xf32>,
        %add3A_600 = arith.constant 80 : i32
        %add3A_601 = vector.broadcast %add3A_600 : i32 to vector<16xi32>
        %add3A_602 = arith.addi %iota3A, %add3A_601 : vector<16xi32>
        %gather3A_603 = arith.constant 0 : i32
        %gather3A_604 = arith.constant 0 : i32
        %gather3A_605 = tpu.memref_slice %arg6[%scan3A_249, %gather3A_603, %gather3A_604] : memref<4x128x64xf32, #tpu.memory_space<vmem>> -> memref<1x128x64xf32, #tpu.memory_space<vmem>>
        %gather3A_606 = tpu.memref_squeeze %gather3A_605 : memref<1x128x64xf32, #tpu.memory_space<vmem>> -> memref<128x64xf32, #tpu.memory_space<vmem>>
        %gather3A_607 = tpu.vector_load_idx %gather3A_606[%add3A_602, %add3A_531] : memref<128x64xf32, #tpu.memory_space<vmem>>[vector<16xi32>, vector<16xi32>], vector<16xf32>,
        %scatter3A_608 = arith.constant 0 : i32
        %scatter3A_609 = arith.constant 0 : i32
        %scatter3A_610 = arith.constant 0 : i32
        %scatter3A_611 = tpu.memref_slice %arg7[%scan3A_250, %scatter3A_608, %scatter3A_609, %scatter3A_610] : memref<4x8x8x128xf32, #tpu.memory_space<vmem>> -> memref<1x8x8x128xf32, #tpu.memory_space<vmem>>
        %scatter3A_612 = tpu.memref_squeeze %scatter3A_611 : memref<1x8x8x128xf32, #tpu.memory_space<vmem>> -> memref<8x8x128xf32, #tpu.memory_space<vmem>>
        tpu.vector_store_idx %scatter3A_612[%add3A_534, %and3A_420, %add3A_602], %gather3A_607 : memref<8x8x128xf32, #tpu.memory_space<vmem>>[vector<16xi32>, vector<16xi32>, vector<16xi32>], vector<16xf32>,
        %add3A_613 = arith.constant 96 : i32
        %add3A_614 = vector.broadcast %add3A_613 : i32 to vector<16xi32>
        %add3A_615 = arith.addi %iota3A, %add3A_614 : vector<16xi32>
        %gather3A_616 = arith.constant 0 : i32
        %gather3A_617 = arith.constant 0 : i32
        %gather3A_618 = tpu.memref_slice %arg6[%scan3A_249, %gather3A_616, %gather3A_617] : memref<4x128x64xf32, #tpu.memory_space<vmem>> -> memref<1x128x64xf32, #tpu.memory_space<vmem>>
        %gather3A_619 = tpu.memref_squeeze %gather3A_618 : memref<1x128x64xf32, #tpu.memory_space<vmem>> -> memref<128x64xf32, #tpu.memory_space<vmem>>
        %gather3A_620 = tpu.vector_load_idx %gather3A_619[%add3A_615, %add3A_531] : memref<128x64xf32, #tpu.memory_space<vmem>>[vector<16xi32>, vector<16xi32>], vector<16xf32>,
        %scatter3A_621 = arith.constant 0 : i32
        %scatter3A_622 = arith.constant 0 : i32
        %scatter3A_623 = arith.constant 0 : i32
        %scatter3A_624 = tpu.memref_slice %arg7[%scan3A_250, %scatter3A_621, %scatter3A_622, %scatter3A_623] : memref<4x8x8x128xf32, #tpu.memory_space<vmem>> -> memref<1x8x8x128xf32, #tpu.memory_space<vmem>>
        %scatter3A_625 = tpu.memref_squeeze %scatter3A_624 : memref<1x8x8x128xf32, #tpu.memory_space<vmem>> -> memref<8x8x128xf32, #tpu.memory_space<vmem>>
        tpu.vector_store_idx %scatter3A_625[%add3A_534, %and3A_420, %add3A_615], %gather3A_620 : memref<8x8x128xf32, #tpu.memory_space<vmem>>[vector<16xi32>, vector<16xi32>, vector<16xi32>], vector<16xf32>,
        %add3A_626 = arith.constant 112 : i32
        %add3A_627 = vector.broadcast %add3A_626 : i32 to vector<16xi32>
        %add3A_628 = arith.addi %iota3A, %add3A_627 : vector<16xi32>
        %gather3A_629 = arith.constant 0 : i32
        %gather3A_630 = arith.constant 0 : i32
        %gather3A_631 = tpu.memref_slice %arg6[%scan3A_249, %gather3A_629, %gather3A_630] : memref<4x128x64xf32, #tpu.memory_space<vmem>> -> memref<1x128x64xf32, #tpu.memory_space<vmem>>
        %gather3A_632 = tpu.memref_squeeze %gather3A_631 : memref<1x128x64xf32, #tpu.memory_space<vmem>> -> memref<128x64xf32, #tpu.memory_space<vmem>>
        %gather3A_633 = tpu.vector_load_idx %gather3A_632[%add3A_628, %add3A_531] : memref<128x64xf32, #tpu.memory_space<vmem>>[vector<16xi32>, vector<16xi32>], vector<16xf32>,
        %scatter3A_634 = arith.constant 0 : i32
        %scatter3A_635 = arith.constant 0 : i32
        %scatter3A_636 = arith.constant 0 : i32
        %scatter3A_637 = tpu.memref_slice %arg7[%scan3A_250, %scatter3A_634, %scatter3A_635, %scatter3A_636] : memref<4x8x8x128xf32, #tpu.memory_space<vmem>> -> memref<1x8x8x128xf32, #tpu.memory_space<vmem>>
        %scatter3A_638 = tpu.memref_squeeze %scatter3A_637 : memref<1x8x8x128xf32, #tpu.memory_space<vmem>> -> memref<8x8x128xf32, #tpu.memory_space<vmem>>
        tpu.vector_store_idx %scatter3A_638[%add3A_534, %and3A_420, %add3A_628], %gather3A_633 : memref<8x8x128xf32, #tpu.memory_space<vmem>>[vector<16xi32>, vector<16xi32>, vector<16xi32>], vector<16xf32>,
        %add3A_639 = arith.constant 32 : i32
        %add3A_640 = vector.broadcast %add3A_639 : i32 to vector<16xi32>
        %add3A_641 = arith.addi %and3A_415, %add3A_640 : vector<16xi32>
        %add3A_642 = arith.constant 4 : i32
        %add3A_643 = vector.broadcast %add3A_642 : i32 to vector<16xi32>
        %add3A_644 = arith.addi %shift_right_arithmetic3A_417, %add3A_643 : vector<16xi32>
        %add3A_645 = arith.constant 0 : i32
        %add3A_646 = vector.broadcast %add3A_645 : i32 to vector<16xi32>
        %add3A_647 = arith.addi %iota3A, %add3A_646 : vector<16xi32>
        %gather3A_648 = arith.constant 0 : i32
        %gather3A_649 = arith.constant 0 : i32
        %gather3A_650 = tpu.memref_slice %arg6[%scan3A_249, %gather3A_648, %gather3A_649] : memref<4x128x64xf32, #tpu.memory_space<vmem>> -> memref<1x128x64xf32, #tpu.memory_space<vmem>>
        %gather3A_651 = tpu.memref_squeeze %gather3A_650 : memref<1x128x64xf32, #tpu.memory_space<vmem>> -> memref<128x64xf32, #tpu.memory_space<vmem>>
        %gather3A_652 = tpu.vector_load_idx %gather3A_651[%add3A_647, %add3A_641] : memref<128x64xf32, #tpu.memory_space<vmem>>[vector<16xi32>, vector<16xi32>], vector<16xf32>,
        %scatter3A_653 = arith.constant 0 : i32
        %scatter3A_654 = arith.constant 0 : i32
        %scatter3A_655 = arith.constant 0 : i32
        %scatter3A_656 = tpu.memref_slice %arg7[%scan3A_250, %scatter3A_653, %scatter3A_654, %scatter3A_655] : memref<4x8x8x128xf32, #tpu.memory_space<vmem>> -> memref<1x8x8x128xf32, #tpu.memory_space<vmem>>
        %scatter3A_657 = tpu.memref_squeeze %scatter3A_656 : memref<1x8x8x128xf32, #tpu.memory_space<vmem>> -> memref<8x8x128xf32, #tpu.memory_space<vmem>>
        tpu.vector_store_idx %scatter3A_657[%add3A_644, %and3A_420, %add3A_647], %gather3A_652 : memref<8x8x128xf32, #tpu.memory_space<vmem>>[vector<16xi32>, vector<16xi32>, vector<16xi32>], vector<16xf32>,
        %add3A_658 = arith.constant 16 : i32
        %add3A_659 = vector.broadcast %add3A_658 : i32 to vector<16xi32>
        %add3A_660 = arith.addi %iota3A, %add3A_659 : vector<16xi32>
        %gather3A_661 = arith.constant 0 : i32
        %gather3A_662 = arith.constant 0 : i32
        %gather3A_663 = tpu.memref_slice %arg6[%scan3A_249, %gather3A_661, %gather3A_662] : memref<4x128x64xf32, #tpu.memory_space<vmem>> -> memref<1x128x64xf32, #tpu.memory_space<vmem>>
        %gather3A_664 = tpu.memref_squeeze %gather3A_663 : memref<1x128x64xf32, #tpu.memory_space<vmem>> -> memref<128x64xf32, #tpu.memory_space<vmem>>
        %gather3A_665 = tpu.vector_load_idx %gather3A_664[%add3A_660, %add3A_641] : memref<128x64xf32, #tpu.memory_space<vmem>>[vector<16xi32>, vector<16xi32>], vector<16xf32>,
        %scatter3A_666 = arith.constant 0 : i32
        %scatter3A_667 = arith.constant 0 : i32
        %scatter3A_668 = arith.constant 0 : i32
        %scatter3A_669 = tpu.memref_slice %arg7[%scan3A_250, %scatter3A_666, %scatter3A_667, %scatter3A_668] : memref<4x8x8x128xf32, #tpu.memory_space<vmem>> -> memref<1x8x8x128xf32, #tpu.memory_space<vmem>>
        %scatter3A_670 = tpu.memref_squeeze %scatter3A_669 : memref<1x8x8x128xf32, #tpu.memory_space<vmem>> -> memref<8x8x128xf32, #tpu.memory_space<vmem>>
        tpu.vector_store_idx %scatter3A_670[%add3A_644, %and3A_420, %add3A_660], %gather3A_665 : memref<8x8x128xf32, #tpu.memory_space<vmem>>[vector<16xi32>, vector<16xi32>, vector<16xi32>], vector<16xf32>,
        %add3A_671 = arith.constant 32 : i32
        %add3A_672 = vector.broadcast %add3A_671 : i32 to vector<16xi32>
        %add3A_673 = arith.addi %iota3A, %add3A_672 : vector<16xi32>
        %gather3A_674 = arith.constant 0 : i32
        %gather3A_675 = arith.constant 0 : i32
        %gather3A_676 = tpu.memref_slice %arg6[%scan3A_249, %gather3A_674, %gather3A_675] : memref<4x128x64xf32, #tpu.memory_space<vmem>> -> memref<1x128x64xf32, #tpu.memory_space<vmem>>
        %gather3A_677 = tpu.memref_squeeze %gather3A_676 : memref<1x128x64xf32, #tpu.memory_space<vmem>> -> memref<128x64xf32, #tpu.memory_space<vmem>>
        %gather3A_678 = tpu.vector_load_idx %gather3A_677[%add3A_673, %add3A_641] : memref<128x64xf32, #tpu.memory_space<vmem>>[vector<16xi32>, vector<16xi32>], vector<16xf32>,
        %scatter3A_679 = arith.constant 0 : i32
        %scatter3A_680 = arith.constant 0 : i32
        %scatter3A_681 = arith.constant 0 : i32
        %scatter3A_682 = tpu.memref_slice %arg7[%scan3A_250, %scatter3A_679, %scatter3A_680, %scatter3A_681] : memref<4x8x8x128xf32, #tpu.memory_space<vmem>> -> memref<1x8x8x128xf32, #tpu.memory_space<vmem>>
        %scatter3A_683 = tpu.memref_squeeze %scatter3A_682 : memref<1x8x8x128xf32, #tpu.memory_space<vmem>> -> memref<8x8x128xf32, #tpu.memory_space<vmem>>
        tpu.vector_store_idx %scatter3A_683[%add3A_644, %and3A_420, %add3A_673], %gather3A_678 : memref<8x8x128xf32, #tpu.memory_space<vmem>>[vector<16xi32>, vector<16xi32>, vector<16xi32>], vector<16xf32>,
        %add3A_684 = arith.constant 48 : i32
        %add3A_685 = vector.broadcast %add3A_684 : i32 to vector<16xi32>
        %add3A_686 = arith.addi %iota3A, %add3A_685 : vector<16xi32>
        %gather3A_687 = arith.constant 0 : i32
        %gather3A_688 = arith.constant 0 : i32
        %gather3A_689 = tpu.memref_slice %arg6[%scan3A_249, %gather3A_687, %gather3A_688] : memref<4x128x64xf32, #tpu.memory_space<vmem>> -> memref<1x128x64xf32, #tpu.memory_space<vmem>>
        %gather3A_690 = tpu.memref_squeeze %gather3A_689 : memref<1x128x64xf32, #tpu.memory_space<vmem>> -> memref<128x64xf32, #tpu.memory_space<vmem>>
        %gather3A_691 = tpu.vector_load_idx %gather3A_690[%add3A_686, %add3A_641] : memref<128x64xf32, #tpu.memory_space<vmem>>[vector<16xi32>, vector<16xi32>], vector<16xf32>,
        %scatter3A_692 = arith.constant 0 : i32
        %scatter3A_693 = arith.constant 0 : i32
        %scatter3A_694 = arith.constant 0 : i32
        %scatter3A_695 = tpu.memref_slice %arg7[%scan3A_250, %scatter3A_692, %scatter3A_693, %scatter3A_694] : memref<4x8x8x128xf32, #tpu.memory_space<vmem>> -> memref<1x8x8x128xf32, #tpu.memory_space<vmem>>
        %scatter3A_696 = tpu.memref_squeeze %scatter3A_695 : memref<1x8x8x128xf32, #tpu.memory_space<vmem>> -> memref<8x8x128xf32, #tpu.memory_space<vmem>>
        tpu.vector_store_idx %scatter3A_696[%add3A_644, %and3A_420, %add3A_686], %gather3A_691 : memref<8x8x128xf32, #tpu.memory_space<vmem>>[vector<16xi32>, vector<16xi32>, vector<16xi32>], vector<16xf32>,
        %add3A_697 = arith.constant 64 : i32
        %add3A_698 = vector.broadcast %add3A_697 : i32 to vector<16xi32>
        %add3A_699 = arith.addi %iota3A, %add3A_698 : vector<16xi32>
        %gather3A_700 = arith.constant 0 : i32
        %gather3A_701 = arith.constant 0 : i32
        %gather3A_702 = tpu.memref_slice %arg6[%scan3A_249, %gather3A_700, %gather3A_701] : memref<4x128x64xf32, #tpu.memory_space<vmem>> -> memref<1x128x64xf32, #tpu.memory_space<vmem>>
        %gather3A_703 = tpu.memref_squeeze %gather3A_702 : memref<1x128x64xf32, #tpu.memory_space<vmem>> -> memref<128x64xf32, #tpu.memory_space<vmem>>
        %gather3A_704 = tpu.vector_load_idx %gather3A_703[%add3A_699, %add3A_641] : memref<128x64xf32, #tpu.memory_space<vmem>>[vector<16xi32>, vector<16xi32>], vector<16xf32>,
        %scatter3A_705 = arith.constant 0 : i32
        %scatter3A_706 = arith.constant 0 : i32
        %scatter3A_707 = arith.constant 0 : i32
        %scatter3A_708 = tpu.memref_slice %arg7[%scan3A_250, %scatter3A_705, %scatter3A_706, %scatter3A_707] : memref<4x8x8x128xf32, #tpu.memory_space<vmem>> -> memref<1x8x8x128xf32, #tpu.memory_space<vmem>>
        %scatter3A_709 = tpu.memref_squeeze %scatter3A_708 : memref<1x8x8x128xf32, #tpu.memory_space<vmem>> -> memref<8x8x128xf32, #tpu.memory_space<vmem>>
        tpu.vector_store_idx %scatter3A_709[%add3A_644, %and3A_420, %add3A_699], %gather3A_704 : memref<8x8x128xf32, #tpu.memory_space<vmem>>[vector<16xi32>, vector<16xi32>, vector<16xi32>], vector<16xf32>,
        %add3A_710 = arith.constant 80 : i32
        %add3A_711 = vector.broadcast %add3A_710 : i32 to vector<16xi32>
        %add3A_712 = arith.addi %iota3A, %add3A_711 : vector<16xi32>
        %gather3A_713 = arith.constant 0 : i32
        %gather3A_714 = arith.constant 0 : i32
        %gather3A_715 = tpu.memref_slice %arg6[%scan3A_249, %gather3A_713, %gather3A_714] : memref<4x128x64xf32, #tpu.memory_space<vmem>> -> memref<1x128x64xf32, #tpu.memory_space<vmem>>
        %gather3A_716 = tpu.memref_squeeze %gather3A_715 : memref<1x128x64xf32, #tpu.memory_space<vmem>> -> memref<128x64xf32, #tpu.memory_space<vmem>>
        %gather3A_717 = tpu.vector_load_idx %gather3A_716[%add3A_712, %add3A_641] : memref<128x64xf32, #tpu.memory_space<vmem>>[vector<16xi32>, vector<16xi32>], vector<16xf32>,
        %scatter3A_718 = arith.constant 0 : i32
        %scatter3A_719 = arith.constant 0 : i32
        %scatter3A_720 = arith.constant 0 : i32
        %scatter3A_721 = tpu.memref_slice %arg7[%scan3A_250, %scatter3A_718, %scatter3A_719, %scatter3A_720] : memref<4x8x8x128xf32, #tpu.memory_space<vmem>> -> memref<1x8x8x128xf32, #tpu.memory_space<vmem>>
        %scatter3A_722 = tpu.memref_squeeze %scatter3A_721 : memref<1x8x8x128xf32, #tpu.memory_space<vmem>> -> memref<8x8x128xf32, #tpu.memory_space<vmem>>
        tpu.vector_store_idx %scatter3A_722[%add3A_644, %and3A_420, %add3A_712], %gather3A_717 : memref<8x8x128xf32, #tpu.memory_space<vmem>>[vector<16xi32>, vector<16xi32>, vector<16xi32>], vector<16xf32>,
        %add3A_723 = arith.constant 96 : i32
        %add3A_724 = vector.broadcast %add3A_723 : i32 to vector<16xi32>
        %add3A_725 = arith.addi %iota3A, %add3A_724 : vector<16xi32>
        %gather3A_726 = arith.constant 0 : i32
        %gather3A_727 = arith.constant 0 : i32
        %gather3A_728 = tpu.memref_slice %arg6[%scan3A_249, %gather3A_726, %gather3A_727] : memref<4x128x64xf32, #tpu.memory_space<vmem>> -> memref<1x128x64xf32, #tpu.memory_space<vmem>>
        %gather3A_729 = tpu.memref_squeeze %gather3A_728 : memref<1x128x64xf32, #tpu.memory_space<vmem>> -> memref<128x64xf32, #tpu.memory_space<vmem>>
        %gather3A_730 = tpu.vector_load_idx %gather3A_729[%add3A_725, %add3A_641] : memref<128x64xf32, #tpu.memory_space<vmem>>[vector<16xi32>, vector<16xi32>], vector<16xf32>,
        %scatter3A_731 = arith.constant 0 : i32
        %scatter3A_732 = arith.constant 0 : i32
        %scatter3A_733 = arith.constant 0 : i32
        %scatter3A_734 = tpu.memref_slice %arg7[%scan3A_250, %scatter3A_731, %scatter3A_732, %scatter3A_733] : memref<4x8x8x128xf32, #tpu.memory_space<vmem>> -> memref<1x8x8x128xf32, #tpu.memory_space<vmem>>
        %scatter3A_735 = tpu.memref_squeeze %scatter3A_734 : memref<1x8x8x128xf32, #tpu.memory_space<vmem>> -> memref<8x8x128xf32, #tpu.memory_space<vmem>>
        tpu.vector_store_idx %scatter3A_735[%add3A_644, %and3A_420, %add3A_725], %gather3A_730 : memref<8x8x128xf32, #tpu.memory_space<vmem>>[vector<16xi32>, vector<16xi32>, vector<16xi32>], vector<16xf32>,
        %add3A_736 = arith.constant 112 : i32
        %add3A_737 = vector.broadcast %add3A_736 : i32 to vector<16xi32>
        %add3A_738 = arith.addi %iota3A, %add3A_737 : vector<16xi32>
        %gather3A_739 = arith.constant 0 : i32
        %gather3A_740 = arith.constant 0 : i32
        %gather3A_741 = tpu.memref_slice %arg6[%scan3A_249, %gather3A_739, %gather3A_740] : memref<4x128x64xf32, #tpu.memory_space<vmem>> -> memref<1x128x64xf32, #tpu.memory_space<vmem>>
        %gather3A_742 = tpu.memref_squeeze %gather3A_741 : memref<1x128x64xf32, #tpu.memory_space<vmem>> -> memref<128x64xf32, #tpu.memory_space<vmem>>
        %gather3A_743 = tpu.vector_load_idx %gather3A_742[%add3A_738, %add3A_641] : memref<128x64xf32, #tpu.memory_space<vmem>>[vector<16xi32>, vector<16xi32>], vector<16xf32>,
        %scatter3A_744 = arith.constant 0 : i32
        %scatter3A_745 = arith.constant 0 : i32
        %scatter3A_746 = arith.constant 0 : i32
        %scatter3A_747 = tpu.memref_slice %arg7[%scan3A_250, %scatter3A_744, %scatter3A_745, %scatter3A_746] : memref<4x8x8x128xf32, #tpu.memory_space<vmem>> -> memref<1x8x8x128xf32, #tpu.memory_space<vmem>>
        %scatter3A_748 = tpu.memref_squeeze %scatter3A_747 : memref<1x8x8x128xf32, #tpu.memory_space<vmem>> -> memref<8x8x128xf32, #tpu.memory_space<vmem>>
        tpu.vector_store_idx %scatter3A_748[%add3A_644, %and3A_420, %add3A_738], %gather3A_743 : memref<8x8x128xf32, #tpu.memory_space<vmem>>[vector<16xi32>, vector<16xi32>, vector<16xi32>], vector<16xf32>,
        %add3A_749 = arith.constant 48 : i32
        %add3A_750 = vector.broadcast %add3A_749 : i32 to vector<16xi32>
        %add3A_751 = arith.addi %and3A_415, %add3A_750 : vector<16xi32>
        %add3A_752 = arith.constant 6 : i32
        %add3A_753 = vector.broadcast %add3A_752 : i32 to vector<16xi32>
        %add3A_754 = arith.addi %shift_right_arithmetic3A_417, %add3A_753 : vector<16xi32>
        %add3A_755 = arith.constant 0 : i32
        %add3A_756 = vector.broadcast %add3A_755 : i32 to vector<16xi32>
        %add3A_757 = arith.addi %iota3A, %add3A_756 : vector<16xi32>
        %gather3A_758 = arith.constant 0 : i32
        %gather3A_759 = arith.constant 0 : i32
        %gather3A_760 = tpu.memref_slice %arg6[%scan3A_249, %gather3A_758, %gather3A_759] : memref<4x128x64xf32, #tpu.memory_space<vmem>> -> memref<1x128x64xf32, #tpu.memory_space<vmem>>
        %gather3A_761 = tpu.memref_squeeze %gather3A_760 : memref<1x128x64xf32, #tpu.memory_space<vmem>> -> memref<128x64xf32, #tpu.memory_space<vmem>>
        %gather3A_762 = tpu.vector_load_idx %gather3A_761[%add3A_757, %add3A_751] : memref<128x64xf32, #tpu.memory_space<vmem>>[vector<16xi32>, vector<16xi32>], vector<16xf32>,
        %scatter3A_763 = arith.constant 0 : i32
        %scatter3A_764 = arith.constant 0 : i32
        %scatter3A_765 = arith.constant 0 : i32
        %scatter3A_766 = tpu.memref_slice %arg7[%scan3A_250, %scatter3A_763, %scatter3A_764, %scatter3A_765] : memref<4x8x8x128xf32, #tpu.memory_space<vmem>> -> memref<1x8x8x128xf32, #tpu.memory_space<vmem>>
        %scatter3A_767 = tpu.memref_squeeze %scatter3A_766 : memref<1x8x8x128xf32, #tpu.memory_space<vmem>> -> memref<8x8x128xf32, #tpu.memory_space<vmem>>
        tpu.vector_store_idx %scatter3A_767[%add3A_754, %and3A_420, %add3A_757], %gather3A_762 : memref<8x8x128xf32, #tpu.memory_space<vmem>>[vector<16xi32>, vector<16xi32>, vector<16xi32>], vector<16xf32>,
        %add3A_768 = arith.constant 16 : i32
        %add3A_769 = vector.broadcast %add3A_768 : i32 to vector<16xi32>
        %add3A_770 = arith.addi %iota3A, %add3A_769 : vector<16xi32>
        %gather3A_771 = arith.constant 0 : i32
        %gather3A_772 = arith.constant 0 : i32
        %gather3A_773 = tpu.memref_slice %arg6[%scan3A_249, %gather3A_771, %gather3A_772] : memref<4x128x64xf32, #tpu.memory_space<vmem>> -> memref<1x128x64xf32, #tpu.memory_space<vmem>>
        %gather3A_774 = tpu.memref_squeeze %gather3A_773 : memref<1x128x64xf32, #tpu.memory_space<vmem>> -> memref<128x64xf32, #tpu.memory_space<vmem>>
        %gather3A_775 = tpu.vector_load_idx %gather3A_774[%add3A_770, %add3A_751] : memref<128x64xf32, #tpu.memory_space<vmem>>[vector<16xi32>, vector<16xi32>], vector<16xf32>,
        %scatter3A_776 = arith.constant 0 : i32
        %scatter3A_777 = arith.constant 0 : i32
        %scatter3A_778 = arith.constant 0 : i32
        %scatter3A_779 = tpu.memref_slice %arg7[%scan3A_250, %scatter3A_776, %scatter3A_777, %scatter3A_778] : memref<4x8x8x128xf32, #tpu.memory_space<vmem>> -> memref<1x8x8x128xf32, #tpu.memory_space<vmem>>
        %scatter3A_780 = tpu.memref_squeeze %scatter3A_779 : memref<1x8x8x128xf32, #tpu.memory_space<vmem>> -> memref<8x8x128xf32, #tpu.memory_space<vmem>>
        tpu.vector_store_idx %scatter3A_780[%add3A_754, %and3A_420, %add3A_770], %gather3A_775 : memref<8x8x128xf32, #tpu.memory_space<vmem>>[vector<16xi32>, vector<16xi32>, vector<16xi32>], vector<16xf32>,
        %add3A_781 = arith.constant 32 : i32
        %add3A_782 = vector.broadcast %add3A_781 : i32 to vector<16xi32>
        %add3A_783 = arith.addi %iota3A, %add3A_782 : vector<16xi32>
        %gather3A_784 = arith.constant 0 : i32
        %gather3A_785 = arith.constant 0 : i32
        %gather3A_786 = tpu.memref_slice %arg6[%scan3A_249, %gather3A_784, %gather3A_785] : memref<4x128x64xf32, #tpu.memory_space<vmem>> -> memref<1x128x64xf32, #tpu.memory_space<vmem>>
        %gather3A_787 = tpu.memref_squeeze %gather3A_786 : memref<1x128x64xf32, #tpu.memory_space<vmem>> -> memref<128x64xf32, #tpu.memory_space<vmem>>
        %gather3A_788 = tpu.vector_load_idx %gather3A_787[%add3A_783, %add3A_751] : memref<128x64xf32, #tpu.memory_space<vmem>>[vector<16xi32>, vector<16xi32>], vector<16xf32>,
        %scatter3A_789 = arith.constant 0 : i32
        %scatter3A_790 = arith.constant 0 : i32
        %scatter3A_791 = arith.constant 0 : i32
        %scatter3A_792 = tpu.memref_slice %arg7[%scan3A_250, %scatter3A_789, %scatter3A_790, %scatter3A_791] : memref<4x8x8x128xf32, #tpu.memory_space<vmem>> -> memref<1x8x8x128xf32, #tpu.memory_space<vmem>>
        %scatter3A_793 = tpu.memref_squeeze %scatter3A_792 : memref<1x8x8x128xf32, #tpu.memory_space<vmem>> -> memref<8x8x128xf32, #tpu.memory_space<vmem>>
        tpu.vector_store_idx %scatter3A_793[%add3A_754, %and3A_420, %add3A_783], %gather3A_788 : memref<8x8x128xf32, #tpu.memory_space<vmem>>[vector<16xi32>, vector<16xi32>, vector<16xi32>], vector<16xf32>,
        %add3A_794 = arith.constant 48 : i32
        %add3A_795 = vector.broadcast %add3A_794 : i32 to vector<16xi32>
        %add3A_796 = arith.addi %iota3A, %add3A_795 : vector<16xi32>
        %gather3A_797 = arith.constant 0 : i32
        %gather3A_798 = arith.constant 0 : i32
        %gather3A_799 = tpu.memref_slice %arg6[%scan3A_249, %gather3A_797, %gather3A_798] : memref<4x128x64xf32, #tpu.memory_space<vmem>> -> memref<1x128x64xf32, #tpu.memory_space<vmem>>
        %gather3A_800 = tpu.memref_squeeze %gather3A_799 : memref<1x128x64xf32, #tpu.memory_space<vmem>> -> memref<128x64xf32, #tpu.memory_space<vmem>>
        %gather3A_801 = tpu.vector_load_idx %gather3A_800[%add3A_796, %add3A_751] : memref<128x64xf32, #tpu.memory_space<vmem>>[vector<16xi32>, vector<16xi32>], vector<16xf32>,
        %scatter3A_802 = arith.constant 0 : i32
        %scatter3A_803 = arith.constant 0 : i32
        %scatter3A_804 = arith.constant 0 : i32
        %scatter3A_805 = tpu.memref_slice %arg7[%scan3A_250, %scatter3A_802, %scatter3A_803, %scatter3A_804] : memref<4x8x8x128xf32, #tpu.memory_space<vmem>> -> memref<1x8x8x128xf32, #tpu.memory_space<vmem>>
        %scatter3A_806 = tpu.memref_squeeze %scatter3A_805 : memref<1x8x8x128xf32, #tpu.memory_space<vmem>> -> memref<8x8x128xf32, #tpu.memory_space<vmem>>
        tpu.vector_store_idx %scatter3A_806[%add3A_754, %and3A_420, %add3A_796], %gather3A_801 : memref<8x8x128xf32, #tpu.memory_space<vmem>>[vector<16xi32>, vector<16xi32>, vector<16xi32>], vector<16xf32>,
        %add3A_807 = arith.constant 64 : i32
        %add3A_808 = vector.broadcast %add3A_807 : i32 to vector<16xi32>
        %add3A_809 = arith.addi %iota3A, %add3A_808 : vector<16xi32>
        %gather3A_810 = arith.constant 0 : i32
        %gather3A_811 = arith.constant 0 : i32
        %gather3A_812 = tpu.memref_slice %arg6[%scan3A_249, %gather3A_810, %gather3A_811] : memref<4x128x64xf32, #tpu.memory_space<vmem>> -> memref<1x128x64xf32, #tpu.memory_space<vmem>>
        %gather3A_813 = tpu.memref_squeeze %gather3A_812 : memref<1x128x64xf32, #tpu.memory_space<vmem>> -> memref<128x64xf32, #tpu.memory_space<vmem>>
        %gather3A_814 = tpu.vector_load_idx %gather3A_813[%add3A_809, %add3A_751] : memref<128x64xf32, #tpu.memory_space<vmem>>[vector<16xi32>, vector<16xi32>], vector<16xf32>,
        %scatter3A_815 = arith.constant 0 : i32
        %scatter3A_816 = arith.constant 0 : i32
        %scatter3A_817 = arith.constant 0 : i32
        %scatter3A_818 = tpu.memref_slice %arg7[%scan3A_250, %scatter3A_815, %scatter3A_816, %scatter3A_817] : memref<4x8x8x128xf32, #tpu.memory_space<vmem>> -> memref<1x8x8x128xf32, #tpu.memory_space<vmem>>
        %scatter3A_819 = tpu.memref_squeeze %scatter3A_818 : memref<1x8x8x128xf32, #tpu.memory_space<vmem>> -> memref<8x8x128xf32, #tpu.memory_space<vmem>>
        tpu.vector_store_idx %scatter3A_819[%add3A_754, %and3A_420, %add3A_809], %gather3A_814 : memref<8x8x128xf32, #tpu.memory_space<vmem>>[vector<16xi32>, vector<16xi32>, vector<16xi32>], vector<16xf32>,
        %add3A_820 = arith.constant 80 : i32
        %add3A_821 = vector.broadcast %add3A_820 : i32 to vector<16xi32>
        %add3A_822 = arith.addi %iota3A, %add3A_821 : vector<16xi32>
        %gather3A_823 = arith.constant 0 : i32
        %gather3A_824 = arith.constant 0 : i32
        %gather3A_825 = tpu.memref_slice %arg6[%scan3A_249, %gather3A_823, %gather3A_824] : memref<4x128x64xf32, #tpu.memory_space<vmem>> -> memref<1x128x64xf32, #tpu.memory_space<vmem>>
        %gather3A_826 = tpu.memref_squeeze %gather3A_825 : memref<1x128x64xf32, #tpu.memory_space<vmem>> -> memref<128x64xf32, #tpu.memory_space<vmem>>
        %gather3A_827 = tpu.vector_load_idx %gather3A_826[%add3A_822, %add3A_751] : memref<128x64xf32, #tpu.memory_space<vmem>>[vector<16xi32>, vector<16xi32>], vector<16xf32>,
        %scatter3A_828 = arith.constant 0 : i32
        %scatter3A_829 = arith.constant 0 : i32
        %scatter3A_830 = arith.constant 0 : i32
        %scatter3A_831 = tpu.memref_slice %arg7[%scan3A_250, %scatter3A_828, %scatter3A_829, %scatter3A_830] : memref<4x8x8x128xf32, #tpu.memory_space<vmem>> -> memref<1x8x8x128xf32, #tpu.memory_space<vmem>>
        %scatter3A_832 = tpu.memref_squeeze %scatter3A_831 : memref<1x8x8x128xf32, #tpu.memory_space<vmem>> -> memref<8x8x128xf32, #tpu.memory_space<vmem>>
        tpu.vector_store_idx %scatter3A_832[%add3A_754, %and3A_420, %add3A_822], %gather3A_827 : memref<8x8x128xf32, #tpu.memory_space<vmem>>[vector<16xi32>, vector<16xi32>, vector<16xi32>], vector<16xf32>,
        %add3A_833 = arith.constant 96 : i32
        %add3A_834 = vector.broadcast %add3A_833 : i32 to vector<16xi32>
        %add3A_835 = arith.addi %iota3A, %add3A_834 : vector<16xi32>
        %gather3A_836 = arith.constant 0 : i32
        %gather3A_837 = arith.constant 0 : i32
        %gather3A_838 = tpu.memref_slice %arg6[%scan3A_249, %gather3A_836, %gather3A_837] : memref<4x128x64xf32, #tpu.memory_space<vmem>> -> memref<1x128x64xf32, #tpu.memory_space<vmem>>
        %gather3A_839 = tpu.memref_squeeze %gather3A_838 : memref<1x128x64xf32, #tpu.memory_space<vmem>> -> memref<128x64xf32, #tpu.memory_space<vmem>>
        %gather3A_840 = tpu.vector_load_idx %gather3A_839[%add3A_835, %add3A_751] : memref<128x64xf32, #tpu.memory_space<vmem>>[vector<16xi32>, vector<16xi32>], vector<16xf32>,
        %scatter3A_841 = arith.constant 0 : i32
        %scatter3A_842 = arith.constant 0 : i32
        %scatter3A_843 = arith.constant 0 : i32
        %scatter3A_844 = tpu.memref_slice %arg7[%scan3A_250, %scatter3A_841, %scatter3A_842, %scatter3A_843] : memref<4x8x8x128xf32, #tpu.memory_space<vmem>> -> memref<1x8x8x128xf32, #tpu.memory_space<vmem>>
        %scatter3A_845 = tpu.memref_squeeze %scatter3A_844 : memref<1x8x8x128xf32, #tpu.memory_space<vmem>> -> memref<8x8x128xf32, #tpu.memory_space<vmem>>
        tpu.vector_store_idx %scatter3A_845[%add3A_754, %and3A_420, %add3A_835], %gather3A_840 : memref<8x8x128xf32, #tpu.memory_space<vmem>>[vector<16xi32>, vector<16xi32>, vector<16xi32>], vector<16xf32>,
        %add3A_846 = arith.constant 112 : i32
        %add3A_847 = vector.broadcast %add3A_846 : i32 to vector<16xi32>
        %add3A_848 = arith.addi %iota3A, %add3A_847 : vector<16xi32>
        %gather3A_849 = arith.constant 0 : i32
        %gather3A_850 = arith.constant 0 : i32
        %gather3A_851 = tpu.memref_slice %arg6[%scan3A_249, %gather3A_849, %gather3A_850] : memref<4x128x64xf32, #tpu.memory_space<vmem>> -> memref<1x128x64xf32, #tpu.memory_space<vmem>>
        %gather3A_852 = tpu.memref_squeeze %gather3A_851 : memref<1x128x64xf32, #tpu.memory_space<vmem>> -> memref<128x64xf32, #tpu.memory_space<vmem>>
        %gather3A_853 = tpu.vector_load_idx %gather3A_852[%add3A_848, %add3A_751] : memref<128x64xf32, #tpu.memory_space<vmem>>[vector<16xi32>, vector<16xi32>], vector<16xf32>,
        %scatter3A_854 = arith.constant 0 : i32
        %scatter3A_855 = arith.constant 0 : i32
        %scatter3A_856 = arith.constant 0 : i32
        %scatter3A_857 = tpu.memref_slice %arg7[%scan3A_250, %scatter3A_854, %scatter3A_855, %scatter3A_856] : memref<4x8x8x128xf32, #tpu.memory_space<vmem>> -> memref<1x8x8x128xf32, #tpu.memory_space<vmem>>
        %scatter3A_858 = tpu.memref_squeeze %scatter3A_857 : memref<1x8x8x128xf32, #tpu.memory_space<vmem>> -> memref<8x8x128xf32, #tpu.memory_space<vmem>>
        tpu.vector_store_idx %scatter3A_858[%add3A_754, %and3A_420, %add3A_848], %gather3A_853 : memref<8x8x128xf32, #tpu.memory_space<vmem>>[vector<16xi32>, vector<16xi32>, vector<16xi32>], vector<16xf32>,
      }
      %scan3A_255 = arith.constant 16 : i32
      %dma_start3A_256 = arith.constant 1 : i32
      %dma_start3A_257 = arith.constant 1 : i32
      %dma_start3A_258 = arith.constant 0 : i32
      %dma_start3A_259 = arith.constant 0 : i32
      %dma_start3A_260 = arith.constant 0 : i32
      %dma_start3A_261 = tpu.memref_slice %arg7[%dma_start3A_256, %dma_start3A_258, %dma_start3A_259, %dma_start3A_260] : memref<4x8x8x128xf32, #tpu.memory_space<vmem>> -> memref<1x8x8x128xf32, #tpu.memory_space<vmem>>
      %dma_start3A_262 = tpu.memref_squeeze %dma_start3A_261 : memref<1x8x8x128xf32, #tpu.memory_space<vmem>> -> memref<8x8x128xf32, #tpu.memory_space<vmem>>
      %dma_start3A_263 = arith.constant 0 : i32
      %dma_start3A_264 = arith.constant 0 : i32
      %dma_start3A_265 = arith.constant 0 : i32
      %dma_start3A_266 = tpu.memref_slice %arg4[%add3A_228, %dma_start3A_263, %add3A, %dma_start3A_264, %dma_start3A_265] : memref<200x8x32x8x128xf32, #tpu.memory_space<hbm>> -> memref<1x8x1x8x128xf32, #tpu.memory_space<hbm>>
      %dma_start3A_267 = tpu.memref_squeeze %dma_start3A_266 : memref<1x8x1x8x128xf32, #tpu.memory_space<hbm>> -> memref<8x8x128xf32, #tpu.memory_space<hbm>>
      %dma_start3A_268 = tpu.memref_slice %arg9[%dma_start3A_257] : memref<4x!tpu.dma_semaphore, #tpu.memory_space<semaphore_mem>> -> memref<1x!tpu.dma_semaphore, #tpu.memory_space<semaphore_mem>>
      %dma_start3A_269 = tpu.memref_squeeze %dma_start3A_268 : memref<1x!tpu.dma_semaphore, #tpu.memory_space<semaphore_mem>> -> memref<!tpu.dma_semaphore, #tpu.memory_space<semaphore_mem>>
      %dma_start3A_270 = arith.constant 0 : i32
      %dma_start3A_271 = arith.constant 0 : i32
      %dma_start3A_272 = arith.constant 0 : i32
      %dma_start3A_273 = tpu.memref_slice %arg4[%add3A_228, %dma_start3A_270, %add3A, %dma_start3A_271, %dma_start3A_272] : memref<200x8x32x8x128xf32, #tpu.memory_space<hbm>> -> memref<1x8x1x8x128xf32, #tpu.memory_space<hbm>>
      %dma_start3A_274 = tpu.memref_squeeze %dma_start3A_273 : memref<1x8x1x8x128xf32, #tpu.memory_space<hbm>> -> memref<8x8x128xf32, #tpu.memory_space<hbm>>
      %dma_start3A_275 = arith.constant 0 : i32
      %dma_start3A_276 = arith.constant 0 : i32
      %dma_start3A_277 = arith.constant 0 : i32
      %dma_start3A_278 = tpu.memref_slice %arg7[%dma_start3A_256, %dma_start3A_275, %dma_start3A_276, %dma_start3A_277] : memref<4x8x8x128xf32, #tpu.memory_space<vmem>> -> memref<1x8x8x128xf32, #tpu.memory_space<vmem>>
      %dma_start3A_279 = tpu.memref_squeeze %dma_start3A_278 : memref<1x8x8x128xf32, #tpu.memory_space<vmem>> -> memref<8x8x128xf32, #tpu.memory_space<vmem>>
      tpu.enqueue_dma source(%dma_start3A_279 : memref<8x8x128xf32, #tpu.memory_space<vmem>>) target(%dma_start3A_274 : memref<8x8x128xf32, #tpu.memory_space<hbm>>) target_semaphore(%dma_start3A_269 : memref<!tpu.dma_semaphore, #tpu.memory_space<semaphore_mem>>)
      %add3A_280 = arith.constant 4 : i32
      %add3A_281 = arith.addi %add3A_228, %add3A_280 : i32
      %lt3A_282 = arith.constant 200 : i32
      %lt3A_283 = arith.cmpi slt, %add3A_281, %lt3A_282 : i32
      %convert_element_type3A_284 = arith.extui %lt3A_283 : i1 to i32
      %cond3A_285 = arith.constant 0 : i32
      %cond3A_286 = arith.cmpi ne, %convert_element_type3A_284, %cond3A_285 : i32
      scf.if %cond3A_286 {
        %add3A_411 = arith.constant 4 : i32
        %add3A_412 = arith.addi %add3A_228, %add3A_411 : i32
        %dma_start3A_413 = arith.constant 1 : i32
        %dma_start3A_414 = arith.constant 1 : i32
        %dma_start3A_415 = arith.constant 0 : i32
        %dma_start3A_416 = arith.constant 0 : i32
        %dma_start3A_417 = tpu.memref_slice %arg6[%dma_start3A_413, %dma_start3A_415, %dma_start3A_416] : memref<4x128x64xf32, #tpu.memory_space<vmem>> -> memref<1x128x64xf32, #tpu.memory_space<vmem>>
        %dma_start3A_418 = tpu.memref_squeeze %dma_start3A_417 : memref<1x128x64xf32, #tpu.memory_space<vmem>> -> memref<128x64xf32, #tpu.memory_space<vmem>>
        %dma_start3A_419 = arith.constant 0 : i32
        %dma_start3A_420 = tpu.memref_slice %arg5[%add3A_412, %dma_start3A_419] : memref<200x128xi32, #tpu.memory_space<vmem>> -> memref<1x128xi32, #tpu.memory_space<vmem>>
        %dma_start3A_421 = tpu.memref_squeeze %dma_start3A_420 : memref<1x128xi32, #tpu.memory_space<vmem>> -> memref<128xi32, #tpu.memory_space<vmem>>
        %dma_start3A_422 = arith.constant 0 : i32
        %dma_start3A_423 = arith.constant 0 : i32
        %dma_start3A_424 = tpu.memref_slice %arg3[%dma_start3A_422, %dma_start3A_423] : memref<1000000x64xf32, #tpu.memory_space<hbm>> -> memref<1000000x64xf32, #tpu.memory_space<hbm>>
        %dma_start3A_425 = tpu.memref_slice %arg8[%dma_start3A_414] : memref<4x!tpu.dma_semaphore, #tpu.memory_space<semaphore_mem>> -> memref<1x!tpu.dma_semaphore, #tpu.memory_space<semaphore_mem>>
        %dma_start3A_426 = tpu.memref_squeeze %dma_start3A_425 : memref<1x!tpu.dma_semaphore, #tpu.memory_space<semaphore_mem>> -> memref<!tpu.dma_semaphore, #tpu.memory_space<semaphore_mem>>
        tpu.enqueue_indirect_dma source(%dma_start3A_424 : memref<1000000x64xf32, #tpu.memory_space<hbm>>) target(%dma_start3A_418 : memref<128x64xf32, #tpu.memory_space<vmem>>) offsets(%dma_start3A_421 : memref<128xi32, #tpu.memory_space<vmem>>) semaphore(%dma_start3A_426 : memref<!tpu.dma_semaphore, #tpu.memory_space<semaphore_mem>>)
      } else {
      }
      %mul3A_287 = arith.constant 4 : i32
      %mul3A_288 = arith.muli %scan3A_166, %mul3A_287 : i32
      %add3A_289 = arith.constant 2 : i32
      %add3A_290 = arith.addi %mul3A_288, %add3A_289 : i32
      %dma_wait3A_291 = arith.constant 2 : i32
      %dma_wait3A_292 = arith.constant 2 : i32
      %dma_wait3A_293 = arith.constant 0 : i32
      %dma_wait3A_294 = arith.constant 0 : i32
      %dma_wait3A_295 = tpu.memref_slice %arg6[%dma_wait3A_291, %dma_wait3A_293, %dma_wait3A_294] : memref<4x128x64xf32, #tpu.memory_space<vmem>> -> memref<1x128x64xf32, #tpu.memory_space<vmem>>
      %dma_wait3A_296 = tpu.memref_squeeze %dma_wait3A_295 : memref<1x128x64xf32, #tpu.memory_space<vmem>> -> memref<128x64xf32, #tpu.memory_space<vmem>>
      %dma_wait3A_297 = arith.constant 0 : i32
      %dma_wait3A_298 = tpu.memref_slice %arg5[%add3A_290, %dma_wait3A_297] : memref<200x128xi32, #tpu.memory_space<vmem>> -> memref<1x128xi32, #tpu.memory_space<vmem>>
      %dma_wait3A_299 = tpu.memref_squeeze %dma_wait3A_298 : memref<1x128xi32, #tpu.memory_space<vmem>> -> memref<128xi32, #tpu.memory_space<vmem>>
      %dma_wait3A_300 = arith.constant 0 : i32
      %dma_wait3A_301 = arith.constant 0 : i32
      %dma_wait3A_302 = tpu.memref_slice %arg3[%dma_wait3A_300, %dma_wait3A_301] : memref<1000000x64xf32, #tpu.memory_space<hbm>> -> memref<1000000x64xf32, #tpu.memory_space<hbm>>
      %dma_wait3A_303 = tpu.memref_slice %arg8[%dma_wait3A_292] : memref<4x!tpu.dma_semaphore, #tpu.memory_space<semaphore_mem>> -> memref<1x!tpu.dma_semaphore, #tpu.memory_space<semaphore_mem>>
      %dma_wait3A_304 = tpu.memref_squeeze %dma_wait3A_303 : memref<1x!tpu.dma_semaphore, #tpu.memory_space<semaphore_mem>> -> memref<!tpu.dma_semaphore, #tpu.memory_space<semaphore_mem>>
      tpu.wait_indirect_dma semaphore(%dma_wait3A_304 : memref<!tpu.dma_semaphore, #tpu.memory_space<semaphore_mem>>) src(%dma_wait3A_302 : memref<1000000x64xf32, #tpu.memory_space<hbm>>) dst(%dma_wait3A_296 : memref<128x64xf32, #tpu.memory_space<vmem>>)
      %ge3A_305 = arith.constant 4 : i32
      %ge3A_306 = arith.cmpi sge, %add3A_290, %ge3A_305 : i32
      %convert_element_type3A_307 = arith.extui %ge3A_306 : i1 to i32
      %cond3A_308 = arith.constant 0 : i32
      %cond3A_309 = arith.cmpi ne, %convert_element_type3A_307, %cond3A_308 : i32
      scf.if %cond3A_309 {
        %sub3A = arith.constant 4 : i32
        %sub3A_411 = arith.subi %add3A_290, %sub3A : i32
        %dma_wait3A_412 = arith.constant 2 : i32
        %dma_wait3A_413 = arith.constant 2 : i32
        %dma_wait3A_414 = arith.constant 0 : i32
        %dma_wait3A_415 = arith.constant 0 : i32
        %dma_wait3A_416 = arith.constant 0 : i32
        %dma_wait3A_417 = tpu.memref_slice %arg7[%dma_wait3A_412, %dma_wait3A_414, %dma_wait3A_415, %dma_wait3A_416] : memref<4x8x8x128xf32, #tpu.memory_space<vmem>> -> memref<1x8x8x128xf32, #tpu.memory_space<vmem>>
        %dma_wait3A_418 = tpu.memref_squeeze %dma_wait3A_417 : memref<1x8x8x128xf32, #tpu.memory_space<vmem>> -> memref<8x8x128xf32, #tpu.memory_space<vmem>>
        %dma_wait3A_419 = arith.constant 0 : i32
        %dma_wait3A_420 = arith.constant 0 : i32
        %dma_wait3A_421 = arith.constant 0 : i32
        %dma_wait3A_422 = tpu.memref_slice %arg4[%sub3A_411, %dma_wait3A_419, %add3A, %dma_wait3A_420, %dma_wait3A_421] : memref<200x8x32x8x128xf32, #tpu.memory_space<hbm>> -> memref<1x8x1x8x128xf32, #tpu.memory_space<hbm>>
        %dma_wait3A_423 = tpu.memref_squeeze %dma_wait3A_422 : memref<1x8x1x8x128xf32, #tpu.memory_space<hbm>> -> memref<8x8x128xf32, #tpu.memory_space<hbm>>
        %dma_wait3A_424 = tpu.memref_slice %arg9[%dma_wait3A_413] : memref<4x!tpu.dma_semaphore, #tpu.memory_space<semaphore_mem>> -> memref<1x!tpu.dma_semaphore, #tpu.memory_space<semaphore_mem>>
        %dma_wait3A_425 = tpu.memref_squeeze %dma_wait3A_424 : memref<1x!tpu.dma_semaphore, #tpu.memory_space<semaphore_mem>> -> memref<!tpu.dma_semaphore, #tpu.memory_space<semaphore_mem>>
        %dma_wait3A_426 = arith.constant 0 : i32
        %dma_wait3A_427 = arith.constant 0 : i32
        %dma_wait3A_428 = arith.constant 0 : i32
        %dma_wait3A_429 = tpu.memref_slice %arg4[%sub3A_411, %dma_wait3A_426, %add3A, %dma_wait3A_427, %dma_wait3A_428] : memref<200x8x32x8x128xf32, #tpu.memory_space<hbm>> -> memref<1x8x1x8x128xf32, #tpu.memory_space<hbm>>
        %dma_wait3A_430 = tpu.memref_squeeze %dma_wait3A_429 : memref<1x8x1x8x128xf32, #tpu.memory_space<hbm>> -> memref<8x8x128xf32, #tpu.memory_space<hbm>>
        %dma_wait3A_431 = arith.constant 0 : i32
        %dma_wait3A_432 = arith.constant 0 : i32
        %dma_wait3A_433 = arith.constant 0 : i32
        %dma_wait3A_434 = tpu.memref_slice %arg7[%dma_wait3A_412, %dma_wait3A_431, %dma_wait3A_432, %dma_wait3A_433] : memref<4x8x8x128xf32, #tpu.memory_space<vmem>> -> memref<1x8x8x128xf32, #tpu.memory_space<vmem>>
        %dma_wait3A_435 = tpu.memref_squeeze %dma_wait3A_434 : memref<1x8x8x128xf32, #tpu.memory_space<vmem>> -> memref<8x8x128xf32, #tpu.memory_space<vmem>>
        tpu.wait_dma2 semaphore(%dma_wait3A_425 : memref<!tpu.dma_semaphore, #tpu.memory_space<semaphore_mem>>) src(%dma_wait3A_435 : memref<8x8x128xf32, #tpu.memory_space<vmem>>) dst(%dma_wait3A_430 : memref<8x8x128xf32, #tpu.memory_space<hbm>>)
      } else {
      }
      %scan3A_310 = arith.constant 0 : i32
      %scan3A_311 = arith.constant 2 : i32
      %scan3A_312 = arith.constant 2 : i32
      %scan3A_313 = arith.constant 0 : i32
      %scan3A_314 = arith.constant 16 : i32
      %scan3A_315 = arith.addi %scan3A_313, %scan3A_314 : i32
      %scan3A_316 = arith.constant 1 : i32
      scf.for %scan3A_411 = %scan3A_313 to %scan3A_315 step %scan3A_316  : i32 {
        %add3A_412 = vector.broadcast %scan3A_411 : i32 to vector<16xi32>
        %add3A_413 = arith.addi %iota3A, %add3A_412 : vector<16xi32>
        %and3A = arith.constant 15 : i32
        %and3A_414 = vector.broadcast %and3A : i32 to vector<16xi32>
        %and3A_415 = arith.andi %add3A_413, %and3A_414 : vector<16xi32>
        %shift_right_arithmetic3A = arith.constant 3 : i32
        %shift_right_arithmetic3A_416 = vector.broadcast %shift_right_arithmetic3A : i32 to vector<16xi32>
        %shift_right_arithmetic3A_417 = arith.shrsi %and3A_415, %shift_right_arithmetic3A_416 : vector<16xi32>
        %and3A_418 = arith.constant 7 : i32
        %and3A_419 = vector.broadcast %and3A_418 : i32 to vector<16xi32>
        %and3A_420 = arith.andi %and3A_415, %and3A_419 : vector<16xi32>
        %add3A_421 = arith.constant 0 : i32
        %add3A_422 = vector.broadcast %add3A_421 : i32 to vector<16xi32>
        %add3A_423 = arith.addi %and3A_415, %add3A_422 : vector<16xi32>
        %add3A_424 = arith.constant 0 : i32
        %add3A_425 = vector.broadcast %add3A_424 : i32 to vector<16xi32>
        %add3A_426 = arith.addi %shift_right_arithmetic3A_417, %add3A_425 : vector<16xi32>
        %add3A_427 = arith.constant 0 : i32
        %add3A_428 = vector.broadcast %add3A_427 : i32 to vector<16xi32>
        %add3A_429 = arith.addi %iota3A, %add3A_428 : vector<16xi32>
        %gather3A = arith.constant 0 : i32
        %gather3A_430 = arith.constant 0 : i32
        %gather3A_431 = tpu.memref_slice %arg6[%scan3A_311, %gather3A, %gather3A_430] : memref<4x128x64xf32, #tpu.memory_space<vmem>> -> memref<1x128x64xf32, #tpu.memory_space<vmem>>
        %gather3A_432 = tpu.memref_squeeze %gather3A_431 : memref<1x128x64xf32, #tpu.memory_space<vmem>> -> memref<128x64xf32, #tpu.memory_space<vmem>>
        %gather3A_433 = tpu.vector_load_idx %gather3A_432[%add3A_429, %add3A_423] : memref<128x64xf32, #tpu.memory_space<vmem>>[vector<16xi32>, vector<16xi32>], vector<16xf32>,
        %scatter3A = arith.constant 0 : i32
        %scatter3A_434 = arith.constant 0 : i32
        %scatter3A_435 = arith.constant 0 : i32
        %scatter3A_436 = tpu.memref_slice %arg7[%scan3A_312, %scatter3A, %scatter3A_434, %scatter3A_435] : memref<4x8x8x128xf32, #tpu.memory_space<vmem>> -> memref<1x8x8x128xf32, #tpu.memory_space<vmem>>
        %scatter3A_437 = tpu.memref_squeeze %scatter3A_436 : memref<1x8x8x128xf32, #tpu.memory_space<vmem>> -> memref<8x8x128xf32, #tpu.memory_space<vmem>>
        tpu.vector_store_idx %scatter3A_437[%add3A_426, %and3A_420, %add3A_429], %gather3A_433 : memref<8x8x128xf32, #tpu.memory_space<vmem>>[vector<16xi32>, vector<16xi32>, vector<16xi32>], vector<16xf32>,
        %add3A_438 = arith.constant 16 : i32
        %add3A_439 = vector.broadcast %add3A_438 : i32 to vector<16xi32>
        %add3A_440 = arith.addi %iota3A, %add3A_439 : vector<16xi32>
        %gather3A_441 = arith.constant 0 : i32
        %gather3A_442 = arith.constant 0 : i32
        %gather3A_443 = tpu.memref_slice %arg6[%scan3A_311, %gather3A_441, %gather3A_442] : memref<4x128x64xf32, #tpu.memory_space<vmem>> -> memref<1x128x64xf32, #tpu.memory_space<vmem>>
        %gather3A_444 = tpu.memref_squeeze %gather3A_443 : memref<1x128x64xf32, #tpu.memory_space<vmem>> -> memref<128x64xf32, #tpu.memory_space<vmem>>
        %gather3A_445 = tpu.vector_load_idx %gather3A_444[%add3A_440, %add3A_423] : memref<128x64xf32, #tpu.memory_space<vmem>>[vector<16xi32>, vector<16xi32>], vector<16xf32>,
        %scatter3A_446 = arith.constant 0 : i32
        %scatter3A_447 = arith.constant 0 : i32
        %scatter3A_448 = arith.constant 0 : i32
        %scatter3A_449 = tpu.memref_slice %arg7[%scan3A_312, %scatter3A_446, %scatter3A_447, %scatter3A_448] : memref<4x8x8x128xf32, #tpu.memory_space<vmem>> -> memref<1x8x8x128xf32, #tpu.memory_space<vmem>>
        %scatter3A_450 = tpu.memref_squeeze %scatter3A_449 : memref<1x8x8x128xf32, #tpu.memory_space<vmem>> -> memref<8x8x128xf32, #tpu.memory_space<vmem>>
        tpu.vector_store_idx %scatter3A_450[%add3A_426, %and3A_420, %add3A_440], %gather3A_445 : memref<8x8x128xf32, #tpu.memory_space<vmem>>[vector<16xi32>, vector<16xi32>, vector<16xi32>], vector<16xf32>,
        %add3A_451 = arith.constant 32 : i32
        %add3A_452 = vector.broadcast %add3A_451 : i32 to vector<16xi32>
        %add3A_453 = arith.addi %iota3A, %add3A_452 : vector<16xi32>
        %gather3A_454 = arith.constant 0 : i32
        %gather3A_455 = arith.constant 0 : i32
        %gather3A_456 = tpu.memref_slice %arg6[%scan3A_311, %gather3A_454, %gather3A_455] : memref<4x128x64xf32, #tpu.memory_space<vmem>> -> memref<1x128x64xf32, #tpu.memory_space<vmem>>
        %gather3A_457 = tpu.memref_squeeze %gather3A_456 : memref<1x128x64xf32, #tpu.memory_space<vmem>> -> memref<128x64xf32, #tpu.memory_space<vmem>>
        %gather3A_458 = tpu.vector_load_idx %gather3A_457[%add3A_453, %add3A_423] : memref<128x64xf32, #tpu.memory_space<vmem>>[vector<16xi32>, vector<16xi32>], vector<16xf32>,
        %scatter3A_459 = arith.constant 0 : i32
        %scatter3A_460 = arith.constant 0 : i32
        %scatter3A_461 = arith.constant 0 : i32
        %scatter3A_462 = tpu.memref_slice %arg7[%scan3A_312, %scatter3A_459, %scatter3A_460, %scatter3A_461] : memref<4x8x8x128xf32, #tpu.memory_space<vmem>> -> memref<1x8x8x128xf32, #tpu.memory_space<vmem>>
        %scatter3A_463 = tpu.memref_squeeze %scatter3A_462 : memref<1x8x8x128xf32, #tpu.memory_space<vmem>> -> memref<8x8x128xf32, #tpu.memory_space<vmem>>
        tpu.vector_store_idx %scatter3A_463[%add3A_426, %and3A_420, %add3A_453], %gather3A_458 : memref<8x8x128xf32, #tpu.memory_space<vmem>>[vector<16xi32>, vector<16xi32>, vector<16xi32>], vector<16xf32>,
        %add3A_464 = arith.constant 48 : i32
        %add3A_465 = vector.broadcast %add3A_464 : i32 to vector<16xi32>
        %add3A_466 = arith.addi %iota3A, %add3A_465 : vector<16xi32>
        %gather3A_467 = arith.constant 0 : i32
        %gather3A_468 = arith.constant 0 : i32
        %gather3A_469 = tpu.memref_slice %arg6[%scan3A_311, %gather3A_467, %gather3A_468] : memref<4x128x64xf32, #tpu.memory_space<vmem>> -> memref<1x128x64xf32, #tpu.memory_space<vmem>>
        %gather3A_470 = tpu.memref_squeeze %gather3A_469 : memref<1x128x64xf32, #tpu.memory_space<vmem>> -> memref<128x64xf32, #tpu.memory_space<vmem>>
        %gather3A_471 = tpu.vector_load_idx %gather3A_470[%add3A_466, %add3A_423] : memref<128x64xf32, #tpu.memory_space<vmem>>[vector<16xi32>, vector<16xi32>], vector<16xf32>,
        %scatter3A_472 = arith.constant 0 : i32
        %scatter3A_473 = arith.constant 0 : i32
        %scatter3A_474 = arith.constant 0 : i32
        %scatter3A_475 = tpu.memref_slice %arg7[%scan3A_312, %scatter3A_472, %scatter3A_473, %scatter3A_474] : memref<4x8x8x128xf32, #tpu.memory_space<vmem>> -> memref<1x8x8x128xf32, #tpu.memory_space<vmem>>
        %scatter3A_476 = tpu.memref_squeeze %scatter3A_475 : memref<1x8x8x128xf32, #tpu.memory_space<vmem>> -> memref<8x8x128xf32, #tpu.memory_space<vmem>>
        tpu.vector_store_idx %scatter3A_476[%add3A_426, %and3A_420, %add3A_466], %gather3A_471 : memref<8x8x128xf32, #tpu.memory_space<vmem>>[vector<16xi32>, vector<16xi32>, vector<16xi32>], vector<16xf32>,
        %add3A_477 = arith.constant 64 : i32
        %add3A_478 = vector.broadcast %add3A_477 : i32 to vector<16xi32>
        %add3A_479 = arith.addi %iota3A, %add3A_478 : vector<16xi32>
        %gather3A_480 = arith.constant 0 : i32
        %gather3A_481 = arith.constant 0 : i32
        %gather3A_482 = tpu.memref_slice %arg6[%scan3A_311, %gather3A_480, %gather3A_481] : memref<4x128x64xf32, #tpu.memory_space<vmem>> -> memref<1x128x64xf32, #tpu.memory_space<vmem>>
        %gather3A_483 = tpu.memref_squeeze %gather3A_482 : memref<1x128x64xf32, #tpu.memory_space<vmem>> -> memref<128x64xf32, #tpu.memory_space<vmem>>
        %gather3A_484 = tpu.vector_load_idx %gather3A_483[%add3A_479, %add3A_423] : memref<128x64xf32, #tpu.memory_space<vmem>>[vector<16xi32>, vector<16xi32>], vector<16xf32>,
        %scatter3A_485 = arith.constant 0 : i32
        %scatter3A_486 = arith.constant 0 : i32
        %scatter3A_487 = arith.constant 0 : i32
        %scatter3A_488 = tpu.memref_slice %arg7[%scan3A_312, %scatter3A_485, %scatter3A_486, %scatter3A_487] : memref<4x8x8x128xf32, #tpu.memory_space<vmem>> -> memref<1x8x8x128xf32, #tpu.memory_space<vmem>>
        %scatter3A_489 = tpu.memref_squeeze %scatter3A_488 : memref<1x8x8x128xf32, #tpu.memory_space<vmem>> -> memref<8x8x128xf32, #tpu.memory_space<vmem>>
        tpu.vector_store_idx %scatter3A_489[%add3A_426, %and3A_420, %add3A_479], %gather3A_484 : memref<8x8x128xf32, #tpu.memory_space<vmem>>[vector<16xi32>, vector<16xi32>, vector<16xi32>], vector<16xf32>,
        %add3A_490 = arith.constant 80 : i32
        %add3A_491 = vector.broadcast %add3A_490 : i32 to vector<16xi32>
        %add3A_492 = arith.addi %iota3A, %add3A_491 : vector<16xi32>
        %gather3A_493 = arith.constant 0 : i32
        %gather3A_494 = arith.constant 0 : i32
        %gather3A_495 = tpu.memref_slice %arg6[%scan3A_311, %gather3A_493, %gather3A_494] : memref<4x128x64xf32, #tpu.memory_space<vmem>> -> memref<1x128x64xf32, #tpu.memory_space<vmem>>
        %gather3A_496 = tpu.memref_squeeze %gather3A_495 : memref<1x128x64xf32, #tpu.memory_space<vmem>> -> memref<128x64xf32, #tpu.memory_space<vmem>>
        %gather3A_497 = tpu.vector_load_idx %gather3A_496[%add3A_492, %add3A_423] : memref<128x64xf32, #tpu.memory_space<vmem>>[vector<16xi32>, vector<16xi32>], vector<16xf32>,
        %scatter3A_498 = arith.constant 0 : i32
        %scatter3A_499 = arith.constant 0 : i32
        %scatter3A_500 = arith.constant 0 : i32
        %scatter3A_501 = tpu.memref_slice %arg7[%scan3A_312, %scatter3A_498, %scatter3A_499, %scatter3A_500] : memref<4x8x8x128xf32, #tpu.memory_space<vmem>> -> memref<1x8x8x128xf32, #tpu.memory_space<vmem>>
        %scatter3A_502 = tpu.memref_squeeze %scatter3A_501 : memref<1x8x8x128xf32, #tpu.memory_space<vmem>> -> memref<8x8x128xf32, #tpu.memory_space<vmem>>
        tpu.vector_store_idx %scatter3A_502[%add3A_426, %and3A_420, %add3A_492], %gather3A_497 : memref<8x8x128xf32, #tpu.memory_space<vmem>>[vector<16xi32>, vector<16xi32>, vector<16xi32>], vector<16xf32>,
        %add3A_503 = arith.constant 96 : i32
        %add3A_504 = vector.broadcast %add3A_503 : i32 to vector<16xi32>
        %add3A_505 = arith.addi %iota3A, %add3A_504 : vector<16xi32>
        %gather3A_506 = arith.constant 0 : i32
        %gather3A_507 = arith.constant 0 : i32
        %gather3A_508 = tpu.memref_slice %arg6[%scan3A_311, %gather3A_506, %gather3A_507] : memref<4x128x64xf32, #tpu.memory_space<vmem>> -> memref<1x128x64xf32, #tpu.memory_space<vmem>>
        %gather3A_509 = tpu.memref_squeeze %gather3A_508 : memref<1x128x64xf32, #tpu.memory_space<vmem>> -> memref<128x64xf32, #tpu.memory_space<vmem>>
        %gather3A_510 = tpu.vector_load_idx %gather3A_509[%add3A_505, %add3A_423] : memref<128x64xf32, #tpu.memory_space<vmem>>[vector<16xi32>, vector<16xi32>], vector<16xf32>,
        %scatter3A_511 = arith.constant 0 : i32
        %scatter3A_512 = arith.constant 0 : i32
        %scatter3A_513 = arith.constant 0 : i32
        %scatter3A_514 = tpu.memref_slice %arg7[%scan3A_312, %scatter3A_511, %scatter3A_512, %scatter3A_513] : memref<4x8x8x128xf32, #tpu.memory_space<vmem>> -> memref<1x8x8x128xf32, #tpu.memory_space<vmem>>
        %scatter3A_515 = tpu.memref_squeeze %scatter3A_514 : memref<1x8x8x128xf32, #tpu.memory_space<vmem>> -> memref<8x8x128xf32, #tpu.memory_space<vmem>>
        tpu.vector_store_idx %scatter3A_515[%add3A_426, %and3A_420, %add3A_505], %gather3A_510 : memref<8x8x128xf32, #tpu.memory_space<vmem>>[vector<16xi32>, vector<16xi32>, vector<16xi32>], vector<16xf32>,
        %add3A_516 = arith.constant 112 : i32
        %add3A_517 = vector.broadcast %add3A_516 : i32 to vector<16xi32>
        %add3A_518 = arith.addi %iota3A, %add3A_517 : vector<16xi32>
        %gather3A_519 = arith.constant 0 : i32
        %gather3A_520 = arith.constant 0 : i32
        %gather3A_521 = tpu.memref_slice %arg6[%scan3A_311, %gather3A_519, %gather3A_520] : memref<4x128x64xf32, #tpu.memory_space<vmem>> -> memref<1x128x64xf32, #tpu.memory_space<vmem>>
        %gather3A_522 = tpu.memref_squeeze %gather3A_521 : memref<1x128x64xf32, #tpu.memory_space<vmem>> -> memref<128x64xf32, #tpu.memory_space<vmem>>
        %gather3A_523 = tpu.vector_load_idx %gather3A_522[%add3A_518, %add3A_423] : memref<128x64xf32, #tpu.memory_space<vmem>>[vector<16xi32>, vector<16xi32>], vector<16xf32>,
        %scatter3A_524 = arith.constant 0 : i32
        %scatter3A_525 = arith.constant 0 : i32
        %scatter3A_526 = arith.constant 0 : i32
        %scatter3A_527 = tpu.memref_slice %arg7[%scan3A_312, %scatter3A_524, %scatter3A_525, %scatter3A_526] : memref<4x8x8x128xf32, #tpu.memory_space<vmem>> -> memref<1x8x8x128xf32, #tpu.memory_space<vmem>>
        %scatter3A_528 = tpu.memref_squeeze %scatter3A_527 : memref<1x8x8x128xf32, #tpu.memory_space<vmem>> -> memref<8x8x128xf32, #tpu.memory_space<vmem>>
        tpu.vector_store_idx %scatter3A_528[%add3A_426, %and3A_420, %add3A_518], %gather3A_523 : memref<8x8x128xf32, #tpu.memory_space<vmem>>[vector<16xi32>, vector<16xi32>, vector<16xi32>], vector<16xf32>,
        %add3A_529 = arith.constant 16 : i32
        %add3A_530 = vector.broadcast %add3A_529 : i32 to vector<16xi32>
        %add3A_531 = arith.addi %and3A_415, %add3A_530 : vector<16xi32>
        %add3A_532 = arith.constant 2 : i32
        %add3A_533 = vector.broadcast %add3A_532 : i32 to vector<16xi32>
        %add3A_534 = arith.addi %shift_right_arithmetic3A_417, %add3A_533 : vector<16xi32>
        %add3A_535 = arith.constant 0 : i32
        %add3A_536 = vector.broadcast %add3A_535 : i32 to vector<16xi32>
        %add3A_537 = arith.addi %iota3A, %add3A_536 : vector<16xi32>
        %gather3A_538 = arith.constant 0 : i32
        %gather3A_539 = arith.constant 0 : i32
        %gather3A_540 = tpu.memref_slice %arg6[%scan3A_311, %gather3A_538, %gather3A_539] : memref<4x128x64xf32, #tpu.memory_space<vmem>> -> memref<1x128x64xf32, #tpu.memory_space<vmem>>
        %gather3A_541 = tpu.memref_squeeze %gather3A_540 : memref<1x128x64xf32, #tpu.memory_space<vmem>> -> memref<128x64xf32, #tpu.memory_space<vmem>>
        %gather3A_542 = tpu.vector_load_idx %gather3A_541[%add3A_537, %add3A_531] : memref<128x64xf32, #tpu.memory_space<vmem>>[vector<16xi32>, vector<16xi32>], vector<16xf32>,
        %scatter3A_543 = arith.constant 0 : i32
        %scatter3A_544 = arith.constant 0 : i32
        %scatter3A_545 = arith.constant 0 : i32
        %scatter3A_546 = tpu.memref_slice %arg7[%scan3A_312, %scatter3A_543, %scatter3A_544, %scatter3A_545] : memref<4x8x8x128xf32, #tpu.memory_space<vmem>> -> memref<1x8x8x128xf32, #tpu.memory_space<vmem>>
        %scatter3A_547 = tpu.memref_squeeze %scatter3A_546 : memref<1x8x8x128xf32, #tpu.memory_space<vmem>> -> memref<8x8x128xf32, #tpu.memory_space<vmem>>
        tpu.vector_store_idx %scatter3A_547[%add3A_534, %and3A_420, %add3A_537], %gather3A_542 : memref<8x8x128xf32, #tpu.memory_space<vmem>>[vector<16xi32>, vector<16xi32>, vector<16xi32>], vector<16xf32>,
        %add3A_548 = arith.constant 16 : i32
        %add3A_549 = vector.broadcast %add3A_548 : i32 to vector<16xi32>
        %add3A_550 = arith.addi %iota3A, %add3A_549 : vector<16xi32>
        %gather3A_551 = arith.constant 0 : i32
        %gather3A_552 = arith.constant 0 : i32
        %gather3A_553 = tpu.memref_slice %arg6[%scan3A_311, %gather3A_551, %gather3A_552] : memref<4x128x64xf32, #tpu.memory_space<vmem>> -> memref<1x128x64xf32, #tpu.memory_space<vmem>>
        %gather3A_554 = tpu.memref_squeeze %gather3A_553 : memref<1x128x64xf32, #tpu.memory_space<vmem>> -> memref<128x64xf32, #tpu.memory_space<vmem>>
        %gather3A_555 = tpu.vector_load_idx %gather3A_554[%add3A_550, %add3A_531] : memref<128x64xf32, #tpu.memory_space<vmem>>[vector<16xi32>, vector<16xi32>], vector<16xf32>,
        %scatter3A_556 = arith.constant 0 : i32
        %scatter3A_557 = arith.constant 0 : i32
        %scatter3A_558 = arith.constant 0 : i32
        %scatter3A_559 = tpu.memref_slice %arg7[%scan3A_312, %scatter3A_556, %scatter3A_557, %scatter3A_558] : memref<4x8x8x128xf32, #tpu.memory_space<vmem>> -> memref<1x8x8x128xf32, #tpu.memory_space<vmem>>
        %scatter3A_560 = tpu.memref_squeeze %scatter3A_559 : memref<1x8x8x128xf32, #tpu.memory_space<vmem>> -> memref<8x8x128xf32, #tpu.memory_space<vmem>>
        tpu.vector_store_idx %scatter3A_560[%add3A_534, %and3A_420, %add3A_550], %gather3A_555 : memref<8x8x128xf32, #tpu.memory_space<vmem>>[vector<16xi32>, vector<16xi32>, vector<16xi32>], vector<16xf32>,
        %add3A_561 = arith.constant 32 : i32
        %add3A_562 = vector.broadcast %add3A_561 : i32 to vector<16xi32>
        %add3A_563 = arith.addi %iota3A, %add3A_562 : vector<16xi32>
        %gather3A_564 = arith.constant 0 : i32
        %gather3A_565 = arith.constant 0 : i32
        %gather3A_566 = tpu.memref_slice %arg6[%scan3A_311, %gather3A_564, %gather3A_565] : memref<4x128x64xf32, #tpu.memory_space<vmem>> -> memref<1x128x64xf32, #tpu.memory_space<vmem>>
        %gather3A_567 = tpu.memref_squeeze %gather3A_566 : memref<1x128x64xf32, #tpu.memory_space<vmem>> -> memref<128x64xf32, #tpu.memory_space<vmem>>
        %gather3A_568 = tpu.vector_load_idx %gather3A_567[%add3A_563, %add3A_531] : memref<128x64xf32, #tpu.memory_space<vmem>>[vector<16xi32>, vector<16xi32>], vector<16xf32>,
        %scatter3A_569 = arith.constant 0 : i32
        %scatter3A_570 = arith.constant 0 : i32
        %scatter3A_571 = arith.constant 0 : i32
        %scatter3A_572 = tpu.memref_slice %arg7[%scan3A_312, %scatter3A_569, %scatter3A_570, %scatter3A_571] : memref<4x8x8x128xf32, #tpu.memory_space<vmem>> -> memref<1x8x8x128xf32, #tpu.memory_space<vmem>>
        %scatter3A_573 = tpu.memref_squeeze %scatter3A_572 : memref<1x8x8x128xf32, #tpu.memory_space<vmem>> -> memref<8x8x128xf32, #tpu.memory_space<vmem>>
        tpu.vector_store_idx %scatter3A_573[%add3A_534, %and3A_420, %add3A_563], %gather3A_568 : memref<8x8x128xf32, #tpu.memory_space<vmem>>[vector<16xi32>, vector<16xi32>, vector<16xi32>], vector<16xf32>,
        %add3A_574 = arith.constant 48 : i32
        %add3A_575 = vector.broadcast %add3A_574 : i32 to vector<16xi32>
        %add3A_576 = arith.addi %iota3A, %add3A_575 : vector<16xi32>
        %gather3A_577 = arith.constant 0 : i32
        %gather3A_578 = arith.constant 0 : i32
        %gather3A_579 = tpu.memref_slice %arg6[%scan3A_311, %gather3A_577, %gather3A_578] : memref<4x128x64xf32, #tpu.memory_space<vmem>> -> memref<1x128x64xf32, #tpu.memory_space<vmem>>
        %gather3A_580 = tpu.memref_squeeze %gather3A_579 : memref<1x128x64xf32, #tpu.memory_space<vmem>> -> memref<128x64xf32, #tpu.memory_space<vmem>>
        %gather3A_581 = tpu.vector_load_idx %gather3A_580[%add3A_576, %add3A_531] : memref<128x64xf32, #tpu.memory_space<vmem>>[vector<16xi32>, vector<16xi32>], vector<16xf32>,
        %scatter3A_582 = arith.constant 0 : i32
        %scatter3A_583 = arith.constant 0 : i32
        %scatter3A_584 = arith.constant 0 : i32
        %scatter3A_585 = tpu.memref_slice %arg7[%scan3A_312, %scatter3A_582, %scatter3A_583, %scatter3A_584] : memref<4x8x8x128xf32, #tpu.memory_space<vmem>> -> memref<1x8x8x128xf32, #tpu.memory_space<vmem>>
        %scatter3A_586 = tpu.memref_squeeze %scatter3A_585 : memref<1x8x8x128xf32, #tpu.memory_space<vmem>> -> memref<8x8x128xf32, #tpu.memory_space<vmem>>
        tpu.vector_store_idx %scatter3A_586[%add3A_534, %and3A_420, %add3A_576], %gather3A_581 : memref<8x8x128xf32, #tpu.memory_space<vmem>>[vector<16xi32>, vector<16xi32>, vector<16xi32>], vector<16xf32>,
        %add3A_587 = arith.constant 64 : i32
        %add3A_588 = vector.broadcast %add3A_587 : i32 to vector<16xi32>
        %add3A_589 = arith.addi %iota3A, %add3A_588 : vector<16xi32>
        %gather3A_590 = arith.constant 0 : i32
        %gather3A_591 = arith.constant 0 : i32
        %gather3A_592 = tpu.memref_slice %arg6[%scan3A_311, %gather3A_590, %gather3A_591] : memref<4x128x64xf32, #tpu.memory_space<vmem>> -> memref<1x128x64xf32, #tpu.memory_space<vmem>>
        %gather3A_593 = tpu.memref_squeeze %gather3A_592 : memref<1x128x64xf32, #tpu.memory_space<vmem>> -> memref<128x64xf32, #tpu.memory_space<vmem>>
        %gather3A_594 = tpu.vector_load_idx %gather3A_593[%add3A_589, %add3A_531] : memref<128x64xf32, #tpu.memory_space<vmem>>[vector<16xi32>, vector<16xi32>], vector<16xf32>,
        %scatter3A_595 = arith.constant 0 : i32
        %scatter3A_596 = arith.constant 0 : i32
        %scatter3A_597 = arith.constant 0 : i32
        %scatter3A_598 = tpu.memref_slice %arg7[%scan3A_312, %scatter3A_595, %scatter3A_596, %scatter3A_597] : memref<4x8x8x128xf32, #tpu.memory_space<vmem>> -> memref<1x8x8x128xf32, #tpu.memory_space<vmem>>
        %scatter3A_599 = tpu.memref_squeeze %scatter3A_598 : memref<1x8x8x128xf32, #tpu.memory_space<vmem>> -> memref<8x8x128xf32, #tpu.memory_space<vmem>>
        tpu.vector_store_idx %scatter3A_599[%add3A_534, %and3A_420, %add3A_589], %gather3A_594 : memref<8x8x128xf32, #tpu.memory_space<vmem>>[vector<16xi32>, vector<16xi32>, vector<16xi32>], vector<16xf32>,
        %add3A_600 = arith.constant 80 : i32
        %add3A_601 = vector.broadcast %add3A_600 : i32 to vector<16xi32>
        %add3A_602 = arith.addi %iota3A, %add3A_601 : vector<16xi32>
        %gather3A_603 = arith.constant 0 : i32
        %gather3A_604 = arith.constant 0 : i32
        %gather3A_605 = tpu.memref_slice %arg6[%scan3A_311, %gather3A_603, %gather3A_604] : memref<4x128x64xf32, #tpu.memory_space<vmem>> -> memref<1x128x64xf32, #tpu.memory_space<vmem>>
        %gather3A_606 = tpu.memref_squeeze %gather3A_605 : memref<1x128x64xf32, #tpu.memory_space<vmem>> -> memref<128x64xf32, #tpu.memory_space<vmem>>
        %gather3A_607 = tpu.vector_load_idx %gather3A_606[%add3A_602, %add3A_531] : memref<128x64xf32, #tpu.memory_space<vmem>>[vector<16xi32>, vector<16xi32>], vector<16xf32>,
        %scatter3A_608 = arith.constant 0 : i32
        %scatter3A_609 = arith.constant 0 : i32
        %scatter3A_610 = arith.constant 0 : i32
        %scatter3A_611 = tpu.memref_slice %arg7[%scan3A_312, %scatter3A_608, %scatter3A_609, %scatter3A_610] : memref<4x8x8x128xf32, #tpu.memory_space<vmem>> -> memref<1x8x8x128xf32, #tpu.memory_space<vmem>>
        %scatter3A_612 = tpu.memref_squeeze %scatter3A_611 : memref<1x8x8x128xf32, #tpu.memory_space<vmem>> -> memref<8x8x128xf32, #tpu.memory_space<vmem>>
        tpu.vector_store_idx %scatter3A_612[%add3A_534, %and3A_420, %add3A_602], %gather3A_607 : memref<8x8x128xf32, #tpu.memory_space<vmem>>[vector<16xi32>, vector<16xi32>, vector<16xi32>], vector<16xf32>,
        %add3A_613 = arith.constant 96 : i32
        %add3A_614 = vector.broadcast %add3A_613 : i32 to vector<16xi32>
        %add3A_615 = arith.addi %iota3A, %add3A_614 : vector<16xi32>
        %gather3A_616 = arith.constant 0 : i32
        %gather3A_617 = arith.constant 0 : i32
        %gather3A_618 = tpu.memref_slice %arg6[%scan3A_311, %gather3A_616, %gather3A_617] : memref<4x128x64xf32, #tpu.memory_space<vmem>> -> memref<1x128x64xf32, #tpu.memory_space<vmem>>
        %gather3A_619 = tpu.memref_squeeze %gather3A_618 : memref<1x128x64xf32, #tpu.memory_space<vmem>> -> memref<128x64xf32, #tpu.memory_space<vmem>>
        %gather3A_620 = tpu.vector_load_idx %gather3A_619[%add3A_615, %add3A_531] : memref<128x64xf32, #tpu.memory_space<vmem>>[vector<16xi32>, vector<16xi32>], vector<16xf32>,
        %scatter3A_621 = arith.constant 0 : i32
        %scatter3A_622 = arith.constant 0 : i32
        %scatter3A_623 = arith.constant 0 : i32
        %scatter3A_624 = tpu.memref_slice %arg7[%scan3A_312, %scatter3A_621, %scatter3A_622, %scatter3A_623] : memref<4x8x8x128xf32, #tpu.memory_space<vmem>> -> memref<1x8x8x128xf32, #tpu.memory_space<vmem>>
        %scatter3A_625 = tpu.memref_squeeze %scatter3A_624 : memref<1x8x8x128xf32, #tpu.memory_space<vmem>> -> memref<8x8x128xf32, #tpu.memory_space<vmem>>
        tpu.vector_store_idx %scatter3A_625[%add3A_534, %and3A_420, %add3A_615], %gather3A_620 : memref<8x8x128xf32, #tpu.memory_space<vmem>>[vector<16xi32>, vector<16xi32>, vector<16xi32>], vector<16xf32>,
        %add3A_626 = arith.constant 112 : i32
        %add3A_627 = vector.broadcast %add3A_626 : i32 to vector<16xi32>
        %add3A_628 = arith.addi %iota3A, %add3A_627 : vector<16xi32>
        %gather3A_629 = arith.constant 0 : i32
        %gather3A_630 = arith.constant 0 : i32
        %gather3A_631 = tpu.memref_slice %arg6[%scan3A_311, %gather3A_629, %gather3A_630] : memref<4x128x64xf32, #tpu.memory_space<vmem>> -> memref<1x128x64xf32, #tpu.memory_space<vmem>>
        %gather3A_632 = tpu.memref_squeeze %gather3A_631 : memref<1x128x64xf32, #tpu.memory_space<vmem>> -> memref<128x64xf32, #tpu.memory_space<vmem>>
        %gather3A_633 = tpu.vector_load_idx %gather3A_632[%add3A_628, %add3A_531] : memref<128x64xf32, #tpu.memory_space<vmem>>[vector<16xi32>, vector<16xi32>], vector<16xf32>,
        %scatter3A_634 = arith.constant 0 : i32
        %scatter3A_635 = arith.constant 0 : i32
        %scatter3A_636 = arith.constant 0 : i32
        %scatter3A_637 = tpu.memref_slice %arg7[%scan3A_312, %scatter3A_634, %scatter3A_635, %scatter3A_636] : memref<4x8x8x128xf32, #tpu.memory_space<vmem>> -> memref<1x8x8x128xf32, #tpu.memory_space<vmem>>
        %scatter3A_638 = tpu.memref_squeeze %scatter3A_637 : memref<1x8x8x128xf32, #tpu.memory_space<vmem>> -> memref<8x8x128xf32, #tpu.memory_space<vmem>>
        tpu.vector_store_idx %scatter3A_638[%add3A_534, %and3A_420, %add3A_628], %gather3A_633 : memref<8x8x128xf32, #tpu.memory_space<vmem>>[vector<16xi32>, vector<16xi32>, vector<16xi32>], vector<16xf32>,
        %add3A_639 = arith.constant 32 : i32
        %add3A_640 = vector.broadcast %add3A_639 : i32 to vector<16xi32>
        %add3A_641 = arith.addi %and3A_415, %add3A_640 : vector<16xi32>
        %add3A_642 = arith.constant 4 : i32
        %add3A_643 = vector.broadcast %add3A_642 : i32 to vector<16xi32>
        %add3A_644 = arith.addi %shift_right_arithmetic3A_417, %add3A_643 : vector<16xi32>
        %add3A_645 = arith.constant 0 : i32
        %add3A_646 = vector.broadcast %add3A_645 : i32 to vector<16xi32>
        %add3A_647 = arith.addi %iota3A, %add3A_646 : vector<16xi32>
        %gather3A_648 = arith.constant 0 : i32
        %gather3A_649 = arith.constant 0 : i32
        %gather3A_650 = tpu.memref_slice %arg6[%scan3A_311, %gather3A_648, %gather3A_649] : memref<4x128x64xf32, #tpu.memory_space<vmem>> -> memref<1x128x64xf32, #tpu.memory_space<vmem>>
        %gather3A_651 = tpu.memref_squeeze %gather3A_650 : memref<1x128x64xf32, #tpu.memory_space<vmem>> -> memref<128x64xf32, #tpu.memory_space<vmem>>
        %gather3A_652 = tpu.vector_load_idx %gather3A_651[%add3A_647, %add3A_641] : memref<128x64xf32, #tpu.memory_space<vmem>>[vector<16xi32>, vector<16xi32>], vector<16xf32>,
        %scatter3A_653 = arith.constant 0 : i32
        %scatter3A_654 = arith.constant 0 : i32
        %scatter3A_655 = arith.constant 0 : i32
        %scatter3A_656 = tpu.memref_slice %arg7[%scan3A_312, %scatter3A_653, %scatter3A_654, %scatter3A_655] : memref<4x8x8x128xf32, #tpu.memory_space<vmem>> -> memref<1x8x8x128xf32, #tpu.memory_space<vmem>>
        %scatter3A_657 = tpu.memref_squeeze %scatter3A_656 : memref<1x8x8x128xf32, #tpu.memory_space<vmem>> -> memref<8x8x128xf32, #tpu.memory_space<vmem>>
        tpu.vector_store_idx %scatter3A_657[%add3A_644, %and3A_420, %add3A_647], %gather3A_652 : memref<8x8x128xf32, #tpu.memory_space<vmem>>[vector<16xi32>, vector<16xi32>, vector<16xi32>], vector<16xf32>,
        %add3A_658 = arith.constant 16 : i32
        %add3A_659 = vector.broadcast %add3A_658 : i32 to vector<16xi32>
        %add3A_660 = arith.addi %iota3A, %add3A_659 : vector<16xi32>
        %gather3A_661 = arith.constant 0 : i32
        %gather3A_662 = arith.constant 0 : i32
        %gather3A_663 = tpu.memref_slice %arg6[%scan3A_311, %gather3A_661, %gather3A_662] : memref<4x128x64xf32, #tpu.memory_space<vmem>> -> memref<1x128x64xf32, #tpu.memory_space<vmem>>
        %gather3A_664 = tpu.memref_squeeze %gather3A_663 : memref<1x128x64xf32, #tpu.memory_space<vmem>> -> memref<128x64xf32, #tpu.memory_space<vmem>>
        %gather3A_665 = tpu.vector_load_idx %gather3A_664[%add3A_660, %add3A_641] : memref<128x64xf32, #tpu.memory_space<vmem>>[vector<16xi32>, vector<16xi32>], vector<16xf32>,
        %scatter3A_666 = arith.constant 0 : i32
        %scatter3A_667 = arith.constant 0 : i32
        %scatter3A_668 = arith.constant 0 : i32
        %scatter3A_669 = tpu.memref_slice %arg7[%scan3A_312, %scatter3A_666, %scatter3A_667, %scatter3A_668] : memref<4x8x8x128xf32, #tpu.memory_space<vmem>> -> memref<1x8x8x128xf32, #tpu.memory_space<vmem>>
        %scatter3A_670 = tpu.memref_squeeze %scatter3A_669 : memref<1x8x8x128xf32, #tpu.memory_space<vmem>> -> memref<8x8x128xf32, #tpu.memory_space<vmem>>
        tpu.vector_store_idx %scatter3A_670[%add3A_644, %and3A_420, %add3A_660], %gather3A_665 : memref<8x8x128xf32, #tpu.memory_space<vmem>>[vector<16xi32>, vector<16xi32>, vector<16xi32>], vector<16xf32>,
        %add3A_671 = arith.constant 32 : i32
        %add3A_672 = vector.broadcast %add3A_671 : i32 to vector<16xi32>
        %add3A_673 = arith.addi %iota3A, %add3A_672 : vector<16xi32>
        %gather3A_674 = arith.constant 0 : i32
        %gather3A_675 = arith.constant 0 : i32
        %gather3A_676 = tpu.memref_slice %arg6[%scan3A_311, %gather3A_674, %gather3A_675] : memref<4x128x64xf32, #tpu.memory_space<vmem>> -> memref<1x128x64xf32, #tpu.memory_space<vmem>>
        %gather3A_677 = tpu.memref_squeeze %gather3A_676 : memref<1x128x64xf32, #tpu.memory_space<vmem>> -> memref<128x64xf32, #tpu.memory_space<vmem>>
        %gather3A_678 = tpu.vector_load_idx %gather3A_677[%add3A_673, %add3A_641] : memref<128x64xf32, #tpu.memory_space<vmem>>[vector<16xi32>, vector<16xi32>], vector<16xf32>,
        %scatter3A_679 = arith.constant 0 : i32
        %scatter3A_680 = arith.constant 0 : i32
        %scatter3A_681 = arith.constant 0 : i32
        %scatter3A_682 = tpu.memref_slice %arg7[%scan3A_312, %scatter3A_679, %scatter3A_680, %scatter3A_681] : memref<4x8x8x128xf32, #tpu.memory_space<vmem>> -> memref<1x8x8x128xf32, #tpu.memory_space<vmem>>
        %scatter3A_683 = tpu.memref_squeeze %scatter3A_682 : memref<1x8x8x128xf32, #tpu.memory_space<vmem>> -> memref<8x8x128xf32, #tpu.memory_space<vmem>>
        tpu.vector_store_idx %scatter3A_683[%add3A_644, %and3A_420, %add3A_673], %gather3A_678 : memref<8x8x128xf32, #tpu.memory_space<vmem>>[vector<16xi32>, vector<16xi32>, vector<16xi32>], vector<16xf32>,
        %add3A_684 = arith.constant 48 : i32
        %add3A_685 = vector.broadcast %add3A_684 : i32 to vector<16xi32>
        %add3A_686 = arith.addi %iota3A, %add3A_685 : vector<16xi32>
        %gather3A_687 = arith.constant 0 : i32
        %gather3A_688 = arith.constant 0 : i32
        %gather3A_689 = tpu.memref_slice %arg6[%scan3A_311, %gather3A_687, %gather3A_688] : memref<4x128x64xf32, #tpu.memory_space<vmem>> -> memref<1x128x64xf32, #tpu.memory_space<vmem>>
        %gather3A_690 = tpu.memref_squeeze %gather3A_689 : memref<1x128x64xf32, #tpu.memory_space<vmem>> -> memref<128x64xf32, #tpu.memory_space<vmem>>
        %gather3A_691 = tpu.vector_load_idx %gather3A_690[%add3A_686, %add3A_641] : memref<128x64xf32, #tpu.memory_space<vmem>>[vector<16xi32>, vector<16xi32>], vector<16xf32>,
        %scatter3A_692 = arith.constant 0 : i32
        %scatter3A_693 = arith.constant 0 : i32
        %scatter3A_694 = arith.constant 0 : i32
        %scatter3A_695 = tpu.memref_slice %arg7[%scan3A_312, %scatter3A_692, %scatter3A_693, %scatter3A_694] : memref<4x8x8x128xf32, #tpu.memory_space<vmem>> -> memref<1x8x8x128xf32, #tpu.memory_space<vmem>>
        %scatter3A_696 = tpu.memref_squeeze %scatter3A_695 : memref<1x8x8x128xf32, #tpu.memory_space<vmem>> -> memref<8x8x128xf32, #tpu.memory_space<vmem>>
        tpu.vector_store_idx %scatter3A_696[%add3A_644, %and3A_420, %add3A_686], %gather3A_691 : memref<8x8x128xf32, #tpu.memory_space<vmem>>[vector<16xi32>, vector<16xi32>, vector<16xi32>], vector<16xf32>,
        %add3A_697 = arith.constant 64 : i32
        %add3A_698 = vector.broadcast %add3A_697 : i32 to vector<16xi32>
        %add3A_699 = arith.addi %iota3A, %add3A_698 : vector<16xi32>
        %gather3A_700 = arith.constant 0 : i32
        %gather3A_701 = arith.constant 0 : i32
        %gather3A_702 = tpu.memref_slice %arg6[%scan3A_311, %gather3A_700, %gather3A_701] : memref<4x128x64xf32, #tpu.memory_space<vmem>> -> memref<1x128x64xf32, #tpu.memory_space<vmem>>
        %gather3A_703 = tpu.memref_squeeze %gather3A_702 : memref<1x128x64xf32, #tpu.memory_space<vmem>> -> memref<128x64xf32, #tpu.memory_space<vmem>>
        %gather3A_704 = tpu.vector_load_idx %gather3A_703[%add3A_699, %add3A_641] : memref<128x64xf32, #tpu.memory_space<vmem>>[vector<16xi32>, vector<16xi32>], vector<16xf32>,
        %scatter3A_705 = arith.constant 0 : i32
        %scatter3A_706 = arith.constant 0 : i32
        %scatter3A_707 = arith.constant 0 : i32
        %scatter3A_708 = tpu.memref_slice %arg7[%scan3A_312, %scatter3A_705, %scatter3A_706, %scatter3A_707] : memref<4x8x8x128xf32, #tpu.memory_space<vmem>> -> memref<1x8x8x128xf32, #tpu.memory_space<vmem>>
        %scatter3A_709 = tpu.memref_squeeze %scatter3A_708 : memref<1x8x8x128xf32, #tpu.memory_space<vmem>> -> memref<8x8x128xf32, #tpu.memory_space<vmem>>
        tpu.vector_store_idx %scatter3A_709[%add3A_644, %and3A_420, %add3A_699], %gather3A_704 : memref<8x8x128xf32, #tpu.memory_space<vmem>>[vector<16xi32>, vector<16xi32>, vector<16xi32>], vector<16xf32>,
        %add3A_710 = arith.constant 80 : i32
        %add3A_711 = vector.broadcast %add3A_710 : i32 to vector<16xi32>
        %add3A_712 = arith.addi %iota3A, %add3A_711 : vector<16xi32>
        %gather3A_713 = arith.constant 0 : i32
        %gather3A_714 = arith.constant 0 : i32
        %gather3A_715 = tpu.memref_slice %arg6[%scan3A_311, %gather3A_713, %gather3A_714] : memref<4x128x64xf32, #tpu.memory_space<vmem>> -> memref<1x128x64xf32, #tpu.memory_space<vmem>>
        %gather3A_716 = tpu.memref_squeeze %gather3A_715 : memref<1x128x64xf32, #tpu.memory_space<vmem>> -> memref<128x64xf32, #tpu.memory_space<vmem>>
        %gather3A_717 = tpu.vector_load_idx %gather3A_716[%add3A_712, %add3A_641] : memref<128x64xf32, #tpu.memory_space<vmem>>[vector<16xi32>, vector<16xi32>], vector<16xf32>,
        %scatter3A_718 = arith.constant 0 : i32
        %scatter3A_719 = arith.constant 0 : i32
        %scatter3A_720 = arith.constant 0 : i32
        %scatter3A_721 = tpu.memref_slice %arg7[%scan3A_312, %scatter3A_718, %scatter3A_719, %scatter3A_720] : memref<4x8x8x128xf32, #tpu.memory_space<vmem>> -> memref<1x8x8x128xf32, #tpu.memory_space<vmem>>
        %scatter3A_722 = tpu.memref_squeeze %scatter3A_721 : memref<1x8x8x128xf32, #tpu.memory_space<vmem>> -> memref<8x8x128xf32, #tpu.memory_space<vmem>>
        tpu.vector_store_idx %scatter3A_722[%add3A_644, %and3A_420, %add3A_712], %gather3A_717 : memref<8x8x128xf32, #tpu.memory_space<vmem>>[vector<16xi32>, vector<16xi32>, vector<16xi32>], vector<16xf32>,
        %add3A_723 = arith.constant 96 : i32
        %add3A_724 = vector.broadcast %add3A_723 : i32 to vector<16xi32>
        %add3A_725 = arith.addi %iota3A, %add3A_724 : vector<16xi32>
        %gather3A_726 = arith.constant 0 : i32
        %gather3A_727 = arith.constant 0 : i32
        %gather3A_728 = tpu.memref_slice %arg6[%scan3A_311, %gather3A_726, %gather3A_727] : memref<4x128x64xf32, #tpu.memory_space<vmem>> -> memref<1x128x64xf32, #tpu.memory_space<vmem>>
        %gather3A_729 = tpu.memref_squeeze %gather3A_728 : memref<1x128x64xf32, #tpu.memory_space<vmem>> -> memref<128x64xf32, #tpu.memory_space<vmem>>
        %gather3A_730 = tpu.vector_load_idx %gather3A_729[%add3A_725, %add3A_641] : memref<128x64xf32, #tpu.memory_space<vmem>>[vector<16xi32>, vector<16xi32>], vector<16xf32>,
        %scatter3A_731 = arith.constant 0 : i32
        %scatter3A_732 = arith.constant 0 : i32
        %scatter3A_733 = arith.constant 0 : i32
        %scatter3A_734 = tpu.memref_slice %arg7[%scan3A_312, %scatter3A_731, %scatter3A_732, %scatter3A_733] : memref<4x8x8x128xf32, #tpu.memory_space<vmem>> -> memref<1x8x8x128xf32, #tpu.memory_space<vmem>>
        %scatter3A_735 = tpu.memref_squeeze %scatter3A_734 : memref<1x8x8x128xf32, #tpu.memory_space<vmem>> -> memref<8x8x128xf32, #tpu.memory_space<vmem>>
        tpu.vector_store_idx %scatter3A_735[%add3A_644, %and3A_420, %add3A_725], %gather3A_730 : memref<8x8x128xf32, #tpu.memory_space<vmem>>[vector<16xi32>, vector<16xi32>, vector<16xi32>], vector<16xf32>,
        %add3A_736 = arith.constant 112 : i32
        %add3A_737 = vector.broadcast %add3A_736 : i32 to vector<16xi32>
        %add3A_738 = arith.addi %iota3A, %add3A_737 : vector<16xi32>
        %gather3A_739 = arith.constant 0 : i32
        %gather3A_740 = arith.constant 0 : i32
        %gather3A_741 = tpu.memref_slice %arg6[%scan3A_311, %gather3A_739, %gather3A_740] : memref<4x128x64xf32, #tpu.memory_space<vmem>> -> memref<1x128x64xf32, #tpu.memory_space<vmem>>
        %gather3A_742 = tpu.memref_squeeze %gather3A_741 : memref<1x128x64xf32, #tpu.memory_space<vmem>> -> memref<128x64xf32, #tpu.memory_space<vmem>>
        %gather3A_743 = tpu.vector_load_idx %gather3A_742[%add3A_738, %add3A_641] : memref<128x64xf32, #tpu.memory_space<vmem>>[vector<16xi32>, vector<16xi32>], vector<16xf32>,
        %scatter3A_744 = arith.constant 0 : i32
        %scatter3A_745 = arith.constant 0 : i32
        %scatter3A_746 = arith.constant 0 : i32
        %scatter3A_747 = tpu.memref_slice %arg7[%scan3A_312, %scatter3A_744, %scatter3A_745, %scatter3A_746] : memref<4x8x8x128xf32, #tpu.memory_space<vmem>> -> memref<1x8x8x128xf32, #tpu.memory_space<vmem>>
        %scatter3A_748 = tpu.memref_squeeze %scatter3A_747 : memref<1x8x8x128xf32, #tpu.memory_space<vmem>> -> memref<8x8x128xf32, #tpu.memory_space<vmem>>
        tpu.vector_store_idx %scatter3A_748[%add3A_644, %and3A_420, %add3A_738], %gather3A_743 : memref<8x8x128xf32, #tpu.memory_space<vmem>>[vector<16xi32>, vector<16xi32>, vector<16xi32>], vector<16xf32>,
        %add3A_749 = arith.constant 48 : i32
        %add3A_750 = vector.broadcast %add3A_749 : i32 to vector<16xi32>
        %add3A_751 = arith.addi %and3A_415, %add3A_750 : vector<16xi32>
        %add3A_752 = arith.constant 6 : i32
        %add3A_753 = vector.broadcast %add3A_752 : i32 to vector<16xi32>
        %add3A_754 = arith.addi %shift_right_arithmetic3A_417, %add3A_753 : vector<16xi32>
        %add3A_755 = arith.constant 0 : i32
        %add3A_756 = vector.broadcast %add3A_755 : i32 to vector<16xi32>
        %add3A_757 = arith.addi %iota3A, %add3A_756 : vector<16xi32>
        %gather3A_758 = arith.constant 0 : i32
        %gather3A_759 = arith.constant 0 : i32
        %gather3A_760 = tpu.memref_slice %arg6[%scan3A_311, %gather3A_758, %gather3A_759] : memref<4x128x64xf32, #tpu.memory_space<vmem>> -> memref<1x128x64xf32, #tpu.memory_space<vmem>>
        %gather3A_761 = tpu.memref_squeeze %gather3A_760 : memref<1x128x64xf32, #tpu.memory_space<vmem>> -> memref<128x64xf32, #tpu.memory_space<vmem>>
        %gather3A_762 = tpu.vector_load_idx %gather3A_761[%add3A_757, %add3A_751] : memref<128x64xf32, #tpu.memory_space<vmem>>[vector<16xi32>, vector<16xi32>], vector<16xf32>,
        %scatter3A_763 = arith.constant 0 : i32
        %scatter3A_764 = arith.constant 0 : i32
        %scatter3A_765 = arith.constant 0 : i32
        %scatter3A_766 = tpu.memref_slice %arg7[%scan3A_312, %scatter3A_763, %scatter3A_764, %scatter3A_765] : memref<4x8x8x128xf32, #tpu.memory_space<vmem>> -> memref<1x8x8x128xf32, #tpu.memory_space<vmem>>
        %scatter3A_767 = tpu.memref_squeeze %scatter3A_766 : memref<1x8x8x128xf32, #tpu.memory_space<vmem>> -> memref<8x8x128xf32, #tpu.memory_space<vmem>>
        tpu.vector_store_idx %scatter3A_767[%add3A_754, %and3A_420, %add3A_757], %gather3A_762 : memref<8x8x128xf32, #tpu.memory_space<vmem>>[vector<16xi32>, vector<16xi32>, vector<16xi32>], vector<16xf32>,
        %add3A_768 = arith.constant 16 : i32
        %add3A_769 = vector.broadcast %add3A_768 : i32 to vector<16xi32>
        %add3A_770 = arith.addi %iota3A, %add3A_769 : vector<16xi32>
        %gather3A_771 = arith.constant 0 : i32
        %gather3A_772 = arith.constant 0 : i32
        %gather3A_773 = tpu.memref_slice %arg6[%scan3A_311, %gather3A_771, %gather3A_772] : memref<4x128x64xf32, #tpu.memory_space<vmem>> -> memref<1x128x64xf32, #tpu.memory_space<vmem>>
        %gather3A_774 = tpu.memref_squeeze %gather3A_773 : memref<1x128x64xf32, #tpu.memory_space<vmem>> -> memref<128x64xf32, #tpu.memory_space<vmem>>
        %gather3A_775 = tpu.vector_load_idx %gather3A_774[%add3A_770, %add3A_751] : memref<128x64xf32, #tpu.memory_space<vmem>>[vector<16xi32>, vector<16xi32>], vector<16xf32>,
        %scatter3A_776 = arith.constant 0 : i32
        %scatter3A_777 = arith.constant 0 : i32
        %scatter3A_778 = arith.constant 0 : i32
        %scatter3A_779 = tpu.memref_slice %arg7[%scan3A_312, %scatter3A_776, %scatter3A_777, %scatter3A_778] : memref<4x8x8x128xf32, #tpu.memory_space<vmem>> -> memref<1x8x8x128xf32, #tpu.memory_space<vmem>>
        %scatter3A_780 = tpu.memref_squeeze %scatter3A_779 : memref<1x8x8x128xf32, #tpu.memory_space<vmem>> -> memref<8x8x128xf32, #tpu.memory_space<vmem>>
        tpu.vector_store_idx %scatter3A_780[%add3A_754, %and3A_420, %add3A_770], %gather3A_775 : memref<8x8x128xf32, #tpu.memory_space<vmem>>[vector<16xi32>, vector<16xi32>, vector<16xi32>], vector<16xf32>,
        %add3A_781 = arith.constant 32 : i32
        %add3A_782 = vector.broadcast %add3A_781 : i32 to vector<16xi32>
        %add3A_783 = arith.addi %iota3A, %add3A_782 : vector<16xi32>
        %gather3A_784 = arith.constant 0 : i32
        %gather3A_785 = arith.constant 0 : i32
        %gather3A_786 = tpu.memref_slice %arg6[%scan3A_311, %gather3A_784, %gather3A_785] : memref<4x128x64xf32, #tpu.memory_space<vmem>> -> memref<1x128x64xf32, #tpu.memory_space<vmem>>
        %gather3A_787 = tpu.memref_squeeze %gather3A_786 : memref<1x128x64xf32, #tpu.memory_space<vmem>> -> memref<128x64xf32, #tpu.memory_space<vmem>>
        %gather3A_788 = tpu.vector_load_idx %gather3A_787[%add3A_783, %add3A_751] : memref<128x64xf32, #tpu.memory_space<vmem>>[vector<16xi32>, vector<16xi32>], vector<16xf32>,
        %scatter3A_789 = arith.constant 0 : i32
        %scatter3A_790 = arith.constant 0 : i32
        %scatter3A_791 = arith.constant 0 : i32
        %scatter3A_792 = tpu.memref_slice %arg7[%scan3A_312, %scatter3A_789, %scatter3A_790, %scatter3A_791] : memref<4x8x8x128xf32, #tpu.memory_space<vmem>> -> memref<1x8x8x128xf32, #tpu.memory_space<vmem>>
        %scatter3A_793 = tpu.memref_squeeze %scatter3A_792 : memref<1x8x8x128xf32, #tpu.memory_space<vmem>> -> memref<8x8x128xf32, #tpu.memory_space<vmem>>
        tpu.vector_store_idx %scatter3A_793[%add3A_754, %and3A_420, %add3A_783], %gather3A_788 : memref<8x8x128xf32, #tpu.memory_space<vmem>>[vector<16xi32>, vector<16xi32>, vector<16xi32>], vector<16xf32>,
        %add3A_794 = arith.constant 48 : i32
        %add3A_795 = vector.broadcast %add3A_794 : i32 to vector<16xi32>
        %add3A_796 = arith.addi %iota3A, %add3A_795 : vector<16xi32>
        %gather3A_797 = arith.constant 0 : i32
        %gather3A_798 = arith.constant 0 : i32
        %gather3A_799 = tpu.memref_slice %arg6[%scan3A_311, %gather3A_797, %gather3A_798] : memref<4x128x64xf32, #tpu.memory_space<vmem>> -> memref<1x128x64xf32, #tpu.memory_space<vmem>>
        %gather3A_800 = tpu.memref_squeeze %gather3A_799 : memref<1x128x64xf32, #tpu.memory_space<vmem>> -> memref<128x64xf32, #tpu.memory_space<vmem>>
        %gather3A_801 = tpu.vector_load_idx %gather3A_800[%add3A_796, %add3A_751] : memref<128x64xf32, #tpu.memory_space<vmem>>[vector<16xi32>, vector<16xi32>], vector<16xf32>,
        %scatter3A_802 = arith.constant 0 : i32
        %scatter3A_803 = arith.constant 0 : i32
        %scatter3A_804 = arith.constant 0 : i32
        %scatter3A_805 = tpu.memref_slice %arg7[%scan3A_312, %scatter3A_802, %scatter3A_803, %scatter3A_804] : memref<4x8x8x128xf32, #tpu.memory_space<vmem>> -> memref<1x8x8x128xf32, #tpu.memory_space<vmem>>
        %scatter3A_806 = tpu.memref_squeeze %scatter3A_805 : memref<1x8x8x128xf32, #tpu.memory_space<vmem>> -> memref<8x8x128xf32, #tpu.memory_space<vmem>>
        tpu.vector_store_idx %scatter3A_806[%add3A_754, %and3A_420, %add3A_796], %gather3A_801 : memref<8x8x128xf32, #tpu.memory_space<vmem>>[vector<16xi32>, vector<16xi32>, vector<16xi32>], vector<16xf32>,
        %add3A_807 = arith.constant 64 : i32
        %add3A_808 = vector.broadcast %add3A_807 : i32 to vector<16xi32>
        %add3A_809 = arith.addi %iota3A, %add3A_808 : vector<16xi32>
        %gather3A_810 = arith.constant 0 : i32
        %gather3A_811 = arith.constant 0 : i32
        %gather3A_812 = tpu.memref_slice %arg6[%scan3A_311, %gather3A_810, %gather3A_811] : memref<4x128x64xf32, #tpu.memory_space<vmem>> -> memref<1x128x64xf32, #tpu.memory_space<vmem>>
        %gather3A_813 = tpu.memref_squeeze %gather3A_812 : memref<1x128x64xf32, #tpu.memory_space<vmem>> -> memref<128x64xf32, #tpu.memory_space<vmem>>
        %gather3A_814 = tpu.vector_load_idx %gather3A_813[%add3A_809, %add3A_751] : memref<128x64xf32, #tpu.memory_space<vmem>>[vector<16xi32>, vector<16xi32>], vector<16xf32>,
        %scatter3A_815 = arith.constant 0 : i32
        %scatter3A_816 = arith.constant 0 : i32
        %scatter3A_817 = arith.constant 0 : i32
        %scatter3A_818 = tpu.memref_slice %arg7[%scan3A_312, %scatter3A_815, %scatter3A_816, %scatter3A_817] : memref<4x8x8x128xf32, #tpu.memory_space<vmem>> -> memref<1x8x8x128xf32, #tpu.memory_space<vmem>>
        %scatter3A_819 = tpu.memref_squeeze %scatter3A_818 : memref<1x8x8x128xf32, #tpu.memory_space<vmem>> -> memref<8x8x128xf32, #tpu.memory_space<vmem>>
        tpu.vector_store_idx %scatter3A_819[%add3A_754, %and3A_420, %add3A_809], %gather3A_814 : memref<8x8x128xf32, #tpu.memory_space<vmem>>[vector<16xi32>, vector<16xi32>, vector<16xi32>], vector<16xf32>,
        %add3A_820 = arith.constant 80 : i32
        %add3A_821 = vector.broadcast %add3A_820 : i32 to vector<16xi32>
        %add3A_822 = arith.addi %iota3A, %add3A_821 : vector<16xi32>
        %gather3A_823 = arith.constant 0 : i32
        %gather3A_824 = arith.constant 0 : i32
        %gather3A_825 = tpu.memref_slice %arg6[%scan3A_311, %gather3A_823, %gather3A_824] : memref<4x128x64xf32, #tpu.memory_space<vmem>> -> memref<1x128x64xf32, #tpu.memory_space<vmem>>
        %gather3A_826 = tpu.memref_squeeze %gather3A_825 : memref<1x128x64xf32, #tpu.memory_space<vmem>> -> memref<128x64xf32, #tpu.memory_space<vmem>>
        %gather3A_827 = tpu.vector_load_idx %gather3A_826[%add3A_822, %add3A_751] : memref<128x64xf32, #tpu.memory_space<vmem>>[vector<16xi32>, vector<16xi32>], vector<16xf32>,
        %scatter3A_828 = arith.constant 0 : i32
        %scatter3A_829 = arith.constant 0 : i32
        %scatter3A_830 = arith.constant 0 : i32
        %scatter3A_831 = tpu.memref_slice %arg7[%scan3A_312, %scatter3A_828, %scatter3A_829, %scatter3A_830] : memref<4x8x8x128xf32, #tpu.memory_space<vmem>> -> memref<1x8x8x128xf32, #tpu.memory_space<vmem>>
        %scatter3A_832 = tpu.memref_squeeze %scatter3A_831 : memref<1x8x8x128xf32, #tpu.memory_space<vmem>> -> memref<8x8x128xf32, #tpu.memory_space<vmem>>
        tpu.vector_store_idx %scatter3A_832[%add3A_754, %and3A_420, %add3A_822], %gather3A_827 : memref<8x8x128xf32, #tpu.memory_space<vmem>>[vector<16xi32>, vector<16xi32>, vector<16xi32>], vector<16xf32>,
        %add3A_833 = arith.constant 96 : i32
        %add3A_834 = vector.broadcast %add3A_833 : i32 to vector<16xi32>
        %add3A_835 = arith.addi %iota3A, %add3A_834 : vector<16xi32>
        %gather3A_836 = arith.constant 0 : i32
        %gather3A_837 = arith.constant 0 : i32
        %gather3A_838 = tpu.memref_slice %arg6[%scan3A_311, %gather3A_836, %gather3A_837] : memref<4x128x64xf32, #tpu.memory_space<vmem>> -> memref<1x128x64xf32, #tpu.memory_space<vmem>>
        %gather3A_839 = tpu.memref_squeeze %gather3A_838 : memref<1x128x64xf32, #tpu.memory_space<vmem>> -> memref<128x64xf32, #tpu.memory_space<vmem>>
        %gather3A_840 = tpu.vector_load_idx %gather3A_839[%add3A_835, %add3A_751] : memref<128x64xf32, #tpu.memory_space<vmem>>[vector<16xi32>, vector<16xi32>], vector<16xf32>,
        %scatter3A_841 = arith.constant 0 : i32
        %scatter3A_842 = arith.constant 0 : i32
        %scatter3A_843 = arith.constant 0 : i32
        %scatter3A_844 = tpu.memref_slice %arg7[%scan3A_312, %scatter3A_841, %scatter3A_842, %scatter3A_843] : memref<4x8x8x128xf32, #tpu.memory_space<vmem>> -> memref<1x8x8x128xf32, #tpu.memory_space<vmem>>
        %scatter3A_845 = tpu.memref_squeeze %scatter3A_844 : memref<1x8x8x128xf32, #tpu.memory_space<vmem>> -> memref<8x8x128xf32, #tpu.memory_space<vmem>>
        tpu.vector_store_idx %scatter3A_845[%add3A_754, %and3A_420, %add3A_835], %gather3A_840 : memref<8x8x128xf32, #tpu.memory_space<vmem>>[vector<16xi32>, vector<16xi32>, vector<16xi32>], vector<16xf32>,
        %add3A_846 = arith.constant 112 : i32
        %add3A_847 = vector.broadcast %add3A_846 : i32 to vector<16xi32>
        %add3A_848 = arith.addi %iota3A, %add3A_847 : vector<16xi32>
        %gather3A_849 = arith.constant 0 : i32
        %gather3A_850 = arith.constant 0 : i32
        %gather3A_851 = tpu.memref_slice %arg6[%scan3A_311, %gather3A_849, %gather3A_850] : memref<4x128x64xf32, #tpu.memory_space<vmem>> -> memref<1x128x64xf32, #tpu.memory_space<vmem>>
        %gather3A_852 = tpu.memref_squeeze %gather3A_851 : memref<1x128x64xf32, #tpu.memory_space<vmem>> -> memref<128x64xf32, #tpu.memory_space<vmem>>
        %gather3A_853 = tpu.vector_load_idx %gather3A_852[%add3A_848, %add3A_751] : memref<128x64xf32, #tpu.memory_space<vmem>>[vector<16xi32>, vector<16xi32>], vector<16xf32>,
        %scatter3A_854 = arith.constant 0 : i32
        %scatter3A_855 = arith.constant 0 : i32
        %scatter3A_856 = arith.constant 0 : i32
        %scatter3A_857 = tpu.memref_slice %arg7[%scan3A_312, %scatter3A_854, %scatter3A_855, %scatter3A_856] : memref<4x8x8x128xf32, #tpu.memory_space<vmem>> -> memref<1x8x8x128xf32, #tpu.memory_space<vmem>>
        %scatter3A_858 = tpu.memref_squeeze %scatter3A_857 : memref<1x8x8x128xf32, #tpu.memory_space<vmem>> -> memref<8x8x128xf32, #tpu.memory_space<vmem>>
        tpu.vector_store_idx %scatter3A_858[%add3A_754, %and3A_420, %add3A_848], %gather3A_853 : memref<8x8x128xf32, #tpu.memory_space<vmem>>[vector<16xi32>, vector<16xi32>, vector<16xi32>], vector<16xf32>,
      }
      %scan3A_317 = arith.constant 16 : i32
      %dma_start3A_318 = arith.constant 2 : i32
      %dma_start3A_319 = arith.constant 2 : i32
      %dma_start3A_320 = arith.constant 0 : i32
      %dma_start3A_321 = arith.constant 0 : i32
      %dma_start3A_322 = arith.constant 0 : i32
      %dma_start3A_323 = tpu.memref_slice %arg7[%dma_start3A_318, %dma_start3A_320, %dma_start3A_321, %dma_start3A_322] : memref<4x8x8x128xf32, #tpu.memory_space<vmem>> -> memref<1x8x8x128xf32, #tpu.memory_space<vmem>>
      %dma_start3A_324 = tpu.memref_squeeze %dma_start3A_323 : memref<1x8x8x128xf32, #tpu.memory_space<vmem>> -> memref<8x8x128xf32, #tpu.memory_space<vmem>>
      %dma_start3A_325 = arith.constant 0 : i32
      %dma_start3A_326 = arith.constant 0 : i32
      %dma_start3A_327 = arith.constant 0 : i32
      %dma_start3A_328 = tpu.memref_slice %arg4[%add3A_290, %dma_start3A_325, %add3A, %dma_start3A_326, %dma_start3A_327] : memref<200x8x32x8x128xf32, #tpu.memory_space<hbm>> -> memref<1x8x1x8x128xf32, #tpu.memory_space<hbm>>
      %dma_start3A_329 = tpu.memref_squeeze %dma_start3A_328 : memref<1x8x1x8x128xf32, #tpu.memory_space<hbm>> -> memref<8x8x128xf32, #tpu.memory_space<hbm>>
      %dma_start3A_330 = tpu.memref_slice %arg9[%dma_start3A_319] : memref<4x!tpu.dma_semaphore, #tpu.memory_space<semaphore_mem>> -> memref<1x!tpu.dma_semaphore, #tpu.memory_space<semaphore_mem>>
      %dma_start3A_331 = tpu.memref_squeeze %dma_start3A_330 : memref<1x!tpu.dma_semaphore, #tpu.memory_space<semaphore_mem>> -> memref<!tpu.dma_semaphore, #tpu.memory_space<semaphore_mem>>
      %dma_start3A_332 = arith.constant 0 : i32
      %dma_start3A_333 = arith.constant 0 : i32
      %dma_start3A_334 = arith.constant 0 : i32
      %dma_start3A_335 = tpu.memref_slice %arg4[%add3A_290, %dma_start3A_332, %add3A, %dma_start3A_333, %dma_start3A_334] : memref<200x8x32x8x128xf32, #tpu.memory_space<hbm>> -> memref<1x8x1x8x128xf32, #tpu.memory_space<hbm>>
      %dma_start3A_336 = tpu.memref_squeeze %dma_start3A_335 : memref<1x8x1x8x128xf32, #tpu.memory_space<hbm>> -> memref<8x8x128xf32, #tpu.memory_space<hbm>>
      %dma_start3A_337 = arith.constant 0 : i32
      %dma_start3A_338 = arith.constant 0 : i32
      %dma_start3A_339 = arith.constant 0 : i32
      %dma_start3A_340 = tpu.memref_slice %arg7[%dma_start3A_318, %dma_start3A_337, %dma_start3A_338, %dma_start3A_339] : memref<4x8x8x128xf32, #tpu.memory_space<vmem>> -> memref<1x8x8x128xf32, #tpu.memory_space<vmem>>
      %dma_start3A_341 = tpu.memref_squeeze %dma_start3A_340 : memref<1x8x8x128xf32, #tpu.memory_space<vmem>> -> memref<8x8x128xf32, #tpu.memory_space<vmem>>
      tpu.enqueue_dma source(%dma_start3A_341 : memref<8x8x128xf32, #tpu.memory_space<vmem>>) target(%dma_start3A_336 : memref<8x8x128xf32, #tpu.memory_space<hbm>>) target_semaphore(%dma_start3A_331 : memref<!tpu.dma_semaphore, #tpu.memory_space<semaphore_mem>>)
      %add3A_342 = arith.constant 4 : i32
      %add3A_343 = arith.addi %add3A_290, %add3A_342 : i32
      %lt3A_344 = arith.constant 200 : i32
      %lt3A_345 = arith.cmpi slt, %add3A_343, %lt3A_344 : i32
      %convert_element_type3A_346 = arith.extui %lt3A_345 : i1 to i32
      %cond3A_347 = arith.constant 0 : i32
      %cond3A_348 = arith.cmpi ne, %convert_element_type3A_346, %cond3A_347 : i32
      scf.if %cond3A_348 {
        %add3A_411 = arith.constant 4 : i32
        %add3A_412 = arith.addi %add3A_290, %add3A_411 : i32
        %dma_start3A_413 = arith.constant 2 : i32
        %dma_start3A_414 = arith.constant 2 : i32
        %dma_start3A_415 = arith.constant 0 : i32
        %dma_start3A_416 = arith.constant 0 : i32
        %dma_start3A_417 = tpu.memref_slice %arg6[%dma_start3A_413, %dma_start3A_415, %dma_start3A_416] : memref<4x128x64xf32, #tpu.memory_space<vmem>> -> memref<1x128x64xf32, #tpu.memory_space<vmem>>
        %dma_start3A_418 = tpu.memref_squeeze %dma_start3A_417 : memref<1x128x64xf32, #tpu.memory_space<vmem>> -> memref<128x64xf32, #tpu.memory_space<vmem>>
        %dma_start3A_419 = arith.constant 0 : i32
        %dma_start3A_420 = tpu.memref_slice %arg5[%add3A_412, %dma_start3A_419] : memref<200x128xi32, #tpu.memory_space<vmem>> -> memref<1x128xi32, #tpu.memory_space<vmem>>
        %dma_start3A_421 = tpu.memref_squeeze %dma_start3A_420 : memref<1x128xi32, #tpu.memory_space<vmem>> -> memref<128xi32, #tpu.memory_space<vmem>>
        %dma_start3A_422 = arith.constant 0 : i32
        %dma_start3A_423 = arith.constant 0 : i32
        %dma_start3A_424 = tpu.memref_slice %arg3[%dma_start3A_422, %dma_start3A_423] : memref<1000000x64xf32, #tpu.memory_space<hbm>> -> memref<1000000x64xf32, #tpu.memory_space<hbm>>
        %dma_start3A_425 = tpu.memref_slice %arg8[%dma_start3A_414] : memref<4x!tpu.dma_semaphore, #tpu.memory_space<semaphore_mem>> -> memref<1x!tpu.dma_semaphore, #tpu.memory_space<semaphore_mem>>
        %dma_start3A_426 = tpu.memref_squeeze %dma_start3A_425 : memref<1x!tpu.dma_semaphore, #tpu.memory_space<semaphore_mem>> -> memref<!tpu.dma_semaphore, #tpu.memory_space<semaphore_mem>>
        tpu.enqueue_indirect_dma source(%dma_start3A_424 : memref<1000000x64xf32, #tpu.memory_space<hbm>>) target(%dma_start3A_418 : memref<128x64xf32, #tpu.memory_space<vmem>>) offsets(%dma_start3A_421 : memref<128xi32, #tpu.memory_space<vmem>>) semaphore(%dma_start3A_426 : memref<!tpu.dma_semaphore, #tpu.memory_space<semaphore_mem>>)
      } else {
      }
      %mul3A_349 = arith.constant 4 : i32
      %mul3A_350 = arith.muli %scan3A_166, %mul3A_349 : i32
      %add3A_351 = arith.constant 3 : i32
      %add3A_352 = arith.addi %mul3A_350, %add3A_351 : i32
      %dma_wait3A_353 = arith.constant 3 : i32
      %dma_wait3A_354 = arith.constant 3 : i32
      %dma_wait3A_355 = arith.constant 0 : i32
      %dma_wait3A_356 = arith.constant 0 : i32
      %dma_wait3A_357 = tpu.memref_slice %arg6[%dma_wait3A_353, %dma_wait3A_355, %dma_wait3A_356] : memref<4x128x64xf32, #tpu.memory_space<vmem>> -> memref<1x128x64xf32, #tpu.memory_space<vmem>>
      %dma_wait3A_358 = tpu.memref_squeeze %dma_wait3A_357 : memref<1x128x64xf32, #tpu.memory_space<vmem>> -> memref<128x64xf32, #tpu.memory_space<vmem>>
      %dma_wait3A_359 = arith.constant 0 : i32
      %dma_wait3A_360 = tpu.memref_slice %arg5[%add3A_352, %dma_wait3A_359] : memref<200x128xi32, #tpu.memory_space<vmem>> -> memref<1x128xi32, #tpu.memory_space<vmem>>
      %dma_wait3A_361 = tpu.memref_squeeze %dma_wait3A_360 : memref<1x128xi32, #tpu.memory_space<vmem>> -> memref<128xi32, #tpu.memory_space<vmem>>
      %dma_wait3A_362 = arith.constant 0 : i32
      %dma_wait3A_363 = arith.constant 0 : i32
      %dma_wait3A_364 = tpu.memref_slice %arg3[%dma_wait3A_362, %dma_wait3A_363] : memref<1000000x64xf32, #tpu.memory_space<hbm>> -> memref<1000000x64xf32, #tpu.memory_space<hbm>>
      %dma_wait3A_365 = tpu.memref_slice %arg8[%dma_wait3A_354] : memref<4x!tpu.dma_semaphore, #tpu.memory_space<semaphore_mem>> -> memref<1x!tpu.dma_semaphore, #tpu.memory_space<semaphore_mem>>
      %dma_wait3A_366 = tpu.memref_squeeze %dma_wait3A_365 : memref<1x!tpu.dma_semaphore, #tpu.memory_space<semaphore_mem>> -> memref<!tpu.dma_semaphore, #tpu.memory_space<semaphore_mem>>
      tpu.wait_indirect_dma semaphore(%dma_wait3A_366 : memref<!tpu.dma_semaphore, #tpu.memory_space<semaphore_mem>>) src(%dma_wait3A_364 : memref<1000000x64xf32, #tpu.memory_space<hbm>>) dst(%dma_wait3A_358 : memref<128x64xf32, #tpu.memory_space<vmem>>)
      %ge3A_367 = arith.constant 4 : i32
      %ge3A_368 = arith.cmpi sge, %add3A_352, %ge3A_367 : i32
      %convert_element_type3A_369 = arith.extui %ge3A_368 : i1 to i32
      %cond3A_370 = arith.constant 0 : i32
      %cond3A_371 = arith.cmpi ne, %convert_element_type3A_369, %cond3A_370 : i32
      scf.if %cond3A_371 {
        %sub3A = arith.constant 4 : i32
        %sub3A_411 = arith.subi %add3A_352, %sub3A : i32
        %dma_wait3A_412 = arith.constant 3 : i32
        %dma_wait3A_413 = arith.constant 3 : i32
        %dma_wait3A_414 = arith.constant 0 : i32
        %dma_wait3A_415 = arith.constant 0 : i32
        %dma_wait3A_416 = arith.constant 0 : i32
        %dma_wait3A_417 = tpu.memref_slice %arg7[%dma_wait3A_412, %dma_wait3A_414, %dma_wait3A_415, %dma_wait3A_416] : memref<4x8x8x128xf32, #tpu.memory_space<vmem>> -> memref<1x8x8x128xf32, #tpu.memory_space<vmem>>
        %dma_wait3A_418 = tpu.memref_squeeze %dma_wait3A_417 : memref<1x8x8x128xf32, #tpu.memory_space<vmem>> -> memref<8x8x128xf32, #tpu.memory_space<vmem>>
        %dma_wait3A_419 = arith.constant 0 : i32
        %dma_wait3A_420 = arith.constant 0 : i32
        %dma_wait3A_421 = arith.constant 0 : i32
        %dma_wait3A_422 = tpu.memref_slice %arg4[%sub3A_411, %dma_wait3A_419, %add3A, %dma_wait3A_420, %dma_wait3A_421] : memref<200x8x32x8x128xf32, #tpu.memory_space<hbm>> -> memref<1x8x1x8x128xf32, #tpu.memory_space<hbm>>
        %dma_wait3A_423 = tpu.memref_squeeze %dma_wait3A_422 : memref<1x8x1x8x128xf32, #tpu.memory_space<hbm>> -> memref<8x8x128xf32, #tpu.memory_space<hbm>>
        %dma_wait3A_424 = tpu.memref_slice %arg9[%dma_wait3A_413] : memref<4x!tpu.dma_semaphore, #tpu.memory_space<semaphore_mem>> -> memref<1x!tpu.dma_semaphore, #tpu.memory_space<semaphore_mem>>
        %dma_wait3A_425 = tpu.memref_squeeze %dma_wait3A_424 : memref<1x!tpu.dma_semaphore, #tpu.memory_space<semaphore_mem>> -> memref<!tpu.dma_semaphore, #tpu.memory_space<semaphore_mem>>
        %dma_wait3A_426 = arith.constant 0 : i32
        %dma_wait3A_427 = arith.constant 0 : i32
        %dma_wait3A_428 = arith.constant 0 : i32
        %dma_wait3A_429 = tpu.memref_slice %arg4[%sub3A_411, %dma_wait3A_426, %add3A, %dma_wait3A_427, %dma_wait3A_428] : memref<200x8x32x8x128xf32, #tpu.memory_space<hbm>> -> memref<1x8x1x8x128xf32, #tpu.memory_space<hbm>>
        %dma_wait3A_430 = tpu.memref_squeeze %dma_wait3A_429 : memref<1x8x1x8x128xf32, #tpu.memory_space<hbm>> -> memref<8x8x128xf32, #tpu.memory_space<hbm>>
        %dma_wait3A_431 = arith.constant 0 : i32
        %dma_wait3A_432 = arith.constant 0 : i32
        %dma_wait3A_433 = arith.constant 0 : i32
        %dma_wait3A_434 = tpu.memref_slice %arg7[%dma_wait3A_412, %dma_wait3A_431, %dma_wait3A_432, %dma_wait3A_433] : memref<4x8x8x128xf32, #tpu.memory_space<vmem>> -> memref<1x8x8x128xf32, #tpu.memory_space<vmem>>
        %dma_wait3A_435 = tpu.memref_squeeze %dma_wait3A_434 : memref<1x8x8x128xf32, #tpu.memory_space<vmem>> -> memref<8x8x128xf32, #tpu.memory_space<vmem>>
        tpu.wait_dma2 semaphore(%dma_wait3A_425 : memref<!tpu.dma_semaphore, #tpu.memory_space<semaphore_mem>>) src(%dma_wait3A_435 : memref<8x8x128xf32, #tpu.memory_space<vmem>>) dst(%dma_wait3A_430 : memref<8x8x128xf32, #tpu.memory_space<hbm>>)
      } else {
      }
      %scan3A_372 = arith.constant 0 : i32
      %scan3A_373 = arith.constant 3 : i32
      %scan3A_374 = arith.constant 3 : i32
      %scan3A_375 = arith.constant 0 : i32
      %scan3A_376 = arith.constant 16 : i32
      %scan3A_377 = arith.addi %scan3A_375, %scan3A_376 : i32
      %scan3A_378 = arith.constant 1 : i32
      scf.for %scan3A_411 = %scan3A_375 to %scan3A_377 step %scan3A_378  : i32 {
        %add3A_412 = vector.broadcast %scan3A_411 : i32 to vector<16xi32>
        %add3A_413 = arith.addi %iota3A, %add3A_412 : vector<16xi32>
        %and3A = arith.constant 15 : i32
        %and3A_414 = vector.broadcast %and3A : i32 to vector<16xi32>
        %and3A_415 = arith.andi %add3A_413, %and3A_414 : vector<16xi32>
        %shift_right_arithmetic3A = arith.constant 3 : i32
        %shift_right_arithmetic3A_416 = vector.broadcast %shift_right_arithmetic3A : i32 to vector<16xi32>
        %shift_right_arithmetic3A_417 = arith.shrsi %and3A_415, %shift_right_arithmetic3A_416 : vector<16xi32>
        %and3A_418 = arith.constant 7 : i32
        %and3A_419 = vector.broadcast %and3A_418 : i32 to vector<16xi32>
        %and3A_420 = arith.andi %and3A_415, %and3A_419 : vector<16xi32>
        %add3A_421 = arith.constant 0 : i32
        %add3A_422 = vector.broadcast %add3A_421 : i32 to vector<16xi32>
        %add3A_423 = arith.addi %and3A_415, %add3A_422 : vector<16xi32>
        %add3A_424 = arith.constant 0 : i32
        %add3A_425 = vector.broadcast %add3A_424 : i32 to vector<16xi32>
        %add3A_426 = arith.addi %shift_right_arithmetic3A_417, %add3A_425 : vector<16xi32>
        %add3A_427 = arith.constant 0 : i32
        %add3A_428 = vector.broadcast %add3A_427 : i32 to vector<16xi32>
        %add3A_429 = arith.addi %iota3A, %add3A_428 : vector<16xi32>
        %gather3A = arith.constant 0 : i32
        %gather3A_430 = arith.constant 0 : i32
        %gather3A_431 = tpu.memref_slice %arg6[%scan3A_373, %gather3A, %gather3A_430] : memref<4x128x64xf32, #tpu.memory_space<vmem>> -> memref<1x128x64xf32, #tpu.memory_space<vmem>>
        %gather3A_432 = tpu.memref_squeeze %gather3A_431 : memref<1x128x64xf32, #tpu.memory_space<vmem>> -> memref<128x64xf32, #tpu.memory_space<vmem>>
        %gather3A_433 = tpu.vector_load_idx %gather3A_432[%add3A_429, %add3A_423] : memref<128x64xf32, #tpu.memory_space<vmem>>[vector<16xi32>, vector<16xi32>], vector<16xf32>,
        %scatter3A = arith.constant 0 : i32
        %scatter3A_434 = arith.constant 0 : i32
        %scatter3A_435 = arith.constant 0 : i32
        %scatter3A_436 = tpu.memref_slice %arg7[%scan3A_374, %scatter3A, %scatter3A_434, %scatter3A_435] : memref<4x8x8x128xf32, #tpu.memory_space<vmem>> -> memref<1x8x8x128xf32, #tpu.memory_space<vmem>>
        %scatter3A_437 = tpu.memref_squeeze %scatter3A_436 : memref<1x8x8x128xf32, #tpu.memory_space<vmem>> -> memref<8x8x128xf32, #tpu.memory_space<vmem>>
        tpu.vector_store_idx %scatter3A_437[%add3A_426, %and3A_420, %add3A_429], %gather3A_433 : memref<8x8x128xf32, #tpu.memory_space<vmem>>[vector<16xi32>, vector<16xi32>, vector<16xi32>], vector<16xf32>,
        %add3A_438 = arith.constant 16 : i32
        %add3A_439 = vector.broadcast %add3A_438 : i32 to vector<16xi32>
        %add3A_440 = arith.addi %iota3A, %add3A_439 : vector<16xi32>
        %gather3A_441 = arith.constant 0 : i32
        %gather3A_442 = arith.constant 0 : i32
        %gather3A_443 = tpu.memref_slice %arg6[%scan3A_373, %gather3A_441, %gather3A_442] : memref<4x128x64xf32, #tpu.memory_space<vmem>> -> memref<1x128x64xf32, #tpu.memory_space<vmem>>
        %gather3A_444 = tpu.memref_squeeze %gather3A_443 : memref<1x128x64xf32, #tpu.memory_space<vmem>> -> memref<128x64xf32, #tpu.memory_space<vmem>>
        %gather3A_445 = tpu.vector_load_idx %gather3A_444[%add3A_440, %add3A_423] : memref<128x64xf32, #tpu.memory_space<vmem>>[vector<16xi32>, vector<16xi32>], vector<16xf32>,
        %scatter3A_446 = arith.constant 0 : i32
        %scatter3A_447 = arith.constant 0 : i32
        %scatter3A_448 = arith.constant 0 : i32
        %scatter3A_449 = tpu.memref_slice %arg7[%scan3A_374, %scatter3A_446, %scatter3A_447, %scatter3A_448] : memref<4x8x8x128xf32, #tpu.memory_space<vmem>> -> memref<1x8x8x128xf32, #tpu.memory_space<vmem>>
        %scatter3A_450 = tpu.memref_squeeze %scatter3A_449 : memref<1x8x8x128xf32, #tpu.memory_space<vmem>> -> memref<8x8x128xf32, #tpu.memory_space<vmem>>
        tpu.vector_store_idx %scatter3A_450[%add3A_426, %and3A_420, %add3A_440], %gather3A_445 : memref<8x8x128xf32, #tpu.memory_space<vmem>>[vector<16xi32>, vector<16xi32>, vector<16xi32>], vector<16xf32>,
        %add3A_451 = arith.constant 32 : i32
        %add3A_452 = vector.broadcast %add3A_451 : i32 to vector<16xi32>
        %add3A_453 = arith.addi %iota3A, %add3A_452 : vector<16xi32>
        %gather3A_454 = arith.constant 0 : i32
        %gather3A_455 = arith.constant 0 : i32
        %gather3A_456 = tpu.memref_slice %arg6[%scan3A_373, %gather3A_454, %gather3A_455] : memref<4x128x64xf32, #tpu.memory_space<vmem>> -> memref<1x128x64xf32, #tpu.memory_space<vmem>>
        %gather3A_457 = tpu.memref_squeeze %gather3A_456 : memref<1x128x64xf32, #tpu.memory_space<vmem>> -> memref<128x64xf32, #tpu.memory_space<vmem>>
        %gather3A_458 = tpu.vector_load_idx %gather3A_457[%add3A_453, %add3A_423] : memref<128x64xf32, #tpu.memory_space<vmem>>[vector<16xi32>, vector<16xi32>], vector<16xf32>,
        %scatter3A_459 = arith.constant 0 : i32
        %scatter3A_460 = arith.constant 0 : i32
        %scatter3A_461 = arith.constant 0 : i32
        %scatter3A_462 = tpu.memref_slice %arg7[%scan3A_374, %scatter3A_459, %scatter3A_460, %scatter3A_461] : memref<4x8x8x128xf32, #tpu.memory_space<vmem>> -> memref<1x8x8x128xf32, #tpu.memory_space<vmem>>
        %scatter3A_463 = tpu.memref_squeeze %scatter3A_462 : memref<1x8x8x128xf32, #tpu.memory_space<vmem>> -> memref<8x8x128xf32, #tpu.memory_space<vmem>>
        tpu.vector_store_idx %scatter3A_463[%add3A_426, %and3A_420, %add3A_453], %gather3A_458 : memref<8x8x128xf32, #tpu.memory_space<vmem>>[vector<16xi32>, vector<16xi32>, vector<16xi32>], vector<16xf32>,
        %add3A_464 = arith.constant 48 : i32
        %add3A_465 = vector.broadcast %add3A_464 : i32 to vector<16xi32>
        %add3A_466 = arith.addi %iota3A, %add3A_465 : vector<16xi32>
        %gather3A_467 = arith.constant 0 : i32
        %gather3A_468 = arith.constant 0 : i32
        %gather3A_469 = tpu.memref_slice %arg6[%scan3A_373, %gather3A_467, %gather3A_468] : memref<4x128x64xf32, #tpu.memory_space<vmem>> -> memref<1x128x64xf32, #tpu.memory_space<vmem>>
        %gather3A_470 = tpu.memref_squeeze %gather3A_469 : memref<1x128x64xf32, #tpu.memory_space<vmem>> -> memref<128x64xf32, #tpu.memory_space<vmem>>
        %gather3A_471 = tpu.vector_load_idx %gather3A_470[%add3A_466, %add3A_423] : memref<128x64xf32, #tpu.memory_space<vmem>>[vector<16xi32>, vector<16xi32>], vector<16xf32>,
        %scatter3A_472 = arith.constant 0 : i32
        %scatter3A_473 = arith.constant 0 : i32
        %scatter3A_474 = arith.constant 0 : i32
        %scatter3A_475 = tpu.memref_slice %arg7[%scan3A_374, %scatter3A_472, %scatter3A_473, %scatter3A_474] : memref<4x8x8x128xf32, #tpu.memory_space<vmem>> -> memref<1x8x8x128xf32, #tpu.memory_space<vmem>>
        %scatter3A_476 = tpu.memref_squeeze %scatter3A_475 : memref<1x8x8x128xf32, #tpu.memory_space<vmem>> -> memref<8x8x128xf32, #tpu.memory_space<vmem>>
        tpu.vector_store_idx %scatter3A_476[%add3A_426, %and3A_420, %add3A_466], %gather3A_471 : memref<8x8x128xf32, #tpu.memory_space<vmem>>[vector<16xi32>, vector<16xi32>, vector<16xi32>], vector<16xf32>,
        %add3A_477 = arith.constant 64 : i32
        %add3A_478 = vector.broadcast %add3A_477 : i32 to vector<16xi32>
        %add3A_479 = arith.addi %iota3A, %add3A_478 : vector<16xi32>
        %gather3A_480 = arith.constant 0 : i32
        %gather3A_481 = arith.constant 0 : i32
        %gather3A_482 = tpu.memref_slice %arg6[%scan3A_373, %gather3A_480, %gather3A_481] : memref<4x128x64xf32, #tpu.memory_space<vmem>> -> memref<1x128x64xf32, #tpu.memory_space<vmem>>
        %gather3A_483 = tpu.memref_squeeze %gather3A_482 : memref<1x128x64xf32, #tpu.memory_space<vmem>> -> memref<128x64xf32, #tpu.memory_space<vmem>>
        %gather3A_484 = tpu.vector_load_idx %gather3A_483[%add3A_479, %add3A_423] : memref<128x64xf32, #tpu.memory_space<vmem>>[vector<16xi32>, vector<16xi32>], vector<16xf32>,
        %scatter3A_485 = arith.constant 0 : i32
        %scatter3A_486 = arith.constant 0 : i32
        %scatter3A_487 = arith.constant 0 : i32
        %scatter3A_488 = tpu.memref_slice %arg7[%scan3A_374, %scatter3A_485, %scatter3A_486, %scatter3A_487] : memref<4x8x8x128xf32, #tpu.memory_space<vmem>> -> memref<1x8x8x128xf32, #tpu.memory_space<vmem>>
        %scatter3A_489 = tpu.memref_squeeze %scatter3A_488 : memref<1x8x8x128xf32, #tpu.memory_space<vmem>> -> memref<8x8x128xf32, #tpu.memory_space<vmem>>
        tpu.vector_store_idx %scatter3A_489[%add3A_426, %and3A_420, %add3A_479], %gather3A_484 : memref<8x8x128xf32, #tpu.memory_space<vmem>>[vector<16xi32>, vector<16xi32>, vector<16xi32>], vector<16xf32>,
        %add3A_490 = arith.constant 80 : i32
        %add3A_491 = vector.broadcast %add3A_490 : i32 to vector<16xi32>
        %add3A_492 = arith.addi %iota3A, %add3A_491 : vector<16xi32>
        %gather3A_493 = arith.constant 0 : i32
        %gather3A_494 = arith.constant 0 : i32
        %gather3A_495 = tpu.memref_slice %arg6[%scan3A_373, %gather3A_493, %gather3A_494] : memref<4x128x64xf32, #tpu.memory_space<vmem>> -> memref<1x128x64xf32, #tpu.memory_space<vmem>>
        %gather3A_496 = tpu.memref_squeeze %gather3A_495 : memref<1x128x64xf32, #tpu.memory_space<vmem>> -> memref<128x64xf32, #tpu.memory_space<vmem>>
        %gather3A_497 = tpu.vector_load_idx %gather3A_496[%add3A_492, %add3A_423] : memref<128x64xf32, #tpu.memory_space<vmem>>[vector<16xi32>, vector<16xi32>], vector<16xf32>,
        %scatter3A_498 = arith.constant 0 : i32
        %scatter3A_499 = arith.constant 0 : i32
        %scatter3A_500 = arith.constant 0 : i32
        %scatter3A_501 = tpu.memref_slice %arg7[%scan3A_374, %scatter3A_498, %scatter3A_499, %scatter3A_500] : memref<4x8x8x128xf32, #tpu.memory_space<vmem>> -> memref<1x8x8x128xf32, #tpu.memory_space<vmem>>
        %scatter3A_502 = tpu.memref_squeeze %scatter3A_501 : memref<1x8x8x128xf32, #tpu.memory_space<vmem>> -> memref<8x8x128xf32, #tpu.memory_space<vmem>>
        tpu.vector_store_idx %scatter3A_502[%add3A_426, %and3A_420, %add3A_492], %gather3A_497 : memref<8x8x128xf32, #tpu.memory_space<vmem>>[vector<16xi32>, vector<16xi32>, vector<16xi32>], vector<16xf32>,
        %add3A_503 = arith.constant 96 : i32
        %add3A_504 = vector.broadcast %add3A_503 : i32 to vector<16xi32>
        %add3A_505 = arith.addi %iota3A, %add3A_504 : vector<16xi32>
        %gather3A_506 = arith.constant 0 : i32
        %gather3A_507 = arith.constant 0 : i32
        %gather3A_508 = tpu.memref_slice %arg6[%scan3A_373, %gather3A_506, %gather3A_507] : memref<4x128x64xf32, #tpu.memory_space<vmem>> -> memref<1x128x64xf32, #tpu.memory_space<vmem>>
        %gather3A_509 = tpu.memref_squeeze %gather3A_508 : memref<1x128x64xf32, #tpu.memory_space<vmem>> -> memref<128x64xf32, #tpu.memory_space<vmem>>
        %gather3A_510 = tpu.vector_load_idx %gather3A_509[%add3A_505, %add3A_423] : memref<128x64xf32, #tpu.memory_space<vmem>>[vector<16xi32>, vector<16xi32>], vector<16xf32>,
        %scatter3A_511 = arith.constant 0 : i32
        %scatter3A_512 = arith.constant 0 : i32
        %scatter3A_513 = arith.constant 0 : i32
        %scatter3A_514 = tpu.memref_slice %arg7[%scan3A_374, %scatter3A_511, %scatter3A_512, %scatter3A_513] : memref<4x8x8x128xf32, #tpu.memory_space<vmem>> -> memref<1x8x8x128xf32, #tpu.memory_space<vmem>>
        %scatter3A_515 = tpu.memref_squeeze %scatter3A_514 : memref<1x8x8x128xf32, #tpu.memory_space<vmem>> -> memref<8x8x128xf32, #tpu.memory_space<vmem>>
        tpu.vector_store_idx %scatter3A_515[%add3A_426, %and3A_420, %add3A_505], %gather3A_510 : memref<8x8x128xf32, #tpu.memory_space<vmem>>[vector<16xi32>, vector<16xi32>, vector<16xi32>], vector<16xf32>,
        %add3A_516 = arith.constant 112 : i32
        %add3A_517 = vector.broadcast %add3A_516 : i32 to vector<16xi32>
        %add3A_518 = arith.addi %iota3A, %add3A_517 : vector<16xi32>
        %gather3A_519 = arith.constant 0 : i32
        %gather3A_520 = arith.constant 0 : i32
        %gather3A_521 = tpu.memref_slice %arg6[%scan3A_373, %gather3A_519, %gather3A_520] : memref<4x128x64xf32, #tpu.memory_space<vmem>> -> memref<1x128x64xf32, #tpu.memory_space<vmem>>
        %gather3A_522 = tpu.memref_squeeze %gather3A_521 : memref<1x128x64xf32, #tpu.memory_space<vmem>> -> memref<128x64xf32, #tpu.memory_space<vmem>>
        %gather3A_523 = tpu.vector_load_idx %gather3A_522[%add3A_518, %add3A_423] : memref<128x64xf32, #tpu.memory_space<vmem>>[vector<16xi32>, vector<16xi32>], vector<16xf32>,
        %scatter3A_524 = arith.constant 0 : i32
        %scatter3A_525 = arith.constant 0 : i32
        %scatter3A_526 = arith.constant 0 : i32
        %scatter3A_527 = tpu.memref_slice %arg7[%scan3A_374, %scatter3A_524, %scatter3A_525, %scatter3A_526] : memref<4x8x8x128xf32, #tpu.memory_space<vmem>> -> memref<1x8x8x128xf32, #tpu.memory_space<vmem>>
        %scatter3A_528 = tpu.memref_squeeze %scatter3A_527 : memref<1x8x8x128xf32, #tpu.memory_space<vmem>> -> memref<8x8x128xf32, #tpu.memory_space<vmem>>
        tpu.vector_store_idx %scatter3A_528[%add3A_426, %and3A_420, %add3A_518], %gather3A_523 : memref<8x8x128xf32, #tpu.memory_space<vmem>>[vector<16xi32>, vector<16xi32>, vector<16xi32>], vector<16xf32>,
        %add3A_529 = arith.constant 16 : i32
        %add3A_530 = vector.broadcast %add3A_529 : i32 to vector<16xi32>
        %add3A_531 = arith.addi %and3A_415, %add3A_530 : vector<16xi32>
        %add3A_532 = arith.constant 2 : i32
        %add3A_533 = vector.broadcast %add3A_532 : i32 to vector<16xi32>
        %add3A_534 = arith.addi %shift_right_arithmetic3A_417, %add3A_533 : vector<16xi32>
        %add3A_535 = arith.constant 0 : i32
        %add3A_536 = vector.broadcast %add3A_535 : i32 to vector<16xi32>
        %add3A_537 = arith.addi %iota3A, %add3A_536 : vector<16xi32>
        %gather3A_538 = arith.constant 0 : i32
        %gather3A_539 = arith.constant 0 : i32
        %gather3A_540 = tpu.memref_slice %arg6[%scan3A_373, %gather3A_538, %gather3A_539] : memref<4x128x64xf32, #tpu.memory_space<vmem>> -> memref<1x128x64xf32, #tpu.memory_space<vmem>>
        %gather3A_541 = tpu.memref_squeeze %gather3A_540 : memref<1x128x64xf32, #tpu.memory_space<vmem>> -> memref<128x64xf32, #tpu.memory_space<vmem>>
        %gather3A_542 = tpu.vector_load_idx %gather3A_541[%add3A_537, %add3A_531] : memref<128x64xf32, #tpu.memory_space<vmem>>[vector<16xi32>, vector<16xi32>], vector<16xf32>,
        %scatter3A_543 = arith.constant 0 : i32
        %scatter3A_544 = arith.constant 0 : i32
        %scatter3A_545 = arith.constant 0 : i32
        %scatter3A_546 = tpu.memref_slice %arg7[%scan3A_374, %scatter3A_543, %scatter3A_544, %scatter3A_545] : memref<4x8x8x128xf32, #tpu.memory_space<vmem>> -> memref<1x8x8x128xf32, #tpu.memory_space<vmem>>
        %scatter3A_547 = tpu.memref_squeeze %scatter3A_546 : memref<1x8x8x128xf32, #tpu.memory_space<vmem>> -> memref<8x8x128xf32, #tpu.memory_space<vmem>>
        tpu.vector_store_idx %scatter3A_547[%add3A_534, %and3A_420, %add3A_537], %gather3A_542 : memref<8x8x128xf32, #tpu.memory_space<vmem>>[vector<16xi32>, vector<16xi32>, vector<16xi32>], vector<16xf32>,
        %add3A_548 = arith.constant 16 : i32
        %add3A_549 = vector.broadcast %add3A_548 : i32 to vector<16xi32>
        %add3A_550 = arith.addi %iota3A, %add3A_549 : vector<16xi32>
        %gather3A_551 = arith.constant 0 : i32
        %gather3A_552 = arith.constant 0 : i32
        %gather3A_553 = tpu.memref_slice %arg6[%scan3A_373, %gather3A_551, %gather3A_552] : memref<4x128x64xf32, #tpu.memory_space<vmem>> -> memref<1x128x64xf32, #tpu.memory_space<vmem>>
        %gather3A_554 = tpu.memref_squeeze %gather3A_553 : memref<1x128x64xf32, #tpu.memory_space<vmem>> -> memref<128x64xf32, #tpu.memory_space<vmem>>
        %gather3A_555 = tpu.vector_load_idx %gather3A_554[%add3A_550, %add3A_531] : memref<128x64xf32, #tpu.memory_space<vmem>>[vector<16xi32>, vector<16xi32>], vector<16xf32>,
        %scatter3A_556 = arith.constant 0 : i32
        %scatter3A_557 = arith.constant 0 : i32
        %scatter3A_558 = arith.constant 0 : i32
        %scatter3A_559 = tpu.memref_slice %arg7[%scan3A_374, %scatter3A_556, %scatter3A_557, %scatter3A_558] : memref<4x8x8x128xf32, #tpu.memory_space<vmem>> -> memref<1x8x8x128xf32, #tpu.memory_space<vmem>>
        %scatter3A_560 = tpu.memref_squeeze %scatter3A_559 : memref<1x8x8x128xf32, #tpu.memory_space<vmem>> -> memref<8x8x128xf32, #tpu.memory_space<vmem>>
        tpu.vector_store_idx %scatter3A_560[%add3A_534, %and3A_420, %add3A_550], %gather3A_555 : memref<8x8x128xf32, #tpu.memory_space<vmem>>[vector<16xi32>, vector<16xi32>, vector<16xi32>], vector<16xf32>,
        %add3A_561 = arith.constant 32 : i32
        %add3A_562 = vector.broadcast %add3A_561 : i32 to vector<16xi32>
        %add3A_563 = arith.addi %iota3A, %add3A_562 : vector<16xi32>
        %gather3A_564 = arith.constant 0 : i32
        %gather3A_565 = arith.constant 0 : i32
        %gather3A_566 = tpu.memref_slice %arg6[%scan3A_373, %gather3A_564, %gather3A_565] : memref<4x128x64xf32, #tpu.memory_space<vmem>> -> memref<1x128x64xf32, #tpu.memory_space<vmem>>
        %gather3A_567 = tpu.memref_squeeze %gather3A_566 : memref<1x128x64xf32, #tpu.memory_space<vmem>> -> memref<128x64xf32, #tpu.memory_space<vmem>>
        %gather3A_568 = tpu.vector_load_idx %gather3A_567[%add3A_563, %add3A_531] : memref<128x64xf32, #tpu.memory_space<vmem>>[vector<16xi32>, vector<16xi32>], vector<16xf32>,
        %scatter3A_569 = arith.constant 0 : i32
        %scatter3A_570 = arith.constant 0 : i32
        %scatter3A_571 = arith.constant 0 : i32
        %scatter3A_572 = tpu.memref_slice %arg7[%scan3A_374, %scatter3A_569, %scatter3A_570, %scatter3A_571] : memref<4x8x8x128xf32, #tpu.memory_space<vmem>> -> memref<1x8x8x128xf32, #tpu.memory_space<vmem>>
        %scatter3A_573 = tpu.memref_squeeze %scatter3A_572 : memref<1x8x8x128xf32, #tpu.memory_space<vmem>> -> memref<8x8x128xf32, #tpu.memory_space<vmem>>
        tpu.vector_store_idx %scatter3A_573[%add3A_534, %and3A_420, %add3A_563], %gather3A_568 : memref<8x8x128xf32, #tpu.memory_space<vmem>>[vector<16xi32>, vector<16xi32>, vector<16xi32>], vector<16xf32>,
        %add3A_574 = arith.constant 48 : i32
        %add3A_575 = vector.broadcast %add3A_574 : i32 to vector<16xi32>
        %add3A_576 = arith.addi %iota3A, %add3A_575 : vector<16xi32>
        %gather3A_577 = arith.constant 0 : i32
        %gather3A_578 = arith.constant 0 : i32
        %gather3A_579 = tpu.memref_slice %arg6[%scan3A_373, %gather3A_577, %gather3A_578] : memref<4x128x64xf32, #tpu.memory_space<vmem>> -> memref<1x128x64xf32, #tpu.memory_space<vmem>>
        %gather3A_580 = tpu.memref_squeeze %gather3A_579 : memref<1x128x64xf32, #tpu.memory_space<vmem>> -> memref<128x64xf32, #tpu.memory_space<vmem>>
        %gather3A_581 = tpu.vector_load_idx %gather3A_580[%add3A_576, %add3A_531] : memref<128x64xf32, #tpu.memory_space<vmem>>[vector<16xi32>, vector<16xi32>], vector<16xf32>,
        %scatter3A_582 = arith.constant 0 : i32
        %scatter3A_583 = arith.constant 0 : i32
        %scatter3A_584 = arith.constant 0 : i32
        %scatter3A_585 = tpu.memref_slice %arg7[%scan3A_374, %scatter3A_582, %scatter3A_583, %scatter3A_584] : memref<4x8x8x128xf32, #tpu.memory_space<vmem>> -> memref<1x8x8x128xf32, #tpu.memory_space<vmem>>
        %scatter3A_586 = tpu.memref_squeeze %scatter3A_585 : memref<1x8x8x128xf32, #tpu.memory_space<vmem>> -> memref<8x8x128xf32, #tpu.memory_space<vmem>>
        tpu.vector_store_idx %scatter3A_586[%add3A_534, %and3A_420, %add3A_576], %gather3A_581 : memref<8x8x128xf32, #tpu.memory_space<vmem>>[vector<16xi32>, vector<16xi32>, vector<16xi32>], vector<16xf32>,
        %add3A_587 = arith.constant 64 : i32
        %add3A_588 = vector.broadcast %add3A_587 : i32 to vector<16xi32>
        %add3A_589 = arith.addi %iota3A, %add3A_588 : vector<16xi32>
        %gather3A_590 = arith.constant 0 : i32
        %gather3A_591 = arith.constant 0 : i32
        %gather3A_592 = tpu.memref_slice %arg6[%scan3A_373, %gather3A_590, %gather3A_591] : memref<4x128x64xf32, #tpu.memory_space<vmem>> -> memref<1x128x64xf32, #tpu.memory_space<vmem>>
        %gather3A_593 = tpu.memref_squeeze %gather3A_592 : memref<1x128x64xf32, #tpu.memory_space<vmem>> -> memref<128x64xf32, #tpu.memory_space<vmem>>
        %gather3A_594 = tpu.vector_load_idx %gather3A_593[%add3A_589, %add3A_531] : memref<128x64xf32, #tpu.memory_space<vmem>>[vector<16xi32>, vector<16xi32>], vector<16xf32>,
        %scatter3A_595 = arith.constant 0 : i32
        %scatter3A_596 = arith.constant 0 : i32
        %scatter3A_597 = arith.constant 0 : i32
        %scatter3A_598 = tpu.memref_slice %arg7[%scan3A_374, %scatter3A_595, %scatter3A_596, %scatter3A_597] : memref<4x8x8x128xf32, #tpu.memory_space<vmem>> -> memref<1x8x8x128xf32, #tpu.memory_space<vmem>>
        %scatter3A_599 = tpu.memref_squeeze %scatter3A_598 : memref<1x8x8x128xf32, #tpu.memory_space<vmem>> -> memref<8x8x128xf32, #tpu.memory_space<vmem>>
        tpu.vector_store_idx %scatter3A_599[%add3A_534, %and3A_420, %add3A_589], %gather3A_594 : memref<8x8x128xf32, #tpu.memory_space<vmem>>[vector<16xi32>, vector<16xi32>, vector<16xi32>], vector<16xf32>,
        %add3A_600 = arith.constant 80 : i32
        %add3A_601 = vector.broadcast %add3A_600 : i32 to vector<16xi32>
        %add3A_602 = arith.addi %iota3A, %add3A_601 : vector<16xi32>
        %gather3A_603 = arith.constant 0 : i32
        %gather3A_604 = arith.constant 0 : i32
        %gather3A_605 = tpu.memref_slice %arg6[%scan3A_373, %gather3A_603, %gather3A_604] : memref<4x128x64xf32, #tpu.memory_space<vmem>> -> memref<1x128x64xf32, #tpu.memory_space<vmem>>
        %gather3A_606 = tpu.memref_squeeze %gather3A_605 : memref<1x128x64xf32, #tpu.memory_space<vmem>> -> memref<128x64xf32, #tpu.memory_space<vmem>>
        %gather3A_607 = tpu.vector_load_idx %gather3A_606[%add3A_602, %add3A_531] : memref<128x64xf32, #tpu.memory_space<vmem>>[vector<16xi32>, vector<16xi32>], vector<16xf32>,
        %scatter3A_608 = arith.constant 0 : i32
        %scatter3A_609 = arith.constant 0 : i32
        %scatter3A_610 = arith.constant 0 : i32
        %scatter3A_611 = tpu.memref_slice %arg7[%scan3A_374, %scatter3A_608, %scatter3A_609, %scatter3A_610] : memref<4x8x8x128xf32, #tpu.memory_space<vmem>> -> memref<1x8x8x128xf32, #tpu.memory_space<vmem>>
        %scatter3A_612 = tpu.memref_squeeze %scatter3A_611 : memref<1x8x8x128xf32, #tpu.memory_space<vmem>> -> memref<8x8x128xf32, #tpu.memory_space<vmem>>
        tpu.vector_store_idx %scatter3A_612[%add3A_534, %and3A_420, %add3A_602], %gather3A_607 : memref<8x8x128xf32, #tpu.memory_space<vmem>>[vector<16xi32>, vector<16xi32>, vector<16xi32>], vector<16xf32>,
        %add3A_613 = arith.constant 96 : i32
        %add3A_614 = vector.broadcast %add3A_613 : i32 to vector<16xi32>
        %add3A_615 = arith.addi %iota3A, %add3A_614 : vector<16xi32>
        %gather3A_616 = arith.constant 0 : i32
        %gather3A_617 = arith.constant 0 : i32
        %gather3A_618 = tpu.memref_slice %arg6[%scan3A_373, %gather3A_616, %gather3A_617] : memref<4x128x64xf32, #tpu.memory_space<vmem>> -> memref<1x128x64xf32, #tpu.memory_space<vmem>>
        %gather3A_619 = tpu.memref_squeeze %gather3A_618 : memref<1x128x64xf32, #tpu.memory_space<vmem>> -> memref<128x64xf32, #tpu.memory_space<vmem>>
        %gather3A_620 = tpu.vector_load_idx %gather3A_619[%add3A_615, %add3A_531] : memref<128x64xf32, #tpu.memory_space<vmem>>[vector<16xi32>, vector<16xi32>], vector<16xf32>,
        %scatter3A_621 = arith.constant 0 : i32
        %scatter3A_622 = arith.constant 0 : i32
        %scatter3A_623 = arith.constant 0 : i32
        %scatter3A_624 = tpu.memref_slice %arg7[%scan3A_374, %scatter3A_621, %scatter3A_622, %scatter3A_623] : memref<4x8x8x128xf32, #tpu.memory_space<vmem>> -> memref<1x8x8x128xf32, #tpu.memory_space<vmem>>
        %scatter3A_625 = tpu.memref_squeeze %scatter3A_624 : memref<1x8x8x128xf32, #tpu.memory_space<vmem>> -> memref<8x8x128xf32, #tpu.memory_space<vmem>>
        tpu.vector_store_idx %scatter3A_625[%add3A_534, %and3A_420, %add3A_615], %gather3A_620 : memref<8x8x128xf32, #tpu.memory_space<vmem>>[vector<16xi32>, vector<16xi32>, vector<16xi32>], vector<16xf32>,
        %add3A_626 = arith.constant 112 : i32
        %add3A_627 = vector.broadcast %add3A_626 : i32 to vector<16xi32>
        %add3A_628 = arith.addi %iota3A, %add3A_627 : vector<16xi32>
        %gather3A_629 = arith.constant 0 : i32
        %gather3A_630 = arith.constant 0 : i32
        %gather3A_631 = tpu.memref_slice %arg6[%scan3A_373, %gather3A_629, %gather3A_630] : memref<4x128x64xf32, #tpu.memory_space<vmem>> -> memref<1x128x64xf32, #tpu.memory_space<vmem>>
        %gather3A_632 = tpu.memref_squeeze %gather3A_631 : memref<1x128x64xf32, #tpu.memory_space<vmem>> -> memref<128x64xf32, #tpu.memory_space<vmem>>
        %gather3A_633 = tpu.vector_load_idx %gather3A_632[%add3A_628, %add3A_531] : memref<128x64xf32, #tpu.memory_space<vmem>>[vector<16xi32>, vector<16xi32>], vector<16xf32>,
        %scatter3A_634 = arith.constant 0 : i32
        %scatter3A_635 = arith.constant 0 : i32
        %scatter3A_636 = arith.constant 0 : i32
        %scatter3A_637 = tpu.memref_slice %arg7[%scan3A_374, %scatter3A_634, %scatter3A_635, %scatter3A_636] : memref<4x8x8x128xf32, #tpu.memory_space<vmem>> -> memref<1x8x8x128xf32, #tpu.memory_space<vmem>>
        %scatter3A_638 = tpu.memref_squeeze %scatter3A_637 : memref<1x8x8x128xf32, #tpu.memory_space<vmem>> -> memref<8x8x128xf32, #tpu.memory_space<vmem>>
        tpu.vector_store_idx %scatter3A_638[%add3A_534, %and3A_420, %add3A_628], %gather3A_633 : memref<8x8x128xf32, #tpu.memory_space<vmem>>[vector<16xi32>, vector<16xi32>, vector<16xi32>], vector<16xf32>,
        %add3A_639 = arith.constant 32 : i32
        %add3A_640 = vector.broadcast %add3A_639 : i32 to vector<16xi32>
        %add3A_641 = arith.addi %and3A_415, %add3A_640 : vector<16xi32>
        %add3A_642 = arith.constant 4 : i32
        %add3A_643 = vector.broadcast %add3A_642 : i32 to vector<16xi32>
        %add3A_644 = arith.addi %shift_right_arithmetic3A_417, %add3A_643 : vector<16xi32>
        %add3A_645 = arith.constant 0 : i32
        %add3A_646 = vector.broadcast %add3A_645 : i32 to vector<16xi32>
        %add3A_647 = arith.addi %iota3A, %add3A_646 : vector<16xi32>
        %gather3A_648 = arith.constant 0 : i32
        %gather3A_649 = arith.constant 0 : i32
        %gather3A_650 = tpu.memref_slice %arg6[%scan3A_373, %gather3A_648, %gather3A_649] : memref<4x128x64xf32, #tpu.memory_space<vmem>> -> memref<1x128x64xf32, #tpu.memory_space<vmem>>
        %gather3A_651 = tpu.memref_squeeze %gather3A_650 : memref<1x128x64xf32, #tpu.memory_space<vmem>> -> memref<128x64xf32, #tpu.memory_space<vmem>>
        %gather3A_652 = tpu.vector_load_idx %gather3A_651[%add3A_647, %add3A_641] : memref<128x64xf32, #tpu.memory_space<vmem>>[vector<16xi32>, vector<16xi32>], vector<16xf32>,
        %scatter3A_653 = arith.constant 0 : i32
        %scatter3A_654 = arith.constant 0 : i32
        %scatter3A_655 = arith.constant 0 : i32
        %scatter3A_656 = tpu.memref_slice %arg7[%scan3A_374, %scatter3A_653, %scatter3A_654, %scatter3A_655] : memref<4x8x8x128xf32, #tpu.memory_space<vmem>> -> memref<1x8x8x128xf32, #tpu.memory_space<vmem>>
        %scatter3A_657 = tpu.memref_squeeze %scatter3A_656 : memref<1x8x8x128xf32, #tpu.memory_space<vmem>> -> memref<8x8x128xf32, #tpu.memory_space<vmem>>
        tpu.vector_store_idx %scatter3A_657[%add3A_644, %and3A_420, %add3A_647], %gather3A_652 : memref<8x8x128xf32, #tpu.memory_space<vmem>>[vector<16xi32>, vector<16xi32>, vector<16xi32>], vector<16xf32>,
        %add3A_658 = arith.constant 16 : i32
        %add3A_659 = vector.broadcast %add3A_658 : i32 to vector<16xi32>
        %add3A_660 = arith.addi %iota3A, %add3A_659 : vector<16xi32>
        %gather3A_661 = arith.constant 0 : i32
        %gather3A_662 = arith.constant 0 : i32
        %gather3A_663 = tpu.memref_slice %arg6[%scan3A_373, %gather3A_661, %gather3A_662] : memref<4x128x64xf32, #tpu.memory_space<vmem>> -> memref<1x128x64xf32, #tpu.memory_space<vmem>>
        %gather3A_664 = tpu.memref_squeeze %gather3A_663 : memref<1x128x64xf32, #tpu.memory_space<vmem>> -> memref<128x64xf32, #tpu.memory_space<vmem>>
        %gather3A_665 = tpu.vector_load_idx %gather3A_664[%add3A_660, %add3A_641] : memref<128x64xf32, #tpu.memory_space<vmem>>[vector<16xi32>, vector<16xi32>], vector<16xf32>,
        %scatter3A_666 = arith.constant 0 : i32
        %scatter3A_667 = arith.constant 0 : i32
        %scatter3A_668 = arith.constant 0 : i32
        %scatter3A_669 = tpu.memref_slice %arg7[%scan3A_374, %scatter3A_666, %scatter3A_667, %scatter3A_668] : memref<4x8x8x128xf32, #tpu.memory_space<vmem>> -> memref<1x8x8x128xf32, #tpu.memory_space<vmem>>
        %scatter3A_670 = tpu.memref_squeeze %scatter3A_669 : memref<1x8x8x128xf32, #tpu.memory_space<vmem>> -> memref<8x8x128xf32, #tpu.memory_space<vmem>>
        tpu.vector_store_idx %scatter3A_670[%add3A_644, %and3A_420, %add3A_660], %gather3A_665 : memref<8x8x128xf32, #tpu.memory_space<vmem>>[vector<16xi32>, vector<16xi32>, vector<16xi32>], vector<16xf32>,
        %add3A_671 = arith.constant 32 : i32
        %add3A_672 = vector.broadcast %add3A_671 : i32 to vector<16xi32>
        %add3A_673 = arith.addi %iota3A, %add3A_672 : vector<16xi32>
        %gather3A_674 = arith.constant 0 : i32
        %gather3A_675 = arith.constant 0 : i32
        %gather3A_676 = tpu.memref_slice %arg6[%scan3A_373, %gather3A_674, %gather3A_675] : memref<4x128x64xf32, #tpu.memory_space<vmem>> -> memref<1x128x64xf32, #tpu.memory_space<vmem>>
        %gather3A_677 = tpu.memref_squeeze %gather3A_676 : memref<1x128x64xf32, #tpu.memory_space<vmem>> -> memref<128x64xf32, #tpu.memory_space<vmem>>
        %gather3A_678 = tpu.vector_load_idx %gather3A_677[%add3A_673, %add3A_641] : memref<128x64xf32, #tpu.memory_space<vmem>>[vector<16xi32>, vector<16xi32>], vector<16xf32>,
        %scatter3A_679 = arith.constant 0 : i32
        %scatter3A_680 = arith.constant 0 : i32
        %scatter3A_681 = arith.constant 0 : i32
        %scatter3A_682 = tpu.memref_slice %arg7[%scan3A_374, %scatter3A_679, %scatter3A_680, %scatter3A_681] : memref<4x8x8x128xf32, #tpu.memory_space<vmem>> -> memref<1x8x8x128xf32, #tpu.memory_space<vmem>>
        %scatter3A_683 = tpu.memref_squeeze %scatter3A_682 : memref<1x8x8x128xf32, #tpu.memory_space<vmem>> -> memref<8x8x128xf32, #tpu.memory_space<vmem>>
        tpu.vector_store_idx %scatter3A_683[%add3A_644, %and3A_420, %add3A_673], %gather3A_678 : memref<8x8x128xf32, #tpu.memory_space<vmem>>[vector<16xi32>, vector<16xi32>, vector<16xi32>], vector<16xf32>,
        %add3A_684 = arith.constant 48 : i32
        %add3A_685 = vector.broadcast %add3A_684 : i32 to vector<16xi32>
        %add3A_686 = arith.addi %iota3A, %add3A_685 : vector<16xi32>
        %gather3A_687 = arith.constant 0 : i32
        %gather3A_688 = arith.constant 0 : i32
        %gather3A_689 = tpu.memref_slice %arg6[%scan3A_373, %gather3A_687, %gather3A_688] : memref<4x128x64xf32, #tpu.memory_space<vmem>> -> memref<1x128x64xf32, #tpu.memory_space<vmem>>
        %gather3A_690 = tpu.memref_squeeze %gather3A_689 : memref<1x128x64xf32, #tpu.memory_space<vmem>> -> memref<128x64xf32, #tpu.memory_space<vmem>>
        %gather3A_691 = tpu.vector_load_idx %gather3A_690[%add3A_686, %add3A_641] : memref<128x64xf32, #tpu.memory_space<vmem>>[vector<16xi32>, vector<16xi32>], vector<16xf32>,
        %scatter3A_692 = arith.constant 0 : i32
        %scatter3A_693 = arith.constant 0 : i32
        %scatter3A_694 = arith.constant 0 : i32
        %scatter3A_695 = tpu.memref_slice %arg7[%scan3A_374, %scatter3A_692, %scatter3A_693, %scatter3A_694] : memref<4x8x8x128xf32, #tpu.memory_space<vmem>> -> memref<1x8x8x128xf32, #tpu.memory_space<vmem>>
        %scatter3A_696 = tpu.memref_squeeze %scatter3A_695 : memref<1x8x8x128xf32, #tpu.memory_space<vmem>> -> memref<8x8x128xf32, #tpu.memory_space<vmem>>
        tpu.vector_store_idx %scatter3A_696[%add3A_644, %and3A_420, %add3A_686], %gather3A_691 : memref<8x8x128xf32, #tpu.memory_space<vmem>>[vector<16xi32>, vector<16xi32>, vector<16xi32>], vector<16xf32>,
        %add3A_697 = arith.constant 64 : i32
        %add3A_698 = vector.broadcast %add3A_697 : i32 to vector<16xi32>
        %add3A_699 = arith.addi %iota3A, %add3A_698 : vector<16xi32>
        %gather3A_700 = arith.constant 0 : i32
        %gather3A_701 = arith.constant 0 : i32
        %gather3A_702 = tpu.memref_slice %arg6[%scan3A_373, %gather3A_700, %gather3A_701] : memref<4x128x64xf32, #tpu.memory_space<vmem>> -> memref<1x128x64xf32, #tpu.memory_space<vmem>>
        %gather3A_703 = tpu.memref_squeeze %gather3A_702 : memref<1x128x64xf32, #tpu.memory_space<vmem>> -> memref<128x64xf32, #tpu.memory_space<vmem>>
        %gather3A_704 = tpu.vector_load_idx %gather3A_703[%add3A_699, %add3A_641] : memref<128x64xf32, #tpu.memory_space<vmem>>[vector<16xi32>, vector<16xi32>], vector<16xf32>,
        %scatter3A_705 = arith.constant 0 : i32
        %scatter3A_706 = arith.constant 0 : i32
        %scatter3A_707 = arith.constant 0 : i32
        %scatter3A_708 = tpu.memref_slice %arg7[%scan3A_374, %scatter3A_705, %scatter3A_706, %scatter3A_707] : memref<4x8x8x128xf32, #tpu.memory_space<vmem>> -> memref<1x8x8x128xf32, #tpu.memory_space<vmem>>
        %scatter3A_709 = tpu.memref_squeeze %scatter3A_708 : memref<1x8x8x128xf32, #tpu.memory_space<vmem>> -> memref<8x8x128xf32, #tpu.memory_space<vmem>>
        tpu.vector_store_idx %scatter3A_709[%add3A_644, %and3A_420, %add3A_699], %gather3A_704 : memref<8x8x128xf32, #tpu.memory_space<vmem>>[vector<16xi32>, vector<16xi32>, vector<16xi32>], vector<16xf32>,
        %add3A_710 = arith.constant 80 : i32
        %add3A_711 = vector.broadcast %add3A_710 : i32 to vector<16xi32>
        %add3A_712 = arith.addi %iota3A, %add3A_711 : vector<16xi32>
        %gather3A_713 = arith.constant 0 : i32
        %gather3A_714 = arith.constant 0 : i32
        %gather3A_715 = tpu.memref_slice %arg6[%scan3A_373, %gather3A_713, %gather3A_714] : memref<4x128x64xf32, #tpu.memory_space<vmem>> -> memref<1x128x64xf32, #tpu.memory_space<vmem>>
        %gather3A_716 = tpu.memref_squeeze %gather3A_715 : memref<1x128x64xf32, #tpu.memory_space<vmem>> -> memref<128x64xf32, #tpu.memory_space<vmem>>
        %gather3A_717 = tpu.vector_load_idx %gather3A_716[%add3A_712, %add3A_641] : memref<128x64xf32, #tpu.memory_space<vmem>>[vector<16xi32>, vector<16xi32>], vector<16xf32>,
        %scatter3A_718 = arith.constant 0 : i32
        %scatter3A_719 = arith.constant 0 : i32
        %scatter3A_720 = arith.constant 0 : i32
        %scatter3A_721 = tpu.memref_slice %arg7[%scan3A_374, %scatter3A_718, %scatter3A_719, %scatter3A_720] : memref<4x8x8x128xf32, #tpu.memory_space<vmem>> -> memref<1x8x8x128xf32, #tpu.memory_space<vmem>>
        %scatter3A_722 = tpu.memref_squeeze %scatter3A_721 : memref<1x8x8x128xf32, #tpu.memory_space<vmem>> -> memref<8x8x128xf32, #tpu.memory_space<vmem>>
        tpu.vector_store_idx %scatter3A_722[%add3A_644, %and3A_420, %add3A_712], %gather3A_717 : memref<8x8x128xf32, #tpu.memory_space<vmem>>[vector<16xi32>, vector<16xi32>, vector<16xi32>], vector<16xf32>,
        %add3A_723 = arith.constant 96 : i32
        %add3A_724 = vector.broadcast %add3A_723 : i32 to vector<16xi32>
        %add3A_725 = arith.addi %iota3A, %add3A_724 : vector<16xi32>
        %gather3A_726 = arith.constant 0 : i32
        %gather3A_727 = arith.constant 0 : i32
        %gather3A_728 = tpu.memref_slice %arg6[%scan3A_373, %gather3A_726, %gather3A_727] : memref<4x128x64xf32, #tpu.memory_space<vmem>> -> memref<1x128x64xf32, #tpu.memory_space<vmem>>
        %gather3A_729 = tpu.memref_squeeze %gather3A_728 : memref<1x128x64xf32, #tpu.memory_space<vmem>> -> memref<128x64xf32, #tpu.memory_space<vmem>>
        %gather3A_730 = tpu.vector_load_idx %gather3A_729[%add3A_725, %add3A_641] : memref<128x64xf32, #tpu.memory_space<vmem>>[vector<16xi32>, vector<16xi32>], vector<16xf32>,
        %scatter3A_731 = arith.constant 0 : i32
        %scatter3A_732 = arith.constant 0 : i32
        %scatter3A_733 = arith.constant 0 : i32
        %scatter3A_734 = tpu.memref_slice %arg7[%scan3A_374, %scatter3A_731, %scatter3A_732, %scatter3A_733] : memref<4x8x8x128xf32, #tpu.memory_space<vmem>> -> memref<1x8x8x128xf32, #tpu.memory_space<vmem>>
        %scatter3A_735 = tpu.memref_squeeze %scatter3A_734 : memref<1x8x8x128xf32, #tpu.memory_space<vmem>> -> memref<8x8x128xf32, #tpu.memory_space<vmem>>
        tpu.vector_store_idx %scatter3A_735[%add3A_644, %and3A_420, %add3A_725], %gather3A_730 : memref<8x8x128xf32, #tpu.memory_space<vmem>>[vector<16xi32>, vector<16xi32>, vector<16xi32>], vector<16xf32>,
        %add3A_736 = arith.constant 112 : i32
        %add3A_737 = vector.broadcast %add3A_736 : i32 to vector<16xi32>
        %add3A_738 = arith.addi %iota3A, %add3A_737 : vector<16xi32>
        %gather3A_739 = arith.constant 0 : i32
        %gather3A_740 = arith.constant 0 : i32
        %gather3A_741 = tpu.memref_slice %arg6[%scan3A_373, %gather3A_739, %gather3A_740] : memref<4x128x64xf32, #tpu.memory_space<vmem>> -> memref<1x128x64xf32, #tpu.memory_space<vmem>>
        %gather3A_742 = tpu.memref_squeeze %gather3A_741 : memref<1x128x64xf32, #tpu.memory_space<vmem>> -> memref<128x64xf32, #tpu.memory_space<vmem>>
        %gather3A_743 = tpu.vector_load_idx %gather3A_742[%add3A_738, %add3A_641] : memref<128x64xf32, #tpu.memory_space<vmem>>[vector<16xi32>, vector<16xi32>], vector<16xf32>,
        %scatter3A_744 = arith.constant 0 : i32
        %scatter3A_745 = arith.constant 0 : i32
        %scatter3A_746 = arith.constant 0 : i32
        %scatter3A_747 = tpu.memref_slice %arg7[%scan3A_374, %scatter3A_744, %scatter3A_745, %scatter3A_746] : memref<4x8x8x128xf32, #tpu.memory_space<vmem>> -> memref<1x8x8x128xf32, #tpu.memory_space<vmem>>
        %scatter3A_748 = tpu.memref_squeeze %scatter3A_747 : memref<1x8x8x128xf32, #tpu.memory_space<vmem>> -> memref<8x8x128xf32, #tpu.memory_space<vmem>>
        tpu.vector_store_idx %scatter3A_748[%add3A_644, %and3A_420, %add3A_738], %gather3A_743 : memref<8x8x128xf32, #tpu.memory_space<vmem>>[vector<16xi32>, vector<16xi32>, vector<16xi32>], vector<16xf32>,
        %add3A_749 = arith.constant 48 : i32
        %add3A_750 = vector.broadcast %add3A_749 : i32 to vector<16xi32>
        %add3A_751 = arith.addi %and3A_415, %add3A_750 : vector<16xi32>
        %add3A_752 = arith.constant 6 : i32
        %add3A_753 = vector.broadcast %add3A_752 : i32 to vector<16xi32>
        %add3A_754 = arith.addi %shift_right_arithmetic3A_417, %add3A_753 : vector<16xi32>
        %add3A_755 = arith.constant 0 : i32
        %add3A_756 = vector.broadcast %add3A_755 : i32 to vector<16xi32>
        %add3A_757 = arith.addi %iota3A, %add3A_756 : vector<16xi32>
        %gather3A_758 = arith.constant 0 : i32
        %gather3A_759 = arith.constant 0 : i32
        %gather3A_760 = tpu.memref_slice %arg6[%scan3A_373, %gather3A_758, %gather3A_759] : memref<4x128x64xf32, #tpu.memory_space<vmem>> -> memref<1x128x64xf32, #tpu.memory_space<vmem>>
        %gather3A_761 = tpu.memref_squeeze %gather3A_760 : memref<1x128x64xf32, #tpu.memory_space<vmem>> -> memref<128x64xf32, #tpu.memory_space<vmem>>
        %gather3A_762 = tpu.vector_load_idx %gather3A_761[%add3A_757, %add3A_751] : memref<128x64xf32, #tpu.memory_space<vmem>>[vector<16xi32>, vector<16xi32>], vector<16xf32>,
        %scatter3A_763 = arith.constant 0 : i32
        %scatter3A_764 = arith.constant 0 : i32
        %scatter3A_765 = arith.constant 0 : i32
        %scatter3A_766 = tpu.memref_slice %arg7[%scan3A_374, %scatter3A_763, %scatter3A_764, %scatter3A_765] : memref<4x8x8x128xf32, #tpu.memory_space<vmem>> -> memref<1x8x8x128xf32, #tpu.memory_space<vmem>>
        %scatter3A_767 = tpu.memref_squeeze %scatter3A_766 : memref<1x8x8x128xf32, #tpu.memory_space<vmem>> -> memref<8x8x128xf32, #tpu.memory_space<vmem>>
        tpu.vector_store_idx %scatter3A_767[%add3A_754, %and3A_420, %add3A_757], %gather3A_762 : memref<8x8x128xf32, #tpu.memory_space<vmem>>[vector<16xi32>, vector<16xi32>, vector<16xi32>], vector<16xf32>,
        %add3A_768 = arith.constant 16 : i32
        %add3A_769 = vector.broadcast %add3A_768 : i32 to vector<16xi32>
        %add3A_770 = arith.addi %iota3A, %add3A_769 : vector<16xi32>
        %gather3A_771 = arith.constant 0 : i32
        %gather3A_772 = arith.constant 0 : i32
        %gather3A_773 = tpu.memref_slice %arg6[%scan3A_373, %gather3A_771, %gather3A_772] : memref<4x128x64xf32, #tpu.memory_space<vmem>> -> memref<1x128x64xf32, #tpu.memory_space<vmem>>
        %gather3A_774 = tpu.memref_squeeze %gather3A_773 : memref<1x128x64xf32, #tpu.memory_space<vmem>> -> memref<128x64xf32, #tpu.memory_space<vmem>>
        %gather3A_775 = tpu.vector_load_idx %gather3A_774[%add3A_770, %add3A_751] : memref<128x64xf32, #tpu.memory_space<vmem>>[vector<16xi32>, vector<16xi32>], vector<16xf32>,
        %scatter3A_776 = arith.constant 0 : i32
        %scatter3A_777 = arith.constant 0 : i32
        %scatter3A_778 = arith.constant 0 : i32
        %scatter3A_779 = tpu.memref_slice %arg7[%scan3A_374, %scatter3A_776, %scatter3A_777, %scatter3A_778] : memref<4x8x8x128xf32, #tpu.memory_space<vmem>> -> memref<1x8x8x128xf32, #tpu.memory_space<vmem>>
        %scatter3A_780 = tpu.memref_squeeze %scatter3A_779 : memref<1x8x8x128xf32, #tpu.memory_space<vmem>> -> memref<8x8x128xf32, #tpu.memory_space<vmem>>
        tpu.vector_store_idx %scatter3A_780[%add3A_754, %and3A_420, %add3A_770], %gather3A_775 : memref<8x8x128xf32, #tpu.memory_space<vmem>>[vector<16xi32>, vector<16xi32>, vector<16xi32>], vector<16xf32>,
        %add3A_781 = arith.constant 32 : i32
        %add3A_782 = vector.broadcast %add3A_781 : i32 to vector<16xi32>
        %add3A_783 = arith.addi %iota3A, %add3A_782 : vector<16xi32>
        %gather3A_784 = arith.constant 0 : i32
        %gather3A_785 = arith.constant 0 : i32
        %gather3A_786 = tpu.memref_slice %arg6[%scan3A_373, %gather3A_784, %gather3A_785] : memref<4x128x64xf32, #tpu.memory_space<vmem>> -> memref<1x128x64xf32, #tpu.memory_space<vmem>>
        %gather3A_787 = tpu.memref_squeeze %gather3A_786 : memref<1x128x64xf32, #tpu.memory_space<vmem>> -> memref<128x64xf32, #tpu.memory_space<vmem>>
        %gather3A_788 = tpu.vector_load_idx %gather3A_787[%add3A_783, %add3A_751] : memref<128x64xf32, #tpu.memory_space<vmem>>[vector<16xi32>, vector<16xi32>], vector<16xf32>,
        %scatter3A_789 = arith.constant 0 : i32
        %scatter3A_790 = arith.constant 0 : i32
        %scatter3A_791 = arith.constant 0 : i32
        %scatter3A_792 = tpu.memref_slice %arg7[%scan3A_374, %scatter3A_789, %scatter3A_790, %scatter3A_791] : memref<4x8x8x128xf32, #tpu.memory_space<vmem>> -> memref<1x8x8x128xf32, #tpu.memory_space<vmem>>
        %scatter3A_793 = tpu.memref_squeeze %scatter3A_792 : memref<1x8x8x128xf32, #tpu.memory_space<vmem>> -> memref<8x8x128xf32, #tpu.memory_space<vmem>>
        tpu.vector_store_idx %scatter3A_793[%add3A_754, %and3A_420, %add3A_783], %gather3A_788 : memref<8x8x128xf32, #tpu.memory_space<vmem>>[vector<16xi32>, vector<16xi32>, vector<16xi32>], vector<16xf32>,
        %add3A_794 = arith.constant 48 : i32
        %add3A_795 = vector.broadcast %add3A_794 : i32 to vector<16xi32>
        %add3A_796 = arith.addi %iota3A, %add3A_795 : vector<16xi32>
        %gather3A_797 = arith.constant 0 : i32
        %gather3A_798 = arith.constant 0 : i32
        %gather3A_799 = tpu.memref_slice %arg6[%scan3A_373, %gather3A_797, %gather3A_798] : memref<4x128x64xf32, #tpu.memory_space<vmem>> -> memref<1x128x64xf32, #tpu.memory_space<vmem>>
        %gather3A_800 = tpu.memref_squeeze %gather3A_799 : memref<1x128x64xf32, #tpu.memory_space<vmem>> -> memref<128x64xf32, #tpu.memory_space<vmem>>
        %gather3A_801 = tpu.vector_load_idx %gather3A_800[%add3A_796, %add3A_751] : memref<128x64xf32, #tpu.memory_space<vmem>>[vector<16xi32>, vector<16xi32>], vector<16xf32>,
        %scatter3A_802 = arith.constant 0 : i32
        %scatter3A_803 = arith.constant 0 : i32
        %scatter3A_804 = arith.constant 0 : i32
        %scatter3A_805 = tpu.memref_slice %arg7[%scan3A_374, %scatter3A_802, %scatter3A_803, %scatter3A_804] : memref<4x8x8x128xf32, #tpu.memory_space<vmem>> -> memref<1x8x8x128xf32, #tpu.memory_space<vmem>>
        %scatter3A_806 = tpu.memref_squeeze %scatter3A_805 : memref<1x8x8x128xf32, #tpu.memory_space<vmem>> -> memref<8x8x128xf32, #tpu.memory_space<vmem>>
        tpu.vector_store_idx %scatter3A_806[%add3A_754, %and3A_420, %add3A_796], %gather3A_801 : memref<8x8x128xf32, #tpu.memory_space<vmem>>[vector<16xi32>, vector<16xi32>, vector<16xi32>], vector<16xf32>,
        %add3A_807 = arith.constant 64 : i32
        %add3A_808 = vector.broadcast %add3A_807 : i32 to vector<16xi32>
        %add3A_809 = arith.addi %iota3A, %add3A_808 : vector<16xi32>
        %gather3A_810 = arith.constant 0 : i32
        %gather3A_811 = arith.constant 0 : i32
        %gather3A_812 = tpu.memref_slice %arg6[%scan3A_373, %gather3A_810, %gather3A_811] : memref<4x128x64xf32, #tpu.memory_space<vmem>> -> memref<1x128x64xf32, #tpu.memory_space<vmem>>
        %gather3A_813 = tpu.memref_squeeze %gather3A_812 : memref<1x128x64xf32, #tpu.memory_space<vmem>> -> memref<128x64xf32, #tpu.memory_space<vmem>>
        %gather3A_814 = tpu.vector_load_idx %gather3A_813[%add3A_809, %add3A_751] : memref<128x64xf32, #tpu.memory_space<vmem>>[vector<16xi32>, vector<16xi32>], vector<16xf32>,
        %scatter3A_815 = arith.constant 0 : i32
        %scatter3A_816 = arith.constant 0 : i32
        %scatter3A_817 = arith.constant 0 : i32
        %scatter3A_818 = tpu.memref_slice %arg7[%scan3A_374, %scatter3A_815, %scatter3A_816, %scatter3A_817] : memref<4x8x8x128xf32, #tpu.memory_space<vmem>> -> memref<1x8x8x128xf32, #tpu.memory_space<vmem>>
        %scatter3A_819 = tpu.memref_squeeze %scatter3A_818 : memref<1x8x8x128xf32, #tpu.memory_space<vmem>> -> memref<8x8x128xf32, #tpu.memory_space<vmem>>
        tpu.vector_store_idx %scatter3A_819[%add3A_754, %and3A_420, %add3A_809], %gather3A_814 : memref<8x8x128xf32, #tpu.memory_space<vmem>>[vector<16xi32>, vector<16xi32>, vector<16xi32>], vector<16xf32>,
        %add3A_820 = arith.constant 80 : i32
        %add3A_821 = vector.broadcast %add3A_820 : i32 to vector<16xi32>
        %add3A_822 = arith.addi %iota3A, %add3A_821 : vector<16xi32>
        %gather3A_823 = arith.constant 0 : i32
        %gather3A_824 = arith.constant 0 : i32
        %gather3A_825 = tpu.memref_slice %arg6[%scan3A_373, %gather3A_823, %gather3A_824] : memref<4x128x64xf32, #tpu.memory_space<vmem>> -> memref<1x128x64xf32, #tpu.memory_space<vmem>>
        %gather3A_826 = tpu.memref_squeeze %gather3A_825 : memref<1x128x64xf32, #tpu.memory_space<vmem>> -> memref<128x64xf32, #tpu.memory_space<vmem>>
        %gather3A_827 = tpu.vector_load_idx %gather3A_826[%add3A_822, %add3A_751] : memref<128x64xf32, #tpu.memory_space<vmem>>[vector<16xi32>, vector<16xi32>], vector<16xf32>,
        %scatter3A_828 = arith.constant 0 : i32
        %scatter3A_829 = arith.constant 0 : i32
        %scatter3A_830 = arith.constant 0 : i32
        %scatter3A_831 = tpu.memref_slice %arg7[%scan3A_374, %scatter3A_828, %scatter3A_829, %scatter3A_830] : memref<4x8x8x128xf32, #tpu.memory_space<vmem>> -> memref<1x8x8x128xf32, #tpu.memory_space<vmem>>
        %scatter3A_832 = tpu.memref_squeeze %scatter3A_831 : memref<1x8x8x128xf32, #tpu.memory_space<vmem>> -> memref<8x8x128xf32, #tpu.memory_space<vmem>>
        tpu.vector_store_idx %scatter3A_832[%add3A_754, %and3A_420, %add3A_822], %gather3A_827 : memref<8x8x128xf32, #tpu.memory_space<vmem>>[vector<16xi32>, vector<16xi32>, vector<16xi32>], vector<16xf32>,
        %add3A_833 = arith.constant 96 : i32
        %add3A_834 = vector.broadcast %add3A_833 : i32 to vector<16xi32>
        %add3A_835 = arith.addi %iota3A, %add3A_834 : vector<16xi32>
        %gather3A_836 = arith.constant 0 : i32
        %gather3A_837 = arith.constant 0 : i32
        %gather3A_838 = tpu.memref_slice %arg6[%scan3A_373, %gather3A_836, %gather3A_837] : memref<4x128x64xf32, #tpu.memory_space<vmem>> -> memref<1x128x64xf32, #tpu.memory_space<vmem>>
        %gather3A_839 = tpu.memref_squeeze %gather3A_838 : memref<1x128x64xf32, #tpu.memory_space<vmem>> -> memref<128x64xf32, #tpu.memory_space<vmem>>
        %gather3A_840 = tpu.vector_load_idx %gather3A_839[%add3A_835, %add3A_751] : memref<128x64xf32, #tpu.memory_space<vmem>>[vector<16xi32>, vector<16xi32>], vector<16xf32>,
        %scatter3A_841 = arith.constant 0 : i32
        %scatter3A_842 = arith.constant 0 : i32
        %scatter3A_843 = arith.constant 0 : i32
        %scatter3A_844 = tpu.memref_slice %arg7[%scan3A_374, %scatter3A_841, %scatter3A_842, %scatter3A_843] : memref<4x8x8x128xf32, #tpu.memory_space<vmem>> -> memref<1x8x8x128xf32, #tpu.memory_space<vmem>>
        %scatter3A_845 = tpu.memref_squeeze %scatter3A_844 : memref<1x8x8x128xf32, #tpu.memory_space<vmem>> -> memref<8x8x128xf32, #tpu.memory_space<vmem>>
        tpu.vector_store_idx %scatter3A_845[%add3A_754, %and3A_420, %add3A_835], %gather3A_840 : memref<8x8x128xf32, #tpu.memory_space<vmem>>[vector<16xi32>, vector<16xi32>, vector<16xi32>], vector<16xf32>,
        %add3A_846 = arith.constant 112 : i32
        %add3A_847 = vector.broadcast %add3A_846 : i32 to vector<16xi32>
        %add3A_848 = arith.addi %iota3A, %add3A_847 : vector<16xi32>
        %gather3A_849 = arith.constant 0 : i32
        %gather3A_850 = arith.constant 0 : i32
        %gather3A_851 = tpu.memref_slice %arg6[%scan3A_373, %gather3A_849, %gather3A_850] : memref<4x128x64xf32, #tpu.memory_space<vmem>> -> memref<1x128x64xf32, #tpu.memory_space<vmem>>
        %gather3A_852 = tpu.memref_squeeze %gather3A_851 : memref<1x128x64xf32, #tpu.memory_space<vmem>> -> memref<128x64xf32, #tpu.memory_space<vmem>>
        %gather3A_853 = tpu.vector_load_idx %gather3A_852[%add3A_848, %add3A_751] : memref<128x64xf32, #tpu.memory_space<vmem>>[vector<16xi32>, vector<16xi32>], vector<16xf32>,
        %scatter3A_854 = arith.constant 0 : i32
        %scatter3A_855 = arith.constant 0 : i32
        %scatter3A_856 = arith.constant 0 : i32
        %scatter3A_857 = tpu.memref_slice %arg7[%scan3A_374, %scatter3A_854, %scatter3A_855, %scatter3A_856] : memref<4x8x8x128xf32, #tpu.memory_space<vmem>> -> memref<1x8x8x128xf32, #tpu.memory_space<vmem>>
        %scatter3A_858 = tpu.memref_squeeze %scatter3A_857 : memref<1x8x8x128xf32, #tpu.memory_space<vmem>> -> memref<8x8x128xf32, #tpu.memory_space<vmem>>
        tpu.vector_store_idx %scatter3A_858[%add3A_754, %and3A_420, %add3A_848], %gather3A_853 : memref<8x8x128xf32, #tpu.memory_space<vmem>>[vector<16xi32>, vector<16xi32>, vector<16xi32>], vector<16xf32>,
      }
      %scan3A_379 = arith.constant 16 : i32
      %dma_start3A_380 = arith.constant 3 : i32
      %dma_start3A_381 = arith.constant 3 : i32
      %dma_start3A_382 = arith.constant 0 : i32
      %dma_start3A_383 = arith.constant 0 : i32
      %dma_start3A_384 = arith.constant 0 : i32
      %dma_start3A_385 = tpu.memref_slice %arg7[%dma_start3A_380, %dma_start3A_382, %dma_start3A_383, %dma_start3A_384] : memref<4x8x8x128xf32, #tpu.memory_space<vmem>> -> memref<1x8x8x128xf32, #tpu.memory_space<vmem>>
      %dma_start3A_386 = tpu.memref_squeeze %dma_start3A_385 : memref<1x8x8x128xf32, #tpu.memory_space<vmem>> -> memref<8x8x128xf32, #tpu.memory_space<vmem>>
      %dma_start3A_387 = arith.constant 0 : i32
      %dma_start3A_388 = arith.constant 0 : i32
      %dma_start3A_389 = arith.constant 0 : i32
      %dma_start3A_390 = tpu.memref_slice %arg4[%add3A_352, %dma_start3A_387, %add3A, %dma_start3A_388, %dma_start3A_389] : memref<200x8x32x8x128xf32, #tpu.memory_space<hbm>> -> memref<1x8x1x8x128xf32, #tpu.memory_space<hbm>>
      %dma_start3A_391 = tpu.memref_squeeze %dma_start3A_390 : memref<1x8x1x8x128xf32, #tpu.memory_space<hbm>> -> memref<8x8x128xf32, #tpu.memory_space<hbm>>
      %dma_start3A_392 = tpu.memref_slice %arg9[%dma_start3A_381] : memref<4x!tpu.dma_semaphore, #tpu.memory_space<semaphore_mem>> -> memref<1x!tpu.dma_semaphore, #tpu.memory_space<semaphore_mem>>
      %dma_start3A_393 = tpu.memref_squeeze %dma_start3A_392 : memref<1x!tpu.dma_semaphore, #tpu.memory_space<semaphore_mem>> -> memref<!tpu.dma_semaphore, #tpu.memory_space<semaphore_mem>>
      %dma_start3A_394 = arith.constant 0 : i32
      %dma_start3A_395 = arith.constant 0 : i32
      %dma_start3A_396 = arith.constant 0 : i32
      %dma_start3A_397 = tpu.memref_slice %arg4[%add3A_352, %dma_start3A_394, %add3A, %dma_start3A_395, %dma_start3A_396] : memref<200x8x32x8x128xf32, #tpu.memory_space<hbm>> -> memref<1x8x1x8x128xf32, #tpu.memory_space<hbm>>
      %dma_start3A_398 = tpu.memref_squeeze %dma_start3A_397 : memref<1x8x1x8x128xf32, #tpu.memory_space<hbm>> -> memref<8x8x128xf32, #tpu.memory_space<hbm>>
      %dma_start3A_399 = arith.constant 0 : i32
      %dma_start3A_400 = arith.constant 0 : i32
      %dma_start3A_401 = arith.constant 0 : i32
      %dma_start3A_402 = tpu.memref_slice %arg7[%dma_start3A_380, %dma_start3A_399, %dma_start3A_400, %dma_start3A_401] : memref<4x8x8x128xf32, #tpu.memory_space<vmem>> -> memref<1x8x8x128xf32, #tpu.memory_space<vmem>>
      %dma_start3A_403 = tpu.memref_squeeze %dma_start3A_402 : memref<1x8x8x128xf32, #tpu.memory_space<vmem>> -> memref<8x8x128xf32, #tpu.memory_space<vmem>>
      tpu.enqueue_dma source(%dma_start3A_403 : memref<8x8x128xf32, #tpu.memory_space<vmem>>) target(%dma_start3A_398 : memref<8x8x128xf32, #tpu.memory_space<hbm>>) target_semaphore(%dma_start3A_393 : memref<!tpu.dma_semaphore, #tpu.memory_space<semaphore_mem>>)
      %add3A_404 = arith.constant 4 : i32
      %add3A_405 = arith.addi %add3A_352, %add3A_404 : i32
      %lt3A_406 = arith.constant 200 : i32
      %lt3A_407 = arith.cmpi slt, %add3A_405, %lt3A_406 : i32
      %convert_element_type3A_408 = arith.extui %lt3A_407 : i1 to i32
      %cond3A_409 = arith.constant 0 : i32
      %cond3A_410 = arith.cmpi ne, %convert_element_type3A_408, %cond3A_409 : i32
      scf.if %cond3A_410 {
        %add3A_411 = arith.constant 4 : i32
        %add3A_412 = arith.addi %add3A_352, %add3A_411 : i32
        %dma_start3A_413 = arith.constant 3 : i32
        %dma_start3A_414 = arith.constant 3 : i32
        %dma_start3A_415 = arith.constant 0 : i32
        %dma_start3A_416 = arith.constant 0 : i32
        %dma_start3A_417 = tpu.memref_slice %arg6[%dma_start3A_413, %dma_start3A_415, %dma_start3A_416] : memref<4x128x64xf32, #tpu.memory_space<vmem>> -> memref<1x128x64xf32, #tpu.memory_space<vmem>>
        %dma_start3A_418 = tpu.memref_squeeze %dma_start3A_417 : memref<1x128x64xf32, #tpu.memory_space<vmem>> -> memref<128x64xf32, #tpu.memory_space<vmem>>
        %dma_start3A_419 = arith.constant 0 : i32
        %dma_start3A_420 = tpu.memref_slice %arg5[%add3A_412, %dma_start3A_419] : memref<200x128xi32, #tpu.memory_space<vmem>> -> memref<1x128xi32, #tpu.memory_space<vmem>>
        %dma_start3A_421 = tpu.memref_squeeze %dma_start3A_420 : memref<1x128xi32, #tpu.memory_space<vmem>> -> memref<128xi32, #tpu.memory_space<vmem>>
        %dma_start3A_422 = arith.constant 0 : i32
        %dma_start3A_423 = arith.constant 0 : i32
        %dma_start3A_424 = tpu.memref_slice %arg3[%dma_start3A_422, %dma_start3A_423] : memref<1000000x64xf32, #tpu.memory_space<hbm>> -> memref<1000000x64xf32, #tpu.memory_space<hbm>>
        %dma_start3A_425 = tpu.memref_slice %arg8[%dma_start3A_414] : memref<4x!tpu.dma_semaphore, #tpu.memory_space<semaphore_mem>> -> memref<1x!tpu.dma_semaphore, #tpu.memory_space<semaphore_mem>>
        %dma_start3A_426 = tpu.memref_squeeze %dma_start3A_425 : memref<1x!tpu.dma_semaphore, #tpu.memory_space<semaphore_mem>> -> memref<!tpu.dma_semaphore, #tpu.memory_space<semaphore_mem>>
        tpu.enqueue_indirect_dma source(%dma_start3A_424 : memref<1000000x64xf32, #tpu.memory_space<hbm>>) target(%dma_start3A_418 : memref<128x64xf32, #tpu.memory_space<vmem>>) offsets(%dma_start3A_421 : memref<128xi32, #tpu.memory_space<vmem>>) semaphore(%dma_start3A_426 : memref<!tpu.dma_semaphore, #tpu.memory_space<semaphore_mem>>)
      } else {
      }
    }
    %scan3A_66 = arith.constant 50 : i32
    %dma_wait3A = arith.constant 0 : i32
    %dma_wait3A_67 = arith.constant 196 : i32
    %dma_wait3A_68 = arith.constant 0 : i32
    %dma_wait3A_69 = arith.constant 0 : i32
    %dma_wait3A_70 = arith.constant 0 : i32
    %dma_wait3A_71 = arith.constant 0 : i32
    %dma_wait3A_72 = tpu.memref_slice %arg7[%dma_wait3A, %dma_wait3A_69, %dma_wait3A_70, %dma_wait3A_71] : memref<4x8x8x128xf32, #tpu.memory_space<vmem>> -> memref<1x8x8x128xf32, #tpu.memory_space<vmem>>
    %dma_wait3A_73 = tpu.memref_squeeze %dma_wait3A_72 : memref<1x8x8x128xf32, #tpu.memory_space<vmem>> -> memref<8x8x128xf32, #tpu.memory_space<vmem>>
    %dma_wait3A_74 = arith.constant 0 : i32
    %dma_wait3A_75 = arith.constant 0 : i32
    %dma_wait3A_76 = arith.constant 0 : i32
    %dma_wait3A_77 = tpu.memref_slice %arg4[%dma_wait3A_67, %dma_wait3A_74, %add3A, %dma_wait3A_75, %dma_wait3A_76] : memref<200x8x32x8x128xf32, #tpu.memory_space<hbm>> -> memref<1x8x1x8x128xf32, #tpu.memory_space<hbm>>
    %dma_wait3A_78 = tpu.memref_squeeze %dma_wait3A_77 : memref<1x8x1x8x128xf32, #tpu.memory_space<hbm>> -> memref<8x8x128xf32, #tpu.memory_space<hbm>>
    %dma_wait3A_79 = tpu.memref_slice %arg9[%dma_wait3A_68] : memref<4x!tpu.dma_semaphore, #tpu.memory_space<semaphore_mem>> -> memref<1x!tpu.dma_semaphore, #tpu.memory_space<semaphore_mem>>
    %dma_wait3A_80 = tpu.memref_squeeze %dma_wait3A_79 : memref<1x!tpu.dma_semaphore, #tpu.memory_space<semaphore_mem>> -> memref<!tpu.dma_semaphore, #tpu.memory_space<semaphore_mem>>
    %dma_wait3A_81 = arith.constant 0 : i32
    %dma_wait3A_82 = arith.constant 0 : i32
    %dma_wait3A_83 = arith.constant 0 : i32
    %dma_wait3A_84 = tpu.memref_slice %arg4[%dma_wait3A_67, %dma_wait3A_81, %add3A, %dma_wait3A_82, %dma_wait3A_83] : memref<200x8x32x8x128xf32, #tpu.memory_space<hbm>> -> memref<1x8x1x8x128xf32, #tpu.memory_space<hbm>>
    %dma_wait3A_85 = tpu.memref_squeeze %dma_wait3A_84 : memref<1x8x1x8x128xf32, #tpu.memory_space<hbm>> -> memref<8x8x128xf32, #tpu.memory_space<hbm>>
    %dma_wait3A_86 = arith.constant 0 : i32
    %dma_wait3A_87 = arith.constant 0 : i32
    %dma_wait3A_88 = arith.constant 0 : i32
    %dma_wait3A_89 = tpu.memref_slice %arg7[%dma_wait3A, %dma_wait3A_86, %dma_wait3A_87, %dma_wait3A_88] : memref<4x8x8x128xf32, #tpu.memory_space<vmem>> -> memref<1x8x8x128xf32, #tpu.memory_space<vmem>>
    %dma_wait3A_90 = tpu.memref_squeeze %dma_wait3A_89 : memref<1x8x8x128xf32, #tpu.memory_space<vmem>> -> memref<8x8x128xf32, #tpu.memory_space<vmem>>
    tpu.wait_dma2 semaphore(%dma_wait3A_80 : memref<!tpu.dma_semaphore, #tpu.memory_space<semaphore_mem>>) src(%dma_wait3A_90 : memref<8x8x128xf32, #tpu.memory_space<vmem>>) dst(%dma_wait3A_85 : memref<8x8x128xf32, #tpu.memory_space<hbm>>)
    %dma_wait3A_91 = arith.constant 1 : i32
    %dma_wait3A_92 = arith.constant 197 : i32
    %dma_wait3A_93 = arith.constant 1 : i32
    %dma_wait3A_94 = arith.constant 0 : i32
    %dma_wait3A_95 = arith.constant 0 : i32
    %dma_wait3A_96 = arith.constant 0 : i32
    %dma_wait3A_97 = tpu.memref_slice %arg7[%dma_wait3A_91, %dma_wait3A_94, %dma_wait3A_95, %dma_wait3A_96] : memref<4x8x8x128xf32, #tpu.memory_space<vmem>> -> memref<1x8x8x128xf32, #tpu.memory_space<vmem>>
    %dma_wait3A_98 = tpu.memref_squeeze %dma_wait3A_97 : memref<1x8x8x128xf32, #tpu.memory_space<vmem>> -> memref<8x8x128xf32, #tpu.memory_space<vmem>>
    %dma_wait3A_99 = arith.constant 0 : i32
    %dma_wait3A_100 = arith.constant 0 : i32
    %dma_wait3A_101 = arith.constant 0 : i32
    %dma_wait3A_102 = tpu.memref_slice %arg4[%dma_wait3A_92, %dma_wait3A_99, %add3A, %dma_wait3A_100, %dma_wait3A_101] : memref<200x8x32x8x128xf32, #tpu.memory_space<hbm>> -> memref<1x8x1x8x128xf32, #tpu.memory_space<hbm>>
    %dma_wait3A_103 = tpu.memref_squeeze %dma_wait3A_102 : memref<1x8x1x8x128xf32, #tpu.memory_space<hbm>> -> memref<8x8x128xf32, #tpu.memory_space<hbm>>
    %dma_wait3A_104 = tpu.memref_slice %arg9[%dma_wait3A_93] : memref<4x!tpu.dma_semaphore, #tpu.memory_space<semaphore_mem>> -> memref<1x!tpu.dma_semaphore, #tpu.memory_space<semaphore_mem>>
    %dma_wait3A_105 = tpu.memref_squeeze %dma_wait3A_104 : memref<1x!tpu.dma_semaphore, #tpu.memory_space<semaphore_mem>> -> memref<!tpu.dma_semaphore, #tpu.memory_space<semaphore_mem>>
    %dma_wait3A_106 = arith.constant 0 : i32
    %dma_wait3A_107 = arith.constant 0 : i32
    %dma_wait3A_108 = arith.constant 0 : i32
    %dma_wait3A_109 = tpu.memref_slice %arg4[%dma_wait3A_92, %dma_wait3A_106, %add3A, %dma_wait3A_107, %dma_wait3A_108] : memref<200x8x32x8x128xf32, #tpu.memory_space<hbm>> -> memref<1x8x1x8x128xf32, #tpu.memory_space<hbm>>
    %dma_wait3A_110 = tpu.memref_squeeze %dma_wait3A_109 : memref<1x8x1x8x128xf32, #tpu.memory_space<hbm>> -> memref<8x8x128xf32, #tpu.memory_space<hbm>>
    %dma_wait3A_111 = arith.constant 0 : i32
    %dma_wait3A_112 = arith.constant 0 : i32
    %dma_wait3A_113 = arith.constant 0 : i32
    %dma_wait3A_114 = tpu.memref_slice %arg7[%dma_wait3A_91, %dma_wait3A_111, %dma_wait3A_112, %dma_wait3A_113] : memref<4x8x8x128xf32, #tpu.memory_space<vmem>> -> memref<1x8x8x128xf32, #tpu.memory_space<vmem>>
    %dma_wait3A_115 = tpu.memref_squeeze %dma_wait3A_114 : memref<1x8x8x128xf32, #tpu.memory_space<vmem>> -> memref<8x8x128xf32, #tpu.memory_space<vmem>>
    tpu.wait_dma2 semaphore(%dma_wait3A_105 : memref<!tpu.dma_semaphore, #tpu.memory_space<semaphore_mem>>) src(%dma_wait3A_115 : memref<8x8x128xf32, #tpu.memory_space<vmem>>) dst(%dma_wait3A_110 : memref<8x8x128xf32, #tpu.memory_space<hbm>>)
    %dma_wait3A_116 = arith.constant 2 : i32
    %dma_wait3A_117 = arith.constant 198 : i32
    %dma_wait3A_118 = arith.constant 2 : i32
    %dma_wait3A_119 = arith.constant 0 : i32
    %dma_wait3A_120 = arith.constant 0 : i32
    %dma_wait3A_121 = arith.constant 0 : i32
    %dma_wait3A_122 = tpu.memref_slice %arg7[%dma_wait3A_116, %dma_wait3A_119, %dma_wait3A_120, %dma_wait3A_121] : memref<4x8x8x128xf32, #tpu.memory_space<vmem>> -> memref<1x8x8x128xf32, #tpu.memory_space<vmem>>
    %dma_wait3A_123 = tpu.memref_squeeze %dma_wait3A_122 : memref<1x8x8x128xf32, #tpu.memory_space<vmem>> -> memref<8x8x128xf32, #tpu.memory_space<vmem>>
    %dma_wait3A_124 = arith.constant 0 : i32
    %dma_wait3A_125 = arith.constant 0 : i32
    %dma_wait3A_126 = arith.constant 0 : i32
    %dma_wait3A_127 = tpu.memref_slice %arg4[%dma_wait3A_117, %dma_wait3A_124, %add3A, %dma_wait3A_125, %dma_wait3A_126] : memref<200x8x32x8x128xf32, #tpu.memory_space<hbm>> -> memref<1x8x1x8x128xf32, #tpu.memory_space<hbm>>
    %dma_wait3A_128 = tpu.memref_squeeze %dma_wait3A_127 : memref<1x8x1x8x128xf32, #tpu.memory_space<hbm>> -> memref<8x8x128xf32, #tpu.memory_space<hbm>>
    %dma_wait3A_129 = tpu.memref_slice %arg9[%dma_wait3A_118] : memref<4x!tpu.dma_semaphore, #tpu.memory_space<semaphore_mem>> -> memref<1x!tpu.dma_semaphore, #tpu.memory_space<semaphore_mem>>
    %dma_wait3A_130 = tpu.memref_squeeze %dma_wait3A_129 : memref<1x!tpu.dma_semaphore, #tpu.memory_space<semaphore_mem>> -> memref<!tpu.dma_semaphore, #tpu.memory_space<semaphore_mem>>
    %dma_wait3A_131 = arith.constant 0 : i32
    %dma_wait3A_132 = arith.constant 0 : i32
    %dma_wait3A_133 = arith.constant 0 : i32
    %dma_wait3A_134 = tpu.memref_slice %arg4[%dma_wait3A_117, %dma_wait3A_131, %add3A, %dma_wait3A_132, %dma_wait3A_133] : memref<200x8x32x8x128xf32, #tpu.memory_space<hbm>> -> memref<1x8x1x8x128xf32, #tpu.memory_space<hbm>>
    %dma_wait3A_135 = tpu.memref_squeeze %dma_wait3A_134 : memref<1x8x1x8x128xf32, #tpu.memory_space<hbm>> -> memref<8x8x128xf32, #tpu.memory_space<hbm>>
    %dma_wait3A_136 = arith.constant 0 : i32
    %dma_wait3A_137 = arith.constant 0 : i32
    %dma_wait3A_138 = arith.constant 0 : i32
    %dma_wait3A_139 = tpu.memref_slice %arg7[%dma_wait3A_116, %dma_wait3A_136, %dma_wait3A_137, %dma_wait3A_138] : memref<4x8x8x128xf32, #tpu.memory_space<vmem>> -> memref<1x8x8x128xf32, #tpu.memory_space<vmem>>
    %dma_wait3A_140 = tpu.memref_squeeze %dma_wait3A_139 : memref<1x8x8x128xf32, #tpu.memory_space<vmem>> -> memref<8x8x128xf32, #tpu.memory_space<vmem>>
    tpu.wait_dma2 semaphore(%dma_wait3A_130 : memref<!tpu.dma_semaphore, #tpu.memory_space<semaphore_mem>>) src(%dma_wait3A_140 : memref<8x8x128xf32, #tpu.memory_space<vmem>>) dst(%dma_wait3A_135 : memref<8x8x128xf32, #tpu.memory_space<hbm>>)
    %dma_wait3A_141 = arith.constant 3 : i32
    %dma_wait3A_142 = arith.constant 199 : i32
    %dma_wait3A_143 = arith.constant 3 : i32
    %dma_wait3A_144 = arith.constant 0 : i32
    %dma_wait3A_145 = arith.constant 0 : i32
    %dma_wait3A_146 = arith.constant 0 : i32
    %dma_wait3A_147 = tpu.memref_slice %arg7[%dma_wait3A_141, %dma_wait3A_144, %dma_wait3A_145, %dma_wait3A_146] : memref<4x8x8x128xf32, #tpu.memory_space<vmem>> -> memref<1x8x8x128xf32, #tpu.memory_space<vmem>>
    %dma_wait3A_148 = tpu.memref_squeeze %dma_wait3A_147 : memref<1x8x8x128xf32, #tpu.memory_space<vmem>> -> memref<8x8x128xf32, #tpu.memory_space<vmem>>
    %dma_wait3A_149 = arith.constant 0 : i32
    %dma_wait3A_150 = arith.constant 0 : i32
    %dma_wait3A_151 = arith.constant 0 : i32
    %dma_wait3A_152 = tpu.memref_slice %arg4[%dma_wait3A_142, %dma_wait3A_149, %add3A, %dma_wait3A_150, %dma_wait3A_151] : memref<200x8x32x8x128xf32, #tpu.memory_space<hbm>> -> memref<1x8x1x8x128xf32, #tpu.memory_space<hbm>>
    %dma_wait3A_153 = tpu.memref_squeeze %dma_wait3A_152 : memref<1x8x1x8x128xf32, #tpu.memory_space<hbm>> -> memref<8x8x128xf32, #tpu.memory_space<hbm>>
    %dma_wait3A_154 = tpu.memref_slice %arg9[%dma_wait3A_143] : memref<4x!tpu.dma_semaphore, #tpu.memory_space<semaphore_mem>> -> memref<1x!tpu.dma_semaphore, #tpu.memory_space<semaphore_mem>>
    %dma_wait3A_155 = tpu.memref_squeeze %dma_wait3A_154 : memref<1x!tpu.dma_semaphore, #tpu.memory_space<semaphore_mem>> -> memref<!tpu.dma_semaphore, #tpu.memory_space<semaphore_mem>>
    %dma_wait3A_156 = arith.constant 0 : i32
    %dma_wait3A_157 = arith.constant 0 : i32
    %dma_wait3A_158 = arith.constant 0 : i32
    %dma_wait3A_159 = tpu.memref_slice %arg4[%dma_wait3A_142, %dma_wait3A_156, %add3A, %dma_wait3A_157, %dma_wait3A_158] : memref<200x8x32x8x128xf32, #tpu.memory_space<hbm>> -> memref<1x8x1x8x128xf32, #tpu.memory_space<hbm>>
    %dma_wait3A_160 = tpu.memref_squeeze %dma_wait3A_159 : memref<1x8x1x8x128xf32, #tpu.memory_space<hbm>> -> memref<8x8x128xf32, #tpu.memory_space<hbm>>
    %dma_wait3A_161 = arith.constant 0 : i32
    %dma_wait3A_162 = arith.constant 0 : i32
    %dma_wait3A_163 = arith.constant 0 : i32
    %dma_wait3A_164 = tpu.memref_slice %arg7[%dma_wait3A_141, %dma_wait3A_161, %dma_wait3A_162, %dma_wait3A_163] : memref<4x8x8x128xf32, #tpu.memory_space<vmem>> -> memref<1x8x8x128xf32, #tpu.memory_space<vmem>>
    %dma_wait3A_165 = tpu.memref_squeeze %dma_wait3A_164 : memref<1x8x8x128xf32, #tpu.memory_space<vmem>> -> memref<8x8x128xf32, #tpu.memory_space<vmem>>
    tpu.wait_dma2 semaphore(%dma_wait3A_155 : memref<!tpu.dma_semaphore, #tpu.memory_space<semaphore_mem>>) src(%dma_wait3A_165 : memref<8x8x128xf32, #tpu.memory_space<vmem>>) dst(%dma_wait3A_160 : memref<8x8x128xf32, #tpu.memory_space<hbm>>)
    return
  }
}

</mosaic_0001>

<sc_bundles>
// kernel: kernel.3.cloned.1.call-start
scs
__scs_entry_jumppad:
0x0: {  	(pc) =	sbr.rel $0x88, $3  }
0x1: {  	(tag) =	ssettag $0x0;
	lr =	simm.s32 $0x1  }
0x2: {  	[smem:$0x3F9F] =	sst lr;
	_ =	strace $0xD0000000  }
0x3: {  	_ = 	snop  }
0x4: {  	_ = 	snop  }
0x5: {  	_ = 	snop  }
0x6: {  	_ = 	snop  }
0x7: {  	_ = 	snop  }
__scs_overlays_trampoline_lowered:
0x8: {  	[smem:$0x3FAE] =	sst s0  }
0x9: {  	[smem:$0x3FAF] =	sst s1  }
0xa: {  	[smem:$0x3FB0] =	sst s2  }
0xb: {  	[smem:$0x3FB1] =	sst s3  }
0xc: {  	[smem:$0x3FB2] =	sst s4  }
0xd: {  	[smem:$0x3FB3] =	sst s5  }
0xe: {  	[smem:$0x3FB4] =	sst s6  }
0xf: {  	[smem:$0x3FB5] =	sst s7  }
0x10: {  	[smem:$0x3FB6] =	sst s8  }
0x11: {  	[smem:$0x3FB7] =	sst s9;
	s0 =	simm.s32 @!p0 $0x0  }
0x12: {  	s1 =	sld [smem:$0x3F9D];
	s0 =	simm.s32 @p0 $0x1  }
0x13: {  	[smem:$0x3FB8] =	sst s0;
	s0 =	simm.s32 @!p1 $0x0  }
0x14: {  	s2 =	sld [smem:$0x3F9C];
	s0 =	simm.s32 @p1 $0x1  }
0x15: {  	[smem:$0x3FB9] =	sst s0;
	s0 =	simm.s32 @!p2 $0x0  }
0x16: {  	s3 =	sld [smem:$0x3FDB];
	s0 =	simm.s32 @p2 $0x1  }
0x17: {  	s4 =	simm.s32 $0x1BF5;
	[smem:$0x3FBB] =	sst s0  }
0x18: {  	s0 =	sld [smem:$0x3F9E];
	_ =	swait.ge [sflag:s4], $0x0  }
0x19: {  	s7 =	sld [smem:$0x3F9F]  }
0x1a: {  	s8 =	sadd.s32 $0xFFFFE003, lr  }
0x1b: {  	s9 =	sadd.s32 $0xFFFFFEF7, lr;
	s5 =	simm.s32 $0xFFFFFFFF;
	p2 =	slt.u32 s8, $0xFFFFF086  }
0x1c: {  	p1 =	slt.u32 s9, $0xF7A;
	s5 =	simm.s32 @!p2 $0x0  }
0x1d: {  	s5 =	simm.s32 @p1 $0x1;
	p0 =	seq.s32 s7, s2  }
0x1e: {  	s7 =	smul.u32 @!p0 $0xF7A, s2;
	p2 =	seq.s32 @!p0 s5, $0x0  }
0x1f: {  	s9 =	smul.u32 $0xF7A, s1;
	s8 =	simm.s32 @!p0 $0x1BF5;
	p2 =	por !p2, p0  }
0x20: {  	[sflag:s8] =	ssyncset.s32 @!p0 $0xFFFFF086;
	s6 =	sadd.s32 @!p0 s3, s7;
	s7 =	simm.s32 @!p0 $0x108  }
0x21: {  	s3 =	sadd.s32 s3, s9;
	s6 =	sadd.s32 @!p0 $0x88, s6;
	s7 =	simm.s32 @p2 $0x1082  }
0x22: {  	[simem:s7], [sflag:s8] =	dma.local @!p0 [hbm:s6], $0xF7A  }
0x23: {  	s9 =	sor.u32 $0xD0000000, s2;
	s6 =	simm.s32 $0x108;
	_ =	swait.ge @!p0 [sflag:s8], $0x0  }
0x24: {  	s3 =	sadd.s32 $0x88, s3;
	s6 =	simm.s32 @!p1 $0x1082;
	[sflag:s4] =	ssyncset.s32 $0xFFFFF086  }
0x25: {  	[simem:s6], [sflag:s4] =	dma.local [hbm:s3], $0xF7A  }
0x26: {  	[smem:$0x3F9F] =	sst s1;
	(tag) =	ssettag s2;
	_ =	strace s9  }
0x27: {  	s1 =	sld [smem:$0x3FAF]  }
0x28: {  	s2 =	sld [smem:$0x3FB0]  }
0x29: {  	s4 =	sld [smem:$0x3FB2]  }
0x2a: {  	p0 =	seq.s32 s5, $0x0;
	s5 =	sld [smem:$0x3FB3]  }
0x2b: {  	s6 =	sld [smem:$0x3FB4]  }
0x2c: {  	s7 =	sld [smem:$0x3FB5]  }
0x2d: {  	s3 =	simm.s32 $0x108;
	s8 =	sld [smem:$0x3FB6]  }
0x2e: {  	s3 =	simm.s32 @!p0 $0x1082;
	s9 =	sld [smem:$0x3FB7]  }
0x2f: {  	lr =	sadd.s32 s0, s3;
	s0 =	sld [smem:$0x3FAE]  }
0x30: {  	s3 =	sld [smem:$0x3FB1]  }
0x31: {  	[smem:$0x3FBA] =	sst s10  }
0x32: {  	s10 =	sld [smem:$0x3FB8];
	_ =	sdelay $0x3  }
0x33: {  	p0 =	seq.s32 s10, $0x1;
	s10 =	sld [smem:$0x3FBA];
	_ =	sdelay $0x3  }
0x34: {  	[smem:$0x3FBA] =	sst s10  }
0x35: {  	s10 =	sld [smem:$0x3FB9];
	_ =	sdelay $0x3  }
0x36: {  	p1 =	seq.s32 s10, $0x1;
	s10 =	sld [smem:$0x3FBA];
	_ =	sdelay $0x3  }
0x37: {  	[smem:$0x3FBA] =	sst s10  }
0x38: {  	s10 =	sld [smem:$0x3FBB]  }
0x39: {  	_ = 	snop;
	(pc) =	sbr.ind lr, $3  }
0x3a: {  	_ = 	snop  }
0x3b: {  	_ = 	snop  }
0x3c: {  	p2 =	seq.s32 s10, $0x1;
	s10 =	sld [smem:$0x3FBA]  }
0x3d: {  	_ =	shalt  }
0x3e: {  	_ =	shalt  }
0x3f: {  	_ =	shalt  }
0x40: {  	_ =	shalt  }
0x41: {  	_ =	shalt  }
0x42: {  	_ =	shalt  }
0x43: {  	_ =	shalt  }
0x44: {  	_ =	shalt  }
0x45: {  	_ =	shalt  }
0x46: {  	_ =	shalt  }
0x47: {  	_ =	shalt  }
0x48: {  	_ =	shalt  }
0x49: {  	_ =	shalt  }
0x4a: {  	_ =	shalt  }
0x4b: {  	_ =	shalt  }
0x4c: {  	_ =	shalt  }
0x4d: {  	_ =	shalt  }
0x4e: {  	_ =	shalt  }
0x4f: {  	_ =	shalt  }
0x50: {  	_ =	shalt  }
0x51: {  	_ =	shalt  }
0x52: {  	_ =	shalt  }
0x53: {  	_ =	shalt  }
0x54: {  	_ =	shalt  }
0x55: {  	_ =	shalt  }
0x56: {  	_ =	shalt  }
0x57: {  	_ =	shalt  }
0x58: {  	_ =	shalt  }
0x59: {  	_ =	shalt  }
0x5a: {  	_ =	shalt  }
0x5b: {  	_ =	shalt  }
0x5c: {  	_ =	shalt  }
0x5d: {  	_ =	shalt  }
0x5e: {  	_ =	shalt  }
0x5f: {  	_ =	shalt  }
0x60: {  	_ =	shalt  }
0x61: {  	_ =	shalt  }
0x62: {  	_ =	shalt  }
0x63: {  	_ =	shalt  }
0x64: {  	_ =	shalt  }
0x65: {  	_ =	shalt  }
0x66: {  	_ =	shalt  }
0x67: {  	_ =	shalt  }
0x68: {  	_ =	shalt  }
0x69: {  	_ =	shalt  }
0x6a: {  	_ =	shalt  }
0x6b: {  	_ =	shalt  }
0x6c: {  	_ =	shalt  }
0x6d: {  	_ =	shalt  }
0x6e: {  	_ =	shalt  }
0x6f: {  	_ =	shalt  }
0x70: {  	_ =	shalt  }
0x71: {  	_ =	shalt  }
0x72: {  	_ =	shalt  }
0x73: {  	_ =	shalt  }
0x74: {  	_ =	shalt  }
0x75: {  	_ =	shalt  }
0x76: {  	_ =	shalt  }
0x77: {  	_ =	shalt  }
0x78: {  	_ =	shalt  }
0x79: {  	_ =	shalt  }
0x7a: {  	_ =	shalt  }
0x7b: {  	_ =	shalt  }
0x7c: {  	_ =	shalt  }
0x7d: {  	_ =	shalt  }
0x7e: {  	_ =	shalt  }
0x7f: {  	_ =	shalt  }
0x80: {  	_ =	shalt  }
0x81: {  	_ =	shalt  }
0x82: {  	_ =	shalt  }
0x83: {  	_ =	shalt  }
0x84: {  	_ =	shalt  }
0x85: {  	_ =	shalt  }
0x86: {  	_ =	shalt  }
0x87: {  	_ =	shalt  }
.Lfunc_end0:
.L_simem_size_0:
called_computation_lowered:
.L_overlay_start_0:
0x88: {  	s2 =	sld [smem:$0x3FD9]  }
0x89: {  	s3 =	sld [smem:$0x3FFE];
	_ =	sdelay $0x1  }
0x8a: {  	s1 =	srdreg.scid  }
0x8b: {  	s0 =	sand.u32 $0x1, s1  }
0x8c: {  	s17 =	sshll.u32 s0, $0xA;
	s2 =	sadd.s32 s3, s2  }
0x8d: {  	s2 =	sadd.s32 s2, s17  }
0x8e: {  	[smem:$0x3FC6] =	sst s2  }
0x8f: {  	_ = 	snop  }
0x90: {  	s2 =	sld [smem:$0x3FD0];
	(tm) =	ssettm $0x1  }
0x91: {  	s18 =	sld [smem:$0x3FFB];
	_ =	sdelay $0x3  }
0x92: {  	_ =	strace s18  }
0x93: {  	s3 =	sld [smem:$0x3FFC];
	_ =	sdelay $0x3  }
0x94: {  	_ =	strace s3  }
0x95: {  	s3 =	sld [smem:$0x3FFD];
	_ =	sdelay $0x3  }
0x96: {  	_ =	strace s3  }
0x97: {  	_ =	strace $0x8FFFFFFF  }
0x98: {  	s19 =	sld [smem:$0x3FDB];
	_ =	sdelay $0x1  }
0x99: {  	s4 =	simm.s32 $_scs_section_size  }
0x9a: {  	s5 =	simm.s32 $_size__tile_overlayer_lowered;
	s6 =	simm.s32 $_tile_overlayer_lowered  }
0x9b: {  	s22 =	simm.s32 $0x1BFF;
	s21 =	sshll.u32 s6, $0x1;
	s3 =	sadd.s32 s4, s19  }
0x9c: {  	s7 =	simm.s32 $0x0;
	s20 =	sshll.u32 s5, $0x1;
	s5 =	sadd.s32 s21, s3  }
0x9d: {  	[timem:s7], [sflag:s22] =	dma.local [hbm:s5], s20  }
0x9e: {  	_ =	swait.ge [sflag:s22], s20  }
0x9f: {  	s4 =	ssub.s32 $0x0, s20;
	[sflag:s22] =	ssyncset.done $0x0  }
0xa0: {  	[sflag:s22] =	ssyncadd.s32 s4;
	_ =	sdelay $0x1  }
0xa1: {  	s23 =	simm.s32 $0x1B8B  }
0xa2: {  	_ =	swait.ge [sflag:s23], $0x1  }
0xa3: {  	[sflag:s23] =	ssyncset.done $0x0  }
0xa4: {  	s25 =	simm.s32 $0x1B8E;
	s24 =	sld [smem:$0x3FFE];
	[sflag:s23] =	ssyncadd.s32 $0xFFFFFFFF  }
0xa5: {  	s26 =	simm.s32 $execute0_lowered;
	[smem:$0x3FD2] =	sst s25  }
0xa6: {  	s5 =	sshll.u32 s26, $0x1;
	_ =	strace $0x80000046;
	[dreg:$0x1] =	wrdreg $0xFFFFFFFF  }
0xa7: {  	s28 =	simm.s32 $_size_execute0_lowered;
	s3 =	sadd.s32 s3, s5;
	[dreg:$0x0] =	wrdreg $0x0  }
0xa8: {  	s5 =	sshll.u32 s28, $0x1;
	[dreg:$0x2] =	wrdreg s3  }
0xa9: {  	[dreg:$0x3] =	wrdreg s5  }
0xaa: {  	[dreg:$0x4] =	wrdreg $0xC0  }
0xab: {  	_ =	task [dreg:s7], $0x5FFFF  }
0xac: {  	[dreg:$0x1] =	wrdreg $0xFFFFFFFF  }
0xad: {  	[dreg:$0x0] =	wrdreg $0x60  }
0xae: {  	[dreg:$0x2] =	wrdreg s24  }
0xaf: {  	[dreg:$0x3] =	wrdreg s2  }
0xb0: {  	[dreg:$0x4] =	wrdreg $0x9  }
0xb1: {  	_ =	task.clear_ibuf [dreg:s7], $0x5FFFF;
	_ =	strace $0x90000046  }
0xb2: {  	s29 =	simm.s32 $0x9;
	_ =	strace $0x80000048  }
0xb3: {  	_ =	swait.ge [sflag:s29], $0x1  }
0xb4: {  	[sflag:s29] =	ssyncadd.s32 $0xFFFFFFFF  }
0xb5: {  	_ =	strace $0x90000048  }
0xb6: {  	_ =	sfence  }
0xb7: {  	s30 =	sld [smem:$0x0];
	_ =	sdelay $0x2  }
0xb8: {  	s31 =	sshll.u32 s1, $0xD;
	s1 =	sshrl.u32 s1, $0x2  }
0xb9: {  	s3 =	sand.u32 $0x4000, s31;
	s1 =	sadd.s32 s1, s30  }
0xba: {  	s0 =	sor.u32 s3, s0;
	s1 =	sshll.u32 s1, $0x11  }
0xbb: {  	s0 =	sor.u32 s1, s0  }
0xbc: {  	s0 =	sadd.s32 $0x8F2B, s0  }
0xbd: {  	[sflag:s0] =	ssyncadd.remote.s32 $0x1  }
0xbe: {  	_ =	sfence.sel $0xFFFF  }
0xbf: {  	[dreg:$0x0] =	wrdreg $0xFFFFFFFF;
	(pc) =	sbr.abs _section_cstart, $3  }
0xc0: {  	[dreg:$0x1] =	wrdreg $0xFFFFFFFF  }
0xc1: {  	_ =	task.clear_ibuf [dreg:s7], $0x2FFFF;
	_ =	strace $0x9FFFFFFF  }
0xc2: {  	(tm) =	ssettm $0x7FFFFFFF  }
0xc3: {  	_ =	shalt  }
tec
execute0_lowered:
.L_overlay_start_1:
0x0: {  	(tag) =	ssettag $0x1  }
0x1: {  	v0 =	vlaneseq.u32  }
0x2: {  	v4 =	vmul.u32 $0x40, v0;
	v6 =	vor.u32 $0x10, v0  }
0x3: {  	v8 =	vor.u32 $0x20, v0;
	v10 =	vor.u32 $0x30, v0;
	v12 =	vor.u32 $0x40, v0  }
0x4: {  	v14 =	vor.u32 $0x50, v0;
	v16 =	vor.u32 $0x60, v0;
	v18 =	vor.u32 $0x70, v0  }
0x5: {  	v36 =	vor.u32 $0x800, v0;
	v30 =	vor.u32 $0x810, v0;
	v49 =	vor.u32 $0x820, v0  }
0x6: {  	v40 =	vor.u32 $0x830, v0;
	v22 =	vor.u32 $0x840, v0;
	v34 =	vor.u32 $0x850, v0  }
0x7: {  	v28 =	vor.u32 $0x860, v0;
	v41 =	vor.u32 $0x870, v0;
	v37 =	vor.u32 $0x1000, v0  }
0x8: {  	v39 =	vor.u32 $0x1010, v0;
	v42 =	vor.u32 $0x1020, v0;
	v52 =	vor.u32 $0x1030, v0  }
0x9: {  	v61 =	vor.u32 $0x1040, v0;
	v13 =	vor.u32 $0x1050, v0;
	v60 =	vor.u32 $0x1060, v0  }
0xa: {  	s0 =	rddreg [dreg:$0x0];
	s4 =	simm.s32 $0x0;
	v63 =	vor.u32 $0x1070, v0;
	v56 =	vor.u32 $0x1800, v0;
	v55 =	vor.u32 $0x1810, v0  }
0xb: {  	[smem:$0x7FF] =	sst s4;
	v5 =	vor.u32 $0x1820, v0;
	v53 =	vor.u32 $0x1830, v0;
	v3 =	vor.u32 $0x1860, v0  }
0xc: {  	s1 =	rddreg [dreg:$0x1];
	v62 =	vor.u32 $0x1840, v0;
	v11 =	vor.u32 $0x1850, v0;
	v0 =	vor.u32 $0x1870, v0;
	_ =	strace $0x80000047;
	[tilespmem:$0x1FC10] =	vst v3  }
0xd: {  	[tilespmem:$0x1FC20] =	vst v0  }
0xe: {  	[tilespmem:$0x1FC40] =	vst v6  }
0xf: {  	[tilespmem:$0x1FC60] =	vst v8  }
0x10: {  	[tilespmem:$0x1FC80] =	vst v10  }
0x11: {  	[tilespmem:$0x1FCA0] =	vst v12  }
0x12: {  	[tilespmem:$0x1FCC0] =	vst v14  }
0x13: {  	[tilespmem:$0x1FCE0] =	vst v16  }
0x14: {  	[tilespmem:$0x1FD00] =	vst v18  }
0x15: {  	[tilespmem:$0x1FD20] =	vst v36  }
0x16: {  	[tilespmem:$0x1FD40] =	vst v30  }
0x17: {  	[tilespmem:$0x1FD60] =	vst v49  }
0x18: {  	[tilespmem:$0x1FD80] =	vst v40  }
0x19: {  	[tilespmem:$0x1FDA0] =	vst v22  }
0x1a: {  	[tilespmem:$0x1FDC0] =	vst v34  }
0x1b: {  	[tilespmem:$0x1FDE0] =	vst v28  }
0x1c: {  	[tilespmem:$0x1FE10] =	vst v37  }
0x1d: {  	[tilespmem:$0x1FE20] =	vst v39  }
0x1e: {  	[tilespmem:$0x1FE40] =	vst v42  }
0x1f: {  	[tilespmem:$0x1FE50] =	vst v52  }
0x20: {  	[tilespmem:$0x1FE80] =	vst v13  }
0x21: {  	[tilespmem:$0x1FE90] =	vst v60  }
0x22: {  	[tilespmem:$0x1FEC0] =	vst v55  }
0x23: {  	[tilespmem:$0x1FEF0] =	vst v53  }
0x24: {  	[tilespmem:$0x1FF00] =	vst v62  }
0x25: {  	[tilespmem:$0x1FF10] =	vst v11  }
0x26: {  	[tilespmem:$0x1FF20] =	vst v41  }
0x27: {  	[tilespmem:$0x1FF50] =	vst v61  }
0x28: {  	[tilespmem:$0x1FF70] =	vst v63  }
0x29: {  	[tilespmem:$0x1FF80] =	vst v56  }
0x2a: {  	[tilespmem:$0x1FFA0] =	vst v5  }
0x2b: {  	v43 =	vor.u32 $0x400, v4;
	[tilespmem:$0x1FFF0] =	vst v4  }
0x2c: {  	v50 =	vor.u32 $0x800, v4;
	[tilespmem:$0x1FC30] =	vst v43  }
0x2d: {  	v26 =	vor.u32 $0xC00, v4;
	[tilespmem:$0x1FC50] =	vst v50  }
0x2e: {  	v7 =	vor.u32 $0x1000, v4;
	[tilespmem:$0x1FC70] =	vst v26  }
0x2f: {  	v9 =	vor.u32 $0x1400, v4;
	[tilespmem:$0x1FC90] =	vst v7  }
0x30: {  	v15 =	vor.u32 $0x1800, v4;
	[tilespmem:$0x1FCB0] =	vst v9  }
0x31: {  	v19 =	vor.u32 $0x1C00, v4;
	[tilespmem:$0x1FCD0] =	vst v15  }
0x32: {  	v21 =	vor.u32 $0x10, v4;
	[tilespmem:$0x1FCF0] =	vst v19  }
0x33: {  	v23 =	vor.u32 $0x410, v4;
	[tilespmem:$0x1FD10] =	vst v21  }
0x34: {  	v25 =	vor.u32 $0x810, v4;
	[tilespmem:$0x1FD30] =	vst v23  }
0x35: {  	v27 =	vor.u32 $0xC10, v4;
	[tilespmem:$0x1FD50] =	vst v25  }
0x36: {  	v29 =	vor.u32 $0x1010, v4;
	[tilespmem:$0x1FD70] =	vst v27  }
0x37: {  	v31 =	vor.u32 $0x1410, v4;
	[tilespmem:$0x1FD90] =	vst v29  }
0x38: {  	v33 =	vor.u32 $0x1810, v4;
	[tilespmem:$0x1FDB0] =	vst v31  }
0x39: {  	v35 =	vor.u32 $0x1C10, v4;
	[tilespmem:$0x1FDD0] =	vst v33  }
0x3a: {  	v20 =	vor.u32 $0x20, v4;
	[tilespmem:$0x1FDF0] =	vst v35  }
0x3b: {  	v46 =	vor.u32 $0x820, v4;
	[tilespmem:$0x1FE00] =	vst v20  }
0x3c: {  	v45 =	vor.u32 $0x1020, v4;
	[tilespmem:$0x1FE30] =	vst v46  }
0x3d: {  	s2 =	srdreg.scid;
	s3 =	stileid.u32;
	v24 =	vor.u32 $0x1420, v4;
	[tilespmem:$0x1FE60] =	vst v45  }
0x3e: {  	s11 =	simm.s32 $0x80;
	s13 =	simm.s32 $0x9;
	s14 =	simm.s32 $0x6400;
	v48 =	vor.u32 $0x1C20, v4;
	[tilespmem:$0x1FE70] =	vst v24  }
0x3f: {  	s15 =	simm.s32 $0x8400;
	s17 =	simm.s32 $0xA400;
	s19 =	simm.s32 $0xC400;
	v59 =	vor.u32 $0x30, v4;
	[tilespmem:$0x1FEA0] =	vst v48  }
0x40: {  	s20 =	simm.s32 $0x1;
	s21 =	simm.s32 $0xE400;
	s22 =	simm.s32 $0x400;
	v17 =	vor.u32 $0x830, v4;
	[tilespmem:$0x1FEB0] =	vst v59  }
0x41: {  	s23 =	simm.s32 $0x8000;
	s28 =	simm.s32 $0x3;
	s29 =	simm.s32 $0x7;
	v58 =	vor.u32 $0xC30, v4;
	[tilespmem:$0x1FED0] =	vst v17  }
0x42: {  	s30 =	simm.s32 $0x12400;
	s31 =	simm.s32 $0x4;
	s12 =	simm.s32 $0x5;
	v44 =	vor.u32 $0x420, v4;
	[tilespmem:$0x1FEE0] =	vst v58  }
0x43: {  	s16 =	simm.s32 $0x0;
	s2 =	sand.u32 $0x1, s2;
	s3 =	sshll.u32 s3, $0x1;
	v47 =	vor.u32 $0xC20, v4;
	[tilespmem:$0x1FF30] =	vst v44  }
0x44: {  	s4 =	sadd.s32 $0xF42A00, s0;
	s7 =	sadd.s32 $0x8000, s1;
	s8 =	sadd.s32 $0x10000, s1;
	v38 =	vor.u32 $0x1820, v4;
	[tilespmem:$0x1FF40] =	vst v47  }
0x45: {  	s9 =	sadd.s32 $0x18000, s1;
	s3 =	sor.u32 s2, s3;
	s2 =	ssub.s32 $0x2, s2;
	v54 =	vor.u32 $0x430, v4;
	[tilespmem:$0x1FF60] =	vst v38  }
.Ltmp0:
0x46: {  	s24 =	sshll.u32 s3, $0x4;
	s5 =	sshrl.u32 s2, $0x1;
	v51 =	vor.u32 $0x1030, v4;
	[tilespmem:$0x1FF90] =	vst v54;
	(pc) =	sbr.rel .LBB2_1-.Ltmp0, $4  }
0x47: {  	v1 =	vor.u32 $0x1430, v4;
	s6 =	sadd.s32 s24, s0;
	s25 =	ssub.s32 s2, s5;
	s24 =	simm.s32 $0x2;
	[tilespmem:$0x1FFB0] =	vst v51  }
0x48: {  	v2 =	vor.u32 $0x1830, v4;
	s2 =	simm.s32 $0x14400;
	[tilespmem:$0x1FFC0] =	vst v1;
	s26 =	sadd.s32 $0x600, s6;
	s6 =	sshll.u32 s3, $0x7  }
0x49: {  	v3 =	vor.u32 $0x1C30, v4;
	[tilespmem:$0x1FFD0] =	vst v2;
	s0 =	smax.u32 s25, $0x1;
	s25 =	simm.s32 $0x6;
	[dreg:$0x3] =	wrdreg s26  }
0x4a: {  	[tilespmem:$0x1FFE0] =	vst v3;
	[dreg:$0x4] =	wrdreg s0;
	s26 =	simm.s32 $0x10400;
	s0 =	simm.s32 $0x8  }
.LBB2_24:
0x4b: {  	_ =	swait.ge [sflag:s12], $0x2000  }
0x4c: {  	[sflag:s12] =	ssyncset.done $0x0  }
0x4d: {  	[sflag:s12] =	ssyncadd.s32 $0xFFFFE000  }
0x4e: {  	_ =	swait.ge [sflag:s25], $0x2000  }
0x4f: {  	[sflag:s25] =	ssyncset.done $0x0  }
0x50: {  	[sflag:s25] =	ssyncadd.s32 $0xFFFFE000  }
0x51: {  	_ =	swait.ge [sflag:s29], $0x2000  }
0x52: {  	[sflag:s29] =	ssyncset.done $0x0  }
0x53: {  	[sflag:s29] =	ssyncadd.s32 $0xFFFFE000  }
0x54: {  	_ =	swait.ge [sflag:s0], $0x2000  }
0x55: {  	v4 =	vld [tilespmem:$0x1FFF0]  }
0x56: {  	v6 =	vld [tilespmem:$0x1FC40]  }
0x57: {  	v8 =	vld [tilespmem:$0x1FC60]  }
0x58: {  	v10 =	vld [tilespmem:$0x1FC80]  }
0x59: {  	v12 =	vld [tilespmem:$0x1FCA0]  }
0x5a: {  	v14 =	vld [tilespmem:$0x1FCC0]  }
0x5b: {  	v16 =	vld [tilespmem:$0x1FCE0]  }
0x5c: {  	v18 =	vld [tilespmem:$0x1FD00]  }
0x5d: {  	v36 =	vld [tilespmem:$0x1FD20]  }
0x5e: {  	v30 =	vld [tilespmem:$0x1FD40]  }
0x5f: {  	v49 =	vld [tilespmem:$0x1FD60]  }
0x60: {  	v40 =	vld [tilespmem:$0x1FD80]  }
0x61: {  	v22 =	vld [tilespmem:$0x1FDA0]  }
0x62: {  	v34 =	vld [tilespmem:$0x1FDC0]  }
0x63: {  	v28 =	vld [tilespmem:$0x1FDE0]  }
0x64: {  	v20 =	vld [tilespmem:$0x1FE00]  }
0x65: {  	v41 =	vld [tilespmem:$0x1FF20]  }
0x66: {  	v46 =	vld [tilespmem:$0x1FE30]  }
0x67: {  	v44 =	vld [tilespmem:$0x1FF30]  }
0x68: {  	v52 =	vld [tilespmem:$0x1FE50]  }
0x69: {  	v47 =	vld [tilespmem:$0x1FF40]  }
0x6a: {  	v24 =	vld [tilespmem:$0x1FE70]  }
0x6b: {  	v61 =	vld [tilespmem:$0x1FF50]  }
0x6c: {  	v60 =	vld [tilespmem:$0x1FE90]  }
0x6d: {  	v38 =	vld [tilespmem:$0x1FF60]  }
0x6e: {  	s16 =	sadd.s32 $0x1, s16;
	s3 =	rddreg [dreg:$0x4];
	v59 =	vld [tilespmem:$0x1FEB0]  }
0x6f: {  	v63 =	vld [tilespmem:$0x1FF70];
	p0 =	sne.s32 s16, s3  }
.Ltmp1:
0x70: {  	v56 =	vld [tilespmem:$0x1FF80];
	(pc) =	sbr.rel @!p0 .LBB2_25-.Ltmp1, $4  }
0x71: {  	v58 =	vld [tilespmem:$0x1FEE0]  }
0x72: {  	v54 =	vld [tilespmem:$0x1FF90]  }
0x73: {  	[sflag:s0] =	ssyncset.done $0x0;
	v53 =	vld [tilespmem:$0x1FEF0]  }
0x74: {  	v51 =	vld [tilespmem:$0x1FFB0];
	[sflag:s0] =	ssyncadd.s32 $0xFFFFE000  }
.LBB2_1:
0x75: {  	s3 =	simm.s32 $0x0;
	s5 =	rddreg [dreg:$0x3];
	s10 =	simm.s32 $0x1000  }
0x76: {  	[tilespmem:s3], [sflag:$0x9] =	stream.strided.gather [hbm4b:s5+s11], $0x6400, s10, s11, $0x38;
	[tilespmem:$0x16400] =	vst v63  }
0x77: {  	_ =	swait.ge [sflag:s13], $0x6400  }
0x78: {  	[sflag:s13] =	ssyncset.done $0x0  }
0x79: {  	[sflag:s13] =	ssyncadd.s32 $0xFFFF9C00  }
0x7a: {  	[tilespmem:s14], [sflag:$0x1] =	stream.indirect.gather [hbm4b:s4+s11], $0x40, s3, s11, $0xb8;
	[tilespmem:$0x16400] =	vst v63  }
0x7b: {  	_ = 	snop  }
0x7c: {  	[tilespmem:s15], [sflag:$0x2] =	stream.indirect.gather [hbm4b:s4+s11], $0x40, s11, s11, $0xb8;
	[tilespmem:$0x16400] =	vst v63  }
0x7d: {  	s10 =	simm.s32 $0x100  }
0x7e: {  	[tilespmem:s17], [sflag:$0x3] =	stream.indirect.gather [hbm4b:s4+s11], $0x40, s10, s11, $0xb8;
	[tilespmem:$0x16400] =	vst v63  }
0x7f: {  	s18 =	simm.s32 $0x180  }
0x80: {  	[tilespmem:s19], [sflag:$0x4] =	stream.indirect.gather [hbm4b:s4+s11], $0x40, s18, s11, $0xb8;
	[tilespmem:$0x16400] =	vst v63  }
0x81: {  	s18 =	simm.s32 $0x0  }
.LBB2_2:
0x82: {  	s3 =	simm.s32 $0x0;
	v3 =	vlaneseq.u32  }
0x83: {  	v0 =	vadd.s32 s3, v3  }
0x84: {  	_ =	swait.ge [sflag:s20], $0x2000;
	v1 =	vand.u32 $0xF, v0  }
0x85: {  	p0 =	seq.s32 s18, $0x0;
	[sflag:s20] =	ssyncset.done $0x0;
	v2 =	vor.u32 v4, v1  }
0x86: {  	s3 =	simm.s32 @!p0 $0x5;
	[sflag:s20] =	ssyncadd.s32 $0xFFFFE000  }
0x87: {  	_ =	swait.ge @!p0 [sflag:s3], $0x2000  }
0x88: {  	v0 =	vshll.u32 v0, $0x7;
	[sflag:s3] =	ssyncset.done @!p0 $0x0  }
0x89: {  	v0 =	vand.u32 $0x780, v0;
	[sflag:s3] =	ssyncadd.s32 @!p0 $0xFFFFE000  }
0x8a: {  	v3 =	vor.u32 v3, v0;
	v57 =	vld.idx.msk [tilespmem:v2+s14+$0x0], $0xffff  }
0x8b: {  	v2 =	vor.u32 v43, v1;
	_ =	sdelay $0x3  }
0x8c: {  	[tilespmem:v3+s21+$0x0] =	vst.idx.msk $0xffff, v57  }
0x8d: {  	v3 =	vor.u32 v6, v0;
	v57 =	vld.idx.msk [tilespmem:v2+s14+$0x0], $0xffff  }
0x8e: {  	v2 =	vor.u32 v50, v1;
	_ =	sdelay $0x3  }
0x8f: {  	[tilespmem:v3+s21+$0x0] =	vst.idx.msk $0xffff, v57  }
0x90: {  	v3 =	vor.u32 v8, v0;
	v57 =	vld.idx.msk [tilespmem:v2+s14+$0x0], $0xffff  }
0x91: {  	v2 =	vor.u32 v26, v1;
	_ =	sdelay $0x3  }
0x92: {  	[tilespmem:v3+s21+$0x0] =	vst.idx.msk $0xffff, v57  }
0x93: {  	v3 =	vor.u32 v10, v0;
	v57 =	vld.idx.msk [tilespmem:v2+s14+$0x0], $0xffff  }
0x94: {  	v2 =	vor.u32 v7, v1;
	_ =	sdelay $0x3  }
0x95: {  	[tilespmem:v3+s21+$0x0] =	vst.idx.msk $0xffff, v57  }
0x96: {  	v3 =	vor.u32 v12, v0;
	v57 =	vld.idx.msk [tilespmem:v2+s14+$0x0], $0xffff  }
0x97: {  	v2 =	vor.u32 v9, v1;
	_ =	sdelay $0x3  }
0x98: {  	[tilespmem:v3+s21+$0x0] =	vst.idx.msk $0xffff, v57  }
0x99: {  	v3 =	vor.u32 v14, v0;
	v57 =	vld.idx.msk [tilespmem:v2+s14+$0x0], $0xffff  }
0x9a: {  	v2 =	vor.u32 v15, v1;
	_ =	sdelay $0x3  }
0x9b: {  	[tilespmem:v3+s21+$0x0] =	vst.idx.msk $0xffff, v57  }
0x9c: {  	v3 =	vor.u32 v16, v0;
	v57 =	vld.idx.msk [tilespmem:v2+s14+$0x0], $0xffff  }
0x9d: {  	v2 =	vor.u32 v19, v1;
	_ =	sdelay $0x3  }
0x9e: {  	[tilespmem:v3+s21+$0x0] =	vst.idx.msk $0xffff, v57  }
0x9f: {  	v3 =	vor.u32 v18, v0;
	v57 =	vld.idx.msk [tilespmem:v2+s14+$0x0], $0xffff  }
0xa0: {  	v2 =	vor.u32 v21, v1;
	_ =	sdelay $0x3  }
0xa1: {  	[tilespmem:v3+s21+$0x0] =	vst.idx.msk $0xffff, v57  }
0xa2: {  	v3 =	vor.u32 v36, v0;
	v57 =	vld.idx.msk [tilespmem:v2+s14+$0x0], $0xffff  }
0xa3: {  	v2 =	vor.u32 v23, v1;
	_ =	sdelay $0x3  }
0xa4: {  	[tilespmem:v3+s21+$0x0] =	vst.idx.msk $0xffff, v57  }
0xa5: {  	v3 =	vor.u32 v30, v0;
	v57 =	vld.idx.msk [tilespmem:v2+s14+$0x0], $0xffff  }
0xa6: {  	v2 =	vor.u32 v25, v1;
	_ =	sdelay $0x3  }
0xa7: {  	[tilespmem:v3+s21+$0x0] =	vst.idx.msk $0xffff, v57  }
0xa8: {  	v3 =	vor.u32 v49, v0;
	v57 =	vld.idx.msk [tilespmem:v2+s14+$0x0], $0xffff  }
0xa9: {  	v2 =	vor.u32 v27, v1;
	_ =	sdelay $0x3  }
0xaa: {  	[tilespmem:v3+s21+$0x0] =	vst.idx.msk $0xffff, v57  }
0xab: {  	v3 =	vor.u32 v40, v0;
	v57 =	vld.idx.msk [tilespmem:v2+s14+$0x0], $0xffff  }
0xac: {  	v2 =	vor.u32 v29, v1;
	_ =	sdelay $0x3  }
0xad: {  	[tilespmem:v3+s21+$0x0] =	vst.idx.msk $0xffff, v57  }
0xae: {  	v3 =	vor.u32 v22, v0;
	v57 =	vld.idx.msk [tilespmem:v2+s14+$0x0], $0xffff  }
0xaf: {  	v2 =	vor.u32 v31, v1;
	_ =	sdelay $0x3  }
0xb0: {  	[tilespmem:v3+s21+$0x0] =	vst.idx.msk $0xffff, v57  }
0xb1: {  	v3 =	vor.u32 v34, v0;
	v57 =	vld.idx.msk [tilespmem:v2+s14+$0x0], $0xffff  }
0xb2: {  	v2 =	vor.u32 v33, v1;
	_ =	sdelay $0x3  }
0xb3: {  	[tilespmem:v3+s21+$0x0] =	vst.idx.msk $0xffff, v57  }
0xb4: {  	v3 =	vor.u32 v28, v0;
	v57 =	vld.idx.msk [tilespmem:v2+s14+$0x0], $0xffff  }
0xb5: {  	v2 =	vor.u32 v35, v1;
	_ =	sdelay $0x3  }
0xb6: {  	[tilespmem:v3+s21+$0x0] =	vst.idx.msk $0xffff, v57  }
0xb7: {  	v3 =	vor.u32 v41, v0;
	v57 =	vld.idx.msk [tilespmem:v2+s14+$0x0], $0xffff  }
0xb8: {  	v2 =	vor.u32 v20, v1;
	_ =	sdelay $0x3  }
0xb9: {  	[tilespmem:v3+s21+$0x0] =	vst.idx.msk $0xffff, v57  }
0xba: {  	v3 =	vor.u32 v37, v0;
	v57 =	vld.idx.msk [tilespmem:v2+s14+$0x0], $0xffff  }
0xbb: {  	v2 =	vor.u32 v44, v1;
	_ =	sdelay $0x3  }
0xbc: {  	[tilespmem:v3+s21+$0x0] =	vst.idx.msk $0xffff, v57  }
0xbd: {  	v3 =	vor.u32 v39, v0;
	v57 =	vld.idx.msk [tilespmem:v2+s14+$0x0], $0xffff  }
0xbe: {  	v2 =	vor.u32 v46, v1;
	_ =	sdelay $0x3  }
0xbf: {  	[tilespmem:v3+s21+$0x0] =	vst.idx.msk $0xffff, v57  }
0xc0: {  	v3 =	vor.u32 v42, v0;
	v57 =	vld.idx.msk [tilespmem:v2+s14+$0x0], $0xffff  }
0xc1: {  	v2 =	vor.u32 v47, v1;
	_ =	sdelay $0x3  }
0xc2: {  	[tilespmem:v3+s21+$0x0] =	vst.idx.msk $0xffff, v57  }
0xc3: {  	v3 =	vor.u32 v52, v0;
	v57 =	vld.idx.msk [tilespmem:v2+s14+$0x0], $0xffff  }
0xc4: {  	v2 =	vor.u32 v45, v1;
	_ =	sdelay $0x3  }
0xc5: {  	[tilespmem:v3+s21+$0x0] =	vst.idx.msk $0xffff, v57  }
0xc6: {  	v3 =	vor.u32 v61, v0;
	v57 =	vld.idx.msk [tilespmem:v2+s14+$0x0], $0xffff  }
0xc7: {  	v2 =	vor.u32 v24, v1;
	_ =	sdelay $0x3  }
0xc8: {  	[tilespmem:v3+s21+$0x0] =	vst.idx.msk $0xffff, v57  }
0xc9: {  	v3 =	vor.u32 v13, v0;
	v57 =	vld.idx.msk [tilespmem:v2+s14+$0x0], $0xffff  }
0xca: {  	v2 =	vor.u32 v38, v1;
	_ =	sdelay $0x3  }
0xcb: {  	[tilespmem:v3+s21+$0x0] =	vst.idx.msk $0xffff, v57  }
0xcc: {  	v3 =	vor.u32 v60, v0;
	v57 =	vld.idx.msk [tilespmem:v2+s14+$0x0], $0xffff  }
0xcd: {  	v2 =	vor.u32 v48, v1;
	_ =	sdelay $0x3  }
0xce: {  	[tilespmem:v3+s21+$0x0] =	vst.idx.msk $0xffff, v57  }
0xcf: {  	v3 =	vor.u32 v63, v0;
	v57 =	vld.idx.msk [tilespmem:v2+s14+$0x0], $0xffff  }
0xd0: {  	v2 =	vor.u32 v59, v1;
	_ =	sdelay $0x3  }
0xd1: {  	[tilespmem:v3+s21+$0x0] =	vst.idx.msk $0xffff, v57  }
0xd2: {  	v3 =	vor.u32 v56, v0;
	v57 =	vld.idx.msk [tilespmem:v2+s14+$0x0], $0xffff  }
0xd3: {  	v2 =	vor.u32 v54, v1;
	_ =	sdelay $0x3  }
0xd4: {  	[tilespmem:v3+s21+$0x0] =	vst.idx.msk $0xffff, v57  }
0xd5: {  	v3 =	vor.u32 v55, v0;
	v57 =	vld.idx.msk [tilespmem:v2+s14+$0x0], $0xffff  }
0xd6: {  	v2 =	vor.u32 v17, v1;
	_ =	sdelay $0x3  }
0xd7: {  	[tilespmem:v3+s21+$0x0] =	vst.idx.msk $0xffff, v57  }
0xd8: {  	v3 =	vor.u32 v5, v0;
	v57 =	vld.idx.msk [tilespmem:v2+s14+$0x0], $0xffff  }
0xd9: {  	v2 =	vor.u32 v58, v1;
	_ =	sdelay $0x3  }
0xda: {  	[tilespmem:v3+s21+$0x0] =	vst.idx.msk $0xffff, v57  }
0xdb: {  	v3 =	vor.u32 v53, v0;
	v5 =	vld.idx.msk [tilespmem:v2+s14+$0x0], $0xffff  }
0xdc: {  	v2 =	vor.u32 v51, v1;
	_ =	sdelay $0x3  }
0xdd: {  	[tilespmem:v3+s21+$0x0] =	vst.idx.msk $0xffff, v5  }
0xde: {  	v5 =	vld.idx.msk [tilespmem:v2+s14+$0x0], $0xffff  }
0xdf: {  	v2 =	vld [tilespmem:$0x1FFC0];
	_ =	sdelay $0x3  }
0xe0: {  	v3 =	vor.u32 v62, v0  }
0xe1: {  	v2 =	vor.u32 v2, v1;
	_ =	sdelay $0x3  }
0xe2: {  	[tilespmem:v3+s21+$0x0] =	vst.idx.msk $0xffff, v5  }
0xe3: {  	v5 =	vld.idx.msk [tilespmem:v2+s14+$0x0], $0xffff  }
0xe4: {  	v3 =	vor.u32 v11, v0;
	v2 =	vld [tilespmem:$0x1FFD0];
	_ =	sdelay $0x4  }
0xe5: {  	v2 =	vor.u32 v2, v1;
	[tilespmem:v3+s21+$0x0] =	vst.idx.msk $0xffff, v5;
	v3 =	vld [tilespmem:$0x1FC10]  }
0xe6: {  	v5 =	vld [tilespmem:$0x1FFE0];
	_ =	sdelay $0x3  }
0xe7: {  	v2 =	vld.idx.msk [tilespmem:v2+s14+$0x0], $0xffff;
	v3 =	vor.u32 v3, v0  }
0xe8: {  	v1 =	vor.u32 v5, v1;
	_ =	sdelay $0x3  }
0xe9: {  	s5 =	simm.s32 $0x1;
	v11 =	vld [tilespmem:$0x1FC20];
	[tilespmem:v3+s21+$0x0] =	vst.idx.msk $0xffff, v2;
	v2 =	vlaneseq.u32  }
0xea: {  	v32 =	vmovc v50;
	s3 =	sshll.u32 s18, $0xB;
	v57 =	vmovc v7;
	v7 =	vmov v58;
	v62 =	vmov v5;
	v2 =	vadd.s32 s5, v2;
	s5 =	simm.s32 $0x2;
	v3 =	vld.idx.msk [tilespmem:v1+s14+$0x0], $0xffff  }
.LBB2_3:
0xeb: {  	v4 =	vld [tilespmem:$0x1FFF0];
	_ =	sdelay $0x3  }
0xec: {  	v1 =	vand.u32 $0xF, v2;
	v0 =	vor.u32 v11, v0  }
0xed: {  	v4 =	vor.u32 v4, v1;
	_ =	sdelay $0x2  }
0xee: {  	v2 =	vshll.u32 v2, $0x7  }
0xef: {  	v58 =	vlaneseq.u32;
	[tilespmem:v0+s21+$0x0] =	vst.idx.msk $0xffff, v3;
	v0 =	vand.u32 $0x780, v2  }
0xf0: {  	v2 =	vor.u32 v58, v0;
	v3 =	vld.idx.msk [tilespmem:v4+s14+$0x0], $0xffff  }
0xf1: {  	v4 =	vor.u32 v43, v1;
	_ =	sdelay $0x3  }
0xf2: {  	[tilespmem:v2+s21+$0x0] =	vst.idx.msk $0xffff, v3  }
0xf3: {  	v3 =	vor.u32 v6, v0;
	v2 =	vld.idx.msk [tilespmem:v4+s14+$0x0], $0xffff  }
0xf4: {  	v4 =	vor.u32 v32, v1;
	_ =	sdelay $0x3  }
0xf5: {  	[tilespmem:v3+s21+$0x0] =	vst.idx.msk $0xffff, v2  }
0xf6: {  	v3 =	vor.u32 v8, v0;
	v2 =	vld.idx.msk [tilespmem:v4+s14+$0x0], $0xffff  }
0xf7: {  	v4 =	vor.u32 v26, v1;
	_ =	sdelay $0x3  }
0xf8: {  	[tilespmem:v3+s21+$0x0] =	vst.idx.msk $0xffff, v2  }
0xf9: {  	v3 =	vor.u32 v10, v0;
	v2 =	vld.idx.msk [tilespmem:v4+s14+$0x0], $0xffff  }
0xfa: {  	v4 =	vor.u32 v57, v1;
	_ =	sdelay $0x3  }
0xfb: {  	[tilespmem:v3+s21+$0x0] =	vst.idx.msk $0xffff, v2  }
0xfc: {  	v3 =	vor.u32 v12, v0;
	v2 =	vld.idx.msk [tilespmem:v4+s14+$0x0], $0xffff  }
0xfd: {  	v4 =	vor.u32 v9, v1;
	_ =	sdelay $0x3  }
0xfe: {  	[tilespmem:v3+s21+$0x0] =	vst.idx.msk $0xffff, v2  }
0xff: {  	v3 =	vor.u32 v14, v0;
	v2 =	vld.idx.msk [tilespmem:v4+s14+$0x0], $0xffff  }
0x100: {  	v4 =	vor.u32 v15, v1;
	_ =	sdelay $0x3  }
0x101: {  	[tilespmem:v3+s21+$0x0] =	vst.idx.msk $0xffff, v2  }
0x102: {  	v3 =	vor.u32 v16, v0;
	v2 =	vld.idx.msk [tilespmem:v4+s14+$0x0], $0xffff  }
0x103: {  	v4 =	vor.u32 v19, v1;
	_ =	sdelay $0x3  }
0x104: {  	[tilespmem:v3+s21+$0x0] =	vst.idx.msk $0xffff, v2  }
0x105: {  	v3 =	vor.u32 v18, v0;
	v2 =	vld.idx.msk [tilespmem:v4+s14+$0x0], $0xffff  }
0x106: {  	v4 =	vor.u32 v21, v1;
	_ =	sdelay $0x3  }
0x107: {  	[tilespmem:v3+s21+$0x0] =	vst.idx.msk $0xffff, v2  }
0x108: {  	v3 =	vor.u32 v36, v0;
	v2 =	vld.idx.msk [tilespmem:v4+s14+$0x0], $0xffff  }
0x109: {  	v4 =	vor.u32 v23, v1;
	_ =	sdelay $0x3  }
0x10a: {  	[tilespmem:v3+s21+$0x0] =	vst.idx.msk $0xffff, v2  }
0x10b: {  	v3 =	vor.u32 v30, v0;
	v2 =	vld.idx.msk [tilespmem:v4+s14+$0x0], $0xffff  }
0x10c: {  	v4 =	vor.u32 v25, v1;
	_ =	sdelay $0x3  }
0x10d: {  	[tilespmem:v3+s21+$0x0] =	vst.idx.msk $0xffff, v2  }
0x10e: {  	v3 =	vor.u32 v49, v0;
	v2 =	vld.idx.msk [tilespmem:v4+s14+$0x0], $0xffff  }
0x10f: {  	v4 =	vor.u32 v27, v1;
	_ =	sdelay $0x3  }
0x110: {  	[tilespmem:v3+s21+$0x0] =	vst.idx.msk $0xffff, v2  }
0x111: {  	v3 =	vor.u32 v40, v0;
	v2 =	vld.idx.msk [tilespmem:v4+s14+$0x0], $0xffff  }
0x112: {  	v4 =	vor.u32 v29, v1;
	_ =	sdelay $0x3  }
0x113: {  	[tilespmem:v3+s21+$0x0] =	vst.idx.msk $0xffff, v2  }
0x114: {  	v3 =	vor.u32 v22, v0;
	v2 =	vld.idx.msk [tilespmem:v4+s14+$0x0], $0xffff  }
0x115: {  	v4 =	vor.u32 v31, v1;
	_ =	sdelay $0x3  }
0x116: {  	[tilespmem:v3+s21+$0x0] =	vst.idx.msk $0xffff, v2  }
0x117: {  	v3 =	vor.u32 v34, v0;
	v2 =	vld.idx.msk [tilespmem:v4+s14+$0x0], $0xffff  }
0x118: {  	v4 =	vor.u32 v33, v1;
	_ =	sdelay $0x3  }
0x119: {  	[tilespmem:v3+s21+$0x0] =	vst.idx.msk $0xffff, v2  }
0x11a: {  	v3 =	vor.u32 v28, v0;
	v2 =	vld.idx.msk [tilespmem:v4+s14+$0x0], $0xffff  }
0x11b: {  	v4 =	vor.u32 v35, v1;
	_ =	sdelay $0x3  }
0x11c: {  	[tilespmem:v3+s21+$0x0] =	vst.idx.msk $0xffff, v2  }
0x11d: {  	v3 =	vor.u32 v41, v0;
	v2 =	vld.idx.msk [tilespmem:v4+s14+$0x0], $0xffff  }
0x11e: {  	v4 =	vor.u32 v20, v1;
	_ =	sdelay $0x3  }
0x11f: {  	[tilespmem:v3+s21+$0x0] =	vst.idx.msk $0xffff, v2  }
0x120: {  	v3 =	vor.u32 v37, v0;
	v2 =	vld.idx.msk [tilespmem:v4+s14+$0x0], $0xffff  }
0x121: {  	v4 =	vor.u32 v44, v1;
	_ =	sdelay $0x3  }
0x122: {  	[tilespmem:v3+s21+$0x0] =	vst.idx.msk $0xffff, v2  }
0x123: {  	v3 =	vor.u32 v39, v0;
	v2 =	vld.idx.msk [tilespmem:v4+s14+$0x0], $0xffff  }
0x124: {  	v4 =	vor.u32 v46, v1;
	_ =	sdelay $0x3  }
0x125: {  	[tilespmem:v3+s21+$0x0] =	vst.idx.msk $0xffff, v2  }
0x126: {  	v3 =	vor.u32 v42, v0;
	v2 =	vld.idx.msk [tilespmem:v4+s14+$0x0], $0xffff  }
0x127: {  	v4 =	vor.u32 v47, v1;
	_ =	sdelay $0x3  }
0x128: {  	[tilespmem:v3+s21+$0x0] =	vst.idx.msk $0xffff, v2  }
0x129: {  	v3 =	vor.u32 v52, v0;
	v2 =	vld.idx.msk [tilespmem:v4+s14+$0x0], $0xffff  }
0x12a: {  	v4 =	vor.u32 v45, v1;
	_ =	sdelay $0x3  }
0x12b: {  	[tilespmem:v3+s21+$0x0] =	vst.idx.msk $0xffff, v2  }
0x12c: {  	v3 =	vor.u32 v61, v0;
	v2 =	vld.idx.msk [tilespmem:v4+s14+$0x0], $0xffff  }
0x12d: {  	v4 =	vor.u32 v24, v1;
	_ =	sdelay $0x3  }
0x12e: {  	[tilespmem:v3+s21+$0x0] =	vst.idx.msk $0xffff, v2  }
0x12f: {  	v3 =	vor.u32 v13, v0;
	v2 =	vld.idx.msk [tilespmem:v4+s14+$0x0], $0xffff  }
0x130: {  	v4 =	vor.u32 v38, v1;
	_ =	sdelay $0x3  }
0x131: {  	[tilespmem:v3+s21+$0x0] =	vst.idx.msk $0xffff, v2  }
0x132: {  	v3 =	vor.u32 v60, v0;
	v2 =	vld.idx.msk [tilespmem:v4+s14+$0x0], $0xffff  }
0x133: {  	v4 =	vor.u32 v48, v1;
	_ =	sdelay $0x3  }
0x134: {  	[tilespmem:v3+s21+$0x0] =	vst.idx.msk $0xffff, v2  }
0x135: {  	v3 =	vor.u32 v63, v0;
	v2 =	vld.idx.msk [tilespmem:v4+s14+$0x0], $0xffff  }
0x136: {  	v4 =	vor.u32 v59, v1;
	_ =	sdelay $0x3  }
0x137: {  	[tilespmem:v3+s21+$0x0] =	vst.idx.msk $0xffff, v2  }
0x138: {  	v3 =	vor.u32 v56, v0;
	v2 =	vld.idx.msk [tilespmem:v4+s14+$0x0], $0xffff  }
0x139: {  	v4 =	vor.u32 v54, v1;
	_ =	sdelay $0x3  }
0x13a: {  	[tilespmem:v3+s21+$0x0] =	vst.idx.msk $0xffff, v2  }
0x13b: {  	v3 =	vor.u32 v55, v0;
	v2 =	vld.idx.msk [tilespmem:v4+s14+$0x0], $0xffff;
	_ =	sdelay $0x4  }
0x13c: {  	v4 =	vor.u32 v17, v1;
	[tilespmem:v3+s21+$0x0] =	vst.idx.msk $0xffff, v2;
	v3 =	vld [tilespmem:$0x1FFA0];
	_ =	sdelay $0x4  }
0x13d: {  	v2 =	vld.idx.msk [tilespmem:v4+s14+$0x0], $0xffff;
	v3 =	vor.u32 v3, v0  }
0x13e: {  	v4 =	vor.u32 v7, v1;
	_ =	sdelay $0x3  }
0x13f: {  	[tilespmem:v3+s21+$0x0] =	vst.idx.msk $0xffff, v2  }
0x140: {  	v3 =	vor.u32 v53, v0;
	v2 =	vld.idx.msk [tilespmem:v4+s14+$0x0], $0xffff;
	_ =	sdelay $0x2  }
0x141: {  	v4 =	vor.u32 v51, v1;
	_ =	sdelay $0x1  }
0x142: {  	[tilespmem:v3+s21+$0x0] =	vst.idx.msk $0xffff, v2;
	v3 =	vld [tilespmem:$0x1FF00];
	_ =	sdelay $0x2  }
0x143: {  	v2 =	vld.idx.msk [tilespmem:v4+s14+$0x0], $0xffff  }
0x144: {  	v4 =	vld [tilespmem:$0x1FFC0]  }
0x145: {  	v3 =	vor.u32 v3, v0;
	_ =	sdelay $0x3  }
0x146: {  	v4 =	vor.u32 v4, v1  }
0x147: {  	[tilespmem:v3+s21+$0x0] =	vst.idx.msk $0xffff, v2;
	v3 =	vld [tilespmem:$0x1FF10];
	_ =	sdelay $0x3  }
0x148: {  	v2 =	vld.idx.msk [tilespmem:v4+s14+$0x0], $0xffff  }
0x149: {  	v4 =	vld [tilespmem:$0x1FFD0];
	v3 =	vor.u32 v3, v0;
	_ =	sdelay $0x4  }
0x14a: {  	v4 =	vor.u32 v4, v1;
	[tilespmem:v3+s21+$0x0] =	vst.idx.msk $0xffff, v2;
	v3 =	vld [tilespmem:$0x1FC10];
	_ =	sdelay $0x4  }
0x14b: {  	v2 =	vld.idx.msk [tilespmem:v4+s14+$0x0], $0xffff;
	v3 =	vor.u32 v3, v0  }
0x14c: {  	p1 =	sne.s32 s5, $0xF;
	v1 =	vor.u32 v62, v1  }
.Ltmp2:
0x14d: {  	_ = 	snop;
	(pc) =	sbr.rel @p1 .LBB2_3-.Ltmp2, $3  }
0x14e: {  	_ =	sdelay $0x1  }
0x14f: {  	v4 =	vld [tilespmem:$0x1FFF0];
	[tilespmem:v3+s21+$0x0] =	vst.idx.msk $0xffff, v2  }
0x150: {  	v50 =	vlaneseq.u32;
	v2 =	vadd.s32 s5, v58;
	s5 =	sadd.s32 $0x1, s5;
	v3 =	vld.idx.msk [tilespmem:v1+s14+$0x0], $0xffff  }
0x151: {  	_ =	sdelay $0x1  }
0x152: {  	v1 =	vand.u32 $0xF, v2;
	v0 =	vor.u32 v11, v0  }
0x153: {  	v4 =	vor.u32 v4, v1;
	_ =	sdelay $0x2  }
0x154: {  	v5 =	vshll.u32 v2, $0x7  }
0x155: {  	[tilespmem:v0+s21+$0x0] =	vst.idx.msk $0xffff, v3;
	v0 =	vand.u32 $0x780, v5  }
0x156: {  	v58 =	vor.u32 v50, v0;
	v2 =	vld.idx.msk [tilespmem:v4+s14+$0x0], $0xffff  }
0x157: {  	v50 =	vor.u32 v43, v1;
	_ =	sdelay $0x3  }
0x158: {  	[tilespmem:v58+s21+$0x0] =	vst.idx.msk $0xffff, v2  }
0x159: {  	v58 =	vor.u32 v6, v0;
	v2 =	vld.idx.msk [tilespmem:v50+s14+$0x0], $0xffff  }
0x15a: {  	v32 =	vor.u32 v32, v1;
	_ =	sdelay $0x3  }
0x15b: {  	[tilespmem:v58+s21+$0x0] =	vst.idx.msk $0xffff, v2  }
0x15c: {  	v43 =	vor.u32 v8, v0;
	v2 =	vld.idx.msk [tilespmem:v32+s14+$0x0], $0xffff  }
0x15d: {  	v50 =	vor.u32 v26, v1;
	_ =	sdelay $0x3  }
0x15e: {  	[tilespmem:v43+s21+$0x0] =	vst.idx.msk $0xffff, v2  }
0x15f: {  	v58 =	vor.u32 v10, v0;
	v2 =	vld.idx.msk [tilespmem:v50+s14+$0x0], $0xffff  }
0x160: {  	v26 =	vor.u32 v57, v1;
	_ =	sdelay $0x3  }
0x161: {  	[tilespmem:v58+s21+$0x0] =	vst.idx.msk $0xffff, v2  }
0x162: {  	v32 =	vor.u32 v12, v0;
	v2 =	vld.idx.msk [tilespmem:v26+s14+$0x0], $0xffff  }
0x163: {  	v43 =	vor.u32 v9, v1;
	_ =	sdelay $0x3  }
0x164: {  	[tilespmem:v32+s21+$0x0] =	vst.idx.msk $0xffff, v2  }
0x165: {  	v50 =	vor.u32 v14, v0;
	v2 =	vld.idx.msk [tilespmem:v43+s14+$0x0], $0xffff  }
0x166: {  	v57 =	vor.u32 v15, v1;
	_ =	sdelay $0x3  }
0x167: {  	[tilespmem:v50+s21+$0x0] =	vst.idx.msk $0xffff, v2  }
0x168: {  	v58 =	vor.u32 v16, v0;
	v2 =	vld.idx.msk [tilespmem:v57+s14+$0x0], $0xffff  }
0x169: {  	v16 =	vor.u32 v19, v1;
	_ =	sdelay $0x3  }
0x16a: {  	[tilespmem:v58+s21+$0x0] =	vst.idx.msk $0xffff, v2  }
0x16b: {  	v18 =	vor.u32 v18, v0;
	v2 =	vld.idx.msk [tilespmem:v16+s14+$0x0], $0xffff  }
0x16c: {  	v19 =	vor.u32 v21, v1;
	_ =	sdelay $0x3  }
0x16d: {  	[tilespmem:v18+s21+$0x0] =	vst.idx.msk $0xffff, v2  }
0x16e: {  	v21 =	vor.u32 v36, v0;
	v2 =	vld.idx.msk [tilespmem:v19+s14+$0x0], $0xffff  }
0x16f: {  	v23 =	vor.u32 v23, v1;
	_ =	sdelay $0x3  }
0x170: {  	[tilespmem:v21+s21+$0x0] =	vst.idx.msk $0xffff, v2  }
0x171: {  	v26 =	vor.u32 v30, v0;
	v2 =	vld.idx.msk [tilespmem:v23+s14+$0x0], $0xffff  }
0x172: {  	v30 =	vor.u32 v25, v1;
	_ =	sdelay $0x3  }
0x173: {  	[tilespmem:v26+s21+$0x0] =	vst.idx.msk $0xffff, v2  }
0x174: {  	v32 =	vor.u32 v49, v0;
	v2 =	vld.idx.msk [tilespmem:v30+s14+$0x0], $0xffff  }
0x175: {  	v36 =	vor.u32 v27, v1;
	_ =	sdelay $0x3  }
0x176: {  	[tilespmem:v32+s21+$0x0] =	vst.idx.msk $0xffff, v2  }
0x177: {  	v43 =	vor.u32 v40, v0;
	v2 =	vld.idx.msk [tilespmem:v36+s14+$0x0], $0xffff  }
0x178: {  	v49 =	vor.u32 v29, v1;
	_ =	sdelay $0x3  }
0x179: {  	[tilespmem:v43+s21+$0x0] =	vst.idx.msk $0xffff, v2  }
0x17a: {  	v50 =	vor.u32 v22, v0;
	v2 =	vld.idx.msk [tilespmem:v49+s14+$0x0], $0xffff  }
0x17b: {  	v57 =	vor.u32 v31, v1;
	_ =	sdelay $0x3  }
0x17c: {  	[tilespmem:v50+s21+$0x0] =	vst.idx.msk $0xffff, v2  }
0x17d: {  	v58 =	vor.u32 v34, v0;
	v2 =	vld.idx.msk [tilespmem:v57+s14+$0x0], $0xffff  }
0x17e: {  	v16 =	vor.u32 v33, v1;
	_ =	sdelay $0x3  }
0x17f: {  	[tilespmem:v58+s21+$0x0] =	vst.idx.msk $0xffff, v2  }
0x180: {  	v18 =	vor.u32 v28, v0;
	v2 =	vld.idx.msk [tilespmem:v16+s14+$0x0], $0xffff  }
0x181: {  	v19 =	vor.u32 v35, v1;
	_ =	sdelay $0x3  }
0x182: {  	[tilespmem:v18+s21+$0x0] =	vst.idx.msk $0xffff, v2  }
0x183: {  	v21 =	vor.u32 v41, v0;
	v2 =	vld.idx.msk [tilespmem:v19+s14+$0x0], $0xffff  }
0x184: {  	v22 =	vor.u32 v20, v1;
	_ =	sdelay $0x3  }
0x185: {  	[tilespmem:v21+s21+$0x0] =	vst.idx.msk $0xffff, v2  }
0x186: {  	v23 =	vor.u32 v37, v0;
	v2 =	vld.idx.msk [tilespmem:v22+s14+$0x0], $0xffff  }
0x187: {  	v25 =	vor.u32 v44, v1;
	_ =	sdelay $0x3  }
0x188: {  	[tilespmem:v23+s21+$0x0] =	vst.idx.msk $0xffff, v2  }
0x189: {  	v26 =	vor.u32 v39, v0;
	v2 =	vld.idx.msk [tilespmem:v25+s14+$0x0], $0xffff  }
0x18a: {  	v27 =	vor.u32 v46, v1;
	_ =	sdelay $0x3  }
0x18b: {  	[tilespmem:v26+s21+$0x0] =	vst.idx.msk $0xffff, v2  }
0x18c: {  	v28 =	vor.u32 v42, v0;
	v2 =	vld.idx.msk [tilespmem:v27+s14+$0x0], $0xffff  }
0x18d: {  	v29 =	vor.u32 v47, v1;
	_ =	sdelay $0x3  }
0x18e: {  	[tilespmem:v28+s21+$0x0] =	vst.idx.msk $0xffff, v2  }
0x18f: {  	v30 =	vor.u32 v52, v0;
	v2 =	vld.idx.msk [tilespmem:v29+s14+$0x0], $0xffff  }
0x190: {  	v31 =	vor.u32 v45, v1;
	_ =	sdelay $0x3  }
0x191: {  	[tilespmem:v30+s21+$0x0] =	vst.idx.msk $0xffff, v2  }
0x192: {  	v32 =	vor.u32 v61, v0;
	v2 =	vld.idx.msk [tilespmem:v31+s14+$0x0], $0xffff  }
0x193: {  	v33 =	vor.u32 v24, v1;
	_ =	sdelay $0x3  }
0x194: {  	[tilespmem:v32+s21+$0x0] =	vst.idx.msk $0xffff, v2  }
0x195: {  	v34 =	vor.u32 v13, v0;
	v2 =	vld.idx.msk [tilespmem:v33+s14+$0x0], $0xffff  }
0x196: {  	v35 =	vor.u32 v38, v1;
	_ =	sdelay $0x3  }
0x197: {  	[tilespmem:v34+s21+$0x0] =	vst.idx.msk $0xffff, v2  }
0x198: {  	v37 =	vor.u32 v60, v0;
	v2 =	vld.idx.msk [tilespmem:v35+s14+$0x0], $0xffff  }
0x199: {  	v50 =	vmov v38;
	v38 =	vor.u32 v48, v1;
	_ =	sdelay $0x3  }
0x19a: {  	[tilespmem:v37+s21+$0x0] =	vst.idx.msk $0xffff, v2  }
0x19b: {  	v39 =	vor.u32 v63, v0;
	v2 =	vld.idx.msk [tilespmem:v38+s14+$0x0], $0xffff  }
0x19c: {  	v40 =	vor.u32 v59, v1;
	_ =	sdelay $0x3  }
0x19d: {  	[tilespmem:v39+s21+$0x0] =	vst.idx.msk $0xffff, v2  }
0x19e: {  	v42 =	vor.u32 v56, v0;
	v2 =	vld.idx.msk [tilespmem:v40+s14+$0x0], $0xffff  }
0x19f: {  	v43 =	vor.u32 v54, v1;
	_ =	sdelay $0x3  }
0x1a0: {  	[tilespmem:v42+s21+$0x0] =	vst.idx.msk $0xffff, v2  }
0x1a1: {  	v45 =	vor.u32 v55, v0;
	v2 =	vld.idx.msk [tilespmem:v43+s14+$0x0], $0xffff  }
0x1a2: {  	v46 =	vor.u32 v17, v1;
	v60 =	vld [tilespmem:$0x1FFA0];
	_ =	sdelay $0x3  }
0x1a3: {  	[tilespmem:v45+s21+$0x0] =	vst.idx.msk $0xffff, v2  }
0x1a4: {  	v49 =	vor.u32 v60, v0;
	v2 =	vld.idx.msk [tilespmem:v46+s14+$0x0], $0xffff  }
0x1a5: {  	v52 =	vor.u32 v7, v1;
	_ =	sdelay $0x3  }
0x1a6: {  	[tilespmem:v49+s21+$0x0] =	vst.idx.msk $0xffff, v2  }
0x1a7: {  	v58 =	vmov v54;
	v54 =	vor.u32 v53, v0;
	v2 =	vld.idx.msk [tilespmem:v52+s14+$0x0], $0xffff  }
0x1a8: {  	v55 =	vor.u32 v51, v1;
	v48 =	vmov v56;
	v56 =	vld [tilespmem:$0x1FF00]  }
0x1a9: {  	v13 =	vld [tilespmem:$0x1FFC0];
	_ =	sdelay $0x2  }
0x1aa: {  	[tilespmem:v54+s21+$0x0] =	vst.idx.msk $0xffff, v2  }
0x1ab: {  	v3 =	vor.u32 v56, v0;
	v2 =	vld.idx.msk [tilespmem:v55+s14+$0x0], $0xffff  }
0x1ac: {  	v59 =	vld [tilespmem:$0x1FF10];
	v57 =	vor.u32 v13, v1  }
0x1ad: {  	v36 =	vmovc v41;
	v41 =	vmov v44;
	v44 =	vmov v47;
	v47 =	vmov v61;
	v61 =	vld [tilespmem:$0x1FFD0];
	_ =	sdelay $0x2  }
0x1ae: {  	[tilespmem:v3+s21+$0x0] =	vst.idx.msk $0xffff, v2  }
0x1af: {  	v3 =	vor.u32 v59, v0;
	v2 =	vld.idx.msk [tilespmem:v57+s14+$0x0], $0xffff  }
0x1b0: {  	v9 =	vld [tilespmem:$0x1FC10];
	v4 =	vor.u32 v61, v1;
	_ =	sdelay $0x3  }
0x1b1: {  	[tilespmem:v3+s21+$0x0] =	vst.idx.msk $0xffff, v2  }
0x1b2: {  	v10 =	vmov v63;
	v63 =	vor.u32 v9, v0;
	v2 =	vld.idx.msk [tilespmem:v4+s14+$0x0], $0xffff  }
0x1b3: {  	v1 =	vor.u32 v62, v1;
	_ =	sdelay $0x3  }
0x1b4: {  	[tilespmem:v63+s21+$0x0] =	vst.idx.msk $0xffff, v2  }
0x1b5: {  	v0 =	vor.u32 v11, v0;
	v1 =	vld.idx.msk [tilespmem:v1+s14+$0x0], $0xffff  }
0x1b6: {  	p1 =	sne.s32 s18, $0x31  }
.Ltmp3:
0x1b7: {  	_ = 	snop;
	(pc) =	sbr.rel @p1 .LBB2_6-.Ltmp3, $4  }
0x1b8: {  	s5 =	sshll.u32 s18, $0x11  }
0x1b9: {  	s5 =	sor.u32 s6, s5  }
0x1ba: {  	s10 =	sadd.s32 s1, s5;
	[tilespmem:v0+s21+$0x0] =	vst.idx.msk $0xffff, v1  }
0x1bb: {  	[hbm4b:s10+s22] =	stream.strided.scatter [tilespmem:s21], [sflag:$0x5], $0x2000, s23, s22, $0x38;
	[tilespmem:$0x16400] =	vst v63  }
.Ltmp4:
0x1bc: {  	(pc) =	sbr.rel .LBB2_7-.Ltmp4, $4  }
0x1bd: {  	_ = 	snop  }
0x1be: {  	_ =	swait.ge [sflag:s24], $0x2000  }
0x1bf: {  	[sflag:s24] =	ssyncset.done $0x0  }
0x1c0: {  	[sflag:s24] =	ssyncadd.s32 $0xFFFFE000  }
.LBB2_6:
0x1c1: {  	s10 =	sshrl.u32 s3, $0x2  }
.Ltmp5:
0x1c2: {  	s10 =	sadd.s32 $0x200, s10;
	(pc) =	sbr.rel @p0 .LBB2_8-.Ltmp5, $4  }
0x1c3: {  	[tilespmem:s14], [sflag:$0x1] =	stream.indirect.gather [hbm4b:s4+s11], $0x40, s10, s11, $0xb8;
	[tilespmem:$0x16400] =	vst v63  }
0x1c4: {  	_ =	swait.ge [sflag:s24], $0x2000  }
0x1c5: {  	[sflag:s24] =	ssyncset.done $0x0  }
0x1c6: {  	[sflag:s24] =	ssyncadd.s32 $0xFFFFE000  }
.LBB2_7:
0x1c7: {  	_ =	swait.ge [sflag:s25], $0x2000  }
0x1c8: {  	[sflag:s25] =	ssyncset.done $0x0  }
0x1c9: {  	[sflag:s25] =	ssyncadd.s32 $0xFFFFE000  }
.LBB2_8:
0x1ca: {  	v2 =	vld [tilespmem:$0x1FFF0];
	_ =	sdelay $0x1  }
0x1cb: {  	s10 =	simm.s32 $0x0;
	v6 =	vlaneseq.u32  }
0x1cc: {  	v0 =	vadd.s32 s10, v6  }
0x1cd: {  	v1 =	vand.u32 $0xF, v0  }
0x1ce: {  	v52 =	vmov v2;
	v2 =	vor.u32 v2, v1  }
0x1cf: {  	v4 =	vld [tilespmem:$0x1FC30];
	_ =	sdelay $0x1  }
0x1d0: {  	v0 =	vshll.u32 v0, $0x7  }
0x1d1: {  	v0 =	vand.u32 $0x780, v0  }
0x1d2: {  	v3 =	vor.u32 v6, v0;
	v2 =	vld.idx.msk [tilespmem:v2+s15+$0x0], $0xffff  }
0x1d3: {  	v14 =	vmov v4;
	v4 =	vor.u32 v4, v1;
	_ =	sdelay $0x3  }
0x1d4: {  	[tilespmem:v3+s26+$0x0] =	vst.idx.msk $0xffff, v2;
	v3 =	vld [tilespmem:$0x1FC40]  }
0x1d5: {  	v2 =	vld.idx.msk [tilespmem:v4+s15+$0x0], $0xffff  }
0x1d6: {  	v4 =	vld [tilespmem:$0x1FC50];
	_ =	sdelay $0x3  }
0x1d7: {  	v15 =	vmov v3;
	v3 =	vor.u32 v3, v0  }
0x1d8: {  	v54 =	vmov v4;
	v4 =	vor.u32 v4, v1;
	_ =	sdelay $0x3  }
0x1d9: {  	[tilespmem:v3+s26+$0x0] =	vst.idx.msk $0xffff, v2;
	v3 =	vld [tilespmem:$0x1FC60]  }
0x1da: {  	v2 =	vld.idx.msk [tilespmem:v4+s15+$0x0], $0xffff  }
0x1db: {  	v4 =	vld [tilespmem:$0x1FC70];
	_ =	sdelay $0x3  }
0x1dc: {  	v34 =	vmov v3;
	v3 =	vor.u32 v3, v0  }
0x1dd: {  	v11 =	vmov v4;
	v4 =	vor.u32 v4, v1;
	_ =	sdelay $0x3  }
0x1de: {  	[tilespmem:v3+s26+$0x0] =	vst.idx.msk $0xffff, v2;
	v3 =	vld [tilespmem:$0x1FC80]  }
0x1df: {  	v2 =	vld.idx.msk [tilespmem:v4+s15+$0x0], $0xffff  }
0x1e0: {  	v4 =	vld [tilespmem:$0x1FC90];
	_ =	sdelay $0x3  }
0x1e1: {  	v12 =	vmov v3;
	v3 =	vor.u32 v3, v0  }
0x1e2: {  	v8 =	vmov v4;
	v4 =	vor.u32 v4, v1;
	_ =	sdelay $0x3  }
0x1e3: {  	[tilespmem:v3+s26+$0x0] =	vst.idx.msk $0xffff, v2;
	v3 =	vld [tilespmem:$0x1FCA0]  }
0x1e4: {  	v2 =	vld.idx.msk [tilespmem:v4+s15+$0x0], $0xffff  }
0x1e5: {  	v4 =	vld [tilespmem:$0x1FCB0];
	_ =	sdelay $0x3  }
0x1e6: {  	v16 =	vmov v3;
	v3 =	vor.u32 v3, v0  }
0x1e7: {  	v17 =	vmov v4;
	v4 =	vor.u32 v4, v1;
	_ =	sdelay $0x3  }
0x1e8: {  	[tilespmem:v3+s26+$0x0] =	vst.idx.msk $0xffff, v2;
	v3 =	vld [tilespmem:$0x1FCC0]  }
0x1e9: {  	v2 =	vld.idx.msk [tilespmem:v4+s15+$0x0], $0xffff  }
0x1ea: {  	v4 =	vld [tilespmem:$0x1FCD0];
	_ =	sdelay $0x3  }
0x1eb: {  	v18 =	vmov v3;
	v3 =	vor.u32 v3, v0  }
0x1ec: {  	v19 =	vmov v4;
	v4 =	vor.u32 v4, v1;
	_ =	sdelay $0x3  }
0x1ed: {  	[tilespmem:v3+s26+$0x0] =	vst.idx.msk $0xffff, v2;
	v3 =	vld [tilespmem:$0x1FCE0]  }
0x1ee: {  	v2 =	vld.idx.msk [tilespmem:v4+s15+$0x0], $0xffff  }
0x1ef: {  	v4 =	vld [tilespmem:$0x1FCF0];
	_ =	sdelay $0x3  }
0x1f0: {  	v20 =	vmov v3;
	v3 =	vor.u32 v3, v0  }
0x1f1: {  	v21 =	vmov v4;
	v4 =	vor.u32 v4, v1;
	_ =	sdelay $0x3  }
0x1f2: {  	[tilespmem:v3+s26+$0x0] =	vst.idx.msk $0xffff, v2;
	v3 =	vld [tilespmem:$0x1FD00]  }
0x1f3: {  	v2 =	vld.idx.msk [tilespmem:v4+s15+$0x0], $0xffff  }
0x1f4: {  	v4 =	vld [tilespmem:$0x1FD10];
	_ =	sdelay $0x3  }
0x1f5: {  	v22 =	vmov v3;
	v3 =	vor.u32 v3, v0  }
0x1f6: {  	v23 =	vmov v4;
	v4 =	vor.u32 v4, v1;
	_ =	sdelay $0x3  }
0x1f7: {  	[tilespmem:v3+s26+$0x0] =	vst.idx.msk $0xffff, v2;
	v3 =	vld [tilespmem:$0x1FD20]  }
0x1f8: {  	v2 =	vld.idx.msk [tilespmem:v4+s15+$0x0], $0xffff  }
0x1f9: {  	v4 =	vld [tilespmem:$0x1FD30];
	_ =	sdelay $0x3  }
0x1fa: {  	v24 =	vmov v3;
	v3 =	vor.u32 v3, v0  }
0x1fb: {  	v25 =	vmov v4;
	v4 =	vor.u32 v4, v1;
	_ =	sdelay $0x3  }
0x1fc: {  	[tilespmem:v3+s26+$0x0] =	vst.idx.msk $0xffff, v2;
	v3 =	vld [tilespmem:$0x1FD40]  }
0x1fd: {  	v2 =	vld.idx.msk [tilespmem:v4+s15+$0x0], $0xffff  }
0x1fe: {  	v4 =	vld [tilespmem:$0x1FD50];
	_ =	sdelay $0x3  }
0x1ff: {  	v26 =	vmov v3;
	v3 =	vor.u32 v3, v0  }
0x200: {  	v27 =	vmov v4;
	v4 =	vor.u32 v4, v1;
	_ =	sdelay $0x3  }
0x201: {  	[tilespmem:v3+s26+$0x0] =	vst.idx.msk $0xffff, v2;
	v3 =	vld [tilespmem:$0x1FD60]  }
0x202: {  	v2 =	vld.idx.msk [tilespmem:v4+s15+$0x0], $0xffff  }
0x203: {  	v4 =	vld [tilespmem:$0x1FD70];
	_ =	sdelay $0x3  }
0x204: {  	v28 =	vmov v3;
	v3 =	vor.u32 v3, v0  }
0x205: {  	v29 =	vmov v4;
	v4 =	vor.u32 v4, v1;
	_ =	sdelay $0x3  }
0x206: {  	[tilespmem:v3+s26+$0x0] =	vst.idx.msk $0xffff, v2;
	v3 =	vld [tilespmem:$0x1FD80]  }
0x207: {  	v2 =	vld.idx.msk [tilespmem:v4+s15+$0x0], $0xffff  }
0x208: {  	v4 =	vld [tilespmem:$0x1FD90];
	_ =	sdelay $0x3  }
0x209: {  	v30 =	vmov v3;
	v3 =	vor.u32 v3, v0  }
0x20a: {  	v31 =	vmov v4;
	v4 =	vor.u32 v4, v1;
	_ =	sdelay $0x3  }
0x20b: {  	[tilespmem:v3+s26+$0x0] =	vst.idx.msk $0xffff, v2;
	v3 =	vld [tilespmem:$0x1FDA0]  }
0x20c: {  	v2 =	vld.idx.msk [tilespmem:v4+s15+$0x0], $0xffff  }
0x20d: {  	v4 =	vld [tilespmem:$0x1FDB0];
	_ =	sdelay $0x3  }
0x20e: {  	v32 =	vmov v3;
	v3 =	vor.u32 v3, v0  }
0x20f: {  	v33 =	vmov v4;
	v4 =	vor.u32 v4, v1;
	_ =	sdelay $0x3  }
0x210: {  	[tilespmem:v3+s26+$0x0] =	vst.idx.msk $0xffff, v2;
	v3 =	vld [tilespmem:$0x1FDC0]  }
0x211: {  	v2 =	vld.idx.msk [tilespmem:v4+s15+$0x0], $0xffff  }
0x212: {  	v4 =	vld [tilespmem:$0x1FDD0];
	_ =	sdelay $0x3  }
0x213: {  	v7 =	vmov v3;
	v3 =	vor.u32 v3, v0  }
0x214: {  	v35 =	vmov v4;
	v4 =	vor.u32 v4, v1;
	_ =	sdelay $0x3  }
0x215: {  	[tilespmem:v3+s26+$0x0] =	vst.idx.msk $0xffff, v2;
	v3 =	vld [tilespmem:$0x1FDE0]  }
0x216: {  	v2 =	vld.idx.msk [tilespmem:v4+s15+$0x0], $0xffff  }
0x217: {  	v4 =	vld [tilespmem:$0x1FDF0];
	_ =	sdelay $0x3  }
0x218: {  	v37 =	vmov v3;
	v3 =	vor.u32 v3, v0  }
0x219: {  	v42 =	vmov v4;
	v4 =	vor.u32 v4, v1;
	_ =	sdelay $0x3  }
0x21a: {  	[tilespmem:v3+s26+$0x0] =	vst.idx.msk $0xffff, v2  }
0x21b: {  	v2 =	vld.idx.msk [tilespmem:v4+s15+$0x0], $0xffff  }
0x21c: {  	v3 =	vor.u32 v36, v0;
	v4 =	vld [tilespmem:$0x1FE00];
	_ =	sdelay $0x4  }
0x21d: {  	v39 =	vmov v4;
	v4 =	vor.u32 v4, v1;
	[tilespmem:v3+s26+$0x0] =	vst.idx.msk $0xffff, v2;
	v3 =	vld [tilespmem:$0x1FE10];
	_ =	sdelay $0x4  }
0x21e: {  	v2 =	vld.idx.msk [tilespmem:v4+s15+$0x0], $0xffff;
	v40 =	vmov v3;
	v3 =	vor.u32 v3, v0;
	_ =	sdelay $0x3  }
0x21f: {  	v4 =	vor.u32 v41, v1  }
0x220: {  	[tilespmem:v3+s26+$0x0] =	vst.idx.msk $0xffff, v2;
	v3 =	vld [tilespmem:$0x1FE20];
	_ =	sdelay $0x3  }
0x221: {  	v2 =	vld.idx.msk [tilespmem:v4+s15+$0x0], $0xffff  }
0x222: {  	v38 =	vmov v36;
	v4 =	vld [tilespmem:$0x1FE30];
	v36 =	vmov v3;
	v3 =	vor.u32 v3, v0;
	_ =	sdelay $0x4  }
0x223: {  	v45 =	vmov v4;
	v4 =	vor.u32 v4, v1;
	[tilespmem:v3+s26+$0x0] =	vst.idx.msk $0xffff, v2;
	v3 =	vld [tilespmem:$0x1FE40];
	_ =	sdelay $0x4  }
0x224: {  	v2 =	vld.idx.msk [tilespmem:v4+s15+$0x0], $0xffff;
	v56 =	vmov v3;
	v3 =	vor.u32 v3, v0  }
0x225: {  	v4 =	vor.u32 v44, v1;
	_ =	sdelay $0x3  }
0x226: {  	[tilespmem:v3+s26+$0x0] =	vst.idx.msk $0xffff, v2;
	v3 =	vld [tilespmem:$0x1FE50]  }
0x227: {  	v2 =	vld.idx.msk [tilespmem:v4+s15+$0x0], $0xffff  }
0x228: {  	v4 =	vld [tilespmem:$0x1FE60];
	_ =	sdelay $0x3  }
0x229: {  	v43 =	vmov v3;
	v3 =	vor.u32 v3, v0  }
0x22a: {  	v49 =	vmov v4;
	v4 =	vor.u32 v4, v1;
	_ =	sdelay $0x3  }
0x22b: {  	[tilespmem:v3+s26+$0x0] =	vst.idx.msk $0xffff, v2  }
0x22c: {  	v2 =	vld.idx.msk [tilespmem:v4+s15+$0x0], $0xffff  }
0x22d: {  	v3 =	vor.u32 v47, v0;
	v4 =	vld [tilespmem:$0x1FE70];
	_ =	sdelay $0x4  }
0x22e: {  	v51 =	vmov v4;
	v4 =	vor.u32 v4, v1;
	[tilespmem:v3+s26+$0x0] =	vst.idx.msk $0xffff, v2;
	v3 =	vld [tilespmem:$0x1FE80];
	_ =	sdelay $0x4  }
0x22f: {  	v2 =	vld.idx.msk [tilespmem:v4+s15+$0x0], $0xffff;
	v59 =	vmov v3;
	v3 =	vor.u32 v3, v0  }
0x230: {  	v4 =	vor.u32 v50, v1;
	_ =	sdelay $0x3  }
0x231: {  	[tilespmem:v3+s26+$0x0] =	vst.idx.msk $0xffff, v2;
	v3 =	vld [tilespmem:$0x1FE90]  }
0x232: {  	v2 =	vld.idx.msk [tilespmem:v4+s15+$0x0], $0xffff  }
0x233: {  	v4 =	vld [tilespmem:$0x1FEA0];
	_ =	sdelay $0x3  }
0x234: {  	v46 =	vmov v3;
	v3 =	vor.u32 v3, v0  }
0x235: {  	v61 =	vmov v4;
	v4 =	vor.u32 v4, v1;
	_ =	sdelay $0x3  }
0x236: {  	[tilespmem:v3+s26+$0x0] =	vst.idx.msk $0xffff, v2  }
0x237: {  	v2 =	vld.idx.msk [tilespmem:v4+s15+$0x0], $0xffff  }
0x238: {  	v4 =	vld [tilespmem:$0x1FEB0];
	_ =	sdelay $0x3  }
0x239: {  	v3 =	vor.u32 v10, v0  }
0x23a: {  	v57 =	vmov v4;
	v4 =	vor.u32 v4, v1;
	_ =	sdelay $0x3  }
0x23b: {  	[tilespmem:v3+s26+$0x0] =	vst.idx.msk $0xffff, v2  }
0x23c: {  	v3 =	vor.u32 v48, v0;
	v2 =	vld.idx.msk [tilespmem:v4+s15+$0x0], $0xffff  }
0x23d: {  	v4 =	vor.u32 v58, v1;
	_ =	sdelay $0x3  }
0x23e: {  	[tilespmem:v3+s26+$0x0] =	vst.idx.msk $0xffff, v2;
	v3 =	vld [tilespmem:$0x1FEC0]  }
0x23f: {  	v2 =	vld.idx.msk [tilespmem:v4+s15+$0x0], $0xffff  }
0x240: {  	v4 =	vld [tilespmem:$0x1FED0];
	_ =	sdelay $0x3  }
0x241: {  	v55 =	vmov v48;
	v48 =	vmov v3;
	v3 =	vor.u32 v3, v0  }
0x242: {  	v63 =	vmov v4;
	v4 =	vor.u32 v4, v1;
	_ =	sdelay $0x3  }
0x243: {  	[tilespmem:v3+s26+$0x0] =	vst.idx.msk $0xffff, v2  }
0x244: {  	v2 =	vld.idx.msk [tilespmem:v4+s15+$0x0], $0xffff  }
0x245: {  	v3 =	vor.u32 v60, v0;
	v4 =	vld [tilespmem:$0x1FEE0];
	_ =	sdelay $0x4  }
0x246: {  	v5 =	vmov v4;
	v4 =	vor.u32 v4, v1;
	[tilespmem:v3+s26+$0x0] =	vst.idx.msk $0xffff, v2;
	v3 =	vld [tilespmem:$0x1FEF0];
	_ =	sdelay $0x3  }
0x247: {  	v62 =	vld [tilespmem:$0x1FFB0]  }
0x248: {  	v53 =	vmov v10;
	v2 =	vld.idx.msk [tilespmem:v4+s15+$0x0], $0xffff;
	v10 =	vmov v3;
	v3 =	vor.u32 v3, v0;
	_ =	sdelay $0x4  }
0x249: {  	v4 =	vor.u32 v62, v1;
	[tilespmem:v3+s26+$0x0] =	vst.idx.msk $0xffff, v2;
	v3 =	vld [tilespmem:$0x1FF00];
	_ =	sdelay $0x4  }
0x24a: {  	v2 =	vld.idx.msk [tilespmem:v4+s15+$0x0], $0xffff;
	v3 =	vor.u32 v3, v0  }
0x24b: {  	v4 =	vor.u32 v13, v1;
	_ =	sdelay $0x3  }
0x24c: {  	[tilespmem:v3+s26+$0x0] =	vst.idx.msk $0xffff, v2;
	v3 =	vld [tilespmem:$0x1FF10]  }
0x24d: {  	v2 =	vld.idx.msk [tilespmem:v4+s15+$0x0], $0xffff  }
0x24e: {  	v4 =	vld [tilespmem:$0x1FFD0];
	_ =	sdelay $0x3  }
0x24f: {  	v3 =	vor.u32 v3, v0  }
0x250: {  	v4 =	vor.u32 v4, v1;
	_ =	sdelay $0x3  }
0x251: {  	[tilespmem:v3+s26+$0x0] =	vst.idx.msk $0xffff, v2  }
0x252: {  	v2 =	vld.idx.msk [tilespmem:v4+s15+$0x0], $0xffff  }
0x253: {  	v4 =	vld [tilespmem:$0x1FFE0];
	_ =	sdelay $0x3  }
0x254: {  	v3 =	vor.u32 v9, v0  }
0x255: {  	v1 =	vor.u32 v4, v1  }
0x256: {  	v9 =	vld [tilespmem:$0x1FC20];
	_ =	sdelay $0x2  }
0x257: {  	s10 =	simm.s32 $0x1;
	[tilespmem:v3+s26+$0x0] =	vst.idx.msk $0xffff, v2  }
0x258: {  	v2 =	vadd.s32 s10, v6;
	s10 =	simm.s32 $0x2;
	v3 =	vld.idx.msk [tilespmem:v1+s15+$0x0], $0xffff  }
.LBB2_9:
0x259: {  	v1 =	vand.u32 $0xF, v2;
	v0 =	vor.u32 v9, v0  }
0x25a: {  	v4 =	vor.u32 v52, v1;
	_ =	sdelay $0x2  }
0x25b: {  	v2 =	vshll.u32 v2, $0x7  }
0x25c: {  	v13 =	vlaneseq.u32;
	[tilespmem:v0+s26+$0x0] =	vst.idx.msk $0xffff, v3;
	v0 =	vand.u32 $0x780, v2  }
0x25d: {  	v3 =	vld.idx.msk [tilespmem:v4+s15+$0x0], $0xffff;
	v2 =	vor.u32 v13, v0  }
0x25e: {  	v4 =	vor.u32 v14, v1;
	_ =	sdelay $0x3  }
0x25f: {  	[tilespmem:v2+s26+$0x0] =	vst.idx.msk $0xffff, v3  }
0x260: {  	v3 =	vor.u32 v15, v0;
	v2 =	vld.idx.msk [tilespmem:v4+s15+$0x0], $0xffff  }
0x261: {  	v4 =	vor.u32 v54, v1;
	_ =	sdelay $0x3  }
0x262: {  	[tilespmem:v3+s26+$0x0] =	vst.idx.msk $0xffff, v2  }
0x263: {  	v3 =	vor.u32 v34, v0;
	v2 =	vld.idx.msk [tilespmem:v4+s15+$0x0], $0xffff  }
0x264: {  	v4 =	vor.u32 v11, v1;
	_ =	sdelay $0x3  }
0x265: {  	[tilespmem:v3+s26+$0x0] =	vst.idx.msk $0xffff, v2  }
0x266: {  	v3 =	vor.u32 v12, v0;
	v2 =	vld.idx.msk [tilespmem:v4+s15+$0x0], $0xffff  }
0x267: {  	v4 =	vor.u32 v8, v1;
	_ =	sdelay $0x3  }
0x268: {  	[tilespmem:v3+s26+$0x0] =	vst.idx.msk $0xffff, v2  }
0x269: {  	v3 =	vor.u32 v16, v0;
	v2 =	vld.idx.msk [tilespmem:v4+s15+$0x0], $0xffff  }
0x26a: {  	v4 =	vor.u32 v17, v1;
	_ =	sdelay $0x3  }
0x26b: {  	[tilespmem:v3+s26+$0x0] =	vst.idx.msk $0xffff, v2  }
0x26c: {  	v3 =	vor.u32 v18, v0;
	v2 =	vld.idx.msk [tilespmem:v4+s15+$0x0], $0xffff  }
0x26d: {  	v4 =	vor.u32 v19, v1;
	_ =	sdelay $0x3  }
0x26e: {  	[tilespmem:v3+s26+$0x0] =	vst.idx.msk $0xffff, v2  }
0x26f: {  	v3 =	vor.u32 v20, v0;
	v2 =	vld.idx.msk [tilespmem:v4+s15+$0x0], $0xffff  }
0x270: {  	v4 =	vor.u32 v21, v1;
	_ =	sdelay $0x3  }
0x271: {  	[tilespmem:v3+s26+$0x0] =	vst.idx.msk $0xffff, v2  }
0x272: {  	v3 =	vor.u32 v22, v0;
	v2 =	vld.idx.msk [tilespmem:v4+s15+$0x0], $0xffff  }
0x273: {  	v4 =	vor.u32 v23, v1;
	_ =	sdelay $0x3  }
0x274: {  	[tilespmem:v3+s26+$0x0] =	vst.idx.msk $0xffff, v2  }
0x275: {  	v3 =	vor.u32 v24, v0;
	v2 =	vld.idx.msk [tilespmem:v4+s15+$0x0], $0xffff  }
0x276: {  	v4 =	vor.u32 v25, v1;
	_ =	sdelay $0x3  }
0x277: {  	[tilespmem:v3+s26+$0x0] =	vst.idx.msk $0xffff, v2  }
0x278: {  	v3 =	vor.u32 v26, v0;
	v2 =	vld.idx.msk [tilespmem:v4+s15+$0x0], $0xffff  }
0x279: {  	v4 =	vor.u32 v27, v1;
	_ =	sdelay $0x3  }
0x27a: {  	[tilespmem:v3+s26+$0x0] =	vst.idx.msk $0xffff, v2  }
0x27b: {  	v3 =	vor.u32 v28, v0;
	v2 =	vld.idx.msk [tilespmem:v4+s15+$0x0], $0xffff  }
0x27c: {  	v4 =	vor.u32 v29, v1;
	_ =	sdelay $0x3  }
0x27d: {  	[tilespmem:v3+s26+$0x0] =	vst.idx.msk $0xffff, v2  }
0x27e: {  	v3 =	vor.u32 v30, v0;
	v2 =	vld.idx.msk [tilespmem:v4+s15+$0x0], $0xffff  }
0x27f: {  	v4 =	vor.u32 v31, v1;
	_ =	sdelay $0x3  }
0x280: {  	[tilespmem:v3+s26+$0x0] =	vst.idx.msk $0xffff, v2  }
0x281: {  	v3 =	vor.u32 v32, v0;
	v2 =	vld.idx.msk [tilespmem:v4+s15+$0x0], $0xffff  }
0x282: {  	v4 =	vor.u32 v33, v1;
	_ =	sdelay $0x3  }
0x283: {  	[tilespmem:v3+s26+$0x0] =	vst.idx.msk $0xffff, v2  }
0x284: {  	v3 =	vor.u32 v7, v0;
	v2 =	vld.idx.msk [tilespmem:v4+s15+$0x0], $0xffff  }
0x285: {  	v4 =	vor.u32 v35, v1;
	_ =	sdelay $0x3  }
0x286: {  	[tilespmem:v3+s26+$0x0] =	vst.idx.msk $0xffff, v2  }
0x287: {  	v3 =	vor.u32 v37, v0;
	v2 =	vld.idx.msk [tilespmem:v4+s15+$0x0], $0xffff  }
0x288: {  	v4 =	vor.u32 v42, v1;
	_ =	sdelay $0x3  }
0x289: {  	[tilespmem:v3+s26+$0x0] =	vst.idx.msk $0xffff, v2  }
0x28a: {  	v3 =	vor.u32 v38, v0;
	v2 =	vld.idx.msk [tilespmem:v4+s15+$0x0], $0xffff  }
0x28b: {  	v4 =	vor.u32 v39, v1;
	_ =	sdelay $0x3  }
0x28c: {  	[tilespmem:v3+s26+$0x0] =	vst.idx.msk $0xffff, v2  }
0x28d: {  	v3 =	vor.u32 v40, v0;
	v2 =	vld.idx.msk [tilespmem:v4+s15+$0x0], $0xffff  }
0x28e: {  	v4 =	vor.u32 v41, v1;
	_ =	sdelay $0x3  }
0x28f: {  	[tilespmem:v3+s26+$0x0] =	vst.idx.msk $0xffff, v2  }
0x290: {  	v3 =	vor.u32 v36, v0;
	v2 =	vld.idx.msk [tilespmem:v4+s15+$0x0], $0xffff  }
0x291: {  	v4 =	vor.u32 v45, v1;
	_ =	sdelay $0x3  }
0x292: {  	[tilespmem:v3+s26+$0x0] =	vst.idx.msk $0xffff, v2  }
0x293: {  	v3 =	vor.u32 v56, v0;
	v2 =	vld.idx.msk [tilespmem:v4+s15+$0x0], $0xffff  }
0x294: {  	v4 =	vor.u32 v44, v1;
	_ =	sdelay $0x3  }
0x295: {  	[tilespmem:v3+s26+$0x0] =	vst.idx.msk $0xffff, v2  }
0x296: {  	v3 =	vor.u32 v43, v0;
	v2 =	vld.idx.msk [tilespmem:v4+s15+$0x0], $0xffff  }
0x297: {  	v4 =	vor.u32 v49, v1;
	_ =	sdelay $0x3  }
0x298: {  	[tilespmem:v3+s26+$0x0] =	vst.idx.msk $0xffff, v2  }
0x299: {  	v3 =	vor.u32 v47, v0;
	v2 =	vld.idx.msk [tilespmem:v4+s15+$0x0], $0xffff  }
0x29a: {  	v4 =	vor.u32 v51, v1;
	_ =	sdelay $0x3  }
0x29b: {  	[tilespmem:v3+s26+$0x0] =	vst.idx.msk $0xffff, v2  }
0x29c: {  	v3 =	vor.u32 v59, v0;
	v2 =	vld.idx.msk [tilespmem:v4+s15+$0x0], $0xffff  }
0x29d: {  	v4 =	vor.u32 v50, v1;
	_ =	sdelay $0x3  }
0x29e: {  	[tilespmem:v3+s26+$0x0] =	vst.idx.msk $0xffff, v2  }
0x29f: {  	v3 =	vor.u32 v46, v0;
	v2 =	vld.idx.msk [tilespmem:v4+s15+$0x0], $0xffff  }
0x2a0: {  	v4 =	vor.u32 v61, v1;
	_ =	sdelay $0x3  }
0x2a1: {  	[tilespmem:v3+s26+$0x0] =	vst.idx.msk $0xffff, v2  }
0x2a2: {  	v3 =	vor.u32 v53, v0;
	v2 =	vld.idx.msk [tilespmem:v4+s15+$0x0], $0xffff  }
0x2a3: {  	v4 =	vor.u32 v57, v1;
	_ =	sdelay $0x3  }
0x2a4: {  	[tilespmem:v3+s26+$0x0] =	vst.idx.msk $0xffff, v2  }
0x2a5: {  	v3 =	vor.u32 v55, v0;
	v2 =	vld.idx.msk [tilespmem:v4+s15+$0x0], $0xffff  }
0x2a6: {  	v4 =	vor.u32 v58, v1;
	_ =	sdelay $0x3  }
0x2a7: {  	[tilespmem:v3+s26+$0x0] =	vst.idx.msk $0xffff, v2  }
0x2a8: {  	v3 =	vor.u32 v48, v0;
	v2 =	vld.idx.msk [tilespmem:v4+s15+$0x0], $0xffff  }
0x2a9: {  	v4 =	vor.u32 v63, v1;
	_ =	sdelay $0x3  }
0x2aa: {  	[tilespmem:v3+s26+$0x0] =	vst.idx.msk $0xffff, v2  }
0x2ab: {  	v3 =	vor.u32 v60, v0;
	v2 =	vld.idx.msk [tilespmem:v4+s15+$0x0], $0xffff  }
0x2ac: {  	v4 =	vor.u32 v5, v1;
	_ =	sdelay $0x3  }
0x2ad: {  	[tilespmem:v3+s26+$0x0] =	vst.idx.msk $0xffff, v2  }
0x2ae: {  	v3 =	vor.u32 v10, v0;
	v2 =	vld.idx.msk [tilespmem:v4+s15+$0x0], $0xffff  }
0x2af: {  	v4 =	vor.u32 v62, v1;
	_ =	sdelay $0x3  }
0x2b0: {  	[tilespmem:v3+s26+$0x0] =	vst.idx.msk $0xffff, v2;
	v3 =	vld [tilespmem:$0x1FF00]  }
0x2b1: {  	v2 =	vld.idx.msk [tilespmem:v4+s15+$0x0], $0xffff  }
0x2b2: {  	v4 =	vld [tilespmem:$0x1FFC0];
	_ =	sdelay $0x3  }
0x2b3: {  	v3 =	vor.u32 v3, v0  }
0x2b4: {  	v4 =	vor.u32 v4, v1;
	_ =	sdelay $0x3  }
0x2b5: {  	[tilespmem:v3+s26+$0x0] =	vst.idx.msk $0xffff, v2;
	v3 =	vld [tilespmem:$0x1FF10]  }
0x2b6: {  	v2 =	vld.idx.msk [tilespmem:v4+s15+$0x0], $0xffff  }
0x2b7: {  	v4 =	vld [tilespmem:$0x1FFD0];
	_ =	sdelay $0x3  }
0x2b8: {  	v3 =	vor.u32 v3, v0  }
0x2b9: {  	v4 =	vor.u32 v4, v1;
	_ =	sdelay $0x3  }
0x2ba: {  	[tilespmem:v3+s26+$0x0] =	vst.idx.msk $0xffff, v2;
	v3 =	vld [tilespmem:$0x1FC10]  }
0x2bb: {  	v2 =	vld.idx.msk [tilespmem:v4+s15+$0x0], $0xffff  }
0x2bc: {  	v4 =	vld [tilespmem:$0x1FFE0];
	_ =	sdelay $0x3  }
0x2bd: {  	v3 =	vor.u32 v3, v0  }
0x2be: {  	p2 =	sne.s32 s10, $0xF;
	v1 =	vor.u32 v4, v1  }
.Ltmp6:
0x2bf: {  	_ = 	snop;
	(pc) =	sbr.rel @p2 .LBB2_9-.Ltmp6, $3  }
0x2c0: {  	_ =	sdelay $0x1  }
0x2c1: {  	[tilespmem:v3+s26+$0x0] =	vst.idx.msk $0xffff, v2  }
0x2c2: {  	v4 =	vlaneseq.u32;
	v2 =	vadd.s32 s10, v13;
	s10 =	sadd.s32 $0x1, s10;
	v3 =	vld.idx.msk [tilespmem:v1+s15+$0x0], $0xffff  }
0x2c3: {  	v1 =	vand.u32 $0xF, v2;
	v0 =	vor.u32 v9, v0  }
0x2c4: {  	v13 =	vor.u32 v52, v1;
	_ =	sdelay $0x2  }
0x2c5: {  	v6 =	vshll.u32 v2, $0x7  }
0x2c6: {  	[tilespmem:v0+s26+$0x0] =	vst.idx.msk $0xffff, v3;
	v0 =	vand.u32 $0x780, v6  }
0x2c7: {  	v52 =	vld.idx.msk [tilespmem:v13+s15+$0x0], $0xffff;
	v13 =	vor.u32 v4, v0  }
0x2c8: {  	v14 =	vor.u32 v14, v1;
	_ =	sdelay $0x3  }
0x2c9: {  	[tilespmem:v13+s26+$0x0] =	vst.idx.msk $0xffff, v52  }
0x2ca: {  	v52 =	vor.u32 v15, v0;
	v2 =	vld.idx.msk [tilespmem:v14+s15+$0x0], $0xffff  }
0x2cb: {  	v13 =	vor.u32 v54, v1;
	_ =	sdelay $0x3  }
0x2cc: {  	[tilespmem:v52+s26+$0x0] =	vst.idx.msk $0xffff, v2  }
0x2cd: {  	v14 =	vor.u32 v34, v0;
	v2 =	vld.idx.msk [tilespmem:v13+s15+$0x0], $0xffff  }
0x2ce: {  	v15 =	vor.u32 v11, v1;
	_ =	sdelay $0x3  }
0x2cf: {  	[tilespmem:v14+s26+$0x0] =	vst.idx.msk $0xffff, v2  }
0x2d0: {  	v34 =	vor.u32 v12, v0;
	v2 =	vld.idx.msk [tilespmem:v15+s15+$0x0], $0xffff  }
0x2d1: {  	v52 =	vor.u32 v8, v1;
	_ =	sdelay $0x3  }
0x2d2: {  	[tilespmem:v34+s26+$0x0] =	vst.idx.msk $0xffff, v2  }
0x2d3: {  	v54 =	vor.u32 v16, v0;
	v2 =	vld.idx.msk [tilespmem:v52+s15+$0x0], $0xffff  }
0x2d4: {  	v8 =	vor.u32 v17, v1;
	_ =	sdelay $0x3  }
0x2d5: {  	[tilespmem:v54+s26+$0x0] =	vst.idx.msk $0xffff, v2  }
0x2d6: {  	v11 =	vor.u32 v18, v0;
	v2 =	vld.idx.msk [tilespmem:v8+s15+$0x0], $0xffff  }
0x2d7: {  	v12 =	vor.u32 v19, v1;
	_ =	sdelay $0x3  }
0x2d8: {  	[tilespmem:v11+s26+$0x0] =	vst.idx.msk $0xffff, v2  }
0x2d9: {  	v13 =	vor.u32 v20, v0;
	v2 =	vld.idx.msk [tilespmem:v12+s15+$0x0], $0xffff  }
0x2da: {  	v14 =	vor.u32 v21, v1;
	_ =	sdelay $0x3  }
0x2db: {  	[tilespmem:v13+s26+$0x0] =	vst.idx.msk $0xffff, v2  }
0x2dc: {  	v15 =	vor.u32 v22, v0;
	v2 =	vld.idx.msk [tilespmem:v14+s15+$0x0], $0xffff  }
0x2dd: {  	v16 =	vor.u32 v23, v1;
	_ =	sdelay $0x3  }
0x2de: {  	[tilespmem:v15+s26+$0x0] =	vst.idx.msk $0xffff, v2  }
0x2df: {  	v17 =	vor.u32 v24, v0;
	v2 =	vld.idx.msk [tilespmem:v16+s15+$0x0], $0xffff  }
0x2e0: {  	v18 =	vor.u32 v25, v1;
	_ =	sdelay $0x3  }
0x2e1: {  	[tilespmem:v17+s26+$0x0] =	vst.idx.msk $0xffff, v2  }
0x2e2: {  	v19 =	vor.u32 v26, v0;
	v2 =	vld.idx.msk [tilespmem:v18+s15+$0x0], $0xffff  }
0x2e3: {  	v20 =	vor.u32 v27, v1;
	_ =	sdelay $0x3  }
0x2e4: {  	[tilespmem:v19+s26+$0x0] =	vst.idx.msk $0xffff, v2  }
0x2e5: {  	v21 =	vor.u32 v28, v0;
	v2 =	vld.idx.msk [tilespmem:v20+s15+$0x0], $0xffff  }
0x2e6: {  	v22 =	vor.u32 v29, v1;
	_ =	sdelay $0x3  }
0x2e7: {  	[tilespmem:v21+s26+$0x0] =	vst.idx.msk $0xffff, v2  }
0x2e8: {  	v23 =	vor.u32 v30, v0;
	v2 =	vld.idx.msk [tilespmem:v22+s15+$0x0], $0xffff  }
0x2e9: {  	v24 =	vor.u32 v31, v1;
	_ =	sdelay $0x3  }
0x2ea: {  	[tilespmem:v23+s26+$0x0] =	vst.idx.msk $0xffff, v2  }
0x2eb: {  	v25 =	vor.u32 v32, v0;
	v2 =	vld.idx.msk [tilespmem:v24+s15+$0x0], $0xffff  }
0x2ec: {  	v26 =	vor.u32 v33, v1;
	_ =	sdelay $0x3  }
0x2ed: {  	[tilespmem:v25+s26+$0x0] =	vst.idx.msk $0xffff, v2  }
0x2ee: {  	v27 =	vor.u32 v7, v0;
	v2 =	vld.idx.msk [tilespmem:v26+s15+$0x0], $0xffff  }
0x2ef: {  	v28 =	vor.u32 v35, v1;
	_ =	sdelay $0x3  }
0x2f0: {  	[tilespmem:v27+s26+$0x0] =	vst.idx.msk $0xffff, v2  }
0x2f1: {  	v29 =	vor.u32 v37, v0;
	v2 =	vld.idx.msk [tilespmem:v28+s15+$0x0], $0xffff  }
0x2f2: {  	v30 =	vor.u32 v42, v1;
	_ =	sdelay $0x3  }
0x2f3: {  	[tilespmem:v29+s26+$0x0] =	vst.idx.msk $0xffff, v2  }
0x2f4: {  	v31 =	vor.u32 v38, v0;
	v2 =	vld.idx.msk [tilespmem:v30+s15+$0x0], $0xffff  }
0x2f5: {  	v32 =	vor.u32 v39, v1;
	_ =	sdelay $0x3  }
0x2f6: {  	[tilespmem:v31+s26+$0x0] =	vst.idx.msk $0xffff, v2  }
0x2f7: {  	v33 =	vor.u32 v40, v0;
	v2 =	vld.idx.msk [tilespmem:v32+s15+$0x0], $0xffff  }
0x2f8: {  	v34 =	vor.u32 v41, v1;
	_ =	sdelay $0x3  }
0x2f9: {  	[tilespmem:v33+s26+$0x0] =	vst.idx.msk $0xffff, v2  }
0x2fa: {  	v35 =	vor.u32 v36, v0;
	v2 =	vld.idx.msk [tilespmem:v34+s15+$0x0], $0xffff  }
0x2fb: {  	v36 =	vor.u32 v45, v1;
	_ =	sdelay $0x3  }
0x2fc: {  	[tilespmem:v35+s26+$0x0] =	vst.idx.msk $0xffff, v2  }
0x2fd: {  	v37 =	vor.u32 v56, v0;
	v2 =	vld.idx.msk [tilespmem:v36+s15+$0x0], $0xffff  }
0x2fe: {  	v38 =	vor.u32 v44, v1;
	_ =	sdelay $0x3  }
0x2ff: {  	[tilespmem:v37+s26+$0x0] =	vst.idx.msk $0xffff, v2  }
0x300: {  	v39 =	vor.u32 v43, v0;
	v2 =	vld.idx.msk [tilespmem:v38+s15+$0x0], $0xffff  }
0x301: {  	v40 =	vor.u32 v49, v1;
	_ =	sdelay $0x3  }
0x302: {  	[tilespmem:v39+s26+$0x0] =	vst.idx.msk $0xffff, v2  }
0x303: {  	v41 =	vor.u32 v47, v0;
	v2 =	vld.idx.msk [tilespmem:v40+s15+$0x0], $0xffff  }
0x304: {  	v42 =	vor.u32 v51, v1;
	_ =	sdelay $0x3  }
0x305: {  	[tilespmem:v41+s26+$0x0] =	vst.idx.msk $0xffff, v2  }
0x306: {  	v43 =	vor.u32 v59, v0;
	v2 =	vld.idx.msk [tilespmem:v42+s15+$0x0], $0xffff  }
0x307: {  	v44 =	vor.u32 v50, v1;
	_ =	sdelay $0x3  }
0x308: {  	[tilespmem:v43+s26+$0x0] =	vst.idx.msk $0xffff, v2  }
0x309: {  	v45 =	vor.u32 v46, v0;
	v2 =	vld.idx.msk [tilespmem:v44+s15+$0x0], $0xffff  }
0x30a: {  	v46 =	vor.u32 v61, v1;
	_ =	sdelay $0x3  }
0x30b: {  	[tilespmem:v45+s26+$0x0] =	vst.idx.msk $0xffff, v2  }
0x30c: {  	v47 =	vor.u32 v53, v0;
	v2 =	vld.idx.msk [tilespmem:v46+s15+$0x0], $0xffff  }
0x30d: {  	v49 =	vor.u32 v57, v1;
	_ =	sdelay $0x3  }
0x30e: {  	[tilespmem:v47+s26+$0x0] =	vst.idx.msk $0xffff, v2  }
0x30f: {  	v50 =	vor.u32 v55, v0;
	v2 =	vld.idx.msk [tilespmem:v49+s15+$0x0], $0xffff  }
0x310: {  	v51 =	vor.u32 v58, v1;
	_ =	sdelay $0x3  }
0x311: {  	[tilespmem:v50+s26+$0x0] =	vst.idx.msk $0xffff, v2  }
0x312: {  	v52 =	vor.u32 v48, v0;
	v2 =	vld.idx.msk [tilespmem:v51+s15+$0x0], $0xffff  }
0x313: {  	v53 =	vor.u32 v63, v1;
	_ =	sdelay $0x3  }
0x314: {  	[tilespmem:v52+s26+$0x0] =	vst.idx.msk $0xffff, v2  }
0x315: {  	v54 =	vor.u32 v60, v0;
	v2 =	vld.idx.msk [tilespmem:v53+s15+$0x0], $0xffff  }
0x316: {  	v55 =	vor.u32 v5, v1;
	_ =	sdelay $0x3  }
0x317: {  	[tilespmem:v54+s26+$0x0] =	vst.idx.msk $0xffff, v2  }
0x318: {  	v56 =	vor.u32 v10, v0;
	v2 =	vld.idx.msk [tilespmem:v55+s15+$0x0], $0xffff  }
0x319: {  	v58 =	vld [tilespmem:$0x1FF00];
	v57 =	vor.u32 v62, v1  }
0x31a: {  	v59 =	vld [tilespmem:$0x1FFC0];
	_ =	sdelay $0x2  }
0x31b: {  	[tilespmem:v56+s26+$0x0] =	vst.idx.msk $0xffff, v2  }
0x31c: {  	v3 =	vor.u32 v58, v0;
	v2 =	vld.idx.msk [tilespmem:v57+s15+$0x0], $0xffff  }
0x31d: {  	v4 =	vor.u32 v59, v1;
	v60 =	vld [tilespmem:$0x1FF10]  }
0x31e: {  	v61 =	vld [tilespmem:$0x1FFD0];
	_ =	sdelay $0x2  }
0x31f: {  	[tilespmem:v3+s26+$0x0] =	vst.idx.msk $0xffff, v2  }
0x320: {  	v3 =	vor.u32 v60, v0;
	v2 =	vld.idx.msk [tilespmem:v4+s15+$0x0], $0xffff  }
0x321: {  	v62 =	vld [tilespmem:$0x1FC10];
	v4 =	vor.u32 v61, v1  }
0x322: {  	v63 =	vld [tilespmem:$0x1FFE0];
	_ =	sdelay $0x2  }
0x323: {  	[tilespmem:v3+s26+$0x0] =	vst.idx.msk $0xffff, v2  }
0x324: {  	v3 =	vor.u32 v62, v0;
	v2 =	vld.idx.msk [tilespmem:v4+s15+$0x0], $0xffff  }
0x325: {  	v1 =	vor.u32 v63, v1;
	_ =	sdelay $0x3  }
0x326: {  	[tilespmem:v3+s26+$0x0] =	vst.idx.msk $0xffff, v2  }
0x327: {  	v0 =	vor.u32 v9, v0;
	v1 =	vld.idx.msk [tilespmem:v1+s15+$0x0], $0xffff;
	_ =	sdelay $0x1  }
.Ltmp7:
0x328: {  	_ = 	snop;
	(pc) =	sbr.rel @p1 .LBB2_12-.Ltmp7, $3  }
0x329: {  	_ =	sdelay $0x1  }
0x32a: {  	s10 =	sadd.s32 s5, s7;
	[tilespmem:v0+s26+$0x0] =	vst.idx.msk $0xffff, v1  }
0x32b: {  	[hbm4b:s10+s22] =	stream.strided.scatter [tilespmem:s26], [sflag:$0x6], $0x2000, s23, s22, $0x38;
	[tilespmem:$0x16400] =	vst v63  }
.Ltmp8:
0x32c: {  	(pc) =	sbr.rel .LBB2_13-.Ltmp8, $4  }
0x32d: {  	_ = 	snop  }
0x32e: {  	_ =	swait.ge [sflag:s28], $0x2000  }
0x32f: {  	[sflag:s28] =	ssyncset.done $0x0  }
0x330: {  	[sflag:s28] =	ssyncadd.s32 $0xFFFFE000  }
.LBB2_12:
0x331: {  	s10 =	sshrl.u32 s3, $0x2  }
.Ltmp9:
0x332: {  	s10 =	sadd.s32 $0x280, s10;
	(pc) =	sbr.rel @p0 .LBB2_14-.Ltmp9, $4  }
0x333: {  	[tilespmem:s15], [sflag:$0x2] =	stream.indirect.gather [hbm4b:s4+s11], $0x40, s10, s11, $0xb8;
	[tilespmem:$0x16400] =	vst v63  }
0x334: {  	_ =	swait.ge [sflag:s28], $0x2000  }
0x335: {  	[sflag:s28] =	ssyncset.done $0x0  }
0x336: {  	[sflag:s28] =	ssyncadd.s32 $0xFFFFE000  }
.LBB2_13:
0x337: {  	_ =	swait.ge [sflag:s29], $0x2000  }
0x338: {  	[sflag:s29] =	ssyncset.done $0x0  }
0x339: {  	[sflag:s29] =	ssyncadd.s32 $0xFFFFE000  }
.LBB2_14:
0x33a: {  	v2 =	vld [tilespmem:$0x1FFF0];
	_ =	sdelay $0x1  }
0x33b: {  	s10 =	simm.s32 $0x0;
	v13 =	vlaneseq.u32  }
0x33c: {  	v0 =	vadd.s32 s10, v13  }
0x33d: {  	v1 =	vand.u32 $0xF, v0  }
0x33e: {  	v6 =	vmov v2;
	v2 =	vor.u32 v2, v1  }
0x33f: {  	v4 =	vld [tilespmem:$0x1FC30];
	_ =	sdelay $0x1  }
0x340: {  	v0 =	vshll.u32 v0, $0x7  }
0x341: {  	v0 =	vand.u32 $0x780, v0  }
0x342: {  	v3 =	vor.u32 v13, v0;
	v2 =	vld.idx.msk [tilespmem:v2+s17+$0x0], $0xffff  }
0x343: {  	v14 =	vmov v4;
	v4 =	vor.u32 v4, v1;
	_ =	sdelay $0x3  }
0x344: {  	[tilespmem:v3+s30+$0x0] =	vst.idx.msk $0xffff, v2;
	v3 =	vld [tilespmem:$0x1FC40]  }
0x345: {  	v2 =	vld.idx.msk [tilespmem:v4+s17+$0x0], $0xffff  }
0x346: {  	v4 =	vld [tilespmem:$0x1FC50];
	_ =	sdelay $0x3  }
0x347: {  	v15 =	vmov v3;
	v3 =	vor.u32 v3, v0  }
0x348: {  	v12 =	vmov v4;
	v4 =	vor.u32 v4, v1;
	_ =	sdelay $0x3  }
0x349: {  	[tilespmem:v3+s30+$0x0] =	vst.idx.msk $0xffff, v2;
	v3 =	vld [tilespmem:$0x1FC60]  }
0x34a: {  	v2 =	vld.idx.msk [tilespmem:v4+s17+$0x0], $0xffff  }
0x34b: {  	v4 =	vld [tilespmem:$0x1FC70];
	_ =	sdelay $0x3  }
0x34c: {  	v25 =	vmov v3;
	v3 =	vor.u32 v3, v0  }
0x34d: {  	v62 =	vmov v4;
	v4 =	vor.u32 v4, v1;
	_ =	sdelay $0x3  }
0x34e: {  	[tilespmem:v3+s30+$0x0] =	vst.idx.msk $0xffff, v2;
	v3 =	vld [tilespmem:$0x1FC80]  }
0x34f: {  	v2 =	vld.idx.msk [tilespmem:v4+s17+$0x0], $0xffff  }
0x350: {  	v4 =	vld [tilespmem:$0x1FC90];
	_ =	sdelay $0x3  }
0x351: {  	v63 =	vmov v3;
	v3 =	vor.u32 v3, v0  }
0x352: {  	v9 =	vmov v4;
	v4 =	vor.u32 v4, v1;
	_ =	sdelay $0x3  }
0x353: {  	[tilespmem:v3+s30+$0x0] =	vst.idx.msk $0xffff, v2;
	v3 =	vld [tilespmem:$0x1FCA0]  }
0x354: {  	v2 =	vld.idx.msk [tilespmem:v4+s17+$0x0], $0xffff  }
0x355: {  	v4 =	vld [tilespmem:$0x1FCB0];
	_ =	sdelay $0x3  }
0x356: {  	v16 =	vmov v3;
	v3 =	vor.u32 v3, v0  }
0x357: {  	v17 =	vmov v4;
	v4 =	vor.u32 v4, v1;
	_ =	sdelay $0x3  }
0x358: {  	[tilespmem:v3+s30+$0x0] =	vst.idx.msk $0xffff, v2;
	v3 =	vld [tilespmem:$0x1FCC0]  }
0x359: {  	v2 =	vld.idx.msk [tilespmem:v4+s17+$0x0], $0xffff  }
0x35a: {  	v4 =	vld [tilespmem:$0x1FCD0];
	_ =	sdelay $0x3  }
0x35b: {  	v18 =	vmov v3;
	v3 =	vor.u32 v3, v0  }
0x35c: {  	v19 =	vmov v4;
	v4 =	vor.u32 v4, v1;
	_ =	sdelay $0x3  }
0x35d: {  	[tilespmem:v3+s30+$0x0] =	vst.idx.msk $0xffff, v2;
	v3 =	vld [tilespmem:$0x1FCE0]  }
0x35e: {  	v2 =	vld.idx.msk [tilespmem:v4+s17+$0x0], $0xffff  }
0x35f: {  	v4 =	vld [tilespmem:$0x1FCF0];
	_ =	sdelay $0x3  }
0x360: {  	v20 =	vmov v3;
	v3 =	vor.u32 v3, v0  }
0x361: {  	v21 =	vmov v4;
	v4 =	vor.u32 v4, v1;
	_ =	sdelay $0x3  }
0x362: {  	[tilespmem:v3+s30+$0x0] =	vst.idx.msk $0xffff, v2;
	v3 =	vld [tilespmem:$0x1FD00]  }
0x363: {  	v2 =	vld.idx.msk [tilespmem:v4+s17+$0x0], $0xffff  }
0x364: {  	v4 =	vld [tilespmem:$0x1FD10];
	_ =	sdelay $0x3  }
0x365: {  	v22 =	vmov v3;
	v3 =	vor.u32 v3, v0  }
0x366: {  	v23 =	vmov v4;
	v4 =	vor.u32 v4, v1;
	_ =	sdelay $0x3  }
0x367: {  	[tilespmem:v3+s30+$0x0] =	vst.idx.msk $0xffff, v2;
	v3 =	vld [tilespmem:$0x1FD20]  }
0x368: {  	v2 =	vld.idx.msk [tilespmem:v4+s17+$0x0], $0xffff  }
0x369: {  	v4 =	vld [tilespmem:$0x1FD30];
	_ =	sdelay $0x3  }
0x36a: {  	v24 =	vmov v3;
	v3 =	vor.u32 v3, v0  }
0x36b: {  	v7 =	vmov v4;
	v4 =	vor.u32 v4, v1;
	_ =	sdelay $0x3  }
0x36c: {  	[tilespmem:v3+s30+$0x0] =	vst.idx.msk $0xffff, v2;
	v3 =	vld [tilespmem:$0x1FD40]  }
0x36d: {  	v2 =	vld.idx.msk [tilespmem:v4+s17+$0x0], $0xffff  }
0x36e: {  	v4 =	vld [tilespmem:$0x1FD50];
	_ =	sdelay $0x3  }
0x36f: {  	v26 =	vmov v3;
	v3 =	vor.u32 v3, v0  }
0x370: {  	v27 =	vmov v4;
	v4 =	vor.u32 v4, v1;
	_ =	sdelay $0x3  }
0x371: {  	[tilespmem:v3+s30+$0x0] =	vst.idx.msk $0xffff, v2;
	v3 =	vld [tilespmem:$0x1FD60]  }
0x372: {  	v2 =	vld.idx.msk [tilespmem:v4+s17+$0x0], $0xffff  }
0x373: {  	v4 =	vld [tilespmem:$0x1FD70];
	_ =	sdelay $0x3  }
0x374: {  	v28 =	vmov v3;
	v3 =	vor.u32 v3, v0  }
0x375: {  	v29 =	vmov v4;
	v4 =	vor.u32 v4, v1;
	_ =	sdelay $0x3  }
0x376: {  	[tilespmem:v3+s30+$0x0] =	vst.idx.msk $0xffff, v2;
	v3 =	vld [tilespmem:$0x1FD80]  }
0x377: {  	v2 =	vld.idx.msk [tilespmem:v4+s17+$0x0], $0xffff  }
0x378: {  	v4 =	vld [tilespmem:$0x1FD90];
	_ =	sdelay $0x3  }
0x379: {  	v30 =	vmov v3;
	v3 =	vor.u32 v3, v0  }
0x37a: {  	v31 =	vmov v4;
	v4 =	vor.u32 v4, v1;
	_ =	sdelay $0x3  }
0x37b: {  	[tilespmem:v3+s30+$0x0] =	vst.idx.msk $0xffff, v2;
	v3 =	vld [tilespmem:$0x1FDA0]  }
0x37c: {  	v2 =	vld.idx.msk [tilespmem:v4+s17+$0x0], $0xffff  }
0x37d: {  	v4 =	vld [tilespmem:$0x1FDB0];
	_ =	sdelay $0x3  }
0x37e: {  	v32 =	vmov v3;
	v3 =	vor.u32 v3, v0  }
0x37f: {  	v33 =	vmov v4;
	v4 =	vor.u32 v4, v1;
	_ =	sdelay $0x3  }
0x380: {  	[tilespmem:v3+s30+$0x0] =	vst.idx.msk $0xffff, v2;
	v3 =	vld [tilespmem:$0x1FDC0]  }
0x381: {  	v2 =	vld.idx.msk [tilespmem:v4+s17+$0x0], $0xffff  }
0x382: {  	v4 =	vld [tilespmem:$0x1FDD0];
	_ =	sdelay $0x3  }
0x383: {  	v34 =	vmov v3;
	v3 =	vor.u32 v3, v0  }
0x384: {  	v35 =	vmov v4;
	v4 =	vor.u32 v4, v1;
	_ =	sdelay $0x3  }
0x385: {  	[tilespmem:v3+s30+$0x0] =	vst.idx.msk $0xffff, v2;
	v3 =	vld [tilespmem:$0x1FDE0]  }
0x386: {  	v2 =	vld.idx.msk [tilespmem:v4+s17+$0x0], $0xffff  }
0x387: {  	v4 =	vld [tilespmem:$0x1FDF0];
	_ =	sdelay $0x3  }
0x388: {  	v36 =	vmov v3;
	v3 =	vor.u32 v3, v0  }
0x389: {  	v37 =	vmov v4;
	v4 =	vor.u32 v4, v1;
	_ =	sdelay $0x3  }
0x38a: {  	[tilespmem:v3+s30+$0x0] =	vst.idx.msk $0xffff, v2;
	v3 =	vld [tilespmem:$0x1FF20]  }
0x38b: {  	v2 =	vld.idx.msk [tilespmem:v4+s17+$0x0], $0xffff  }
0x38c: {  	v4 =	vld [tilespmem:$0x1FE00];
	_ =	sdelay $0x3  }
0x38d: {  	v41 =	vmov v3;
	v3 =	vor.u32 v3, v0  }
0x38e: {  	v38 =	vmov v4;
	v4 =	vor.u32 v4, v1;
	_ =	sdelay $0x3  }
0x38f: {  	[tilespmem:v3+s30+$0x0] =	vst.idx.msk $0xffff, v2;
	v3 =	vld [tilespmem:$0x1FE10]  }
0x390: {  	v2 =	vld.idx.msk [tilespmem:v4+s17+$0x0], $0xffff  }
0x391: {  	v4 =	vld [tilespmem:$0x1FF30];
	_ =	sdelay $0x3  }
0x392: {  	v40 =	vmov v3;
	v3 =	vor.u32 v3, v0  }
0x393: {  	v45 =	vmov v4;
	v4 =	vor.u32 v4, v1;
	_ =	sdelay $0x3  }
0x394: {  	[tilespmem:v3+s30+$0x0] =	vst.idx.msk $0xffff, v2;
	v3 =	vld [tilespmem:$0x1FE20]  }
0x395: {  	v2 =	vld.idx.msk [tilespmem:v4+s17+$0x0], $0xffff  }
0x396: {  	v4 =	vld [tilespmem:$0x1FE30];
	_ =	sdelay $0x3  }
0x397: {  	v39 =	vmov v3;
	v3 =	vor.u32 v3, v0  }
0x398: {  	v44 =	vmov v4;
	v4 =	vor.u32 v4, v1;
	_ =	sdelay $0x3  }
0x399: {  	[tilespmem:v3+s30+$0x0] =	vst.idx.msk $0xffff, v2;
	v3 =	vld [tilespmem:$0x1FE40]  }
0x39a: {  	v2 =	vld.idx.msk [tilespmem:v4+s17+$0x0], $0xffff  }
0x39b: {  	v4 =	vld [tilespmem:$0x1FF40];
	_ =	sdelay $0x3  }
0x39c: {  	v42 =	vmov v3;
	v3 =	vor.u32 v3, v0  }
0x39d: {  	v47 =	vmov v4;
	v4 =	vor.u32 v4, v1;
	_ =	sdelay $0x3  }
0x39e: {  	[tilespmem:v3+s30+$0x0] =	vst.idx.msk $0xffff, v2;
	v3 =	vld [tilespmem:$0x1FE50]  }
0x39f: {  	v2 =	vld.idx.msk [tilespmem:v4+s17+$0x0], $0xffff  }
0x3a0: {  	v4 =	vld [tilespmem:$0x1FE60];
	_ =	sdelay $0x3  }
0x3a1: {  	v43 =	vmov v3;
	v3 =	vor.u32 v3, v0  }
0x3a2: {  	v48 =	vmov v4;
	v4 =	vor.u32 v4, v1;
	_ =	sdelay $0x3  }
0x3a3: {  	[tilespmem:v3+s30+$0x0] =	vst.idx.msk $0xffff, v2;
	v3 =	vld [tilespmem:$0x1FF50]  }
0x3a4: {  	v2 =	vld.idx.msk [tilespmem:v4+s17+$0x0], $0xffff  }
0x3a5: {  	v4 =	vld [tilespmem:$0x1FE70];
	_ =	sdelay $0x3  }
0x3a6: {  	v50 =	vmov v3;
	v3 =	vor.u32 v3, v0  }
0x3a7: {  	v46 =	vmov v4;
	v4 =	vor.u32 v4, v1;
	_ =	sdelay $0x3  }
0x3a8: {  	[tilespmem:v3+s30+$0x0] =	vst.idx.msk $0xffff, v2;
	v3 =	vld [tilespmem:$0x1FE80]  }
0x3a9: {  	v2 =	vld.idx.msk [tilespmem:v4+s17+$0x0], $0xffff  }
0x3aa: {  	v4 =	vld [tilespmem:$0x1FF60];
	_ =	sdelay $0x3  }
0x3ab: {  	v55 =	vmov v3;
	v3 =	vor.u32 v3, v0  }
0x3ac: {  	v53 =	vmov v4;
	v4 =	vor.u32 v4, v1;
	_ =	sdelay $0x3  }
0x3ad: {  	[tilespmem:v3+s30+$0x0] =	vst.idx.msk $0xffff, v2;
	v3 =	vld [tilespmem:$0x1FE90]  }
0x3ae: {  	v2 =	vld.idx.msk [tilespmem:v4+s17+$0x0], $0xffff  }
0x3af: {  	v4 =	vld [tilespmem:$0x1FEA0];
	_ =	sdelay $0x3  }
0x3b0: {  	v49 =	vmov v3;
	v3 =	vor.u32 v3, v0  }
0x3b1: {  	v54 =	vmov v4;
	v4 =	vor.u32 v4, v1;
	_ =	sdelay $0x3  }
0x3b2: {  	[tilespmem:v3+s30+$0x0] =	vst.idx.msk $0xffff, v2;
	v3 =	vld [tilespmem:$0x1FF70]  }
0x3b3: {  	v2 =	vld.idx.msk [tilespmem:v4+s17+$0x0], $0xffff  }
0x3b4: {  	v4 =	vld [tilespmem:$0x1FEB0];
	_ =	sdelay $0x3  }
0x3b5: {  	v57 =	vmov v3;
	v3 =	vor.u32 v3, v0  }
0x3b6: {  	v52 =	vmov v4;
	v4 =	vor.u32 v4, v1;
	_ =	sdelay $0x3  }
0x3b7: {  	[tilespmem:v3+s30+$0x0] =	vst.idx.msk $0xffff, v2;
	v3 =	vld [tilespmem:$0x1FF80]  }
0x3b8: {  	v2 =	vld.idx.msk [tilespmem:v4+s17+$0x0], $0xffff  }
0x3b9: {  	v4 =	vld [tilespmem:$0x1FF90];
	_ =	sdelay $0x3  }
0x3ba: {  	v58 =	vmov v3;
	v3 =	vor.u32 v3, v0  }
0x3bb: {  	v10 =	vmov v4;
	v4 =	vor.u32 v4, v1;
	_ =	sdelay $0x3  }
0x3bc: {  	[tilespmem:v3+s30+$0x0] =	vst.idx.msk $0xffff, v2;
	v3 =	vld [tilespmem:$0x1FEC0]  }
0x3bd: {  	v2 =	vld.idx.msk [tilespmem:v4+s17+$0x0], $0xffff  }
0x3be: {  	v4 =	vld [tilespmem:$0x1FED0];
	_ =	sdelay $0x3  }
0x3bf: {  	v51 =	vmov v3;
	v3 =	vor.u32 v3, v0  }
0x3c0: {  	v56 =	vmov v4;
	v4 =	vor.u32 v4, v1;
	_ =	sdelay $0x3  }
0x3c1: {  	[tilespmem:v3+s30+$0x0] =	vst.idx.msk $0xffff, v2;
	v3 =	vld [tilespmem:$0x1FFA0]  }
0x3c2: {  	v2 =	vld.idx.msk [tilespmem:v4+s17+$0x0], $0xffff  }
0x3c3: {  	v4 =	vld [tilespmem:$0x1FEE0];
	_ =	sdelay $0x3  }
0x3c4: {  	v61 =	vmov v3;
	v3 =	vor.u32 v3, v0  }
0x3c5: {  	v60 =	vmov v4;
	v4 =	vor.u32 v4, v1;
	_ =	sdelay $0x3  }
0x3c6: {  	[tilespmem:v3+s30+$0x0] =	vst.idx.msk $0xffff, v2;
	v3 =	vld [tilespmem:$0x1FEF0]  }
0x3c7: {  	v2 =	vld.idx.msk [tilespmem:v4+s17+$0x0], $0xffff  }
0x3c8: {  	v4 =	vld [tilespmem:$0x1FFB0];
	_ =	sdelay $0x3  }
0x3c9: {  	v5 =	vmov v3;
	v3 =	vor.u32 v3, v0  }
0x3ca: {  	v8 =	vmov v4;
	v4 =	vor.u32 v4, v1;
	_ =	sdelay $0x3  }
0x3cb: {  	[tilespmem:v3+s30+$0x0] =	vst.idx.msk $0xffff, v2;
	v3 =	vld [tilespmem:$0x1FF00]  }
0x3cc: {  	v2 =	vld.idx.msk [tilespmem:v4+s17+$0x0], $0xffff  }
0x3cd: {  	v4 =	vld [tilespmem:$0x1FFC0];
	_ =	sdelay $0x3  }
0x3ce: {  	v3 =	vor.u32 v3, v0  }
0x3cf: {  	v59 =	vmov v4;
	v4 =	vor.u32 v4, v1;
	_ =	sdelay $0x3  }
0x3d0: {  	[tilespmem:v3+s30+$0x0] =	vst.idx.msk $0xffff, v2;
	v3 =	vld [tilespmem:$0x1FF10]  }
0x3d1: {  	v2 =	vld.idx.msk [tilespmem:v4+s17+$0x0], $0xffff  }
0x3d2: {  	v4 =	vld [tilespmem:$0x1FFD0];
	_ =	sdelay $0x3  }
0x3d3: {  	v3 =	vor.u32 v3, v0  }
0x3d4: {  	v4 =	vor.u32 v4, v1;
	_ =	sdelay $0x3  }
0x3d5: {  	[tilespmem:v3+s30+$0x0] =	vst.idx.msk $0xffff, v2;
	v3 =	vld [tilespmem:$0x1FC10]  }
0x3d6: {  	v2 =	vld.idx.msk [tilespmem:v4+s17+$0x0], $0xffff  }
0x3d7: {  	v4 =	vld [tilespmem:$0x1FFE0];
	_ =	sdelay $0x3  }
0x3d8: {  	v3 =	vor.u32 v3, v0  }
0x3d9: {  	v1 =	vor.u32 v4, v1  }
0x3da: {  	v11 =	vld [tilespmem:$0x1FC20];
	_ =	sdelay $0x2  }
0x3db: {  	s10 =	simm.s32 $0x1;
	[tilespmem:v3+s30+$0x0] =	vst.idx.msk $0xffff, v2  }
0x3dc: {  	v2 =	vadd.s32 s10, v13;
	s10 =	simm.s32 $0x2;
	v3 =	vld.idx.msk [tilespmem:v1+s17+$0x0], $0xffff  }
.LBB2_15:
0x3dd: {  	v1 =	vand.u32 $0xF, v2;
	v0 =	vor.u32 v11, v0  }
0x3de: {  	v4 =	vor.u32 v6, v1;
	_ =	sdelay $0x2  }
0x3df: {  	v2 =	vshll.u32 v2, $0x7  }
0x3e0: {  	v13 =	vlaneseq.u32;
	[tilespmem:v0+s30+$0x0] =	vst.idx.msk $0xffff, v3;
	v0 =	vand.u32 $0x780, v2  }
0x3e1: {  	v3 =	vld.idx.msk [tilespmem:v4+s17+$0x0], $0xffff;
	v2 =	vor.u32 v13, v0  }
0x3e2: {  	v4 =	vor.u32 v14, v1;
	_ =	sdelay $0x3  }
0x3e3: {  	[tilespmem:v2+s30+$0x0] =	vst.idx.msk $0xffff, v3  }
0x3e4: {  	v3 =	vor.u32 v15, v0;
	v2 =	vld.idx.msk [tilespmem:v4+s17+$0x0], $0xffff  }
0x3e5: {  	v4 =	vor.u32 v12, v1;
	_ =	sdelay $0x3  }
0x3e6: {  	[tilespmem:v3+s30+$0x0] =	vst.idx.msk $0xffff, v2  }
0x3e7: {  	v3 =	vor.u32 v25, v0;
	v2 =	vld.idx.msk [tilespmem:v4+s17+$0x0], $0xffff  }
0x3e8: {  	v4 =	vor.u32 v62, v1;
	_ =	sdelay $0x3  }
0x3e9: {  	[tilespmem:v3+s30+$0x0] =	vst.idx.msk $0xffff, v2  }
0x3ea: {  	v3 =	vor.u32 v63, v0;
	v2 =	vld.idx.msk [tilespmem:v4+s17+$0x0], $0xffff  }
0x3eb: {  	v4 =	vor.u32 v9, v1;
	_ =	sdelay $0x3  }
0x3ec: {  	[tilespmem:v3+s30+$0x0] =	vst.idx.msk $0xffff, v2  }
0x3ed: {  	v3 =	vor.u32 v16, v0;
	v2 =	vld.idx.msk [tilespmem:v4+s17+$0x0], $0xffff  }
0x3ee: {  	v4 =	vor.u32 v17, v1;
	_ =	sdelay $0x3  }
0x3ef: {  	[tilespmem:v3+s30+$0x0] =	vst.idx.msk $0xffff, v2  }
0x3f0: {  	v3 =	vor.u32 v18, v0;
	v2 =	vld.idx.msk [tilespmem:v4+s17+$0x0], $0xffff  }
0x3f1: {  	v4 =	vor.u32 v19, v1;
	_ =	sdelay $0x3  }
0x3f2: {  	[tilespmem:v3+s30+$0x0] =	vst.idx.msk $0xffff, v2  }
0x3f3: {  	v3 =	vor.u32 v20, v0;
	v2 =	vld.idx.msk [tilespmem:v4+s17+$0x0], $0xffff  }
0x3f4: {  	v4 =	vor.u32 v21, v1;
	_ =	sdelay $0x3  }
0x3f5: {  	[tilespmem:v3+s30+$0x0] =	vst.idx.msk $0xffff, v2  }
0x3f6: {  	v3 =	vor.u32 v22, v0;
	v2 =	vld.idx.msk [tilespmem:v4+s17+$0x0], $0xffff  }
0x3f7: {  	v4 =	vor.u32 v23, v1;
	_ =	sdelay $0x3  }
0x3f8: {  	[tilespmem:v3+s30+$0x0] =	vst.idx.msk $0xffff, v2  }
0x3f9: {  	v3 =	vor.u32 v24, v0;
	v2 =	vld.idx.msk [tilespmem:v4+s17+$0x0], $0xffff  }
0x3fa: {  	v4 =	vor.u32 v7, v1;
	_ =	sdelay $0x3  }
0x3fb: {  	[tilespmem:v3+s30+$0x0] =	vst.idx.msk $0xffff, v2  }
0x3fc: {  	v3 =	vor.u32 v26, v0;
	v2 =	vld.idx.msk [tilespmem:v4+s17+$0x0], $0xffff  }
0x3fd: {  	v4 =	vor.u32 v27, v1;
	_ =	sdelay $0x3  }
0x3fe: {  	[tilespmem:v3+s30+$0x0] =	vst.idx.msk $0xffff, v2  }
0x3ff: {  	v3 =	vor.u32 v28, v0;
	v2 =	vld.idx.msk [tilespmem:v4+s17+$0x0], $0xffff  }
0x400: {  	v4 =	vor.u32 v29, v1;
	_ =	sdelay $0x3  }
0x401: {  	[tilespmem:v3+s30+$0x0] =	vst.idx.msk $0xffff, v2  }
0x402: {  	v3 =	vor.u32 v30, v0;
	v2 =	vld.idx.msk [tilespmem:v4+s17+$0x0], $0xffff  }
0x403: {  	v4 =	vor.u32 v31, v1;
	_ =	sdelay $0x3  }
0x404: {  	[tilespmem:v3+s30+$0x0] =	vst.idx.msk $0xffff, v2  }
0x405: {  	v3 =	vor.u32 v32, v0;
	v2 =	vld.idx.msk [tilespmem:v4+s17+$0x0], $0xffff  }
0x406: {  	v4 =	vor.u32 v33, v1;
	_ =	sdelay $0x3  }
0x407: {  	[tilespmem:v3+s30+$0x0] =	vst.idx.msk $0xffff, v2  }
0x408: {  	v3 =	vor.u32 v34, v0;
	v2 =	vld.idx.msk [tilespmem:v4+s17+$0x0], $0xffff  }
0x409: {  	v4 =	vor.u32 v35, v1;
	_ =	sdelay $0x3  }
0x40a: {  	[tilespmem:v3+s30+$0x0] =	vst.idx.msk $0xffff, v2  }
0x40b: {  	v3 =	vor.u32 v36, v0;
	v2 =	vld.idx.msk [tilespmem:v4+s17+$0x0], $0xffff  }
0x40c: {  	v4 =	vor.u32 v37, v1;
	_ =	sdelay $0x3  }
0x40d: {  	[tilespmem:v3+s30+$0x0] =	vst.idx.msk $0xffff, v2  }
0x40e: {  	v3 =	vor.u32 v41, v0;
	v2 =	vld.idx.msk [tilespmem:v4+s17+$0x0], $0xffff  }
0x40f: {  	v4 =	vor.u32 v38, v1;
	_ =	sdelay $0x3  }
0x410: {  	[tilespmem:v3+s30+$0x0] =	vst.idx.msk $0xffff, v2  }
0x411: {  	v3 =	vor.u32 v40, v0;
	v2 =	vld.idx.msk [tilespmem:v4+s17+$0x0], $0xffff  }
0x412: {  	v4 =	vor.u32 v45, v1;
	_ =	sdelay $0x3  }
0x413: {  	[tilespmem:v3+s30+$0x0] =	vst.idx.msk $0xffff, v2  }
0x414: {  	v3 =	vor.u32 v39, v0;
	v2 =	vld.idx.msk [tilespmem:v4+s17+$0x0], $0xffff  }
0x415: {  	v4 =	vor.u32 v44, v1;
	_ =	sdelay $0x3  }
0x416: {  	[tilespmem:v3+s30+$0x0] =	vst.idx.msk $0xffff, v2  }
0x417: {  	v3 =	vor.u32 v42, v0;
	v2 =	vld.idx.msk [tilespmem:v4+s17+$0x0], $0xffff  }
0x418: {  	v4 =	vor.u32 v47, v1;
	_ =	sdelay $0x3  }
0x419: {  	[tilespmem:v3+s30+$0x0] =	vst.idx.msk $0xffff, v2  }
0x41a: {  	v3 =	vor.u32 v43, v0;
	v2 =	vld.idx.msk [tilespmem:v4+s17+$0x0], $0xffff  }
0x41b: {  	v4 =	vor.u32 v48, v1;
	_ =	sdelay $0x3  }
0x41c: {  	[tilespmem:v3+s30+$0x0] =	vst.idx.msk $0xffff, v2  }
0x41d: {  	v3 =	vor.u32 v50, v0;
	v2 =	vld.idx.msk [tilespmem:v4+s17+$0x0], $0xffff  }
0x41e: {  	v4 =	vor.u32 v46, v1;
	_ =	sdelay $0x3  }
0x41f: {  	[tilespmem:v3+s30+$0x0] =	vst.idx.msk $0xffff, v2  }
0x420: {  	v3 =	vor.u32 v55, v0;
	v2 =	vld.idx.msk [tilespmem:v4+s17+$0x0], $0xffff  }
0x421: {  	v4 =	vor.u32 v53, v1;
	_ =	sdelay $0x3  }
0x422: {  	[tilespmem:v3+s30+$0x0] =	vst.idx.msk $0xffff, v2  }
0x423: {  	v3 =	vor.u32 v49, v0;
	v2 =	vld.idx.msk [tilespmem:v4+s17+$0x0], $0xffff  }
0x424: {  	v4 =	vor.u32 v54, v1;
	_ =	sdelay $0x3  }
0x425: {  	[tilespmem:v3+s30+$0x0] =	vst.idx.msk $0xffff, v2  }
0x426: {  	v3 =	vor.u32 v57, v0;
	v2 =	vld.idx.msk [tilespmem:v4+s17+$0x0], $0xffff  }
0x427: {  	v4 =	vor.u32 v52, v1;
	_ =	sdelay $0x3  }
0x428: {  	[tilespmem:v3+s30+$0x0] =	vst.idx.msk $0xffff, v2  }
0x429: {  	v3 =	vor.u32 v58, v0;
	v2 =	vld.idx.msk [tilespmem:v4+s17+$0x0], $0xffff  }
0x42a: {  	v4 =	vor.u32 v10, v1;
	_ =	sdelay $0x3  }
0x42b: {  	[tilespmem:v3+s30+$0x0] =	vst.idx.msk $0xffff, v2  }
0x42c: {  	v3 =	vor.u32 v51, v0;
	v2 =	vld.idx.msk [tilespmem:v4+s17+$0x0], $0xffff  }
0x42d: {  	v4 =	vor.u32 v56, v1;
	_ =	sdelay $0x3  }
0x42e: {  	[tilespmem:v3+s30+$0x0] =	vst.idx.msk $0xffff, v2  }
0x42f: {  	v3 =	vor.u32 v61, v0;
	v2 =	vld.idx.msk [tilespmem:v4+s17+$0x0], $0xffff  }
0x430: {  	v4 =	vor.u32 v60, v1;
	_ =	sdelay $0x3  }
0x431: {  	[tilespmem:v3+s30+$0x0] =	vst.idx.msk $0xffff, v2  }
0x432: {  	v3 =	vor.u32 v5, v0;
	v2 =	vld.idx.msk [tilespmem:v4+s17+$0x0], $0xffff;
	_ =	sdelay $0x4  }
0x433: {  	v4 =	vor.u32 v8, v1;
	[tilespmem:v3+s30+$0x0] =	vst.idx.msk $0xffff, v2;
	v3 =	vld [tilespmem:$0x1FF00];
	_ =	sdelay $0x4  }
0x434: {  	v2 =	vld.idx.msk [tilespmem:v4+s17+$0x0], $0xffff;
	v3 =	vor.u32 v3, v0  }
0x435: {  	v4 =	vor.u32 v59, v1;
	_ =	sdelay $0x3  }
0x436: {  	[tilespmem:v3+s30+$0x0] =	vst.idx.msk $0xffff, v2;
	v3 =	vld [tilespmem:$0x1FF10]  }
0x437: {  	v2 =	vld.idx.msk [tilespmem:v4+s17+$0x0], $0xffff  }
0x438: {  	v4 =	vld [tilespmem:$0x1FFD0];
	_ =	sdelay $0x3  }
0x439: {  	v3 =	vor.u32 v3, v0  }
0x43a: {  	v4 =	vor.u32 v4, v1;
	_ =	sdelay $0x3  }
0x43b: {  	[tilespmem:v3+s30+$0x0] =	vst.idx.msk $0xffff, v2;
	v3 =	vld [tilespmem:$0x1FC10]  }
0x43c: {  	v2 =	vld.idx.msk [tilespmem:v4+s17+$0x0], $0xffff  }
0x43d: {  	v4 =	vld [tilespmem:$0x1FFE0];
	_ =	sdelay $0x3  }
0x43e: {  	v3 =	vor.u32 v3, v0  }
0x43f: {  	p2 =	sne.s32 s10, $0xF;
	v1 =	vor.u32 v4, v1  }
.Ltmp10:
0x440: {  	_ = 	snop;
	(pc) =	sbr.rel @p2 .LBB2_15-.Ltmp10, $3  }
0x441: {  	_ =	sdelay $0x1  }
0x442: {  	[tilespmem:v3+s30+$0x0] =	vst.idx.msk $0xffff, v2  }
0x443: {  	v4 =	vlaneseq.u32;
	v2 =	vadd.s32 s10, v13;
	s10 =	sadd.s32 $0x1, s10;
	v3 =	vld.idx.msk [tilespmem:v1+s17+$0x0], $0xffff  }
0x444: {  	v1 =	vand.u32 $0xF, v2;
	v0 =	vor.u32 v11, v0  }
0x445: {  	v13 =	vor.u32 v6, v1;
	_ =	sdelay $0x2  }
0x446: {  	v6 =	vshll.u32 v2, $0x7  }
0x447: {  	[tilespmem:v0+s30+$0x0] =	vst.idx.msk $0xffff, v3;
	v0 =	vand.u32 $0x780, v6  }
0x448: {  	v2 =	vld.idx.msk [tilespmem:v13+s17+$0x0], $0xffff;
	v13 =	vor.u32 v4, v0  }
0x449: {  	v14 =	vor.u32 v14, v1;
	_ =	sdelay $0x3  }
0x44a: {  	[tilespmem:v13+s30+$0x0] =	vst.idx.msk $0xffff, v2  }
0x44b: {  	v15 =	vor.u32 v15, v0;
	v2 =	vld.idx.msk [tilespmem:v14+s17+$0x0], $0xffff  }
0x44c: {  	v12 =	vor.u32 v12, v1;
	_ =	sdelay $0x3  }
0x44d: {  	[tilespmem:v15+s30+$0x0] =	vst.idx.msk $0xffff, v2  }
0x44e: {  	v13 =	vor.u32 v25, v0;
	v2 =	vld.idx.msk [tilespmem:v12+s17+$0x0], $0xffff  }
0x44f: {  	v14 =	vor.u32 v62, v1;
	_ =	sdelay $0x3  }
0x450: {  	[tilespmem:v13+s30+$0x0] =	vst.idx.msk $0xffff, v2  }
0x451: {  	v15 =	vor.u32 v63, v0;
	v2 =	vld.idx.msk [tilespmem:v14+s17+$0x0], $0xffff  }
0x452: {  	v25 =	vor.u32 v9, v1;
	_ =	sdelay $0x3  }
0x453: {  	[tilespmem:v15+s30+$0x0] =	vst.idx.msk $0xffff, v2  }
0x454: {  	v62 =	vor.u32 v16, v0;
	v2 =	vld.idx.msk [tilespmem:v25+s17+$0x0], $0xffff  }
0x455: {  	v63 =	vor.u32 v17, v1;
	_ =	sdelay $0x3  }
0x456: {  	[tilespmem:v62+s30+$0x0] =	vst.idx.msk $0xffff, v2  }
0x457: {  	v9 =	vor.u32 v18, v0;
	v2 =	vld.idx.msk [tilespmem:v63+s17+$0x0], $0xffff  }
0x458: {  	v12 =	vor.u32 v19, v1;
	_ =	sdelay $0x3  }
0x459: {  	[tilespmem:v9+s30+$0x0] =	vst.idx.msk $0xffff, v2  }
0x45a: {  	v13 =	vor.u32 v20, v0;
	v2 =	vld.idx.msk [tilespmem:v12+s17+$0x0], $0xffff  }
0x45b: {  	v14 =	vor.u32 v21, v1;
	_ =	sdelay $0x3  }
0x45c: {  	[tilespmem:v13+s30+$0x0] =	vst.idx.msk $0xffff, v2  }
0x45d: {  	v15 =	vor.u32 v22, v0;
	v2 =	vld.idx.msk [tilespmem:v14+s17+$0x0], $0xffff  }
0x45e: {  	v16 =	vor.u32 v23, v1;
	_ =	sdelay $0x3  }
0x45f: {  	[tilespmem:v15+s30+$0x0] =	vst.idx.msk $0xffff, v2  }
0x460: {  	v17 =	vor.u32 v24, v0;
	v2 =	vld.idx.msk [tilespmem:v16+s17+$0x0], $0xffff  }
0x461: {  	v18 =	vor.u32 v7, v1;
	_ =	sdelay $0x3  }
0x462: {  	[tilespmem:v17+s30+$0x0] =	vst.idx.msk $0xffff, v2  }
0x463: {  	v19 =	vor.u32 v26, v0;
	v2 =	vld.idx.msk [tilespmem:v18+s17+$0x0], $0xffff  }
0x464: {  	v20 =	vor.u32 v27, v1;
	_ =	sdelay $0x3  }
0x465: {  	[tilespmem:v19+s30+$0x0] =	vst.idx.msk $0xffff, v2  }
0x466: {  	v21 =	vor.u32 v28, v0;
	v2 =	vld.idx.msk [tilespmem:v20+s17+$0x0], $0xffff  }
0x467: {  	v22 =	vor.u32 v29, v1;
	_ =	sdelay $0x3  }
0x468: {  	[tilespmem:v21+s30+$0x0] =	vst.idx.msk $0xffff, v2  }
0x469: {  	v23 =	vor.u32 v30, v0;
	v2 =	vld.idx.msk [tilespmem:v22+s17+$0x0], $0xffff  }
0x46a: {  	v24 =	vor.u32 v31, v1;
	_ =	sdelay $0x3  }
0x46b: {  	[tilespmem:v23+s30+$0x0] =	vst.idx.msk $0xffff, v2  }
0x46c: {  	v25 =	vor.u32 v32, v0;
	v2 =	vld.idx.msk [tilespmem:v24+s17+$0x0], $0xffff  }
0x46d: {  	v26 =	vor.u32 v33, v1;
	_ =	sdelay $0x3  }
0x46e: {  	[tilespmem:v25+s30+$0x0] =	vst.idx.msk $0xffff, v2  }
0x46f: {  	v27 =	vor.u32 v34, v0;
	v2 =	vld.idx.msk [tilespmem:v26+s17+$0x0], $0xffff  }
0x470: {  	v28 =	vor.u32 v35, v1;
	_ =	sdelay $0x3  }
0x471: {  	[tilespmem:v27+s30+$0x0] =	vst.idx.msk $0xffff, v2  }
0x472: {  	v29 =	vor.u32 v36, v0;
	v2 =	vld.idx.msk [tilespmem:v28+s17+$0x0], $0xffff  }
0x473: {  	v30 =	vor.u32 v37, v1;
	_ =	sdelay $0x3  }
0x474: {  	[tilespmem:v29+s30+$0x0] =	vst.idx.msk $0xffff, v2  }
0x475: {  	v31 =	vor.u32 v41, v0;
	v2 =	vld.idx.msk [tilespmem:v30+s17+$0x0], $0xffff  }
0x476: {  	v32 =	vor.u32 v38, v1;
	_ =	sdelay $0x3  }
0x477: {  	[tilespmem:v31+s30+$0x0] =	vst.idx.msk $0xffff, v2  }
0x478: {  	v33 =	vor.u32 v40, v0;
	v2 =	vld.idx.msk [tilespmem:v32+s17+$0x0], $0xffff  }
0x479: {  	v34 =	vor.u32 v45, v1;
	_ =	sdelay $0x3  }
0x47a: {  	[tilespmem:v33+s30+$0x0] =	vst.idx.msk $0xffff, v2  }
0x47b: {  	v35 =	vor.u32 v39, v0;
	v2 =	vld.idx.msk [tilespmem:v34+s17+$0x0], $0xffff  }
0x47c: {  	v36 =	vor.u32 v44, v1;
	_ =	sdelay $0x3  }
0x47d: {  	[tilespmem:v35+s30+$0x0] =	vst.idx.msk $0xffff, v2  }
0x47e: {  	v37 =	vor.u32 v42, v0;
	v2 =	vld.idx.msk [tilespmem:v36+s17+$0x0], $0xffff  }
0x47f: {  	v38 =	vor.u32 v47, v1;
	_ =	sdelay $0x3  }
0x480: {  	[tilespmem:v37+s30+$0x0] =	vst.idx.msk $0xffff, v2  }
0x481: {  	v39 =	vor.u32 v43, v0;
	v2 =	vld.idx.msk [tilespmem:v38+s17+$0x0], $0xffff  }
0x482: {  	v40 =	vor.u32 v48, v1;
	_ =	sdelay $0x3  }
0x483: {  	[tilespmem:v39+s30+$0x0] =	vst.idx.msk $0xffff, v2  }
0x484: {  	v41 =	vor.u32 v50, v0;
	v2 =	vld.idx.msk [tilespmem:v40+s17+$0x0], $0xffff  }
0x485: {  	v42 =	vor.u32 v46, v1;
	_ =	sdelay $0x3  }
0x486: {  	[tilespmem:v41+s30+$0x0] =	vst.idx.msk $0xffff, v2  }
0x487: {  	v43 =	vor.u32 v55, v0;
	v2 =	vld.idx.msk [tilespmem:v42+s17+$0x0], $0xffff  }
0x488: {  	v44 =	vor.u32 v53, v1;
	_ =	sdelay $0x3  }
0x489: {  	[tilespmem:v43+s30+$0x0] =	vst.idx.msk $0xffff, v2  }
0x48a: {  	v45 =	vor.u32 v49, v0;
	v2 =	vld.idx.msk [tilespmem:v44+s17+$0x0], $0xffff  }
0x48b: {  	v46 =	vor.u32 v54, v1;
	_ =	sdelay $0x3  }
0x48c: {  	[tilespmem:v45+s30+$0x0] =	vst.idx.msk $0xffff, v2  }
0x48d: {  	v47 =	vor.u32 v57, v0;
	v2 =	vld.idx.msk [tilespmem:v46+s17+$0x0], $0xffff  }
0x48e: {  	v48 =	vor.u32 v52, v1;
	_ =	sdelay $0x3  }
0x48f: {  	[tilespmem:v47+s30+$0x0] =	vst.idx.msk $0xffff, v2  }
0x490: {  	v49 =	vor.u32 v58, v0;
	v2 =	vld.idx.msk [tilespmem:v48+s17+$0x0], $0xffff  }
0x491: {  	v50 =	vor.u32 v10, v1;
	_ =	sdelay $0x3  }
0x492: {  	[tilespmem:v49+s30+$0x0] =	vst.idx.msk $0xffff, v2  }
0x493: {  	v52 =	vor.u32 v51, v0;
	v2 =	vld.idx.msk [tilespmem:v50+s17+$0x0], $0xffff  }
0x494: {  	v53 =	vor.u32 v56, v1;
	_ =	sdelay $0x3  }
0x495: {  	[tilespmem:v52+s30+$0x0] =	vst.idx.msk $0xffff, v2  }
0x496: {  	v54 =	vor.u32 v61, v0;
	v2 =	vld.idx.msk [tilespmem:v53+s17+$0x0], $0xffff  }
0x497: {  	v55 =	vor.u32 v60, v1;
	_ =	sdelay $0x3  }
0x498: {  	[tilespmem:v54+s30+$0x0] =	vst.idx.msk $0xffff, v2  }
0x499: {  	v56 =	vor.u32 v5, v0;
	v2 =	vld.idx.msk [tilespmem:v55+s17+$0x0], $0xffff  }
0x49a: {  	v58 =	vld [tilespmem:$0x1FF00];
	v57 =	vor.u32 v8, v1;
	_ =	sdelay $0x3  }
0x49b: {  	[tilespmem:v56+s30+$0x0] =	vst.idx.msk $0xffff, v2  }
0x49c: {  	v3 =	vor.u32 v58, v0;
	v2 =	vld.idx.msk [tilespmem:v57+s17+$0x0], $0xffff  }
0x49d: {  	v59 =	vor.u32 v59, v1;
	v60 =	vld [tilespmem:$0x1FF10]  }
0x49e: {  	v61 =	vld [tilespmem:$0x1FFD0];
	_ =	sdelay $0x2  }
0x49f: {  	[tilespmem:v3+s30+$0x0] =	vst.idx.msk $0xffff, v2  }
0x4a0: {  	v3 =	vor.u32 v60, v0;
	v2 =	vld.idx.msk [tilespmem:v59+s17+$0x0], $0xffff  }
0x4a1: {  	v4 =	vor.u32 v61, v1;
	v62 =	vld [tilespmem:$0x1FC10]  }
0x4a2: {  	v63 =	vld [tilespmem:$0x1FFE0];
	_ =	sdelay $0x2  }
0x4a3: {  	[tilespmem:v3+s30+$0x0] =	vst.idx.msk $0xffff, v2  }
0x4a4: {  	v3 =	vor.u32 v62, v0;
	v2 =	vld.idx.msk [tilespmem:v4+s17+$0x0], $0xffff  }
0x4a5: {  	v1 =	vor.u32 v63, v1;
	_ =	sdelay $0x3  }
0x4a6: {  	[tilespmem:v3+s30+$0x0] =	vst.idx.msk $0xffff, v2  }
0x4a7: {  	v0 =	vor.u32 v11, v0;
	v1 =	vld.idx.msk [tilespmem:v1+s17+$0x0], $0xffff;
	_ =	sdelay $0x1  }
.Ltmp11:
0x4a8: {  	_ = 	snop;
	(pc) =	sbr.rel @p1 .LBB2_18-.Ltmp11, $3  }
0x4a9: {  	_ =	sdelay $0x1  }
0x4aa: {  	s10 =	sadd.s32 s5, s8;
	[tilespmem:v0+s30+$0x0] =	vst.idx.msk $0xffff, v1  }
0x4ab: {  	[hbm4b:s10+s22] =	stream.strided.scatter [tilespmem:s30], [sflag:$0x7], $0x2000, s23, s22, $0x38;
	[tilespmem:$0x16400] =	vst v63  }
.Ltmp12:
0x4ac: {  	(pc) =	sbr.rel .LBB2_19-.Ltmp12, $4  }
0x4ad: {  	_ = 	snop  }
0x4ae: {  	_ =	swait.ge [sflag:s31], $0x2000  }
0x4af: {  	[sflag:s31] =	ssyncset.done $0x0  }
0x4b0: {  	[sflag:s31] =	ssyncadd.s32 $0xFFFFE000  }
.LBB2_18:
0x4b1: {  	s10 =	sshrl.u32 s3, $0x2  }
.Ltmp13:
0x4b2: {  	s10 =	sadd.s32 $0x300, s10;
	(pc) =	sbr.rel @p0 .LBB2_20-.Ltmp13, $4  }
0x4b3: {  	[tilespmem:s17], [sflag:$0x3] =	stream.indirect.gather [hbm4b:s4+s11], $0x40, s10, s11, $0xb8;
	[tilespmem:$0x16400] =	vst v63  }
0x4b4: {  	_ =	swait.ge [sflag:s31], $0x2000  }
0x4b5: {  	[sflag:s31] =	ssyncset.done $0x0  }
0x4b6: {  	[sflag:s31] =	ssyncadd.s32 $0xFFFFE000  }
.LBB2_19:
0x4b7: {  	_ =	swait.ge [sflag:s0], $0x2000  }
0x4b8: {  	[sflag:s0] =	ssyncset.done $0x0  }
0x4b9: {  	[sflag:s0] =	ssyncadd.s32 $0xFFFFE000  }
.LBB2_20:
0x4ba: {  	v2 =	vld [tilespmem:$0x1FFF0];
	_ =	sdelay $0x1  }
0x4bb: {  	s10 =	simm.s32 $0x0;
	v6 =	vlaneseq.u32  }
0x4bc: {  	v0 =	vadd.s32 s10, v6  }
0x4bd: {  	v1 =	vand.u32 $0xF, v0  }
0x4be: {  	v22 =	vmov v2;
	v2 =	vor.u32 v2, v1  }
0x4bf: {  	v4 =	vld [tilespmem:$0x1FC30];
	_ =	sdelay $0x1  }
0x4c0: {  	v0 =	vshll.u32 v0, $0x7  }
0x4c1: {  	v0 =	vand.u32 $0x780, v0  }
0x4c2: {  	v3 =	vor.u32 v6, v0;
	v2 =	vld.idx.msk [tilespmem:v2+s19+$0x0], $0xffff  }
0x4c3: {  	v5 =	vmov v4;
	v4 =	vor.u32 v4, v1;
	_ =	sdelay $0x3  }
0x4c4: {  	[tilespmem:v3+s2+$0x0] =	vst.idx.msk $0xffff, v2;
	v3 =	vld [tilespmem:$0x1FC40]  }
0x4c5: {  	v2 =	vld.idx.msk [tilespmem:v4+s19+$0x0], $0xffff  }
0x4c6: {  	v4 =	vld [tilespmem:$0x1FC50];
	_ =	sdelay $0x3  }
0x4c7: {  	v40 =	vmov v3;
	v3 =	vor.u32 v3, v0  }
0x4c8: {  	v7 =	vmov v4;
	v4 =	vor.u32 v4, v1;
	_ =	sdelay $0x3  }
0x4c9: {  	[tilespmem:v3+s2+$0x0] =	vst.idx.msk $0xffff, v2;
	v3 =	vld [tilespmem:$0x1FC60]  }
0x4ca: {  	v2 =	vld.idx.msk [tilespmem:v4+s19+$0x0], $0xffff  }
0x4cb: {  	v4 =	vld [tilespmem:$0x1FC70];
	_ =	sdelay $0x3  }
0x4cc: {  	v38 =	vmov v3;
	v3 =	vor.u32 v3, v0  }
0x4cd: {  	v9 =	vmov v4;
	v4 =	vor.u32 v4, v1;
	_ =	sdelay $0x3  }
0x4ce: {  	[tilespmem:v3+s2+$0x0] =	vst.idx.msk $0xffff, v2;
	v3 =	vld [tilespmem:$0x1FC80]  }
0x4cf: {  	v2 =	vld.idx.msk [tilespmem:v4+s19+$0x0], $0xffff  }
0x4d0: {  	v4 =	vld [tilespmem:$0x1FC90];
	_ =	sdelay $0x3  }
0x4d1: {  	v18 =	vmov v3;
	v3 =	vor.u32 v3, v0  }
0x4d2: {  	v11 =	vmov v4;
	v4 =	vor.u32 v4, v1;
	_ =	sdelay $0x3  }
0x4d3: {  	[tilespmem:v3+s2+$0x0] =	vst.idx.msk $0xffff, v2;
	v3 =	vld [tilespmem:$0x1FCA0]  }
0x4d4: {  	v2 =	vld.idx.msk [tilespmem:v4+s19+$0x0], $0xffff  }
0x4d5: {  	v4 =	vld [tilespmem:$0x1FCB0];
	_ =	sdelay $0x3  }
0x4d6: {  	v8 =	vmov v3;
	v3 =	vor.u32 v3, v0  }
0x4d7: {  	v13 =	vmov v4;
	v4 =	vor.u32 v4, v1;
	_ =	sdelay $0x3  }
0x4d8: {  	[tilespmem:v3+s2+$0x0] =	vst.idx.msk $0xffff, v2;
	v3 =	vld [tilespmem:$0x1FCC0]  }
0x4d9: {  	v2 =	vld.idx.msk [tilespmem:v4+s19+$0x0], $0xffff  }
0x4da: {  	v4 =	vld [tilespmem:$0x1FCD0];
	_ =	sdelay $0x3  }
0x4db: {  	v32 =	vmov v3;
	v3 =	vor.u32 v3, v0  }
0x4dc: {  	v15 =	vmov v4;
	v4 =	vor.u32 v4, v1;
	_ =	sdelay $0x3  }
0x4dd: {  	[tilespmem:v3+s2+$0x0] =	vst.idx.msk $0xffff, v2;
	v3 =	vld [tilespmem:$0x1FCE0]  }
0x4de: {  	v2 =	vld.idx.msk [tilespmem:v4+s19+$0x0], $0xffff  }
0x4df: {  	v4 =	vld [tilespmem:$0x1FCF0];
	_ =	sdelay $0x3  }
0x4e0: {  	v34 =	vmov v3;
	v3 =	vor.u32 v3, v0  }
0x4e1: {  	v19 =	vmov v4;
	v4 =	vor.u32 v4, v1;
	_ =	sdelay $0x3  }
0x4e2: {  	[tilespmem:v3+s2+$0x0] =	vst.idx.msk $0xffff, v2;
	v3 =	vld [tilespmem:$0x1FD00]  }
0x4e3: {  	v2 =	vld.idx.msk [tilespmem:v4+s19+$0x0], $0xffff  }
0x4e4: {  	v4 =	vld [tilespmem:$0x1FD10];
	_ =	sdelay $0x3  }
0x4e5: {  	v36 =	vmov v3;
	v3 =	vor.u32 v3, v0  }
0x4e6: {  	v21 =	vmov v4;
	v4 =	vor.u32 v4, v1;
	_ =	sdelay $0x3  }
0x4e7: {  	[tilespmem:v3+s2+$0x0] =	vst.idx.msk $0xffff, v2;
	v3 =	vld [tilespmem:$0x1FD20]  }
0x4e8: {  	v2 =	vld.idx.msk [tilespmem:v4+s19+$0x0], $0xffff  }
0x4e9: {  	v4 =	vld [tilespmem:$0x1FD30];
	_ =	sdelay $0x3  }
0x4ea: {  	v30 =	vmov v3;
	v3 =	vor.u32 v3, v0  }
0x4eb: {  	v23 =	vmov v4;
	v4 =	vor.u32 v4, v1;
	_ =	sdelay $0x3  }
0x4ec: {  	[tilespmem:v3+s2+$0x0] =	vst.idx.msk $0xffff, v2;
	v3 =	vld [tilespmem:$0x1FD40]  }
0x4ed: {  	v2 =	vld.idx.msk [tilespmem:v4+s19+$0x0], $0xffff  }
0x4ee: {  	v4 =	vld [tilespmem:$0x1FD50];
	_ =	sdelay $0x3  }
0x4ef: {  	v12 =	vmov v3;
	v3 =	vor.u32 v3, v0  }
0x4f0: {  	v25 =	vmov v4;
	v4 =	vor.u32 v4, v1;
	_ =	sdelay $0x3  }
0x4f1: {  	[tilespmem:v3+s2+$0x0] =	vst.idx.msk $0xffff, v2;
	v3 =	vld [tilespmem:$0x1FD60]  }
0x4f2: {  	v2 =	vld.idx.msk [tilespmem:v4+s19+$0x0], $0xffff  }
0x4f3: {  	v4 =	vld [tilespmem:$0x1FD70];
	_ =	sdelay $0x3  }
0x4f4: {  	v43 =	vmov v3;
	v3 =	vor.u32 v3, v0  }
0x4f5: {  	v27 =	vmov v4;
	v4 =	vor.u32 v4, v1;
	_ =	sdelay $0x3  }
0x4f6: {  	[tilespmem:v3+s2+$0x0] =	vst.idx.msk $0xffff, v2;
	v3 =	vld [tilespmem:$0x1FD80]  }
0x4f7: {  	v2 =	vld.idx.msk [tilespmem:v4+s19+$0x0], $0xffff  }
0x4f8: {  	v4 =	vld [tilespmem:$0x1FD90];
	_ =	sdelay $0x3  }
0x4f9: {  	v14 =	vmov v3;
	v3 =	vor.u32 v3, v0  }
0x4fa: {  	v29 =	vmov v4;
	v4 =	vor.u32 v4, v1;
	_ =	sdelay $0x3  }
0x4fb: {  	[tilespmem:v3+s2+$0x0] =	vst.idx.msk $0xffff, v2;
	v3 =	vld [tilespmem:$0x1FDA0]  }
0x4fc: {  	v2 =	vld.idx.msk [tilespmem:v4+s19+$0x0], $0xffff  }
0x4fd: {  	v4 =	vld [tilespmem:$0x1FDB0];
	_ =	sdelay $0x3  }
0x4fe: {  	v49 =	vmov v3;
	v3 =	vor.u32 v3, v0  }
0x4ff: {  	v31 =	vmov v4;
	v4 =	vor.u32 v4, v1;
	_ =	sdelay $0x3  }
0x500: {  	[tilespmem:v3+s2+$0x0] =	vst.idx.msk $0xffff, v2;
	v3 =	vld [tilespmem:$0x1FDC0]  }
0x501: {  	v2 =	vld.idx.msk [tilespmem:v4+s19+$0x0], $0xffff  }
0x502: {  	v4 =	vld [tilespmem:$0x1FDD0];
	_ =	sdelay $0x3  }
0x503: {  	v52 =	vmov v3;
	v3 =	vor.u32 v3, v0  }
0x504: {  	v33 =	vmov v4;
	v4 =	vor.u32 v4, v1;
	_ =	sdelay $0x3  }
0x505: {  	[tilespmem:v3+s2+$0x0] =	vst.idx.msk $0xffff, v2;
	v3 =	vld [tilespmem:$0x1FDE0]  }
0x506: {  	v2 =	vld.idx.msk [tilespmem:v4+s19+$0x0], $0xffff  }
0x507: {  	v4 =	vld [tilespmem:$0x1FDF0];
	_ =	sdelay $0x3  }
0x508: {  	v24 =	vmov v3;
	v3 =	vor.u32 v3, v0  }
0x509: {  	v35 =	vmov v4;
	v4 =	vor.u32 v4, v1;
	_ =	sdelay $0x3  }
0x50a: {  	[tilespmem:v3+s2+$0x0] =	vst.idx.msk $0xffff, v2;
	v3 =	vld [tilespmem:$0x1FF20]  }
0x50b: {  	v2 =	vld.idx.msk [tilespmem:v4+s19+$0x0], $0xffff  }
0x50c: {  	v4 =	vld [tilespmem:$0x1FE00];
	_ =	sdelay $0x3  }
0x50d: {  	v41 =	vmov v3;
	v3 =	vor.u32 v3, v0  }
0x50e: {  	v57 =	vmov v4;
	v4 =	vor.u32 v4, v1;
	_ =	sdelay $0x3  }
0x50f: {  	[tilespmem:v3+s2+$0x0] =	vst.idx.msk $0xffff, v2;
	v3 =	vld [tilespmem:$0x1FE10]  }
0x510: {  	v2 =	vld.idx.msk [tilespmem:v4+s19+$0x0], $0xffff  }
0x511: {  	v4 =	vld [tilespmem:$0x1FF30];
	_ =	sdelay $0x3  }
0x512: {  	v37 =	vmov v3;
	v3 =	vor.u32 v3, v0  }
0x513: {  	v60 =	vmov v4;
	v4 =	vor.u32 v4, v1;
	_ =	sdelay $0x3  }
0x514: {  	[tilespmem:v3+s2+$0x0] =	vst.idx.msk $0xffff, v2;
	v3 =	vld [tilespmem:$0x1FE20]  }
0x515: {  	v2 =	vld.idx.msk [tilespmem:v4+s19+$0x0], $0xffff  }
0x516: {  	v4 =	vld [tilespmem:$0x1FE30];
	_ =	sdelay $0x3  }
0x517: {  	v39 =	vmov v3;
	v3 =	vor.u32 v3, v0  }
0x518: {  	v44 =	vmov v4;
	v4 =	vor.u32 v4, v1;
	_ =	sdelay $0x3  }
0x519: {  	[tilespmem:v3+s2+$0x0] =	vst.idx.msk $0xffff, v2;
	v3 =	vld [tilespmem:$0x1FE40]  }
0x51a: {  	v2 =	vld.idx.msk [tilespmem:v4+s19+$0x0], $0xffff  }
0x51b: {  	v4 =	vld [tilespmem:$0x1FF40];
	_ =	sdelay $0x3  }
0x51c: {  	v42 =	vmov v3;
	v3 =	vor.u32 v3, v0  }
0x51d: {  	v47 =	vmov v4;
	v4 =	vor.u32 v4, v1;
	_ =	sdelay $0x3  }
0x51e: {  	[tilespmem:v3+s2+$0x0] =	vst.idx.msk $0xffff, v2;
	v3 =	vld [tilespmem:$0x1FE50]  }
0x51f: {  	v2 =	vld.idx.msk [tilespmem:v4+s19+$0x0], $0xffff  }
0x520: {  	v4 =	vld [tilespmem:$0x1FE60];
	_ =	sdelay $0x3  }
0x521: {  	v28 =	vmov v3;
	v3 =	vor.u32 v3, v0  }
0x522: {  	v45 =	vmov v4;
	v4 =	vor.u32 v4, v1;
	_ =	sdelay $0x3  }
0x523: {  	[tilespmem:v3+s2+$0x0] =	vst.idx.msk $0xffff, v2;
	v3 =	vld [tilespmem:$0x1FF50]  }
0x524: {  	v2 =	vld.idx.msk [tilespmem:v4+s19+$0x0], $0xffff  }
0x525: {  	v4 =	vld [tilespmem:$0x1FE70];
	_ =	sdelay $0x3  }
0x526: {  	v50 =	vmov v3;
	v3 =	vor.u32 v3, v0  }
0x527: {  	v26 =	vmov v4;
	v4 =	vor.u32 v4, v1;
	_ =	sdelay $0x3  }
0x528: {  	[tilespmem:v3+s2+$0x0] =	vst.idx.msk $0xffff, v2;
	v3 =	vld [tilespmem:$0x1FE80]  }
0x529: {  	v2 =	vld.idx.msk [tilespmem:v4+s19+$0x0], $0xffff  }
0x52a: {  	v4 =	vld [tilespmem:$0x1FF60];
	_ =	sdelay $0x3  }
0x52b: {  	v17 =	vmov v3;
	v3 =	vor.u32 v3, v0  }
0x52c: {  	v53 =	vmov v4;
	v4 =	vor.u32 v4, v1;
	_ =	sdelay $0x3  }
0x52d: {  	[tilespmem:v3+s2+$0x0] =	vst.idx.msk $0xffff, v2;
	v3 =	vld [tilespmem:$0x1FE90]  }
0x52e: {  	v2 =	vld.idx.msk [tilespmem:v4+s19+$0x0], $0xffff  }
0x52f: {  	v4 =	vld [tilespmem:$0x1FEA0];
	_ =	sdelay $0x3  }
0x530: {  	v51 =	vmov v3;
	v3 =	vor.u32 v3, v0  }
0x531: {  	v48 =	vmov v4;
	v4 =	vor.u32 v4, v1;
	_ =	sdelay $0x3  }
0x532: {  	[tilespmem:v3+s2+$0x0] =	vst.idx.msk $0xffff, v2;
	v3 =	vld [tilespmem:$0x1FF70]  }
0x533: {  	v2 =	vld.idx.msk [tilespmem:v4+s19+$0x0], $0xffff  }
0x534: {  	v4 =	vld [tilespmem:$0x1FEB0];
	_ =	sdelay $0x3  }
0x535: {  	v56 =	vmov v3;
	v3 =	vor.u32 v3, v0  }
0x536: {  	v54 =	vmov v4;
	v4 =	vor.u32 v4, v1;
	_ =	sdelay $0x3  }
0x537: {  	[tilespmem:v3+s2+$0x0] =	vst.idx.msk $0xffff, v2;
	v3 =	vld [tilespmem:$0x1FF80]  }
0x538: {  	v2 =	vld.idx.msk [tilespmem:v4+s19+$0x0], $0xffff  }
0x539: {  	v4 =	vld [tilespmem:$0x1FF90];
	_ =	sdelay $0x3  }
0x53a: {  	v58 =	vmov v3;
	v3 =	vor.u32 v3, v0  }
0x53b: {  	v61 =	vmov v4;
	v4 =	vor.u32 v4, v1;
	_ =	sdelay $0x3  }
0x53c: {  	[tilespmem:v3+s2+$0x0] =	vst.idx.msk $0xffff, v2;
	v3 =	vld [tilespmem:$0x1FEC0]  }
0x53d: {  	v2 =	vld.idx.msk [tilespmem:v4+s19+$0x0], $0xffff  }
0x53e: {  	v4 =	vld [tilespmem:$0x1FED0];
	_ =	sdelay $0x3  }
0x53f: {  	v55 =	vmov v3;
	v3 =	vor.u32 v3, v0  }
0x540: {  	v10 =	vmov v4;
	v4 =	vor.u32 v4, v1;
	_ =	sdelay $0x3  }
0x541: {  	[tilespmem:v3+s2+$0x0] =	vst.idx.msk $0xffff, v2;
	v3 =	vld [tilespmem:$0x1FFA0]  }
0x542: {  	v2 =	vld.idx.msk [tilespmem:v4+s19+$0x0], $0xffff  }
0x543: {  	v4 =	vld [tilespmem:$0x1FEE0];
	_ =	sdelay $0x3  }
0x544: {  	v20 =	vmov v3;
	v3 =	vor.u32 v3, v0  }
0x545: {  	v59 =	vmov v4;
	v4 =	vor.u32 v4, v1;
	_ =	sdelay $0x3  }
0x546: {  	[tilespmem:v3+s2+$0x0] =	vst.idx.msk $0xffff, v2;
	v3 =	vld [tilespmem:$0x1FEF0]  }
0x547: {  	v2 =	vld.idx.msk [tilespmem:v4+s19+$0x0], $0xffff  }
0x548: {  	v4 =	vld [tilespmem:$0x1FFB0];
	_ =	sdelay $0x3  }
0x549: {  	v63 =	vmov v3;
	v3 =	vor.u32 v3, v0  }
0x54a: {  	v16 =	vmov v4;
	v4 =	vor.u32 v4, v1;
	_ =	sdelay $0x3  }
0x54b: {  	[tilespmem:v3+s2+$0x0] =	vst.idx.msk $0xffff, v2;
	v3 =	vld [tilespmem:$0x1FF00]  }
0x54c: {  	v2 =	vld.idx.msk [tilespmem:v4+s19+$0x0], $0xffff  }
0x54d: {  	v4 =	vld [tilespmem:$0x1FFC0];
	_ =	sdelay $0x3  }
0x54e: {  	v62 =	vmov v3;
	v3 =	vor.u32 v3, v0  }
0x54f: {  	v4 =	vor.u32 v4, v1;
	_ =	sdelay $0x3  }
0x550: {  	[tilespmem:v3+s2+$0x0] =	vst.idx.msk $0xffff, v2;
	v3 =	vld [tilespmem:$0x1FF10]  }
0x551: {  	v2 =	vld.idx.msk [tilespmem:v4+s19+$0x0], $0xffff  }
0x552: {  	v4 =	vld [tilespmem:$0x1FFD0];
	_ =	sdelay $0x3  }
0x553: {  	v3 =	vor.u32 v3, v0  }
0x554: {  	v4 =	vor.u32 v4, v1;
	_ =	sdelay $0x3  }
0x555: {  	[tilespmem:v3+s2+$0x0] =	vst.idx.msk $0xffff, v2;
	v3 =	vld [tilespmem:$0x1FC10]  }
0x556: {  	v2 =	vld.idx.msk [tilespmem:v4+s19+$0x0], $0xffff  }
0x557: {  	v4 =	vld [tilespmem:$0x1FFE0];
	_ =	sdelay $0x3  }
0x558: {  	v3 =	vor.u32 v3, v0  }
0x559: {  	v1 =	vor.u32 v4, v1  }
0x55a: {  	v46 =	vld [tilespmem:$0x1FC20];
	_ =	sdelay $0x2  }
0x55b: {  	s10 =	simm.s32 $0x1;
	[tilespmem:v3+s2+$0x0] =	vst.idx.msk $0xffff, v2  }
0x55c: {  	v2 =	vadd.s32 s10, v6;
	s10 =	simm.s32 $0x2;
	v3 =	vld.idx.msk [tilespmem:v1+s19+$0x0], $0xffff  }
.LBB2_21:
0x55d: {  	v1 =	vand.u32 $0xF, v2;
	v0 =	vor.u32 v46, v0  }
0x55e: {  	v4 =	vor.u32 v22, v1;
	_ =	sdelay $0x2  }
0x55f: {  	v2 =	vshll.u32 v2, $0x7  }
0x560: {  	v6 =	vlaneseq.u32;
	[tilespmem:v0+s2+$0x0] =	vst.idx.msk $0xffff, v3;
	v0 =	vand.u32 $0x780, v2  }
0x561: {  	v3 =	vld.idx.msk [tilespmem:v4+s19+$0x0], $0xffff;
	v2 =	vor.u32 v6, v0  }
0x562: {  	v4 =	vor.u32 v5, v1;
	_ =	sdelay $0x3  }
0x563: {  	[tilespmem:v2+s2+$0x0] =	vst.idx.msk $0xffff, v3  }
0x564: {  	v3 =	vor.u32 v40, v0;
	v2 =	vld.idx.msk [tilespmem:v4+s19+$0x0], $0xffff  }
0x565: {  	v4 =	vor.u32 v7, v1;
	_ =	sdelay $0x3  }
0x566: {  	[tilespmem:v3+s2+$0x0] =	vst.idx.msk $0xffff, v2  }
0x567: {  	v3 =	vor.u32 v38, v0;
	v2 =	vld.idx.msk [tilespmem:v4+s19+$0x0], $0xffff  }
0x568: {  	v4 =	vor.u32 v9, v1;
	_ =	sdelay $0x3  }
0x569: {  	[tilespmem:v3+s2+$0x0] =	vst.idx.msk $0xffff, v2  }
0x56a: {  	v3 =	vor.u32 v18, v0;
	v2 =	vld.idx.msk [tilespmem:v4+s19+$0x0], $0xffff  }
0x56b: {  	v4 =	vor.u32 v11, v1;
	_ =	sdelay $0x3  }
0x56c: {  	[tilespmem:v3+s2+$0x0] =	vst.idx.msk $0xffff, v2  }
0x56d: {  	v3 =	vor.u32 v8, v0;
	v2 =	vld.idx.msk [tilespmem:v4+s19+$0x0], $0xffff  }
0x56e: {  	v4 =	vor.u32 v13, v1;
	_ =	sdelay $0x3  }
0x56f: {  	[tilespmem:v3+s2+$0x0] =	vst.idx.msk $0xffff, v2  }
0x570: {  	v3 =	vor.u32 v32, v0;
	v2 =	vld.idx.msk [tilespmem:v4+s19+$0x0], $0xffff  }
0x571: {  	v4 =	vor.u32 v15, v1;
	_ =	sdelay $0x3  }
0x572: {  	[tilespmem:v3+s2+$0x0] =	vst.idx.msk $0xffff, v2  }
0x573: {  	v3 =	vor.u32 v34, v0;
	v2 =	vld.idx.msk [tilespmem:v4+s19+$0x0], $0xffff  }
0x574: {  	v4 =	vor.u32 v19, v1;
	_ =	sdelay $0x3  }
0x575: {  	[tilespmem:v3+s2+$0x0] =	vst.idx.msk $0xffff, v2  }
0x576: {  	v3 =	vor.u32 v36, v0;
	v2 =	vld.idx.msk [tilespmem:v4+s19+$0x0], $0xffff  }
0x577: {  	v4 =	vor.u32 v21, v1;
	_ =	sdelay $0x3  }
0x578: {  	[tilespmem:v3+s2+$0x0] =	vst.idx.msk $0xffff, v2  }
0x579: {  	v3 =	vor.u32 v30, v0;
	v2 =	vld.idx.msk [tilespmem:v4+s19+$0x0], $0xffff  }
0x57a: {  	v4 =	vor.u32 v23, v1;
	_ =	sdelay $0x3  }
0x57b: {  	[tilespmem:v3+s2+$0x0] =	vst.idx.msk $0xffff, v2  }
0x57c: {  	v3 =	vor.u32 v12, v0;
	v2 =	vld.idx.msk [tilespmem:v4+s19+$0x0], $0xffff  }
0x57d: {  	v4 =	vor.u32 v25, v1;
	_ =	sdelay $0x3  }
0x57e: {  	[tilespmem:v3+s2+$0x0] =	vst.idx.msk $0xffff, v2  }
0x57f: {  	v3 =	vor.u32 v43, v0;
	v2 =	vld.idx.msk [tilespmem:v4+s19+$0x0], $0xffff  }
0x580: {  	v4 =	vor.u32 v27, v1;
	_ =	sdelay $0x3  }
0x581: {  	[tilespmem:v3+s2+$0x0] =	vst.idx.msk $0xffff, v2  }
0x582: {  	v3 =	vor.u32 v14, v0;
	v2 =	vld.idx.msk [tilespmem:v4+s19+$0x0], $0xffff  }
0x583: {  	v4 =	vor.u32 v29, v1;
	_ =	sdelay $0x3  }
0x584: {  	[tilespmem:v3+s2+$0x0] =	vst.idx.msk $0xffff, v2  }
0x585: {  	v3 =	vor.u32 v49, v0;
	v2 =	vld.idx.msk [tilespmem:v4+s19+$0x0], $0xffff  }
0x586: {  	v4 =	vor.u32 v31, v1;
	_ =	sdelay $0x3  }
0x587: {  	[tilespmem:v3+s2+$0x0] =	vst.idx.msk $0xffff, v2  }
0x588: {  	v3 =	vor.u32 v52, v0;
	v2 =	vld.idx.msk [tilespmem:v4+s19+$0x0], $0xffff  }
0x589: {  	v4 =	vor.u32 v33, v1;
	_ =	sdelay $0x3  }
0x58a: {  	[tilespmem:v3+s2+$0x0] =	vst.idx.msk $0xffff, v2  }
0x58b: {  	v3 =	vor.u32 v24, v0;
	v2 =	vld.idx.msk [tilespmem:v4+s19+$0x0], $0xffff  }
0x58c: {  	v4 =	vor.u32 v35, v1;
	_ =	sdelay $0x3  }
0x58d: {  	[tilespmem:v3+s2+$0x0] =	vst.idx.msk $0xffff, v2  }
0x58e: {  	v3 =	vor.u32 v41, v0;
	v2 =	vld.idx.msk [tilespmem:v4+s19+$0x0], $0xffff  }
0x58f: {  	v4 =	vor.u32 v57, v1;
	_ =	sdelay $0x3  }
0x590: {  	[tilespmem:v3+s2+$0x0] =	vst.idx.msk $0xffff, v2  }
0x591: {  	v3 =	vor.u32 v37, v0;
	v2 =	vld.idx.msk [tilespmem:v4+s19+$0x0], $0xffff  }
0x592: {  	v4 =	vor.u32 v60, v1;
	_ =	sdelay $0x3  }
0x593: {  	[tilespmem:v3+s2+$0x0] =	vst.idx.msk $0xffff, v2  }
0x594: {  	v3 =	vor.u32 v39, v0;
	v2 =	vld.idx.msk [tilespmem:v4+s19+$0x0], $0xffff  }
0x595: {  	v4 =	vor.u32 v44, v1;
	_ =	sdelay $0x3  }
0x596: {  	[tilespmem:v3+s2+$0x0] =	vst.idx.msk $0xffff, v2  }
0x597: {  	v3 =	vor.u32 v42, v0;
	v2 =	vld.idx.msk [tilespmem:v4+s19+$0x0], $0xffff  }
0x598: {  	v4 =	vor.u32 v47, v1;
	_ =	sdelay $0x3  }
0x599: {  	[tilespmem:v3+s2+$0x0] =	vst.idx.msk $0xffff, v2  }
0x59a: {  	v3 =	vor.u32 v28, v0;
	v2 =	vld.idx.msk [tilespmem:v4+s19+$0x0], $0xffff  }
0x59b: {  	v4 =	vor.u32 v45, v1;
	_ =	sdelay $0x3  }
0x59c: {  	[tilespmem:v3+s2+$0x0] =	vst.idx.msk $0xffff, v2  }
0x59d: {  	v3 =	vor.u32 v50, v0;
	v2 =	vld.idx.msk [tilespmem:v4+s19+$0x0], $0xffff  }
0x59e: {  	v4 =	vor.u32 v26, v1;
	_ =	sdelay $0x3  }
0x59f: {  	[tilespmem:v3+s2+$0x0] =	vst.idx.msk $0xffff, v2  }
0x5a0: {  	v3 =	vor.u32 v17, v0;
	v2 =	vld.idx.msk [tilespmem:v4+s19+$0x0], $0xffff  }
0x5a1: {  	v4 =	vor.u32 v53, v1;
	_ =	sdelay $0x3  }
0x5a2: {  	[tilespmem:v3+s2+$0x0] =	vst.idx.msk $0xffff, v2  }
0x5a3: {  	v3 =	vor.u32 v51, v0;
	v2 =	vld.idx.msk [tilespmem:v4+s19+$0x0], $0xffff  }
0x5a4: {  	v4 =	vor.u32 v48, v1;
	_ =	sdelay $0x3  }
0x5a5: {  	[tilespmem:v3+s2+$0x0] =	vst.idx.msk $0xffff, v2  }
0x5a6: {  	v3 =	vor.u32 v56, v0;
	v2 =	vld.idx.msk [tilespmem:v4+s19+$0x0], $0xffff  }
0x5a7: {  	v4 =	vor.u32 v54, v1;
	_ =	sdelay $0x3  }
0x5a8: {  	[tilespmem:v3+s2+$0x0] =	vst.idx.msk $0xffff, v2  }
0x5a9: {  	v3 =	vor.u32 v58, v0;
	v2 =	vld.idx.msk [tilespmem:v4+s19+$0x0], $0xffff  }
0x5aa: {  	v4 =	vor.u32 v61, v1;
	_ =	sdelay $0x3  }
0x5ab: {  	[tilespmem:v3+s2+$0x0] =	vst.idx.msk $0xffff, v2  }
0x5ac: {  	v3 =	vor.u32 v55, v0;
	v2 =	vld.idx.msk [tilespmem:v4+s19+$0x0], $0xffff  }
0x5ad: {  	v4 =	vor.u32 v10, v1;
	_ =	sdelay $0x3  }
0x5ae: {  	[tilespmem:v3+s2+$0x0] =	vst.idx.msk $0xffff, v2  }
0x5af: {  	v3 =	vor.u32 v20, v0;
	v2 =	vld.idx.msk [tilespmem:v4+s19+$0x0], $0xffff  }
0x5b0: {  	v4 =	vor.u32 v59, v1;
	_ =	sdelay $0x3  }
0x5b1: {  	[tilespmem:v3+s2+$0x0] =	vst.idx.msk $0xffff, v2  }
0x5b2: {  	v3 =	vor.u32 v63, v0;
	v2 =	vld.idx.msk [tilespmem:v4+s19+$0x0], $0xffff  }
0x5b3: {  	v4 =	vor.u32 v16, v1;
	_ =	sdelay $0x3  }
0x5b4: {  	[tilespmem:v3+s2+$0x0] =	vst.idx.msk $0xffff, v2  }
0x5b5: {  	v2 =	vld.idx.msk [tilespmem:v4+s19+$0x0], $0xffff  }
0x5b6: {  	v4 =	vld [tilespmem:$0x1FFC0];
	_ =	sdelay $0x3  }
0x5b7: {  	v3 =	vor.u32 v62, v0  }
0x5b8: {  	v4 =	vor.u32 v4, v1;
	_ =	sdelay $0x3  }
0x5b9: {  	[tilespmem:v3+s2+$0x0] =	vst.idx.msk $0xffff, v2;
	v3 =	vld [tilespmem:$0x1FF10]  }
0x5ba: {  	v2 =	vld.idx.msk [tilespmem:v4+s19+$0x0], $0xffff  }
0x5bb: {  	v4 =	vld [tilespmem:$0x1FFD0];
	_ =	sdelay $0x3  }
0x5bc: {  	v3 =	vor.u32 v3, v0  }
0x5bd: {  	v4 =	vor.u32 v4, v1;
	_ =	sdelay $0x3  }
0x5be: {  	[tilespmem:v3+s2+$0x0] =	vst.idx.msk $0xffff, v2;
	v3 =	vld [tilespmem:$0x1FC10]  }
0x5bf: {  	v2 =	vld.idx.msk [tilespmem:v4+s19+$0x0], $0xffff  }
0x5c0: {  	v4 =	vld [tilespmem:$0x1FFE0];
	_ =	sdelay $0x3  }
0x5c1: {  	v3 =	vor.u32 v3, v0  }
0x5c2: {  	p0 =	sne.s32 s10, $0xF;
	v1 =	vor.u32 v4, v1  }
.Ltmp14:
0x5c3: {  	_ = 	snop;
	(pc) =	sbr.rel @p0 .LBB2_21-.Ltmp14, $3  }
0x5c4: {  	_ =	sdelay $0x1  }
0x5c5: {  	[tilespmem:v3+s2+$0x0] =	vst.idx.msk $0xffff, v2  }
0x5c6: {  	v4 =	vlaneseq.u32;
	v2 =	vadd.s32 s10, v6;
	s10 =	sadd.s32 $0x1, s10;
	v3 =	vld.idx.msk [tilespmem:v1+s19+$0x0], $0xffff  }
0x5c7: {  	v1 =	vand.u32 $0xF, v2;
	v0 =	vor.u32 v46, v0  }
0x5c8: {  	v6 =	vor.u32 v22, v1;
	_ =	sdelay $0x2  }
0x5c9: {  	v2 =	vshll.u32 v2, $0x7  }
0x5ca: {  	[tilespmem:v0+s2+$0x0] =	vst.idx.msk $0xffff, v3;
	v0 =	vand.u32 $0x780, v2  }
0x5cb: {  	v2 =	vld.idx.msk [tilespmem:v6+s19+$0x0], $0xffff;
	v3 =	vor.u32 v4, v0  }
0x5cc: {  	v4 =	vor.u32 v5, v1;
	_ =	sdelay $0x3  }
0x5cd: {  	[tilespmem:v3+s2+$0x0] =	vst.idx.msk $0xffff, v2  }
0x5ce: {  	v3 =	vor.u32 v40, v0;
	v2 =	vld.idx.msk [tilespmem:v4+s19+$0x0], $0xffff  }
0x5cf: {  	v4 =	vor.u32 v7, v1;
	_ =	sdelay $0x3  }
0x5d0: {  	[tilespmem:v3+s2+$0x0] =	vst.idx.msk $0xffff, v2  }
0x5d1: {  	v3 =	vor.u32 v38, v0;
	v2 =	vld.idx.msk [tilespmem:v4+s19+$0x0], $0xffff  }
0x5d2: {  	v4 =	vor.u32 v9, v1;
	_ =	sdelay $0x3  }
0x5d3: {  	[tilespmem:v3+s2+$0x0] =	vst.idx.msk $0xffff, v2  }
0x5d4: {  	v3 =	vor.u32 v18, v0;
	v2 =	vld.idx.msk [tilespmem:v4+s19+$0x0], $0xffff  }
0x5d5: {  	v4 =	vor.u32 v11, v1;
	_ =	sdelay $0x3  }
0x5d6: {  	[tilespmem:v3+s2+$0x0] =	vst.idx.msk $0xffff, v2  }
0x5d7: {  	v3 =	vor.u32 v8, v0;
	v2 =	vld.idx.msk [tilespmem:v4+s19+$0x0], $0xffff  }
0x5d8: {  	v4 =	vor.u32 v13, v1;
	_ =	sdelay $0x3  }
0x5d9: {  	[tilespmem:v3+s2+$0x0] =	vst.idx.msk $0xffff, v2  }
0x5da: {  	v3 =	vor.u32 v32, v0;
	v2 =	vld.idx.msk [tilespmem:v4+s19+$0x0], $0xffff  }
0x5db: {  	v4 =	vor.u32 v15, v1;
	_ =	sdelay $0x3  }
0x5dc: {  	[tilespmem:v3+s2+$0x0] =	vst.idx.msk $0xffff, v2  }
0x5dd: {  	v3 =	vor.u32 v34, v0;
	v2 =	vld.idx.msk [tilespmem:v4+s19+$0x0], $0xffff  }
0x5de: {  	v4 =	vor.u32 v19, v1;
	_ =	sdelay $0x3  }
0x5df: {  	[tilespmem:v3+s2+$0x0] =	vst.idx.msk $0xffff, v2  }
0x5e0: {  	v3 =	vor.u32 v36, v0;
	v2 =	vld.idx.msk [tilespmem:v4+s19+$0x0], $0xffff  }
0x5e1: {  	v4 =	vor.u32 v21, v1;
	_ =	sdelay $0x3  }
0x5e2: {  	[tilespmem:v3+s2+$0x0] =	vst.idx.msk $0xffff, v2  }
0x5e3: {  	v3 =	vor.u32 v30, v0;
	v2 =	vld.idx.msk [tilespmem:v4+s19+$0x0], $0xffff  }
0x5e4: {  	v4 =	vor.u32 v23, v1;
	_ =	sdelay $0x3  }
0x5e5: {  	[tilespmem:v3+s2+$0x0] =	vst.idx.msk $0xffff, v2  }
0x5e6: {  	v3 =	vor.u32 v12, v0;
	v2 =	vld.idx.msk [tilespmem:v4+s19+$0x0], $0xffff  }
0x5e7: {  	v4 =	vor.u32 v25, v1;
	_ =	sdelay $0x3  }
0x5e8: {  	[tilespmem:v3+s2+$0x0] =	vst.idx.msk $0xffff, v2  }
0x5e9: {  	v3 =	vor.u32 v43, v0;
	v2 =	vld.idx.msk [tilespmem:v4+s19+$0x0], $0xffff  }
0x5ea: {  	v4 =	vor.u32 v27, v1;
	_ =	sdelay $0x3  }
0x5eb: {  	[tilespmem:v3+s2+$0x0] =	vst.idx.msk $0xffff, v2  }
0x5ec: {  	v3 =	vor.u32 v14, v0;
	v2 =	vld.idx.msk [tilespmem:v4+s19+$0x0], $0xffff  }
0x5ed: {  	v4 =	vor.u32 v29, v1;
	_ =	sdelay $0x3  }
0x5ee: {  	[tilespmem:v3+s2+$0x0] =	vst.idx.msk $0xffff, v2  }
0x5ef: {  	v3 =	vor.u32 v49, v0;
	v2 =	vld.idx.msk [tilespmem:v4+s19+$0x0], $0xffff  }
0x5f0: {  	v4 =	vor.u32 v31, v1;
	_ =	sdelay $0x3  }
0x5f1: {  	[tilespmem:v3+s2+$0x0] =	vst.idx.msk $0xffff, v2  }
0x5f2: {  	v3 =	vor.u32 v52, v0;
	v2 =	vld.idx.msk [tilespmem:v4+s19+$0x0], $0xffff  }
0x5f3: {  	v4 =	vor.u32 v33, v1;
	_ =	sdelay $0x3  }
0x5f4: {  	[tilespmem:v3+s2+$0x0] =	vst.idx.msk $0xffff, v2  }
0x5f5: {  	v3 =	vor.u32 v24, v0;
	v2 =	vld.idx.msk [tilespmem:v4+s19+$0x0], $0xffff  }
0x5f6: {  	v4 =	vor.u32 v35, v1;
	_ =	sdelay $0x3  }
0x5f7: {  	[tilespmem:v3+s2+$0x0] =	vst.idx.msk $0xffff, v2  }
0x5f8: {  	v3 =	vor.u32 v41, v0;
	v2 =	vld.idx.msk [tilespmem:v4+s19+$0x0], $0xffff  }
0x5f9: {  	v4 =	vor.u32 v57, v1;
	_ =	sdelay $0x3  }
0x5fa: {  	[tilespmem:v3+s2+$0x0] =	vst.idx.msk $0xffff, v2  }
0x5fb: {  	v3 =	vor.u32 v37, v0;
	v2 =	vld.idx.msk [tilespmem:v4+s19+$0x0], $0xffff  }
0x5fc: {  	v4 =	vor.u32 v60, v1;
	_ =	sdelay $0x3  }
0x5fd: {  	[tilespmem:v3+s2+$0x0] =	vst.idx.msk $0xffff, v2  }
0x5fe: {  	v3 =	vor.u32 v39, v0;
	v2 =	vld.idx.msk [tilespmem:v4+s19+$0x0], $0xffff  }
0x5ff: {  	v4 =	vor.u32 v44, v1;
	_ =	sdelay $0x3  }
0x600: {  	[tilespmem:v3+s2+$0x0] =	vst.idx.msk $0xffff, v2  }
0x601: {  	v3 =	vor.u32 v42, v0;
	v2 =	vld.idx.msk [tilespmem:v4+s19+$0x0], $0xffff  }
0x602: {  	v4 =	vor.u32 v47, v1;
	_ =	sdelay $0x3  }
0x603: {  	[tilespmem:v3+s2+$0x0] =	vst.idx.msk $0xffff, v2  }
0x604: {  	v3 =	vor.u32 v28, v0;
	v2 =	vld.idx.msk [tilespmem:v4+s19+$0x0], $0xffff  }
0x605: {  	v4 =	vor.u32 v45, v1;
	_ =	sdelay $0x3  }
0x606: {  	[tilespmem:v3+s2+$0x0] =	vst.idx.msk $0xffff, v2  }
0x607: {  	v3 =	vor.u32 v50, v0;
	v2 =	vld.idx.msk [tilespmem:v4+s19+$0x0], $0xffff  }
0x608: {  	v4 =	vor.u32 v26, v1;
	_ =	sdelay $0x3  }
0x609: {  	[tilespmem:v3+s2+$0x0] =	vst.idx.msk $0xffff, v2  }
0x60a: {  	v3 =	vor.u32 v17, v0;
	v2 =	vld.idx.msk [tilespmem:v4+s19+$0x0], $0xffff  }
0x60b: {  	v4 =	vor.u32 v53, v1;
	_ =	sdelay $0x3  }
0x60c: {  	[tilespmem:v3+s2+$0x0] =	vst.idx.msk $0xffff, v2  }
0x60d: {  	v3 =	vor.u32 v51, v0;
	v2 =	vld.idx.msk [tilespmem:v4+s19+$0x0], $0xffff  }
0x60e: {  	v4 =	vor.u32 v48, v1;
	_ =	sdelay $0x3  }
0x60f: {  	[tilespmem:v3+s2+$0x0] =	vst.idx.msk $0xffff, v2  }
0x610: {  	v3 =	vor.u32 v56, v0;
	v2 =	vld.idx.msk [tilespmem:v4+s19+$0x0], $0xffff  }
0x611: {  	v4 =	vor.u32 v54, v1;
	_ =	sdelay $0x3  }
0x612: {  	[tilespmem:v3+s2+$0x0] =	vst.idx.msk $0xffff, v2  }
0x613: {  	v3 =	vor.u32 v58, v0;
	v2 =	vld.idx.msk [tilespmem:v4+s19+$0x0], $0xffff  }
0x614: {  	v4 =	vor.u32 v61, v1;
	_ =	sdelay $0x3  }
0x615: {  	[tilespmem:v3+s2+$0x0] =	vst.idx.msk $0xffff, v2  }
0x616: {  	v3 =	vor.u32 v55, v0;
	v2 =	vld.idx.msk [tilespmem:v4+s19+$0x0], $0xffff  }
0x617: {  	v4 =	vor.u32 v10, v1;
	_ =	sdelay $0x3  }
0x618: {  	[tilespmem:v3+s2+$0x0] =	vst.idx.msk $0xffff, v2  }
0x619: {  	v3 =	vor.u32 v20, v0;
	v2 =	vld.idx.msk [tilespmem:v4+s19+$0x0], $0xffff  }
0x61a: {  	v4 =	vor.u32 v59, v1;
	_ =	sdelay $0x3  }
0x61b: {  	[tilespmem:v3+s2+$0x0] =	vst.idx.msk $0xffff, v2  }
0x61c: {  	v3 =	vor.u32 v63, v0;
	v2 =	vld.idx.msk [tilespmem:v4+s19+$0x0], $0xffff  }
0x61d: {  	v4 =	vor.u32 v16, v1  }
0x61e: {  	v22 =	vld [tilespmem:$0x1FFC0];
	_ =	sdelay $0x2  }
0x61f: {  	[tilespmem:v3+s2+$0x0] =	vst.idx.msk $0xffff, v2  }
0x620: {  	v3 =	vor.u32 v62, v0;
	v2 =	vld.idx.msk [tilespmem:v4+s19+$0x0], $0xffff  }
0x621: {  	v6 =	vld [tilespmem:$0x1FF10];
	v4 =	vor.u32 v22, v1  }
0x622: {  	v8 =	vld [tilespmem:$0x1FFD0];
	_ =	sdelay $0x2  }
0x623: {  	[tilespmem:v3+s2+$0x0] =	vst.idx.msk $0xffff, v2  }
0x624: {  	v3 =	vor.u32 v6, v0;
	v2 =	vld.idx.msk [tilespmem:v4+s19+$0x0], $0xffff  }
0x625: {  	v4 =	vor.u32 v8, v1;
	_ =	sdelay $0x3  }
0x626: {  	[tilespmem:v3+s2+$0x0] =	vst.idx.msk $0xffff, v2;
	v3 =	vld [tilespmem:$0x1FC10]  }
0x627: {  	v2 =	vld.idx.msk [tilespmem:v4+s19+$0x0], $0xffff  }
0x628: {  	v4 =	vld [tilespmem:$0x1FFE0];
	_ =	sdelay $0x3  }
0x629: {  	v3 =	vor.u32 v3, v0  }
0x62a: {  	v1 =	vor.u32 v4, v1;
	_ =	sdelay $0x3  }
0x62b: {  	[tilespmem:v3+s2+$0x0] =	vst.idx.msk $0xffff, v2  }
0x62c: {  	v0 =	vor.u32 v46, v0;
	v1 =	vld.idx.msk [tilespmem:v1+s19+$0x0], $0xffff  }
0x62d: {  	p0 =	seq.s32 s18, $0x31  }
.Ltmp15:
0x62e: {  	_ = 	snop;
	(pc) =	sbr.rel @p0 .LBB2_24-.Ltmp15, $3  }
0x62f: {  	_ =	sdelay $0x1  }
0x630: {  	s5 =	sadd.s32 s5, s9;
	v43 =	vmovc v5;
	v5 =	vmov v20;
	v50 =	vmov v7;
	v7 =	vmov v11;
	[tilespmem:v0+s2+$0x0] =	vst.idx.msk $0xffff, v1  }
0x631: {  	v11 =	vmovc v6;
	v26 =	vmovc v9;
	v9 =	vmov v13;
	v13 =	vmov v17;
	v17 =	vmov v10;
	[hbm4b:s5+s22] =	stream.strided.scatter [tilespmem:s2], [sflag:$0x8], $0x2000, s23, s22, $0x38;
	[tilespmem:$0x16400] =	vst v63  }
0x632: {  	v4 =	vld [tilespmem:$0x1FFF0]  }
0x633: {  	v6 =	vld [tilespmem:$0x1FC40]  }
0x634: {  	v8 =	vld [tilespmem:$0x1FC60]  }
0x635: {  	v10 =	vld [tilespmem:$0x1FC80]  }
0x636: {  	v12 =	vld [tilespmem:$0x1FCA0]  }
0x637: {  	v14 =	vld [tilespmem:$0x1FCC0]  }
0x638: {  	v16 =	vld [tilespmem:$0x1FCE0]  }
0x639: {  	v18 =	vld [tilespmem:$0x1FD00]  }
0x63a: {  	v36 =	vld [tilespmem:$0x1FD20]  }
0x63b: {  	v30 =	vld [tilespmem:$0x1FD40]  }
0x63c: {  	v49 =	vld [tilespmem:$0x1FD60]  }
0x63d: {  	v40 =	vld [tilespmem:$0x1FD80]  }
0x63e: {  	v22 =	vld [tilespmem:$0x1FDA0]  }
0x63f: {  	v34 =	vld [tilespmem:$0x1FDC0]  }
0x640: {  	v28 =	vld [tilespmem:$0x1FDE0]  }
0x641: {  	v20 =	vld [tilespmem:$0x1FE00]  }
0x642: {  	v41 =	vld [tilespmem:$0x1FF20]  }
0x643: {  	v46 =	vld [tilespmem:$0x1FE30]  }
0x644: {  	v44 =	vld [tilespmem:$0x1FF30]  }
0x645: {  	v52 =	vld [tilespmem:$0x1FE50]  }
0x646: {  	v47 =	vld [tilespmem:$0x1FF40]  }
0x647: {  	v24 =	vld [tilespmem:$0x1FE70]  }
0x648: {  	v61 =	vld [tilespmem:$0x1FF50]  }
0x649: {  	v60 =	vld [tilespmem:$0x1FE90]  }
0x64a: {  	v38 =	vld [tilespmem:$0x1FF60]  }
0x64b: {  	v59 =	vld [tilespmem:$0x1FEB0]  }
0x64c: {  	v63 =	vld [tilespmem:$0x1FF70]  }
.Ltmp16:
0x64d: {  	v56 =	vld [tilespmem:$0x1FF80];
	(pc) =	sbr.rel .LBB2_2-.Ltmp16, $4  }
0x64e: {  	v58 =	vld [tilespmem:$0x1FEE0]  }
0x64f: {  	s3 =	sshrl.u32 s3, $0x2;
	v54 =	vld [tilespmem:$0x1FF90]  }
0x650: {  	s18 =	sadd.s32 $0x1, s18;
	v53 =	vld [tilespmem:$0x1FEF0];
	s3 =	sadd.s32 $0x380, s3  }
0x651: {  	v51 =	vld [tilespmem:$0x1FFB0];
	[tilespmem:s19], [sflag:$0x4] =	stream.indirect.gather [hbm4b:s4+s11], $0x40, s3, s11, $0xb8  }
.LBB2_25:
0x652: {  	_ =	sfence.sel $0x180000  }
0x653: {  	[bflag:$0x0] =	sbarrier.arrive $0xFFFF  }
0x654: {  	_ =	strace $0x90000047  }
0x655: {  	s0 =	stileid.u32;
	[bflag:$0x2] =	sbarrier.arrive $0xFFFF  }
0x656: {  	p0 =	sne.s32 s0, $0x0;
	s0 =	rddreg [dreg:$0x2]  }
0x657: {  	s0 =	sadd.s32 @!p0 $0x100000, s0  }
0x658: {  	[sflag:s0] =	ssyncadd.tile.s32 @!p0 $0x1;
	_ =	shalt  }
.Lfunc_end2:
_tile_overlayer_lowered:
.L_overlay_start_2:
0x659: {  	(tag) =	ssettag $0x2  }
0x65a: {  	s0 =	rddreg [dreg:$0x0];
	s2 =	stileid.u32  }
0x65b: {  	s1 =	rddreg [dreg:$0x1];
	p0 =	sne.s32 s2, $0x0  }
0x65c: {  	s3 =	rddreg [dreg:$0x2];
	[bflag:$0x3] =	sbarrier.arrive $0xFFFF;
	s2 =	simm.s32 @!p0 $0x1C09  }
0x65d: {  	[timem:s3], [sflag:s2] =	dma.local @!p0 [hbm:s0], s1  }
0x65e: {  	s0 =	simm.s32 @!p0 $0x9  }
0x65f: {  	_ =	swait.ge @!p0 [sflag:s0], s1  }
0x660: {  	s1 =	ssub.s32 @!p0 $0x0, s1;
	[sflag:s0] =	ssyncset.done @!p0 $0x0  }
0x661: {  	[sflag:s0] =	ssyncadd.s32 @!p0 s1  }
0x662: {  	[bflag:$0x3] =	sbarrier.arrive $0xFFFF  }
0x663: {  	_ =	shalt  }

</sc_bundles>
